<compile_context>
chip_gen: v7x
topology: tpu7x:2x2x1
jax: 0.10.2.dev20260603
libtpu: 0.0.44.dev20260713+nightly
codegen_flags: <defaults>
</compile_context>

<pallas_src>
import functools

import jax
import jax.numpy as jnp
from jax import lax
from jax.experimental import pallas as pl
from jax.experimental.pallas import tpu as pltpu
from jax.experimental.pallas import tpu_sc as plsc

VOCAB = 100000
EMB_DIM = 64
HIDDEN = 256
LABELS = 100
BATCH = 16384
SEQ = 200

NUM_WORKERS = 32
CHUNK_ROWS = 4
GATHER_W = 100
LANES = 16
LANE_CHUNKS = EMB_DIM // LANES
GSTEPS = 8
GROUP_ROWS = GSTEPS * CHUNK_ROWS


def _pooled_sums(x, emb):
    nb = x.shape[0]
    rows_per_worker = nb // NUM_WORKERS
    steps = rows_per_worker // CHUNK_ROWS
    groups = steps // GSTEPS
    mesh = plsc.VectorSubcoreMesh(core_axis_name="c", subcore_axis_name="s")

    @functools.partial(
        pl.kernel,
        out_type=jax.ShapeDtypeStruct((nb, EMB_DIM), jnp.float32),
        mesh=mesh,
        scratch_types=[
            pltpu.VMEM((2, GROUP_ROWS, SEQ), jnp.int32),
            pltpu.VMEM((2, CHUNK_ROWS * SEQ, EMB_DIM), jnp.float32),
            pltpu.VMEM((GROUP_ROWS, EMB_DIM), jnp.float32),
            pltpu.SemaphoreType.DMA,
            pltpu.SemaphoreType.DMA,
            pltpu.SemaphoreType.DMA,
            pltpu.SemaphoreType.DMA,
        ],
        compiler_params=pltpu.CompilerParams(use_tc_tiling_on_sc=False),
    )
    def k(x_hbm, emb_hbm, out_hbm, idx_v, rows_v, stage_v,
          sem_r0, sem_r1, sem_i0, sem_i1):
        core = lax.axis_index("c")
        sub = lax.axis_index("s")
        wid = sub * 2 + core
        sem_r = [sem_r0, sem_r1]
        sem_i = [sem_i0, sem_i1]

        def idx_src(g):
            return x_hbm.at[pl.ds(wid * rows_per_worker + g * GROUP_ROWS,
                                  GROUP_ROWS)]

        PARTS = ((0, 104), (104, 96))

        def gchunks(ib, k_, rb):
            for r in range(CHUNK_ROWS):
                for off, size in PARTS:
                    yield (
                        idx_v.at[ib, k_ * CHUNK_ROWS + r, pl.ds(off, size)],
                        rows_v.at[rb, pl.ds(r * SEQ + off, size)],
                    )

        def fire(ib, k_, rb):
            for isrc, rdst in gchunks(ib, k_, rb):
                pltpu.async_copy(emb_hbm.at[isrc], rdst, sem_r[rb])

        def drain(ib, k_, rb):
            for isrc, rdst in gchunks(ib, k_, rb):
                pltpu.make_async_copy(emb_hbm.at[isrc], rdst,
                                      sem_r[rb]).wait()

        def reduce_store(k_, rb):
            @pl.loop(0, CHUNK_ROWS)
            def _(r):
                def body(t, accs):
                    return tuple(
                        accs[ci] + rows_v[rb, r * SEQ + t,
                                          pl.ds(ci * LANES, LANES)]
                        for ci in range(LANE_CHUNKS)
                    )
                accs = lax.fori_loop(
                    0, SEQ, body,
                    tuple(jnp.zeros((LANES,), jnp.float32)
                          for _ in range(LANE_CHUNKS)),
                    unroll=8,
                )
                for ci in range(LANE_CHUNKS):
                    stage_v[k_ * CHUNK_ROWS + r,
                            pl.ds(ci * LANES, LANES)] = accs[ci]

        def group_body(G, ib):
            @pl.when(G + 1 < groups)
            def _():
                pltpu.async_copy(idx_src(G + 1), idx_v.at[ib ^ 1],
                                 sem_i[ib ^ 1])

            @pl.loop(0, GSTEPS, step=2)
            def _(k_):
                fire(ib, k_ + 1, 1)
                drain(ib, k_, 0)
                reduce_store(k_, 0)

                @pl.when(k_ + 2 < GSTEPS)
                def _():
                    fire(ib, k_ + 2, 0)

                @pl.when(jnp.logical_and(k_ + 2 == GSTEPS, G + 1 < groups))
                def _():
                    pltpu.make_async_copy(idx_src(G + 1), idx_v.at[ib ^ 1],
                                          sem_i[ib ^ 1]).wait()
                    fire(ib ^ 1, 0, 0)

                drain(ib, k_ + 1, 1)
                reduce_store(k_ + 1, 1)

            pltpu.sync_copy(
                stage_v,
                out_hbm.at[pl.ds(wid * rows_per_worker + G * GROUP_ROWS,
                                 GROUP_ROWS)])

        pltpu.sync_copy(idx_src(0), idx_v.at[0])
        fire(0, 0, 0)

        @pl.loop(0, groups, step=2)
        def _(G):
            group_body(G, 0)
            group_body(G + 1, 1)

    return k(x, emb)


def _mlp_head(pooled, W1, b1, W2, b2):
    nb = pooled.shape[0]
    BB = 2048

    def body(h_ref, w1_ref, b1_ref, w2_ref, b2_ref, out_ref, pred_ref):
        h = h_ref[...] / jnp.float32(SEQ)
        z = jnp.dot(h.astype(jnp.bfloat16), w1_ref[...].astype(jnp.bfloat16),
                    preferred_element_type=jnp.float32) + b1_ref[...]
        z = jnp.maximum(z, 0.0)
        y = jnp.dot(z.astype(jnp.bfloat16), w2_ref[...].astype(jnp.bfloat16),
                    preferred_element_type=jnp.float32) + b2_ref[...]
        out_ref[...] = y
        m = jnp.max(y, axis=-1, keepdims=True)
        iota = lax.broadcasted_iota(jnp.int32, y.shape, 1)
        idx = jnp.where(y == m, iota, jnp.int32(LABELS))
        pred_ref[...] = jnp.min(idx, axis=-1, keepdims=True)

    out, pred = pl.pallas_call(
        body,
        grid=(nb // BB,),
        in_specs=[
            pl.BlockSpec((BB, EMB_DIM), lambda i: (i, 0)),
            pl.BlockSpec((EMB_DIM, HIDDEN), lambda i: (0, 0)),
            pl.BlockSpec((1, HIDDEN), lambda i: (0, 0)),
            pl.BlockSpec((HIDDEN, LABELS), lambda i: (0, 0)),
            pl.BlockSpec((1, LABELS), lambda i: (0, 0)),
        ],
        out_specs=[
            pl.BlockSpec((BB, LABELS), lambda i: (i, 0)),
            pl.BlockSpec((BB, 1), lambda i: (i, 0)),
        ],
        out_shape=[
            jax.ShapeDtypeStruct((nb, LABELS), jnp.float32),
            jax.ShapeDtypeStruct((nb, 1), jnp.int32),
        ],
    )(pooled, W1, b1.reshape(1, HIDDEN), W2, b2.reshape(1, LABELS))
    return out, pred.reshape(nb)


def kernel(x, emb, W1, b1, W2, b2):
    pooled = _pooled_sums(x, emb)
    return _mlp_head(pooled, W1, b1, W2, b2)

# --- scband reference (transcript-rebuilt; emitter-appended) ---
"""Pipeline reference for scband-fast-text-62362925138664 (READ-ONLY COPY).

The authoritative reference and input builder live on the scoring server;
editing this copy changes nothing except your own understanding.
"""

import jax, jax.numpy as jnp
import numpy as np

VOCAB = 100000
EMB_DIM = 64
HIDDEN = 256
LABELS = 100
BATCH = 16384
SEQ = 200

def setup_inputs(seed: int = 0) -> dict:
    key = jax.random.key(seed)
    k_x, k_emb, k_w1, k_b1, k_w2, k_b2 = jax.random.split(key, 6)
    x = jax.random.randint(k_x, (BATCH, SEQ), 0, VOCAB, dtype=jnp.int64 if jax.config.jax_enable_x64 else jnp.int32)
    emb = jax.random.uniform(k_emb, (VOCAB, EMB_DIM), minval=-0.15, maxval=0.15, dtype=jnp.float32)
    W1 = jax.random.normal(k_w1, (EMB_DIM, HIDDEN), dtype=jnp.float32) * (1.0 / np.sqrt(EMB_DIM))
    b1 = jnp.zeros((HIDDEN,), dtype=jnp.float32)
    W2 = jax.random.normal(k_w2, (HIDDEN, LABELS), dtype=jnp.float32) * (1.0 / np.sqrt(HIDDEN))
    b2 = jnp.zeros((LABELS,), dtype=jnp.float32)
    return {"x": x, "emb": emb, "W1": W1, "b1": b1, "W2": W2, "b2": b2}

def reference(x, emb, W1, b1, W2, b2):
    # embedding lookup: gather rows from table
    h_embedding = jnp.take(emb, x, axis=0)            # [B, S, D]
    hidden = jnp.mean(h_embedding, axis=1)            # [B, D]
    hidden = jax.nn.relu(hidden @ W1 + b1)            # [B, H]
    out = hidden @ W2 + b2                            # [B, L]
    predict = jnp.argmax(out, axis=-1)
    return (out, predict)

if __name__ == "__main__":
    import jax
    _d = setup_inputs()
    print(jax.jit(kernel)(*tuple(_d.values())))

</pallas_src>

<mosaic_0001>
#map = affine_map<(d0, d1) -> (0, 0)>
module attributes {stable_mosaic.version = 14 : i64} {
  func.func @k(%arg0: i32, %arg1: i32, %arg2: memref<16384x200xi32, #tpu.memory_space<hbm>>, %arg3: memref<100000x64xf32, #tpu.memory_space<hbm>>, %arg4: memref<16384x64xf32, #tpu.memory_space<hbm>>, %arg5: memref<2x32x200xi32, #tpu.memory_space<vmem>>, %arg6: memref<2x800x64xf32, #tpu.memory_space<vmem>>, %arg7: memref<32x64xf32, #tpu.memory_space<vmem>>, %arg8: memref<!tpu.dma_semaphore, #tpu.memory_space<semaphore_mem>>, %arg9: memref<!tpu.dma_semaphore, #tpu.memory_space<semaphore_mem>>, %arg10: memref<!tpu.dma_semaphore, #tpu.memory_space<semaphore_mem>>, %arg11: memref<!tpu.dma_semaphore, #tpu.memory_space<semaphore_mem>>) attributes {dimension_semantics = [#tpu.dimension_semantics<core_parallel>, #tpu.dimension_semantics<subcore_parallel>], iteration_bounds = array<i64: 2, 16>, scalar_prefetch = 0 : i64, scratch_operands = 7 : i64, tpu.core_type = #tpu.core_type<sc_vector_subcore>, window_params = [{transform_indices = #map}, {transform_indices = #map}, {transform_indices = #map}]} {
    %mul3A = arith.constant 2 : i32
    %mul3A_0 = arith.muli %arg1, %mul3A : i32
    %add3A = arith.addi %mul3A_0, %arg0 : i32
    %mul3A_1 = arith.constant 512 : i32
    %mul3A_2 = arith.muli %add3A, %mul3A_1 : i32
    %add3A_3 = arith.constant 0 : i32
    %add3A_4 = arith.addi %mul3A_2, %add3A_3 : i32
    %run_scoped3A = arith.constant 0 : i32
    "tpu.region"() ({
      %run_scoped3A_112 = tpu.sem_alloc : memref<!tpu.dma_semaphore, #tpu.memory_space<semaphore_mem>>
      %dma_start3A_113 = arith.constant 0 : i32
      %dma_start3A_114 = arith.constant 0 : i32
      %dma_start3A_115 = tpu.memref_slice %arg5[%run_scoped3A, %dma_start3A_113, %dma_start3A_114] : memref<2x32x200xi32, #tpu.memory_space<vmem>> -> memref<1x32x200xi32, #tpu.memory_space<vmem>>
      %dma_start3A_116 = tpu.memref_squeeze %dma_start3A_115 : memref<1x32x200xi32, #tpu.memory_space<vmem>> -> memref<32x200xi32, #tpu.memory_space<vmem>>
      %dma_start3A_117 = arith.constant 0 : i32
      %dma_start3A_118 = tpu.memref_slice %arg2[%add3A_4, %dma_start3A_117] : memref<16384x200xi32, #tpu.memory_space<hbm>> -> memref<32x200xi32, #tpu.memory_space<hbm>>
      %dma_start3A_119 = arith.constant 0 : i32
      %dma_start3A_120 = arith.constant 0 : i32
      %dma_start3A_121 = tpu.memref_slice %arg5[%run_scoped3A, %dma_start3A_119, %dma_start3A_120] : memref<2x32x200xi32, #tpu.memory_space<vmem>> -> memref<1x32x200xi32, #tpu.memory_space<vmem>>
      %dma_start3A_122 = tpu.memref_squeeze %dma_start3A_121 : memref<1x32x200xi32, #tpu.memory_space<vmem>> -> memref<32x200xi32, #tpu.memory_space<vmem>>
      %dma_start3A_123 = arith.constant 0 : i32
      %dma_start3A_124 = tpu.memref_slice %arg2[%add3A_4, %dma_start3A_123] : memref<16384x200xi32, #tpu.memory_space<hbm>> -> memref<32x200xi32, #tpu.memory_space<hbm>>
      tpu.enqueue_dma source(%dma_start3A_124 : memref<32x200xi32, #tpu.memory_space<hbm>>) target(%dma_start3A_122 : memref<32x200xi32, #tpu.memory_space<vmem>>) target_semaphore(%run_scoped3A_112 : memref<!tpu.dma_semaphore, #tpu.memory_space<semaphore_mem>>)
      %dma_wait3A = arith.constant 0 : i32
      %dma_wait3A_125 = arith.constant 0 : i32
      %dma_wait3A_126 = tpu.memref_slice %arg5[%run_scoped3A, %dma_wait3A, %dma_wait3A_125] : memref<2x32x200xi32, #tpu.memory_space<vmem>> -> memref<1x32x200xi32, #tpu.memory_space<vmem>>
      %dma_wait3A_127 = tpu.memref_squeeze %dma_wait3A_126 : memref<1x32x200xi32, #tpu.memory_space<vmem>> -> memref<32x200xi32, #tpu.memory_space<vmem>>
      %dma_wait3A_128 = arith.constant 0 : i32
      %dma_wait3A_129 = tpu.memref_slice %arg2[%add3A_4, %dma_wait3A_128] : memref<16384x200xi32, #tpu.memory_space<hbm>> -> memref<32x200xi32, #tpu.memory_space<hbm>>
      %dma_wait3A_130 = arith.constant 0 : i32
      %dma_wait3A_131 = arith.constant 0 : i32
      %dma_wait3A_132 = tpu.memref_slice %arg5[%run_scoped3A, %dma_wait3A_130, %dma_wait3A_131] : memref<2x32x200xi32, #tpu.memory_space<vmem>> -> memref<1x32x200xi32, #tpu.memory_space<vmem>>
      %dma_wait3A_133 = tpu.memref_squeeze %dma_wait3A_132 : memref<1x32x200xi32, #tpu.memory_space<vmem>> -> memref<32x200xi32, #tpu.memory_space<vmem>>
      %dma_wait3A_134 = arith.constant 0 : i32
      %dma_wait3A_135 = tpu.memref_slice %arg2[%add3A_4, %dma_wait3A_134] : memref<16384x200xi32, #tpu.memory_space<hbm>> -> memref<32x200xi32, #tpu.memory_space<hbm>>
      tpu.wait_dma2 semaphore(%run_scoped3A_112 : memref<!tpu.dma_semaphore, #tpu.memory_space<semaphore_mem>>) src(%dma_wait3A_135 : memref<32x200xi32, #tpu.memory_space<hbm>>) dst(%dma_wait3A_133 : memref<32x200xi32, #tpu.memory_space<vmem>>)
      tpu.yield
    }) : () -> ()
    %dma_start3A = arith.constant 0 : i32
    %dma_start3A_5 = arith.constant 0 : i32
    %dma_start3A_6 = arith.constant 0 : i32
    %dma_start3A_7 = arith.constant 0 : i32
    %dma_start3A_8 = arith.constant 0 : i32
    %dma_start3A_9 = tpu.memref_slice %arg6[%dma_start3A_6, %dma_start3A_7, %dma_start3A_8] : memref<2x800x64xf32, #tpu.memory_space<vmem>> -> memref<1x104x64xf32, #tpu.memory_space<vmem>>
    %dma_start3A_10 = tpu.memref_squeeze %dma_start3A_9 : memref<1x104x64xf32, #tpu.memory_space<vmem>> -> memref<104x64xf32, #tpu.memory_space<vmem>>
    %dma_start3A_11 = arith.constant 0 : i32
    %dma_start3A_12 = tpu.memref_slice %arg5[%dma_start3A, %dma_start3A_5, %dma_start3A_11] : memref<2x32x200xi32, #tpu.memory_space<vmem>> -> memref<1x1x104xi32, #tpu.memory_space<vmem>>
    %dma_start3A_13 = tpu.memref_squeeze %dma_start3A_12 : memref<1x1x104xi32, #tpu.memory_space<vmem>> -> memref<104xi32, #tpu.memory_space<vmem>>
    %dma_start3A_14 = arith.constant 0 : i32
    %dma_start3A_15 = arith.constant 0 : i32
    %dma_start3A_16 = tpu.memref_slice %arg3[%dma_start3A_14, %dma_start3A_15] : memref<100000x64xf32, #tpu.memory_space<hbm>> -> memref<100000x64xf32, #tpu.memory_space<hbm>>
    tpu.enqueue_indirect_dma source(%dma_start3A_16 : memref<100000x64xf32, #tpu.memory_space<hbm>>) target(%dma_start3A_10 : memref<104x64xf32, #tpu.memory_space<vmem>>) offsets(%dma_start3A_13 : memref<104xi32, #tpu.memory_space<vmem>>) semaphore(%arg8 : memref<!tpu.dma_semaphore, #tpu.memory_space<semaphore_mem>>)
    %dma_start3A_17 = arith.constant 0 : i32
    %dma_start3A_18 = arith.constant 0 : i32
    %dma_start3A_19 = arith.constant 0 : i32
    %dma_start3A_20 = arith.constant 104 : i32
    %dma_start3A_21 = arith.constant 0 : i32
    %dma_start3A_22 = tpu.memref_slice %arg6[%dma_start3A_19, %dma_start3A_20, %dma_start3A_21] : memref<2x800x64xf32, #tpu.memory_space<vmem>> -> memref<1x96x64xf32, #tpu.memory_space<vmem>>
    %dma_start3A_23 = tpu.memref_squeeze %dma_start3A_22 : memref<1x96x64xf32, #tpu.memory_space<vmem>> -> memref<96x64xf32, #tpu.memory_space<vmem>>
    %dma_start3A_24 = arith.constant 104 : i32
    %dma_start3A_25 = tpu.memref_slice %arg5[%dma_start3A_17, %dma_start3A_18, %dma_start3A_24] : memref<2x32x200xi32, #tpu.memory_space<vmem>> -> memref<1x1x96xi32, #tpu.memory_space<vmem>>
    %dma_start3A_26 = tpu.memref_squeeze %dma_start3A_25 : memref<1x1x96xi32, #tpu.memory_space<vmem>> -> memref<96xi32, #tpu.memory_space<vmem>>
    %dma_start3A_27 = arith.constant 0 : i32
    %dma_start3A_28 = arith.constant 0 : i32
    %dma_start3A_29 = tpu.memref_slice %arg3[%dma_start3A_27, %dma_start3A_28] : memref<100000x64xf32, #tpu.memory_space<hbm>> -> memref<100000x64xf32, #tpu.memory_space<hbm>>
    tpu.enqueue_indirect_dma source(%dma_start3A_29 : memref<100000x64xf32, #tpu.memory_space<hbm>>) target(%dma_start3A_23 : memref<96x64xf32, #tpu.memory_space<vmem>>) offsets(%dma_start3A_26 : memref<96xi32, #tpu.memory_space<vmem>>) semaphore(%arg8 : memref<!tpu.dma_semaphore, #tpu.memory_space<semaphore_mem>>)
    %dma_start3A_30 = arith.constant 0 : i32
    %dma_start3A_31 = arith.constant 1 : i32
    %dma_start3A_32 = arith.constant 0 : i32
    %dma_start3A_33 = arith.constant 200 : i32
    %dma_start3A_34 = arith.constant 0 : i32
    %dma_start3A_35 = tpu.memref_slice %arg6[%dma_start3A_32, %dma_start3A_33, %dma_start3A_34] : memref<2x800x64xf32, #tpu.memory_space<vmem>> -> memref<1x104x64xf32, #tpu.memory_space<vmem>>
    %dma_start3A_36 = tpu.memref_squeeze %dma_start3A_35 : memref<1x104x64xf32, #tpu.memory_space<vmem>> -> memref<104x64xf32, #tpu.memory_space<vmem>>
    %dma_start3A_37 = arith.constant 0 : i32
    %dma_start3A_38 = tpu.memref_slice %arg5[%dma_start3A_30, %dma_start3A_31, %dma_start3A_37] : memref<2x32x200xi32, #tpu.memory_space<vmem>> -> memref<1x1x104xi32, #tpu.memory_space<vmem>>
    %dma_start3A_39 = tpu.memref_squeeze %dma_start3A_38 : memref<1x1x104xi32, #tpu.memory_space<vmem>> -> memref<104xi32, #tpu.memory_space<vmem>>
    %dma_start3A_40 = arith.constant 0 : i32
    %dma_start3A_41 = arith.constant 0 : i32
    %dma_start3A_42 = tpu.memref_slice %arg3[%dma_start3A_40, %dma_start3A_41] : memref<100000x64xf32, #tpu.memory_space<hbm>> -> memref<100000x64xf32, #tpu.memory_space<hbm>>
    tpu.enqueue_indirect_dma source(%dma_start3A_42 : memref<100000x64xf32, #tpu.memory_space<hbm>>) target(%dma_start3A_36 : memref<104x64xf32, #tpu.memory_space<vmem>>) offsets(%dma_start3A_39 : memref<104xi32, #tpu.memory_space<vmem>>) semaphore(%arg8 : memref<!tpu.dma_semaphore, #tpu.memory_space<semaphore_mem>>)
    %dma_start3A_43 = arith.constant 0 : i32
    %dma_start3A_44 = arith.constant 1 : i32
    %dma_start3A_45 = arith.constant 0 : i32
    %dma_start3A_46 = arith.constant 304 : i32
    %dma_start3A_47 = arith.constant 0 : i32
    %dma_start3A_48 = tpu.memref_slice %arg6[%dma_start3A_45, %dma_start3A_46, %dma_start3A_47] : memref<2x800x64xf32, #tpu.memory_space<vmem>> -> memref<1x96x64xf32, #tpu.memory_space<vmem>>
    %dma_start3A_49 = tpu.memref_squeeze %dma_start3A_48 : memref<1x96x64xf32, #tpu.memory_space<vmem>> -> memref<96x64xf32, #tpu.memory_space<vmem>>
    %dma_start3A_50 = arith.constant 104 : i32
    %dma_start3A_51 = tpu.memref_slice %arg5[%dma_start3A_43, %dma_start3A_44, %dma_start3A_50] : memref<2x32x200xi32, #tpu.memory_space<vmem>> -> memref<1x1x96xi32, #tpu.memory_space<vmem>>
    %dma_start3A_52 = tpu.memref_squeeze %dma_start3A_51 : memref<1x1x96xi32, #tpu.memory_space<vmem>> -> memref<96xi32, #tpu.memory_space<vmem>>
    %dma_start3A_53 = arith.constant 0 : i32
    %dma_start3A_54 = arith.constant 0 : i32
    %dma_start3A_55 = tpu.memref_slice %arg3[%dma_start3A_53, %dma_start3A_54] : memref<100000x64xf32, #tpu.memory_space<hbm>> -> memref<100000x64xf32, #tpu.memory_space<hbm>>
    tpu.enqueue_indirect_dma source(%dma_start3A_55 : memref<100000x64xf32, #tpu.memory_space<hbm>>) target(%dma_start3A_49 : memref<96x64xf32, #tpu.memory_space<vmem>>) offsets(%dma_start3A_52 : memref<96xi32, #tpu.memory_space<vmem>>) semaphore(%arg8 : memref<!tpu.dma_semaphore, #tpu.memory_space<semaphore_mem>>)
    %dma_start3A_56 = arith.constant 0 : i32
    %dma_start3A_57 = arith.constant 2 : i32
    %dma_start3A_58 = arith.constant 0 : i32
    %dma_start3A_59 = arith.constant 400 : i32
    %dma_start3A_60 = arith.constant 0 : i32
    %dma_start3A_61 = tpu.memref_slice %arg6[%dma_start3A_58, %dma_start3A_59, %dma_start3A_60] : memref<2x800x64xf32, #tpu.memory_space<vmem>> -> memref<1x104x64xf32, #tpu.memory_space<vmem>>
    %dma_start3A_62 = tpu.memref_squeeze %dma_start3A_61 : memref<1x104x64xf32, #tpu.memory_space<vmem>> -> memref<104x64xf32, #tpu.memory_space<vmem>>
    %dma_start3A_63 = arith.constant 0 : i32
    %dma_start3A_64 = tpu.memref_slice %arg5[%dma_start3A_56, %dma_start3A_57, %dma_start3A_63] : memref<2x32x200xi32, #tpu.memory_space<vmem>> -> memref<1x1x104xi32, #tpu.memory_space<vmem>>
    %dma_start3A_65 = tpu.memref_squeeze %dma_start3A_64 : memref<1x1x104xi32, #tpu.memory_space<vmem>> -> memref<104xi32, #tpu.memory_space<vmem>>
    %dma_start3A_66 = arith.constant 0 : i32
    %dma_start3A_67 = arith.constant 0 : i32
    %dma_start3A_68 = tpu.memref_slice %arg3[%dma_start3A_66, %dma_start3A_67] : memref<100000x64xf32, #tpu.memory_space<hbm>> -> memref<100000x64xf32, #tpu.memory_space<hbm>>
    tpu.enqueue_indirect_dma source(%dma_start3A_68 : memref<100000x64xf32, #tpu.memory_space<hbm>>) target(%dma_start3A_62 : memref<104x64xf32, #tpu.memory_space<vmem>>) offsets(%dma_start3A_65 : memref<104xi32, #tpu.memory_space<vmem>>) semaphore(%arg8 : memref<!tpu.dma_semaphore, #tpu.memory_space<semaphore_mem>>)
    %dma_start3A_69 = arith.constant 0 : i32
    %dma_start3A_70 = arith.constant 2 : i32
    %dma_start3A_71 = arith.constant 0 : i32
    %dma_start3A_72 = arith.constant 504 : i32
    %dma_start3A_73 = arith.constant 0 : i32
    %dma_start3A_74 = tpu.memref_slice %arg6[%dma_start3A_71, %dma_start3A_72, %dma_start3A_73] : memref<2x800x64xf32, #tpu.memory_space<vmem>> -> memref<1x96x64xf32, #tpu.memory_space<vmem>>
    %dma_start3A_75 = tpu.memref_squeeze %dma_start3A_74 : memref<1x96x64xf32, #tpu.memory_space<vmem>> -> memref<96x64xf32, #tpu.memory_space<vmem>>
    %dma_start3A_76 = arith.constant 104 : i32
    %dma_start3A_77 = tpu.memref_slice %arg5[%dma_start3A_69, %dma_start3A_70, %dma_start3A_76] : memref<2x32x200xi32, #tpu.memory_space<vmem>> -> memref<1x1x96xi32, #tpu.memory_space<vmem>>
    %dma_start3A_78 = tpu.memref_squeeze %dma_start3A_77 : memref<1x1x96xi32, #tpu.memory_space<vmem>> -> memref<96xi32, #tpu.memory_space<vmem>>
    %dma_start3A_79 = arith.constant 0 : i32
    %dma_start3A_80 = arith.constant 0 : i32
    %dma_start3A_81 = tpu.memref_slice %arg3[%dma_start3A_79, %dma_start3A_80] : memref<100000x64xf32, #tpu.memory_space<hbm>> -> memref<100000x64xf32, #tpu.memory_space<hbm>>
    tpu.enqueue_indirect_dma source(%dma_start3A_81 : memref<100000x64xf32, #tpu.memory_space<hbm>>) target(%dma_start3A_75 : memref<96x64xf32, #tpu.memory_space<vmem>>) offsets(%dma_start3A_78 : memref<96xi32, #tpu.memory_space<vmem>>) semaphore(%arg8 : memref<!tpu.dma_semaphore, #tpu.memory_space<semaphore_mem>>)
    %dma_start3A_82 = arith.constant 0 : i32
    %dma_start3A_83 = arith.constant 3 : i32
    %dma_start3A_84 = arith.constant 0 : i32
    %dma_start3A_85 = arith.constant 600 : i32
    %dma_start3A_86 = arith.constant 0 : i32
    %dma_start3A_87 = tpu.memref_slice %arg6[%dma_start3A_84, %dma_start3A_85, %dma_start3A_86] : memref<2x800x64xf32, #tpu.memory_space<vmem>> -> memref<1x104x64xf32, #tpu.memory_space<vmem>>
    %dma_start3A_88 = tpu.memref_squeeze %dma_start3A_87 : memref<1x104x64xf32, #tpu.memory_space<vmem>> -> memref<104x64xf32, #tpu.memory_space<vmem>>
    %dma_start3A_89 = arith.constant 0 : i32
    %dma_start3A_90 = tpu.memref_slice %arg5[%dma_start3A_82, %dma_start3A_83, %dma_start3A_89] : memref<2x32x200xi32, #tpu.memory_space<vmem>> -> memref<1x1x104xi32, #tpu.memory_space<vmem>>
    %dma_start3A_91 = tpu.memref_squeeze %dma_start3A_90 : memref<1x1x104xi32, #tpu.memory_space<vmem>> -> memref<104xi32, #tpu.memory_space<vmem>>
    %dma_start3A_92 = arith.constant 0 : i32
    %dma_start3A_93 = arith.constant 0 : i32
    %dma_start3A_94 = tpu.memref_slice %arg3[%dma_start3A_92, %dma_start3A_93] : memref<100000x64xf32, #tpu.memory_space<hbm>> -> memref<100000x64xf32, #tpu.memory_space<hbm>>
    tpu.enqueue_indirect_dma source(%dma_start3A_94 : memref<100000x64xf32, #tpu.memory_space<hbm>>) target(%dma_start3A_88 : memref<104x64xf32, #tpu.memory_space<vmem>>) offsets(%dma_start3A_91 : memref<104xi32, #tpu.memory_space<vmem>>) semaphore(%arg8 : memref<!tpu.dma_semaphore, #tpu.memory_space<semaphore_mem>>)
    %dma_start3A_95 = arith.constant 0 : i32
    %dma_start3A_96 = arith.constant 3 : i32
    %dma_start3A_97 = arith.constant 0 : i32
    %dma_start3A_98 = arith.constant 704 : i32
    %dma_start3A_99 = arith.constant 0 : i32
    %dma_start3A_100 = tpu.memref_slice %arg6[%dma_start3A_97, %dma_start3A_98, %dma_start3A_99] : memref<2x800x64xf32, #tpu.memory_space<vmem>> -> memref<1x96x64xf32, #tpu.memory_space<vmem>>
    %dma_start3A_101 = tpu.memref_squeeze %dma_start3A_100 : memref<1x96x64xf32, #tpu.memory_space<vmem>> -> memref<96x64xf32, #tpu.memory_space<vmem>>
    %dma_start3A_102 = arith.constant 104 : i32
    %dma_start3A_103 = tpu.memref_slice %arg5[%dma_start3A_95, %dma_start3A_96, %dma_start3A_102] : memref<2x32x200xi32, #tpu.memory_space<vmem>> -> memref<1x1x96xi32, #tpu.memory_space<vmem>>
    %dma_start3A_104 = tpu.memref_squeeze %dma_start3A_103 : memref<1x1x96xi32, #tpu.memory_space<vmem>> -> memref<96xi32, #tpu.memory_space<vmem>>
    %dma_start3A_105 = arith.constant 0 : i32
    %dma_start3A_106 = arith.constant 0 : i32
    %dma_start3A_107 = tpu.memref_slice %arg3[%dma_start3A_105, %dma_start3A_106] : memref<100000x64xf32, #tpu.memory_space<hbm>> -> memref<100000x64xf32, #tpu.memory_space<hbm>>
    tpu.enqueue_indirect_dma source(%dma_start3A_107 : memref<100000x64xf32, #tpu.memory_space<hbm>>) target(%dma_start3A_101 : memref<96x64xf32, #tpu.memory_space<vmem>>) offsets(%dma_start3A_104 : memref<96xi32, #tpu.memory_space<vmem>>) semaphore(%arg8 : memref<!tpu.dma_semaphore, #tpu.memory_space<semaphore_mem>>)
    %scan3A = arith.constant 0 : i32
    %scan3A_108 = arith.constant 8 : i32
    %scan3A_109 = arith.addi %scan3A, %scan3A_108 : i32
    %scan3A_110 = arith.constant 1 : i32
    scf.for %scan3A_112 = %scan3A to %scan3A_109 step %scan3A_110  : i32 {
      %mul3A_113 = arith.constant 2 : i32
      %mul3A_114 = arith.muli %scan3A_112, %mul3A_113 : i32
      %add3A_115 = arith.constant 0 : i32
      %add3A_116 = arith.addi %add3A_115, %mul3A_114 : i32
      %add3A_117 = arith.constant 1 : i32
      %add3A_118 = arith.addi %add3A_116, %add3A_117 : i32
      %lt3A = arith.constant 16 : i32
      %lt3A_119 = arith.cmpi slt, %add3A_118, %lt3A : i32
      %convert_element_type3A = arith.extui %lt3A_119 : i1 to i32
      %cond3A = arith.constant 0 : i32
      %cond3A_120 = arith.cmpi ne, %convert_element_type3A, %cond3A : i32
      scf.if %cond3A_120 {
        %add3A_150 = arith.constant 1 : i32
        %add3A_151 = arith.addi %add3A_116, %add3A_150 : i32
        %mul3A_152 = arith.constant 512 : i32
        %mul3A_153 = arith.muli %add3A, %mul3A_152 : i32
        %mul3A_154 = arith.constant 32 : i32
        %mul3A_155 = arith.muli %add3A_151, %mul3A_154 : i32
        %add3A_156 = arith.addi %mul3A_153, %mul3A_155 : i32
        %dma_start3A_157 = arith.constant 1 : i32
        %dma_start3A_158 = arith.constant 0 : i32
        %dma_start3A_159 = arith.constant 0 : i32
        %dma_start3A_160 = tpu.memref_slice %arg5[%dma_start3A_157, %dma_start3A_158, %dma_start3A_159] : memref<2x32x200xi32, #tpu.memory_space<vmem>> -> memref<1x32x200xi32, #tpu.memory_space<vmem>>
        %dma_start3A_161 = tpu.memref_squeeze %dma_start3A_160 : memref<1x32x200xi32, #tpu.memory_space<vmem>> -> memref<32x200xi32, #tpu.memory_space<vmem>>
        %dma_start3A_162 = arith.constant 0 : i32
        %dma_start3A_163 = tpu.memref_slice %arg2[%add3A_156, %dma_start3A_162] : memref<16384x200xi32, #tpu.memory_space<hbm>> -> memref<32x200xi32, #tpu.memory_space<hbm>>
        %dma_start3A_164 = arith.constant 0 : i32
        %dma_start3A_165 = arith.constant 0 : i32
        %dma_start3A_166 = tpu.memref_slice %arg5[%dma_start3A_157, %dma_start3A_164, %dma_start3A_165] : memref<2x32x200xi32, #tpu.memory_space<vmem>> -> memref<1x32x200xi32, #tpu.memory_space<vmem>>
        %dma_start3A_167 = tpu.memref_squeeze %dma_start3A_166 : memref<1x32x200xi32, #tpu.memory_space<vmem>> -> memref<32x200xi32, #tpu.memory_space<vmem>>
        %dma_start3A_168 = arith.constant 0 : i32
        %dma_start3A_169 = tpu.memref_slice %arg2[%add3A_156, %dma_start3A_168] : memref<16384x200xi32, #tpu.memory_space<hbm>> -> memref<32x200xi32, #tpu.memory_space<hbm>>
        tpu.enqueue_dma source(%dma_start3A_169 : memref<32x200xi32, #tpu.memory_space<hbm>>) target(%dma_start3A_167 : memref<32x200xi32, #tpu.memory_space<vmem>>) target_semaphore(%arg11 : memref<!tpu.dma_semaphore, #tpu.memory_space<semaphore_mem>>)
      } else {
      }
      %scan3A_121 = arith.constant 0 : i32
      %scan3A_122 = arith.constant 4 : i32
      %scan3A_123 = arith.addi %scan3A_121, %scan3A_122 : i32
      %scan3A_124 = arith.constant 1 : i32
      scf.for %scan3A_150 = %scan3A_121 to %scan3A_123 step %scan3A_124  : i32 {
        %mul3A_151 = arith.constant 2 : i32
        %mul3A_152 = arith.muli %scan3A_150, %mul3A_151 : i32
        %add3A_153 = arith.constant 0 : i32
        %add3A_154 = arith.addi %add3A_153, %mul3A_152 : i32
        %add3A_155 = arith.constant 1 : i32
        %add3A_156 = arith.addi %add3A_154, %add3A_155 : i32
        %mul3A_157 = arith.constant 4 : i32
        %mul3A_158 = arith.muli %add3A_156, %mul3A_157 : i32
        %add3A_159 = arith.constant 0 : i32
        %add3A_160 = arith.addi %mul3A_158, %add3A_159 : i32
        %dma_start3A_161 = arith.constant 0 : i32
        %dma_start3A_162 = arith.constant 1 : i32
        %dma_start3A_163 = arith.constant 0 : i32
        %dma_start3A_164 = arith.constant 0 : i32
        %dma_start3A_165 = tpu.memref_slice %arg6[%dma_start3A_162, %dma_start3A_163, %dma_start3A_164] : memref<2x800x64xf32, #tpu.memory_space<vmem>> -> memref<1x104x64xf32, #tpu.memory_space<vmem>>
        %dma_start3A_166 = tpu.memref_squeeze %dma_start3A_165 : memref<1x104x64xf32, #tpu.memory_space<vmem>> -> memref<104x64xf32, #tpu.memory_space<vmem>>
        %dma_start3A_167 = arith.constant 0 : i32
        %dma_start3A_168 = tpu.memref_slice %arg5[%dma_start3A_161, %add3A_160, %dma_start3A_167] : memref<2x32x200xi32, #tpu.memory_space<vmem>> -> memref<1x1x104xi32, #tpu.memory_space<vmem>>
        %dma_start3A_169 = tpu.memref_squeeze %dma_start3A_168 : memref<1x1x104xi32, #tpu.memory_space<vmem>> -> memref<104xi32, #tpu.memory_space<vmem>>
        %dma_start3A_170 = arith.constant 0 : i32
        %dma_start3A_171 = arith.constant 0 : i32
        %dma_start3A_172 = tpu.memref_slice %arg3[%dma_start3A_170, %dma_start3A_171] : memref<100000x64xf32, #tpu.memory_space<hbm>> -> memref<100000x64xf32, #tpu.memory_space<hbm>>
        tpu.enqueue_indirect_dma source(%dma_start3A_172 : memref<100000x64xf32, #tpu.memory_space<hbm>>) target(%dma_start3A_166 : memref<104x64xf32, #tpu.memory_space<vmem>>) offsets(%dma_start3A_169 : memref<104xi32, #tpu.memory_space<vmem>>) semaphore(%arg9 : memref<!tpu.dma_semaphore, #tpu.memory_space<semaphore_mem>>)
        %mul3A_173 = arith.constant 4 : i32
        %mul3A_174 = arith.muli %add3A_156, %mul3A_173 : i32
        %add3A_175 = arith.constant 0 : i32
        %add3A_176 = arith.addi %mul3A_174, %add3A_175 : i32
        %dma_start3A_177 = arith.constant 0 : i32
        %dma_start3A_178 = arith.constant 1 : i32
        %dma_start3A_179 = arith.constant 104 : i32
        %dma_start3A_180 = arith.constant 0 : i32
        %dma_start3A_181 = tpu.memref_slice %arg6[%dma_start3A_178, %dma_start3A_179, %dma_start3A_180] : memref<2x800x64xf32, #tpu.memory_space<vmem>> -> memref<1x96x64xf32, #tpu.memory_space<vmem>>
        %dma_start3A_182 = tpu.memref_squeeze %dma_start3A_181 : memref<1x96x64xf32, #tpu.memory_space<vmem>> -> memref<96x64xf32, #tpu.memory_space<vmem>>
        %dma_start3A_183 = arith.constant 104 : i32
        %dma_start3A_184 = tpu.memref_slice %arg5[%dma_start3A_177, %add3A_176, %dma_start3A_183] : memref<2x32x200xi32, #tpu.memory_space<vmem>> -> memref<1x1x96xi32, #tpu.memory_space<vmem>>
        %dma_start3A_185 = tpu.memref_squeeze %dma_start3A_184 : memref<1x1x96xi32, #tpu.memory_space<vmem>> -> memref<96xi32, #tpu.memory_space<vmem>>
        %dma_start3A_186 = arith.constant 0 : i32
        %dma_start3A_187 = arith.constant 0 : i32
        %dma_start3A_188 = tpu.memref_slice %arg3[%dma_start3A_186, %dma_start3A_187] : memref<100000x64xf32, #tpu.memory_space<hbm>> -> memref<100000x64xf32, #tpu.memory_space<hbm>>
        tpu.enqueue_indirect_dma source(%dma_start3A_188 : memref<100000x64xf32, #tpu.memory_space<hbm>>) target(%dma_start3A_182 : memref<96x64xf32, #tpu.memory_space<vmem>>) offsets(%dma_start3A_185 : memref<96xi32, #tpu.memory_space<vmem>>) semaphore(%arg9 : memref<!tpu.dma_semaphore, #tpu.memory_space<semaphore_mem>>)
        %mul3A_189 = arith.constant 4 : i32
        %mul3A_190 = arith.muli %add3A_156, %mul3A_189 : i32
        %add3A_191 = arith.constant 1 : i32
        %add3A_192 = arith.addi %mul3A_190, %add3A_191 : i32
        %dma_start3A_193 = arith.constant 0 : i32
        %dma_start3A_194 = arith.constant 1 : i32
        %dma_start3A_195 = arith.constant 200 : i32
        %dma_start3A_196 = arith.constant 0 : i32
        %dma_start3A_197 = tpu.memref_slice %arg6[%dma_start3A_194, %dma_start3A_195, %dma_start3A_196] : memref<2x800x64xf32, #tpu.memory_space<vmem>> -> memref<1x104x64xf32, #tpu.memory_space<vmem>>
        %dma_start3A_198 = tpu.memref_squeeze %dma_start3A_197 : memref<1x104x64xf32, #tpu.memory_space<vmem>> -> memref<104x64xf32, #tpu.memory_space<vmem>>
        %dma_start3A_199 = arith.constant 0 : i32
        %dma_start3A_200 = tpu.memref_slice %arg5[%dma_start3A_193, %add3A_192, %dma_start3A_199] : memref<2x32x200xi32, #tpu.memory_space<vmem>> -> memref<1x1x104xi32, #tpu.memory_space<vmem>>
        %dma_start3A_201 = tpu.memref_squeeze %dma_start3A_200 : memref<1x1x104xi32, #tpu.memory_space<vmem>> -> memref<104xi32, #tpu.memory_space<vmem>>
        %dma_start3A_202 = arith.constant 0 : i32
        %dma_start3A_203 = arith.constant 0 : i32
        %dma_start3A_204 = tpu.memref_slice %arg3[%dma_start3A_202, %dma_start3A_203] : memref<100000x64xf32, #tpu.memory_space<hbm>> -> memref<100000x64xf32, #tpu.memory_space<hbm>>
        tpu.enqueue_indirect_dma source(%dma_start3A_204 : memref<100000x64xf32, #tpu.memory_space<hbm>>) target(%dma_start3A_198 : memref<104x64xf32, #tpu.memory_space<vmem>>) offsets(%dma_start3A_201 : memref<104xi32, #tpu.memory_space<vmem>>) semaphore(%arg9 : memref<!tpu.dma_semaphore, #tpu.memory_space<semaphore_mem>>)
        %mul3A_205 = arith.constant 4 : i32
        %mul3A_206 = arith.muli %add3A_156, %mul3A_205 : i32
        %add3A_207 = arith.constant 1 : i32
        %add3A_208 = arith.addi %mul3A_206, %add3A_207 : i32
        %dma_start3A_209 = arith.constant 0 : i32
        %dma_start3A_210 = arith.constant 1 : i32
        %dma_start3A_211 = arith.constant 304 : i32
        %dma_start3A_212 = arith.constant 0 : i32
        %dma_start3A_213 = tpu.memref_slice %arg6[%dma_start3A_210, %dma_start3A_211, %dma_start3A_212] : memref<2x800x64xf32, #tpu.memory_space<vmem>> -> memref<1x96x64xf32, #tpu.memory_space<vmem>>
        %dma_start3A_214 = tpu.memref_squeeze %dma_start3A_213 : memref<1x96x64xf32, #tpu.memory_space<vmem>> -> memref<96x64xf32, #tpu.memory_space<vmem>>
        %dma_start3A_215 = arith.constant 104 : i32
        %dma_start3A_216 = tpu.memref_slice %arg5[%dma_start3A_209, %add3A_208, %dma_start3A_215] : memref<2x32x200xi32, #tpu.memory_space<vmem>> -> memref<1x1x96xi32, #tpu.memory_space<vmem>>
        %dma_start3A_217 = tpu.memref_squeeze %dma_start3A_216 : memref<1x1x96xi32, #tpu.memory_space<vmem>> -> memref<96xi32, #tpu.memory_space<vmem>>
        %dma_start3A_218 = arith.constant 0 : i32
        %dma_start3A_219 = arith.constant 0 : i32
        %dma_start3A_220 = tpu.memref_slice %arg3[%dma_start3A_218, %dma_start3A_219] : memref<100000x64xf32, #tpu.memory_space<hbm>> -> memref<100000x64xf32, #tpu.memory_space<hbm>>
        tpu.enqueue_indirect_dma source(%dma_start3A_220 : memref<100000x64xf32, #tpu.memory_space<hbm>>) target(%dma_start3A_214 : memref<96x64xf32, #tpu.memory_space<vmem>>) offsets(%dma_start3A_217 : memref<96xi32, #tpu.memory_space<vmem>>) semaphore(%arg9 : memref<!tpu.dma_semaphore, #tpu.memory_space<semaphore_mem>>)
        %mul3A_221 = arith.constant 4 : i32
        %mul3A_222 = arith.muli %add3A_156, %mul3A_221 : i32
        %add3A_223 = arith.constant 2 : i32
        %add3A_224 = arith.addi %mul3A_222, %add3A_223 : i32
        %dma_start3A_225 = arith.constant 0 : i32
        %dma_start3A_226 = arith.constant 1 : i32
        %dma_start3A_227 = arith.constant 400 : i32
        %dma_start3A_228 = arith.constant 0 : i32
        %dma_start3A_229 = tpu.memref_slice %arg6[%dma_start3A_226, %dma_start3A_227, %dma_start3A_228] : memref<2x800x64xf32, #tpu.memory_space<vmem>> -> memref<1x104x64xf32, #tpu.memory_space<vmem>>
        %dma_start3A_230 = tpu.memref_squeeze %dma_start3A_229 : memref<1x104x64xf32, #tpu.memory_space<vmem>> -> memref<104x64xf32, #tpu.memory_space<vmem>>
        %dma_start3A_231 = arith.constant 0 : i32
        %dma_start3A_232 = tpu.memref_slice %arg5[%dma_start3A_225, %add3A_224, %dma_start3A_231] : memref<2x32x200xi32, #tpu.memory_space<vmem>> -> memref<1x1x104xi32, #tpu.memory_space<vmem>>
        %dma_start3A_233 = tpu.memref_squeeze %dma_start3A_232 : memref<1x1x104xi32, #tpu.memory_space<vmem>> -> memref<104xi32, #tpu.memory_space<vmem>>
        %dma_start3A_234 = arith.constant 0 : i32
        %dma_start3A_235 = arith.constant 0 : i32
        %dma_start3A_236 = tpu.memref_slice %arg3[%dma_start3A_234, %dma_start3A_235] : memref<100000x64xf32, #tpu.memory_space<hbm>> -> memref<100000x64xf32, #tpu.memory_space<hbm>>
        tpu.enqueue_indirect_dma source(%dma_start3A_236 : memref<100000x64xf32, #tpu.memory_space<hbm>>) target(%dma_start3A_230 : memref<104x64xf32, #tpu.memory_space<vmem>>) offsets(%dma_start3A_233 : memref<104xi32, #tpu.memory_space<vmem>>) semaphore(%arg9 : memref<!tpu.dma_semaphore, #tpu.memory_space<semaphore_mem>>)
        %mul3A_237 = arith.constant 4 : i32
        %mul3A_238 = arith.muli %add3A_156, %mul3A_237 : i32
        %add3A_239 = arith.constant 2 : i32
        %add3A_240 = arith.addi %mul3A_238, %add3A_239 : i32
        %dma_start3A_241 = arith.constant 0 : i32
        %dma_start3A_242 = arith.constant 1 : i32
        %dma_start3A_243 = arith.constant 504 : i32
        %dma_start3A_244 = arith.constant 0 : i32
        %dma_start3A_245 = tpu.memref_slice %arg6[%dma_start3A_242, %dma_start3A_243, %dma_start3A_244] : memref<2x800x64xf32, #tpu.memory_space<vmem>> -> memref<1x96x64xf32, #tpu.memory_space<vmem>>
        %dma_start3A_246 = tpu.memref_squeeze %dma_start3A_245 : memref<1x96x64xf32, #tpu.memory_space<vmem>> -> memref<96x64xf32, #tpu.memory_space<vmem>>
        %dma_start3A_247 = arith.constant 104 : i32
        %dma_start3A_248 = tpu.memref_slice %arg5[%dma_start3A_241, %add3A_240, %dma_start3A_247] : memref<2x32x200xi32, #tpu.memory_space<vmem>> -> memref<1x1x96xi32, #tpu.memory_space<vmem>>
        %dma_start3A_249 = tpu.memref_squeeze %dma_start3A_248 : memref<1x1x96xi32, #tpu.memory_space<vmem>> -> memref<96xi32, #tpu.memory_space<vmem>>
        %dma_start3A_250 = arith.constant 0 : i32
        %dma_start3A_251 = arith.constant 0 : i32
        %dma_start3A_252 = tpu.memref_slice %arg3[%dma_start3A_250, %dma_start3A_251] : memref<100000x64xf32, #tpu.memory_space<hbm>> -> memref<100000x64xf32, #tpu.memory_space<hbm>>
        tpu.enqueue_indirect_dma source(%dma_start3A_252 : memref<100000x64xf32, #tpu.memory_space<hbm>>) target(%dma_start3A_246 : memref<96x64xf32, #tpu.memory_space<vmem>>) offsets(%dma_start3A_249 : memref<96xi32, #tpu.memory_space<vmem>>) semaphore(%arg9 : memref<!tpu.dma_semaphore, #tpu.memory_space<semaphore_mem>>)
        %mul3A_253 = arith.constant 4 : i32
        %mul3A_254 = arith.muli %add3A_156, %mul3A_253 : i32
        %add3A_255 = arith.constant 3 : i32
        %add3A_256 = arith.addi %mul3A_254, %add3A_255 : i32
        %dma_start3A_257 = arith.constant 0 : i32
        %dma_start3A_258 = arith.constant 1 : i32
        %dma_start3A_259 = arith.constant 600 : i32
        %dma_start3A_260 = arith.constant 0 : i32
        %dma_start3A_261 = tpu.memref_slice %arg6[%dma_start3A_258, %dma_start3A_259, %dma_start3A_260] : memref<2x800x64xf32, #tpu.memory_space<vmem>> -> memref<1x104x64xf32, #tpu.memory_space<vmem>>
        %dma_start3A_262 = tpu.memref_squeeze %dma_start3A_261 : memref<1x104x64xf32, #tpu.memory_space<vmem>> -> memref<104x64xf32, #tpu.memory_space<vmem>>
        %dma_start3A_263 = arith.constant 0 : i32
        %dma_start3A_264 = tpu.memref_slice %arg5[%dma_start3A_257, %add3A_256, %dma_start3A_263] : memref<2x32x200xi32, #tpu.memory_space<vmem>> -> memref<1x1x104xi32, #tpu.memory_space<vmem>>
        %dma_start3A_265 = tpu.memref_squeeze %dma_start3A_264 : memref<1x1x104xi32, #tpu.memory_space<vmem>> -> memref<104xi32, #tpu.memory_space<vmem>>
        %dma_start3A_266 = arith.constant 0 : i32
        %dma_start3A_267 = arith.constant 0 : i32
        %dma_start3A_268 = tpu.memref_slice %arg3[%dma_start3A_266, %dma_start3A_267] : memref<100000x64xf32, #tpu.memory_space<hbm>> -> memref<100000x64xf32, #tpu.memory_space<hbm>>
        tpu.enqueue_indirect_dma source(%dma_start3A_268 : memref<100000x64xf32, #tpu.memory_space<hbm>>) target(%dma_start3A_262 : memref<104x64xf32, #tpu.memory_space<vmem>>) offsets(%dma_start3A_265 : memref<104xi32, #tpu.memory_space<vmem>>) semaphore(%arg9 : memref<!tpu.dma_semaphore, #tpu.memory_space<semaphore_mem>>)
        %mul3A_269 = arith.constant 4 : i32
        %mul3A_270 = arith.muli %add3A_156, %mul3A_269 : i32
        %add3A_271 = arith.constant 3 : i32
        %add3A_272 = arith.addi %mul3A_270, %add3A_271 : i32
        %dma_start3A_273 = arith.constant 0 : i32
        %dma_start3A_274 = arith.constant 1 : i32
        %dma_start3A_275 = arith.constant 704 : i32
        %dma_start3A_276 = arith.constant 0 : i32
        %dma_start3A_277 = tpu.memref_slice %arg6[%dma_start3A_274, %dma_start3A_275, %dma_start3A_276] : memref<2x800x64xf32, #tpu.memory_space<vmem>> -> memref<1x96x64xf32, #tpu.memory_space<vmem>>
        %dma_start3A_278 = tpu.memref_squeeze %dma_start3A_277 : memref<1x96x64xf32, #tpu.memory_space<vmem>> -> memref<96x64xf32, #tpu.memory_space<vmem>>
        %dma_start3A_279 = arith.constant 104 : i32
        %dma_start3A_280 = tpu.memref_slice %arg5[%dma_start3A_273, %add3A_272, %dma_start3A_279] : memref<2x32x200xi32, #tpu.memory_space<vmem>> -> memref<1x1x96xi32, #tpu.memory_space<vmem>>
        %dma_start3A_281 = tpu.memref_squeeze %dma_start3A_280 : memref<1x1x96xi32, #tpu.memory_space<vmem>> -> memref<96xi32, #tpu.memory_space<vmem>>
        %dma_start3A_282 = arith.constant 0 : i32
        %dma_start3A_283 = arith.constant 0 : i32
        %dma_start3A_284 = tpu.memref_slice %arg3[%dma_start3A_282, %dma_start3A_283] : memref<100000x64xf32, #tpu.memory_space<hbm>> -> memref<100000x64xf32, #tpu.memory_space<hbm>>
        tpu.enqueue_indirect_dma source(%dma_start3A_284 : memref<100000x64xf32, #tpu.memory_space<hbm>>) target(%dma_start3A_278 : memref<96x64xf32, #tpu.memory_space<vmem>>) offsets(%dma_start3A_281 : memref<96xi32, #tpu.memory_space<vmem>>) semaphore(%arg9 : memref<!tpu.dma_semaphore, #tpu.memory_space<semaphore_mem>>)
        %mul3A_285 = arith.constant 4 : i32
        %mul3A_286 = arith.muli %add3A_154, %mul3A_285 : i32
        %add3A_287 = arith.constant 0 : i32
        %add3A_288 = arith.addi %mul3A_286, %add3A_287 : i32
        %dma_wait3A = arith.constant 0 : i32
        %dma_wait3A_289 = arith.constant 0 : i32
        %dma_wait3A_290 = arith.constant 0 : i32
        %dma_wait3A_291 = arith.constant 0 : i32
        %dma_wait3A_292 = tpu.memref_slice %arg6[%dma_wait3A_289, %dma_wait3A_290, %dma_wait3A_291] : memref<2x800x64xf32, #tpu.memory_space<vmem>> -> memref<1x104x64xf32, #tpu.memory_space<vmem>>
        %dma_wait3A_293 = tpu.memref_squeeze %dma_wait3A_292 : memref<1x104x64xf32, #tpu.memory_space<vmem>> -> memref<104x64xf32, #tpu.memory_space<vmem>>
        %dma_wait3A_294 = arith.constant 0 : i32
        %dma_wait3A_295 = tpu.memref_slice %arg5[%dma_wait3A, %add3A_288, %dma_wait3A_294] : memref<2x32x200xi32, #tpu.memory_space<vmem>> -> memref<1x1x104xi32, #tpu.memory_space<vmem>>
        %dma_wait3A_296 = tpu.memref_squeeze %dma_wait3A_295 : memref<1x1x104xi32, #tpu.memory_space<vmem>> -> memref<104xi32, #tpu.memory_space<vmem>>
        %dma_wait3A_297 = arith.constant 0 : i32
        %dma_wait3A_298 = arith.constant 0 : i32
        %dma_wait3A_299 = tpu.memref_slice %arg3[%dma_wait3A_297, %dma_wait3A_298] : memref<100000x64xf32, #tpu.memory_space<hbm>> -> memref<100000x64xf32, #tpu.memory_space<hbm>>
        tpu.wait_indirect_dma semaphore(%arg8 : memref<!tpu.dma_semaphore, #tpu.memory_space<semaphore_mem>>) src(%dma_wait3A_299 : memref<100000x64xf32, #tpu.memory_space<hbm>>) dst(%dma_wait3A_293 : memref<104x64xf32, #tpu.memory_space<vmem>>)
        %mul3A_300 = arith.constant 4 : i32
        %mul3A_301 = arith.muli %add3A_154, %mul3A_300 : i32
        %add3A_302 = arith.constant 0 : i32
        %add3A_303 = arith.addi %mul3A_301, %add3A_302 : i32
        %dma_wait3A_304 = arith.constant 0 : i32
        %dma_wait3A_305 = arith.constant 0 : i32
        %dma_wait3A_306 = arith.constant 104 : i32
        %dma_wait3A_307 = arith.constant 0 : i32
        %dma_wait3A_308 = tpu.memref_slice %arg6[%dma_wait3A_305, %dma_wait3A_306, %dma_wait3A_307] : memref<2x800x64xf32, #tpu.memory_space<vmem>> -> memref<1x96x64xf32, #tpu.memory_space<vmem>>
        %dma_wait3A_309 = tpu.memref_squeeze %dma_wait3A_308 : memref<1x96x64xf32, #tpu.memory_space<vmem>> -> memref<96x64xf32, #tpu.memory_space<vmem>>
        %dma_wait3A_310 = arith.constant 104 : i32
        %dma_wait3A_311 = tpu.memref_slice %arg5[%dma_wait3A_304, %add3A_303, %dma_wait3A_310] : memref<2x32x200xi32, #tpu.memory_space<vmem>> -> memref<1x1x96xi32, #tpu.memory_space<vmem>>
        %dma_wait3A_312 = tpu.memref_squeeze %dma_wait3A_311 : memref<1x1x96xi32, #tpu.memory_space<vmem>> -> memref<96xi32, #tpu.memory_space<vmem>>
        %dma_wait3A_313 = arith.constant 0 : i32
        %dma_wait3A_314 = arith.constant 0 : i32
        %dma_wait3A_315 = tpu.memref_slice %arg3[%dma_wait3A_313, %dma_wait3A_314] : memref<100000x64xf32, #tpu.memory_space<hbm>> -> memref<100000x64xf32, #tpu.memory_space<hbm>>
        tpu.wait_indirect_dma semaphore(%arg8 : memref<!tpu.dma_semaphore, #tpu.memory_space<semaphore_mem>>) src(%dma_wait3A_315 : memref<100000x64xf32, #tpu.memory_space<hbm>>) dst(%dma_wait3A_309 : memref<96x64xf32, #tpu.memory_space<vmem>>)
        %mul3A_316 = arith.constant 4 : i32
        %mul3A_317 = arith.muli %add3A_154, %mul3A_316 : i32
        %add3A_318 = arith.constant 1 : i32
        %add3A_319 = arith.addi %mul3A_317, %add3A_318 : i32
        %dma_wait3A_320 = arith.constant 0 : i32
        %dma_wait3A_321 = arith.constant 0 : i32
        %dma_wait3A_322 = arith.constant 200 : i32
        %dma_wait3A_323 = arith.constant 0 : i32
        %dma_wait3A_324 = tpu.memref_slice %arg6[%dma_wait3A_321, %dma_wait3A_322, %dma_wait3A_323] : memref<2x800x64xf32, #tpu.memory_space<vmem>> -> memref<1x104x64xf32, #tpu.memory_space<vmem>>
        %dma_wait3A_325 = tpu.memref_squeeze %dma_wait3A_324 : memref<1x104x64xf32, #tpu.memory_space<vmem>> -> memref<104x64xf32, #tpu.memory_space<vmem>>
        %dma_wait3A_326 = arith.constant 0 : i32
        %dma_wait3A_327 = tpu.memref_slice %arg5[%dma_wait3A_320, %add3A_319, %dma_wait3A_326] : memref<2x32x200xi32, #tpu.memory_space<vmem>> -> memref<1x1x104xi32, #tpu.memory_space<vmem>>
        %dma_wait3A_328 = tpu.memref_squeeze %dma_wait3A_327 : memref<1x1x104xi32, #tpu.memory_space<vmem>> -> memref<104xi32, #tpu.memory_space<vmem>>
        %dma_wait3A_329 = arith.constant 0 : i32
        %dma_wait3A_330 = arith.constant 0 : i32
        %dma_wait3A_331 = tpu.memref_slice %arg3[%dma_wait3A_329, %dma_wait3A_330] : memref<100000x64xf32, #tpu.memory_space<hbm>> -> memref<100000x64xf32, #tpu.memory_space<hbm>>
        tpu.wait_indirect_dma semaphore(%arg8 : memref<!tpu.dma_semaphore, #tpu.memory_space<semaphore_mem>>) src(%dma_wait3A_331 : memref<100000x64xf32, #tpu.memory_space<hbm>>) dst(%dma_wait3A_325 : memref<104x64xf32, #tpu.memory_space<vmem>>)
        %mul3A_332 = arith.constant 4 : i32
        %mul3A_333 = arith.muli %add3A_154, %mul3A_332 : i32
        %add3A_334 = arith.constant 1 : i32
        %add3A_335 = arith.addi %mul3A_333, %add3A_334 : i32
        %dma_wait3A_336 = arith.constant 0 : i32
        %dma_wait3A_337 = arith.constant 0 : i32
        %dma_wait3A_338 = arith.constant 304 : i32
        %dma_wait3A_339 = arith.constant 0 : i32
        %dma_wait3A_340 = tpu.memref_slice %arg6[%dma_wait3A_337, %dma_wait3A_338, %dma_wait3A_339] : memref<2x800x64xf32, #tpu.memory_space<vmem>> -> memref<1x96x64xf32, #tpu.memory_space<vmem>>
        %dma_wait3A_341 = tpu.memref_squeeze %dma_wait3A_340 : memref<1x96x64xf32, #tpu.memory_space<vmem>> -> memref<96x64xf32, #tpu.memory_space<vmem>>
        %dma_wait3A_342 = arith.constant 104 : i32
        %dma_wait3A_343 = tpu.memref_slice %arg5[%dma_wait3A_336, %add3A_335, %dma_wait3A_342] : memref<2x32x200xi32, #tpu.memory_space<vmem>> -> memref<1x1x96xi32, #tpu.memory_space<vmem>>
        %dma_wait3A_344 = tpu.memref_squeeze %dma_wait3A_343 : memref<1x1x96xi32, #tpu.memory_space<vmem>> -> memref<96xi32, #tpu.memory_space<vmem>>
        %dma_wait3A_345 = arith.constant 0 : i32
        %dma_wait3A_346 = arith.constant 0 : i32
        %dma_wait3A_347 = tpu.memref_slice %arg3[%dma_wait3A_345, %dma_wait3A_346] : memref<100000x64xf32, #tpu.memory_space<hbm>> -> memref<100000x64xf32, #tpu.memory_space<hbm>>
        tpu.wait_indirect_dma semaphore(%arg8 : memref<!tpu.dma_semaphore, #tpu.memory_space<semaphore_mem>>) src(%dma_wait3A_347 : memref<100000x64xf32, #tpu.memory_space<hbm>>) dst(%dma_wait3A_341 : memref<96x64xf32, #tpu.memory_space<vmem>>)
        %mul3A_348 = arith.constant 4 : i32
        %mul3A_349 = arith.muli %add3A_154, %mul3A_348 : i32
        %add3A_350 = arith.constant 2 : i32
        %add3A_351 = arith.addi %mul3A_349, %add3A_350 : i32
        %dma_wait3A_352 = arith.constant 0 : i32
        %dma_wait3A_353 = arith.constant 0 : i32
        %dma_wait3A_354 = arith.constant 400 : i32
        %dma_wait3A_355 = arith.constant 0 : i32
        %dma_wait3A_356 = tpu.memref_slice %arg6[%dma_wait3A_353, %dma_wait3A_354, %dma_wait3A_355] : memref<2x800x64xf32, #tpu.memory_space<vmem>> -> memref<1x104x64xf32, #tpu.memory_space<vmem>>
        %dma_wait3A_357 = tpu.memref_squeeze %dma_wait3A_356 : memref<1x104x64xf32, #tpu.memory_space<vmem>> -> memref<104x64xf32, #tpu.memory_space<vmem>>
        %dma_wait3A_358 = arith.constant 0 : i32
        %dma_wait3A_359 = tpu.memref_slice %arg5[%dma_wait3A_352, %add3A_351, %dma_wait3A_358] : memref<2x32x200xi32, #tpu.memory_space<vmem>> -> memref<1x1x104xi32, #tpu.memory_space<vmem>>
        %dma_wait3A_360 = tpu.memref_squeeze %dma_wait3A_359 : memref<1x1x104xi32, #tpu.memory_space<vmem>> -> memref<104xi32, #tpu.memory_space<vmem>>
        %dma_wait3A_361 = arith.constant 0 : i32
        %dma_wait3A_362 = arith.constant 0 : i32
        %dma_wait3A_363 = tpu.memref_slice %arg3[%dma_wait3A_361, %dma_wait3A_362] : memref<100000x64xf32, #tpu.memory_space<hbm>> -> memref<100000x64xf32, #tpu.memory_space<hbm>>
        tpu.wait_indirect_dma semaphore(%arg8 : memref<!tpu.dma_semaphore, #tpu.memory_space<semaphore_mem>>) src(%dma_wait3A_363 : memref<100000x64xf32, #tpu.memory_space<hbm>>) dst(%dma_wait3A_357 : memref<104x64xf32, #tpu.memory_space<vmem>>)
        %mul3A_364 = arith.constant 4 : i32
        %mul3A_365 = arith.muli %add3A_154, %mul3A_364 : i32
        %add3A_366 = arith.constant 2 : i32
        %add3A_367 = arith.addi %mul3A_365, %add3A_366 : i32
        %dma_wait3A_368 = arith.constant 0 : i32
        %dma_wait3A_369 = arith.constant 0 : i32
        %dma_wait3A_370 = arith.constant 504 : i32
        %dma_wait3A_371 = arith.constant 0 : i32
        %dma_wait3A_372 = tpu.memref_slice %arg6[%dma_wait3A_369, %dma_wait3A_370, %dma_wait3A_371] : memref<2x800x64xf32, #tpu.memory_space<vmem>> -> memref<1x96x64xf32, #tpu.memory_space<vmem>>
        %dma_wait3A_373 = tpu.memref_squeeze %dma_wait3A_372 : memref<1x96x64xf32, #tpu.memory_space<vmem>> -> memref<96x64xf32, #tpu.memory_space<vmem>>
        %dma_wait3A_374 = arith.constant 104 : i32
        %dma_wait3A_375 = tpu.memref_slice %arg5[%dma_wait3A_368, %add3A_367, %dma_wait3A_374] : memref<2x32x200xi32, #tpu.memory_space<vmem>> -> memref<1x1x96xi32, #tpu.memory_space<vmem>>
        %dma_wait3A_376 = tpu.memref_squeeze %dma_wait3A_375 : memref<1x1x96xi32, #tpu.memory_space<vmem>> -> memref<96xi32, #tpu.memory_space<vmem>>
        %dma_wait3A_377 = arith.constant 0 : i32
        %dma_wait3A_378 = arith.constant 0 : i32
        %dma_wait3A_379 = tpu.memref_slice %arg3[%dma_wait3A_377, %dma_wait3A_378] : memref<100000x64xf32, #tpu.memory_space<hbm>> -> memref<100000x64xf32, #tpu.memory_space<hbm>>
        tpu.wait_indirect_dma semaphore(%arg8 : memref<!tpu.dma_semaphore, #tpu.memory_space<semaphore_mem>>) src(%dma_wait3A_379 : memref<100000x64xf32, #tpu.memory_space<hbm>>) dst(%dma_wait3A_373 : memref<96x64xf32, #tpu.memory_space<vmem>>)
        %mul3A_380 = arith.constant 4 : i32
        %mul3A_381 = arith.muli %add3A_154, %mul3A_380 : i32
        %add3A_382 = arith.constant 3 : i32
        %add3A_383 = arith.addi %mul3A_381, %add3A_382 : i32
        %dma_wait3A_384 = arith.constant 0 : i32
        %dma_wait3A_385 = arith.constant 0 : i32
        %dma_wait3A_386 = arith.constant 600 : i32
        %dma_wait3A_387 = arith.constant 0 : i32
        %dma_wait3A_388 = tpu.memref_slice %arg6[%dma_wait3A_385, %dma_wait3A_386, %dma_wait3A_387] : memref<2x800x64xf32, #tpu.memory_space<vmem>> -> memref<1x104x64xf32, #tpu.memory_space<vmem>>
        %dma_wait3A_389 = tpu.memref_squeeze %dma_wait3A_388 : memref<1x104x64xf32, #tpu.memory_space<vmem>> -> memref<104x64xf32, #tpu.memory_space<vmem>>
        %dma_wait3A_390 = arith.constant 0 : i32
        %dma_wait3A_391 = tpu.memref_slice %arg5[%dma_wait3A_384, %add3A_383, %dma_wait3A_390] : memref<2x32x200xi32, #tpu.memory_space<vmem>> -> memref<1x1x104xi32, #tpu.memory_space<vmem>>
        %dma_wait3A_392 = tpu.memref_squeeze %dma_wait3A_391 : memref<1x1x104xi32, #tpu.memory_space<vmem>> -> memref<104xi32, #tpu.memory_space<vmem>>
        %dma_wait3A_393 = arith.constant 0 : i32
        %dma_wait3A_394 = arith.constant 0 : i32
        %dma_wait3A_395 = tpu.memref_slice %arg3[%dma_wait3A_393, %dma_wait3A_394] : memref<100000x64xf32, #tpu.memory_space<hbm>> -> memref<100000x64xf32, #tpu.memory_space<hbm>>
        tpu.wait_indirect_dma semaphore(%arg8 : memref<!tpu.dma_semaphore, #tpu.memory_space<semaphore_mem>>) src(%dma_wait3A_395 : memref<100000x64xf32, #tpu.memory_space<hbm>>) dst(%dma_wait3A_389 : memref<104x64xf32, #tpu.memory_space<vmem>>)
        %mul3A_396 = arith.constant 4 : i32
        %mul3A_397 = arith.muli %add3A_154, %mul3A_396 : i32
        %add3A_398 = arith.constant 3 : i32
        %add3A_399 = arith.addi %mul3A_397, %add3A_398 : i32
        %dma_wait3A_400 = arith.constant 0 : i32
        %dma_wait3A_401 = arith.constant 0 : i32
        %dma_wait3A_402 = arith.constant 704 : i32
        %dma_wait3A_403 = arith.constant 0 : i32
        %dma_wait3A_404 = tpu.memref_slice %arg6[%dma_wait3A_401, %dma_wait3A_402, %dma_wait3A_403] : memref<2x800x64xf32, #tpu.memory_space<vmem>> -> memref<1x96x64xf32, #tpu.memory_space<vmem>>
        %dma_wait3A_405 = tpu.memref_squeeze %dma_wait3A_404 : memref<1x96x64xf32, #tpu.memory_space<vmem>> -> memref<96x64xf32, #tpu.memory_space<vmem>>
        %dma_wait3A_406 = arith.constant 104 : i32
        %dma_wait3A_407 = tpu.memref_slice %arg5[%dma_wait3A_400, %add3A_399, %dma_wait3A_406] : memref<2x32x200xi32, #tpu.memory_space<vmem>> -> memref<1x1x96xi32, #tpu.memory_space<vmem>>
        %dma_wait3A_408 = tpu.memref_squeeze %dma_wait3A_407 : memref<1x1x96xi32, #tpu.memory_space<vmem>> -> memref<96xi32, #tpu.memory_space<vmem>>
        %dma_wait3A_409 = arith.constant 0 : i32
        %dma_wait3A_410 = arith.constant 0 : i32
        %dma_wait3A_411 = tpu.memref_slice %arg3[%dma_wait3A_409, %dma_wait3A_410] : memref<100000x64xf32, #tpu.memory_space<hbm>> -> memref<100000x64xf32, #tpu.memory_space<hbm>>
        tpu.wait_indirect_dma semaphore(%arg8 : memref<!tpu.dma_semaphore, #tpu.memory_space<semaphore_mem>>) src(%dma_wait3A_411 : memref<100000x64xf32, #tpu.memory_space<hbm>>) dst(%dma_wait3A_405 : memref<96x64xf32, #tpu.memory_space<vmem>>)
        %scan3A_412 = arith.constant 0 : i32
        %scan3A_413 = arith.constant 4 : i32
        %scan3A_414 = arith.addi %scan3A_412, %scan3A_413 : i32
        %scan3A_415 = arith.constant 1 : i32
        scf.for %scan3A_571 = %scan3A_412 to %scan3A_414 step %scan3A_415  : i32 {
          %mul3A_572 = arith.constant 1 : i32
          %mul3A_573 = arith.muli %scan3A_571, %mul3A_572 : i32
          %add3A_574 = arith.constant 0 : i32
          %add3A_575 = arith.addi %add3A_574, %mul3A_573 : i32
          %broadcast_in_dim3A = arith.constant 0.000000e+00 : f32
          %broadcast_in_dim3A_576 = vector.broadcast %broadcast_in_dim3A : f32 to vector<16xf32>
          %broadcast_in_dim3A_577 = arith.constant 0.000000e+00 : f32
          %broadcast_in_dim3A_578 = vector.broadcast %broadcast_in_dim3A_577 : f32 to vector<16xf32>
          %broadcast_in_dim3A_579 = arith.constant 0.000000e+00 : f32
          %broadcast_in_dim3A_580 = vector.broadcast %broadcast_in_dim3A_579 : f32 to vector<16xf32>
          %broadcast_in_dim3A_581 = arith.constant 0.000000e+00 : f32
          %broadcast_in_dim3A_582 = vector.broadcast %broadcast_in_dim3A_581 : f32 to vector<16xf32>
          %scan3A_583 = arith.constant 0 : i32
          %scan3A_584 = arith.constant 200 : i32
          %scan3A_585 = arith.addi %scan3A_583, %scan3A_584 : i32
          %scan3A_586 = arith.constant 8 : i32
          %scan3A_587:4 = scf.for %scan3A_620 = %scan3A_583 to %scan3A_585 step %scan3A_586 iter_args(%scan3A_621 = %broadcast_in_dim3A_576, %scan3A_622 = %broadcast_in_dim3A_578, %scan3A_623 = %broadcast_in_dim3A_580, %scan3A_624 = %broadcast_in_dim3A_582) -> (vector<16xf32>, vector<16xf32>, vector<16xf32>, vector<16xf32>)  : i32 {
            %mul3A_625 = arith.constant 200 : i32
            %mul3A_626 = arith.muli %add3A_575, %mul3A_625 : i32
            %add3A_627 = arith.addi %mul3A_626, %scan3A_620 : i32
            %get3A = arith.constant 0 : i32
            %get3A_628 = arith.index_cast %get3A : i32 to index
            %get3A_629 = arith.index_cast %add3A_627 : i32 to index
            %get3A_630 = arith.constant 0 : index
            %get3A_631 = tpu.vector_load %arg6[%get3A_628, %get3A_629, %get3A_630] {strides = array<i32>} : memref<2x800x64xf32, #tpu.memory_space<vmem>>, vector<1x1x16xf32>,
            %get3A_632 = vector.shape_cast %get3A_631 : vector<1x1x16xf32> to vector<16xf32>
            %add3A_633 = arith.addf %scan3A_621, %get3A_632 : vector<16xf32>
            %mul3A_634 = arith.constant 200 : i32
            %mul3A_635 = arith.muli %add3A_575, %mul3A_634 : i32
            %add3A_636 = arith.addi %mul3A_635, %scan3A_620 : i32
            %get3A_637 = arith.constant 0 : i32
            %get3A_638 = arith.index_cast %get3A_637 : i32 to index
            %get3A_639 = arith.index_cast %add3A_636 : i32 to index
            %get3A_640 = arith.constant 16 : index
            %get3A_641 = tpu.vector_load %arg6[%get3A_638, %get3A_639, %get3A_640] {strides = array<i32>} : memref<2x800x64xf32, #tpu.memory_space<vmem>>, vector<1x1x16xf32>,
            %get3A_642 = vector.shape_cast %get3A_641 : vector<1x1x16xf32> to vector<16xf32>
            %add3A_643 = arith.addf %scan3A_622, %get3A_642 : vector<16xf32>
            %mul3A_644 = arith.constant 200 : i32
            %mul3A_645 = arith.muli %add3A_575, %mul3A_644 : i32
            %add3A_646 = arith.addi %mul3A_645, %scan3A_620 : i32
            %get3A_647 = arith.constant 0 : i32
            %get3A_648 = arith.index_cast %get3A_647 : i32 to index
            %get3A_649 = arith.index_cast %add3A_646 : i32 to index
            %get3A_650 = arith.constant 32 : index
            %get3A_651 = tpu.vector_load %arg6[%get3A_648, %get3A_649, %get3A_650] {strides = array<i32>} : memref<2x800x64xf32, #tpu.memory_space<vmem>>, vector<1x1x16xf32>,
            %get3A_652 = vector.shape_cast %get3A_651 : vector<1x1x16xf32> to vector<16xf32>
            %add3A_653 = arith.addf %scan3A_623, %get3A_652 : vector<16xf32>
            %mul3A_654 = arith.constant 200 : i32
            %mul3A_655 = arith.muli %add3A_575, %mul3A_654 : i32
            %add3A_656 = arith.addi %mul3A_655, %scan3A_620 : i32
            %get3A_657 = arith.constant 0 : i32
            %get3A_658 = arith.index_cast %get3A_657 : i32 to index
            %get3A_659 = arith.index_cast %add3A_656 : i32 to index
            %get3A_660 = arith.constant 48 : index
            %get3A_661 = tpu.vector_load %arg6[%get3A_658, %get3A_659, %get3A_660] {strides = array<i32>} : memref<2x800x64xf32, #tpu.memory_space<vmem>>, vector<1x1x16xf32>,
            %get3A_662 = vector.shape_cast %get3A_661 : vector<1x1x16xf32> to vector<16xf32>
            %add3A_663 = arith.addf %scan3A_624, %get3A_662 : vector<16xf32>
            %scan3A_664 = arith.constant 1 : i32
            %scan3A_665 = arith.addi %scan3A_620, %scan3A_664 : i32
            %mul3A_666 = arith.constant 200 : i32
            %mul3A_667 = arith.muli %add3A_575, %mul3A_666 : i32
            %add3A_668 = arith.addi %mul3A_667, %scan3A_665 : i32
            %get3A_669 = arith.constant 0 : i32
            %get3A_670 = arith.index_cast %get3A_669 : i32 to index
            %get3A_671 = arith.index_cast %add3A_668 : i32 to index
            %get3A_672 = arith.constant 0 : index
            %get3A_673 = tpu.vector_load %arg6[%get3A_670, %get3A_671, %get3A_672] {strides = array<i32>} : memref<2x800x64xf32, #tpu.memory_space<vmem>>, vector<1x1x16xf32>,
            %get3A_674 = vector.shape_cast %get3A_673 : vector<1x1x16xf32> to vector<16xf32>
            %add3A_675 = arith.addf %add3A_633, %get3A_674 : vector<16xf32>
            %mul3A_676 = arith.constant 200 : i32
            %mul3A_677 = arith.muli %add3A_575, %mul3A_676 : i32
            %add3A_678 = arith.addi %mul3A_677, %scan3A_665 : i32
            %get3A_679 = arith.constant 0 : i32
            %get3A_680 = arith.index_cast %get3A_679 : i32 to index
            %get3A_681 = arith.index_cast %add3A_678 : i32 to index
            %get3A_682 = arith.constant 16 : index
            %get3A_683 = tpu.vector_load %arg6[%get3A_680, %get3A_681, %get3A_682] {strides = array<i32>} : memref<2x800x64xf32, #tpu.memory_space<vmem>>, vector<1x1x16xf32>,
            %get3A_684 = vector.shape_cast %get3A_683 : vector<1x1x16xf32> to vector<16xf32>
            %add3A_685 = arith.addf %add3A_643, %get3A_684 : vector<16xf32>
            %mul3A_686 = arith.constant 200 : i32
            %mul3A_687 = arith.muli %add3A_575, %mul3A_686 : i32
            %add3A_688 = arith.addi %mul3A_687, %scan3A_665 : i32
            %get3A_689 = arith.constant 0 : i32
            %get3A_690 = arith.index_cast %get3A_689 : i32 to index
            %get3A_691 = arith.index_cast %add3A_688 : i32 to index
            %get3A_692 = arith.constant 32 : index
            %get3A_693 = tpu.vector_load %arg6[%get3A_690, %get3A_691, %get3A_692] {strides = array<i32>} : memref<2x800x64xf32, #tpu.memory_space<vmem>>, vector<1x1x16xf32>,
            %get3A_694 = vector.shape_cast %get3A_693 : vector<1x1x16xf32> to vector<16xf32>
            %add3A_695 = arith.addf %add3A_653, %get3A_694 : vector<16xf32>
            %mul3A_696 = arith.constant 200 : i32
            %mul3A_697 = arith.muli %add3A_575, %mul3A_696 : i32
            %add3A_698 = arith.addi %mul3A_697, %scan3A_665 : i32
            %get3A_699 = arith.constant 0 : i32
            %get3A_700 = arith.index_cast %get3A_699 : i32 to index
            %get3A_701 = arith.index_cast %add3A_698 : i32 to index
            %get3A_702 = arith.constant 48 : index
            %get3A_703 = tpu.vector_load %arg6[%get3A_700, %get3A_701, %get3A_702] {strides = array<i32>} : memref<2x800x64xf32, #tpu.memory_space<vmem>>, vector<1x1x16xf32>,
            %get3A_704 = vector.shape_cast %get3A_703 : vector<1x1x16xf32> to vector<16xf32>
            %add3A_705 = arith.addf %add3A_663, %get3A_704 : vector<16xf32>
            %scan3A_706 = arith.constant 2 : i32
            %scan3A_707 = arith.addi %scan3A_620, %scan3A_706 : i32
            %mul3A_708 = arith.constant 200 : i32
            %mul3A_709 = arith.muli %add3A_575, %mul3A_708 : i32
            %add3A_710 = arith.addi %mul3A_709, %scan3A_707 : i32
            %get3A_711 = arith.constant 0 : i32
            %get3A_712 = arith.index_cast %get3A_711 : i32 to index
            %get3A_713 = arith.index_cast %add3A_710 : i32 to index
            %get3A_714 = arith.constant 0 : index
            %get3A_715 = tpu.vector_load %arg6[%get3A_712, %get3A_713, %get3A_714] {strides = array<i32>} : memref<2x800x64xf32, #tpu.memory_space<vmem>>, vector<1x1x16xf32>,
            %get3A_716 = vector.shape_cast %get3A_715 : vector<1x1x16xf32> to vector<16xf32>
            %add3A_717 = arith.addf %add3A_675, %get3A_716 : vector<16xf32>
            %mul3A_718 = arith.constant 200 : i32
            %mul3A_719 = arith.muli %add3A_575, %mul3A_718 : i32
            %add3A_720 = arith.addi %mul3A_719, %scan3A_707 : i32
            %get3A_721 = arith.constant 0 : i32
            %get3A_722 = arith.index_cast %get3A_721 : i32 to index
            %get3A_723 = arith.index_cast %add3A_720 : i32 to index
            %get3A_724 = arith.constant 16 : index
            %get3A_725 = tpu.vector_load %arg6[%get3A_722, %get3A_723, %get3A_724] {strides = array<i32>} : memref<2x800x64xf32, #tpu.memory_space<vmem>>, vector<1x1x16xf32>,
            %get3A_726 = vector.shape_cast %get3A_725 : vector<1x1x16xf32> to vector<16xf32>
            %add3A_727 = arith.addf %add3A_685, %get3A_726 : vector<16xf32>
            %mul3A_728 = arith.constant 200 : i32
            %mul3A_729 = arith.muli %add3A_575, %mul3A_728 : i32
            %add3A_730 = arith.addi %mul3A_729, %scan3A_707 : i32
            %get3A_731 = arith.constant 0 : i32
            %get3A_732 = arith.index_cast %get3A_731 : i32 to index
            %get3A_733 = arith.index_cast %add3A_730 : i32 to index
            %get3A_734 = arith.constant 32 : index
            %get3A_735 = tpu.vector_load %arg6[%get3A_732, %get3A_733, %get3A_734] {strides = array<i32>} : memref<2x800x64xf32, #tpu.memory_space<vmem>>, vector<1x1x16xf32>,
            %get3A_736 = vector.shape_cast %get3A_735 : vector<1x1x16xf32> to vector<16xf32>
            %add3A_737 = arith.addf %add3A_695, %get3A_736 : vector<16xf32>
            %mul3A_738 = arith.constant 200 : i32
            %mul3A_739 = arith.muli %add3A_575, %mul3A_738 : i32
            %add3A_740 = arith.addi %mul3A_739, %scan3A_707 : i32
            %get3A_741 = arith.constant 0 : i32
            %get3A_742 = arith.index_cast %get3A_741 : i32 to index
            %get3A_743 = arith.index_cast %add3A_740 : i32 to index
            %get3A_744 = arith.constant 48 : index
            %get3A_745 = tpu.vector_load %arg6[%get3A_742, %get3A_743, %get3A_744] {strides = array<i32>} : memref<2x800x64xf32, #tpu.memory_space<vmem>>, vector<1x1x16xf32>,
            %get3A_746 = vector.shape_cast %get3A_745 : vector<1x1x16xf32> to vector<16xf32>
            %add3A_747 = arith.addf %add3A_705, %get3A_746 : vector<16xf32>
            %scan3A_748 = arith.constant 3 : i32
            %scan3A_749 = arith.addi %scan3A_620, %scan3A_748 : i32
            %mul3A_750 = arith.constant 200 : i32
            %mul3A_751 = arith.muli %add3A_575, %mul3A_750 : i32
            %add3A_752 = arith.addi %mul3A_751, %scan3A_749 : i32
            %get3A_753 = arith.constant 0 : i32
            %get3A_754 = arith.index_cast %get3A_753 : i32 to index
            %get3A_755 = arith.index_cast %add3A_752 : i32 to index
            %get3A_756 = arith.constant 0 : index
            %get3A_757 = tpu.vector_load %arg6[%get3A_754, %get3A_755, %get3A_756] {strides = array<i32>} : memref<2x800x64xf32, #tpu.memory_space<vmem>>, vector<1x1x16xf32>,
            %get3A_758 = vector.shape_cast %get3A_757 : vector<1x1x16xf32> to vector<16xf32>
            %add3A_759 = arith.addf %add3A_717, %get3A_758 : vector<16xf32>
            %mul3A_760 = arith.constant 200 : i32
            %mul3A_761 = arith.muli %add3A_575, %mul3A_760 : i32
            %add3A_762 = arith.addi %mul3A_761, %scan3A_749 : i32
            %get3A_763 = arith.constant 0 : i32
            %get3A_764 = arith.index_cast %get3A_763 : i32 to index
            %get3A_765 = arith.index_cast %add3A_762 : i32 to index
            %get3A_766 = arith.constant 16 : index
            %get3A_767 = tpu.vector_load %arg6[%get3A_764, %get3A_765, %get3A_766] {strides = array<i32>} : memref<2x800x64xf32, #tpu.memory_space<vmem>>, vector<1x1x16xf32>,
            %get3A_768 = vector.shape_cast %get3A_767 : vector<1x1x16xf32> to vector<16xf32>
            %add3A_769 = arith.addf %add3A_727, %get3A_768 : vector<16xf32>
            %mul3A_770 = arith.constant 200 : i32
            %mul3A_771 = arith.muli %add3A_575, %mul3A_770 : i32
            %add3A_772 = arith.addi %mul3A_771, %scan3A_749 : i32
            %get3A_773 = arith.constant 0 : i32
            %get3A_774 = arith.index_cast %get3A_773 : i32 to index
            %get3A_775 = arith.index_cast %add3A_772 : i32 to index
            %get3A_776 = arith.constant 32 : index
            %get3A_777 = tpu.vector_load %arg6[%get3A_774, %get3A_775, %get3A_776] {strides = array<i32>} : memref<2x800x64xf32, #tpu.memory_space<vmem>>, vector<1x1x16xf32>,
            %get3A_778 = vector.shape_cast %get3A_777 : vector<1x1x16xf32> to vector<16xf32>
            %add3A_779 = arith.addf %add3A_737, %get3A_778 : vector<16xf32>
            %mul3A_780 = arith.constant 200 : i32
            %mul3A_781 = arith.muli %add3A_575, %mul3A_780 : i32
            %add3A_782 = arith.addi %mul3A_781, %scan3A_749 : i32
            %get3A_783 = arith.constant 0 : i32
            %get3A_784 = arith.index_cast %get3A_783 : i32 to index
            %get3A_785 = arith.index_cast %add3A_782 : i32 to index
            %get3A_786 = arith.constant 48 : index
            %get3A_787 = tpu.vector_load %arg6[%get3A_784, %get3A_785, %get3A_786] {strides = array<i32>} : memref<2x800x64xf32, #tpu.memory_space<vmem>>, vector<1x1x16xf32>,
            %get3A_788 = vector.shape_cast %get3A_787 : vector<1x1x16xf32> to vector<16xf32>
            %add3A_789 = arith.addf %add3A_747, %get3A_788 : vector<16xf32>
            %scan3A_790 = arith.constant 4 : i32
            %scan3A_791 = arith.addi %scan3A_620, %scan3A_790 : i32
            %mul3A_792 = arith.constant 200 : i32
            %mul3A_793 = arith.muli %add3A_575, %mul3A_792 : i32
            %add3A_794 = arith.addi %mul3A_793, %scan3A_791 : i32
            %get3A_795 = arith.constant 0 : i32
            %get3A_796 = arith.index_cast %get3A_795 : i32 to index
            %get3A_797 = arith.index_cast %add3A_794 : i32 to index
            %get3A_798 = arith.constant 0 : index
            %get3A_799 = tpu.vector_load %arg6[%get3A_796, %get3A_797, %get3A_798] {strides = array<i32>} : memref<2x800x64xf32, #tpu.memory_space<vmem>>, vector<1x1x16xf32>,
            %get3A_800 = vector.shape_cast %get3A_799 : vector<1x1x16xf32> to vector<16xf32>
            %add3A_801 = arith.addf %add3A_759, %get3A_800 : vector<16xf32>
            %mul3A_802 = arith.constant 200 : i32
            %mul3A_803 = arith.muli %add3A_575, %mul3A_802 : i32
            %add3A_804 = arith.addi %mul3A_803, %scan3A_791 : i32
            %get3A_805 = arith.constant 0 : i32
            %get3A_806 = arith.index_cast %get3A_805 : i32 to index
            %get3A_807 = arith.index_cast %add3A_804 : i32 to index
            %get3A_808 = arith.constant 16 : index
            %get3A_809 = tpu.vector_load %arg6[%get3A_806, %get3A_807, %get3A_808] {strides = array<i32>} : memref<2x800x64xf32, #tpu.memory_space<vmem>>, vector<1x1x16xf32>,
            %get3A_810 = vector.shape_cast %get3A_809 : vector<1x1x16xf32> to vector<16xf32>
            %add3A_811 = arith.addf %add3A_769, %get3A_810 : vector<16xf32>
            %mul3A_812 = arith.constant 200 : i32
            %mul3A_813 = arith.muli %add3A_575, %mul3A_812 : i32
            %add3A_814 = arith.addi %mul3A_813, %scan3A_791 : i32
            %get3A_815 = arith.constant 0 : i32
            %get3A_816 = arith.index_cast %get3A_815 : i32 to index
            %get3A_817 = arith.index_cast %add3A_814 : i32 to index
            %get3A_818 = arith.constant 32 : index
            %get3A_819 = tpu.vector_load %arg6[%get3A_816, %get3A_817, %get3A_818] {strides = array<i32>} : memref<2x800x64xf32, #tpu.memory_space<vmem>>, vector<1x1x16xf32>,
            %get3A_820 = vector.shape_cast %get3A_819 : vector<1x1x16xf32> to vector<16xf32>
            %add3A_821 = arith.addf %add3A_779, %get3A_820 : vector<16xf32>
            %mul3A_822 = arith.constant 200 : i32
            %mul3A_823 = arith.muli %add3A_575, %mul3A_822 : i32
            %add3A_824 = arith.addi %mul3A_823, %scan3A_791 : i32
            %get3A_825 = arith.constant 0 : i32
            %get3A_826 = arith.index_cast %get3A_825 : i32 to index
            %get3A_827 = arith.index_cast %add3A_824 : i32 to index
            %get3A_828 = arith.constant 48 : index
            %get3A_829 = tpu.vector_load %arg6[%get3A_826, %get3A_827, %get3A_828] {strides = array<i32>} : memref<2x800x64xf32, #tpu.memory_space<vmem>>, vector<1x1x16xf32>,
            %get3A_830 = vector.shape_cast %get3A_829 : vector<1x1x16xf32> to vector<16xf32>
            %add3A_831 = arith.addf %add3A_789, %get3A_830 : vector<16xf32>
            %scan3A_832 = arith.constant 5 : i32
            %scan3A_833 = arith.addi %scan3A_620, %scan3A_832 : i32
            %mul3A_834 = arith.constant 200 : i32
            %mul3A_835 = arith.muli %add3A_575, %mul3A_834 : i32
            %add3A_836 = arith.addi %mul3A_835, %scan3A_833 : i32
            %get3A_837 = arith.constant 0 : i32
            %get3A_838 = arith.index_cast %get3A_837 : i32 to index
            %get3A_839 = arith.index_cast %add3A_836 : i32 to index
            %get3A_840 = arith.constant 0 : index
            %get3A_841 = tpu.vector_load %arg6[%get3A_838, %get3A_839, %get3A_840] {strides = array<i32>} : memref<2x800x64xf32, #tpu.memory_space<vmem>>, vector<1x1x16xf32>,
            %get3A_842 = vector.shape_cast %get3A_841 : vector<1x1x16xf32> to vector<16xf32>
            %add3A_843 = arith.addf %add3A_801, %get3A_842 : vector<16xf32>
            %mul3A_844 = arith.constant 200 : i32
            %mul3A_845 = arith.muli %add3A_575, %mul3A_844 : i32
            %add3A_846 = arith.addi %mul3A_845, %scan3A_833 : i32
            %get3A_847 = arith.constant 0 : i32
            %get3A_848 = arith.index_cast %get3A_847 : i32 to index
            %get3A_849 = arith.index_cast %add3A_846 : i32 to index
            %get3A_850 = arith.constant 16 : index
            %get3A_851 = tpu.vector_load %arg6[%get3A_848, %get3A_849, %get3A_850] {strides = array<i32>} : memref<2x800x64xf32, #tpu.memory_space<vmem>>, vector<1x1x16xf32>,
            %get3A_852 = vector.shape_cast %get3A_851 : vector<1x1x16xf32> to vector<16xf32>
            %add3A_853 = arith.addf %add3A_811, %get3A_852 : vector<16xf32>
            %mul3A_854 = arith.constant 200 : i32
            %mul3A_855 = arith.muli %add3A_575, %mul3A_854 : i32
            %add3A_856 = arith.addi %mul3A_855, %scan3A_833 : i32
            %get3A_857 = arith.constant 0 : i32
            %get3A_858 = arith.index_cast %get3A_857 : i32 to index
            %get3A_859 = arith.index_cast %add3A_856 : i32 to index
            %get3A_860 = arith.constant 32 : index
            %get3A_861 = tpu.vector_load %arg6[%get3A_858, %get3A_859, %get3A_860] {strides = array<i32>} : memref<2x800x64xf32, #tpu.memory_space<vmem>>, vector<1x1x16xf32>,
            %get3A_862 = vector.shape_cast %get3A_861 : vector<1x1x16xf32> to vector<16xf32>
            %add3A_863 = arith.addf %add3A_821, %get3A_862 : vector<16xf32>
            %mul3A_864 = arith.constant 200 : i32
            %mul3A_865 = arith.muli %add3A_575, %mul3A_864 : i32
            %add3A_866 = arith.addi %mul3A_865, %scan3A_833 : i32
            %get3A_867 = arith.constant 0 : i32
            %get3A_868 = arith.index_cast %get3A_867 : i32 to index
            %get3A_869 = arith.index_cast %add3A_866 : i32 to index
            %get3A_870 = arith.constant 48 : index
            %get3A_871 = tpu.vector_load %arg6[%get3A_868, %get3A_869, %get3A_870] {strides = array<i32>} : memref<2x800x64xf32, #tpu.memory_space<vmem>>, vector<1x1x16xf32>,
            %get3A_872 = vector.shape_cast %get3A_871 : vector<1x1x16xf32> to vector<16xf32>
            %add3A_873 = arith.addf %add3A_831, %get3A_872 : vector<16xf32>
            %scan3A_874 = arith.constant 6 : i32
            %scan3A_875 = arith.addi %scan3A_620, %scan3A_874 : i32
            %mul3A_876 = arith.constant 200 : i32
            %mul3A_877 = arith.muli %add3A_575, %mul3A_876 : i32
            %add3A_878 = arith.addi %mul3A_877, %scan3A_875 : i32
            %get3A_879 = arith.constant 0 : i32
            %get3A_880 = arith.index_cast %get3A_879 : i32 to index
            %get3A_881 = arith.index_cast %add3A_878 : i32 to index
            %get3A_882 = arith.constant 0 : index
            %get3A_883 = tpu.vector_load %arg6[%get3A_880, %get3A_881, %get3A_882] {strides = array<i32>} : memref<2x800x64xf32, #tpu.memory_space<vmem>>, vector<1x1x16xf32>,
            %get3A_884 = vector.shape_cast %get3A_883 : vector<1x1x16xf32> to vector<16xf32>
            %add3A_885 = arith.addf %add3A_843, %get3A_884 : vector<16xf32>
            %mul3A_886 = arith.constant 200 : i32
            %mul3A_887 = arith.muli %add3A_575, %mul3A_886 : i32
            %add3A_888 = arith.addi %mul3A_887, %scan3A_875 : i32
            %get3A_889 = arith.constant 0 : i32
            %get3A_890 = arith.index_cast %get3A_889 : i32 to index
            %get3A_891 = arith.index_cast %add3A_888 : i32 to index
            %get3A_892 = arith.constant 16 : index
            %get3A_893 = tpu.vector_load %arg6[%get3A_890, %get3A_891, %get3A_892] {strides = array<i32>} : memref<2x800x64xf32, #tpu.memory_space<vmem>>, vector<1x1x16xf32>,
            %get3A_894 = vector.shape_cast %get3A_893 : vector<1x1x16xf32> to vector<16xf32>
            %add3A_895 = arith.addf %add3A_853, %get3A_894 : vector<16xf32>
            %mul3A_896 = arith.constant 200 : i32
            %mul3A_897 = arith.muli %add3A_575, %mul3A_896 : i32
            %add3A_898 = arith.addi %mul3A_897, %scan3A_875 : i32
            %get3A_899 = arith.constant 0 : i32
            %get3A_900 = arith.index_cast %get3A_899 : i32 to index
            %get3A_901 = arith.index_cast %add3A_898 : i32 to index
            %get3A_902 = arith.constant 32 : index
            %get3A_903 = tpu.vector_load %arg6[%get3A_900, %get3A_901, %get3A_902] {strides = array<i32>} : memref<2x800x64xf32, #tpu.memory_space<vmem>>, vector<1x1x16xf32>,
            %get3A_904 = vector.shape_cast %get3A_903 : vector<1x1x16xf32> to vector<16xf32>
            %add3A_905 = arith.addf %add3A_863, %get3A_904 : vector<16xf32>
            %mul3A_906 = arith.constant 200 : i32
            %mul3A_907 = arith.muli %add3A_575, %mul3A_906 : i32
            %add3A_908 = arith.addi %mul3A_907, %scan3A_875 : i32
            %get3A_909 = arith.constant 0 : i32
            %get3A_910 = arith.index_cast %get3A_909 : i32 to index
            %get3A_911 = arith.index_cast %add3A_908 : i32 to index
            %get3A_912 = arith.constant 48 : index
            %get3A_913 = tpu.vector_load %arg6[%get3A_910, %get3A_911, %get3A_912] {strides = array<i32>} : memref<2x800x64xf32, #tpu.memory_space<vmem>>, vector<1x1x16xf32>,
            %get3A_914 = vector.shape_cast %get3A_913 : vector<1x1x16xf32> to vector<16xf32>
            %add3A_915 = arith.addf %add3A_873, %get3A_914 : vector<16xf32>
            %scan3A_916 = arith.constant 7 : i32
            %scan3A_917 = arith.addi %scan3A_620, %scan3A_916 : i32
            %mul3A_918 = arith.constant 200 : i32
            %mul3A_919 = arith.muli %add3A_575, %mul3A_918 : i32
            %add3A_920 = arith.addi %mul3A_919, %scan3A_917 : i32
            %get3A_921 = arith.constant 0 : i32
            %get3A_922 = arith.index_cast %get3A_921 : i32 to index
            %get3A_923 = arith.index_cast %add3A_920 : i32 to index
            %get3A_924 = arith.constant 0 : index
            %get3A_925 = tpu.vector_load %arg6[%get3A_922, %get3A_923, %get3A_924] {strides = array<i32>} : memref<2x800x64xf32, #tpu.memory_space<vmem>>, vector<1x1x16xf32>,
            %get3A_926 = vector.shape_cast %get3A_925 : vector<1x1x16xf32> to vector<16xf32>
            %add3A_927 = arith.addf %add3A_885, %get3A_926 : vector<16xf32>
            %mul3A_928 = arith.constant 200 : i32
            %mul3A_929 = arith.muli %add3A_575, %mul3A_928 : i32
            %add3A_930 = arith.addi %mul3A_929, %scan3A_917 : i32
            %get3A_931 = arith.constant 0 : i32
            %get3A_932 = arith.index_cast %get3A_931 : i32 to index
            %get3A_933 = arith.index_cast %add3A_930 : i32 to index
            %get3A_934 = arith.constant 16 : index
            %get3A_935 = tpu.vector_load %arg6[%get3A_932, %get3A_933, %get3A_934] {strides = array<i32>} : memref<2x800x64xf32, #tpu.memory_space<vmem>>, vector<1x1x16xf32>,
            %get3A_936 = vector.shape_cast %get3A_935 : vector<1x1x16xf32> to vector<16xf32>
            %add3A_937 = arith.addf %add3A_895, %get3A_936 : vector<16xf32>
            %mul3A_938 = arith.constant 200 : i32
            %mul3A_939 = arith.muli %add3A_575, %mul3A_938 : i32
            %add3A_940 = arith.addi %mul3A_939, %scan3A_917 : i32
            %get3A_941 = arith.constant 0 : i32
            %get3A_942 = arith.index_cast %get3A_941 : i32 to index
            %get3A_943 = arith.index_cast %add3A_940 : i32 to index
            %get3A_944 = arith.constant 32 : index
            %get3A_945 = tpu.vector_load %arg6[%get3A_942, %get3A_943, %get3A_944] {strides = array<i32>} : memref<2x800x64xf32, #tpu.memory_space<vmem>>, vector<1x1x16xf32>,
            %get3A_946 = vector.shape_cast %get3A_945 : vector<1x1x16xf32> to vector<16xf32>
            %add3A_947 = arith.addf %add3A_905, %get3A_946 : vector<16xf32>
            %mul3A_948 = arith.constant 200 : i32
            %mul3A_949 = arith.muli %add3A_575, %mul3A_948 : i32
            %add3A_950 = arith.addi %mul3A_949, %scan3A_917 : i32
            %get3A_951 = arith.constant 0 : i32
            %get3A_952 = arith.index_cast %get3A_951 : i32 to index
            %get3A_953 = arith.index_cast %add3A_950 : i32 to index
            %get3A_954 = arith.constant 48 : index
            %get3A_955 = tpu.vector_load %arg6[%get3A_952, %get3A_953, %get3A_954] {strides = array<i32>} : memref<2x800x64xf32, #tpu.memory_space<vmem>>, vector<1x1x16xf32>,
            %get3A_956 = vector.shape_cast %get3A_955 : vector<1x1x16xf32> to vector<16xf32>
            %add3A_957 = arith.addf %add3A_915, %get3A_956 : vector<16xf32>
            scf.yield %add3A_927, %add3A_937, %add3A_947, %add3A_957 : vector<16xf32>, vector<16xf32>, vector<16xf32>, vector<16xf32>
          }
          %scan3A_588 = arith.constant 200 : i32
          %mul3A_589 = arith.constant 4 : i32
          %mul3A_590 = arith.muli %add3A_154, %mul3A_589 : i32
          %add3A_591 = arith.addi %mul3A_590, %add3A_575 : i32
          %swap3A = arith.index_cast %add3A_591 : i32 to index
          %swap3A_592 = arith.constant 0 : index
          %swap3A_593 = tpu.vector_load %arg7[%swap3A, %swap3A_592] {strides = array<i32>} : memref<32x64xf32, #tpu.memory_space<vmem>>, vector<1x16xf32>,
          %swap3A_594 = vector.shape_cast %swap3A_593 : vector<1x16xf32> to vector<16xf32>
          %swap3A_595 = vector.shape_cast %scan3A_587#0 : vector<16xf32> to vector<1x16xf32>
          tpu.vector_store %arg7[%swap3A, %swap3A_592], %swap3A_595 {strides = array<i32>} : memref<32x64xf32, #tpu.memory_space<vmem>>, vector<1x16xf32>,
          %mul3A_596 = arith.constant 4 : i32
          %mul3A_597 = arith.muli %add3A_154, %mul3A_596 : i32
          %add3A_598 = arith.addi %mul3A_597, %add3A_575 : i32
          %swap3A_599 = arith.index_cast %add3A_598 : i32 to index
          %swap3A_600 = arith.constant 16 : index
          %swap3A_601 = tpu.vector_load %arg7[%swap3A_599, %swap3A_600] {strides = array<i32>} : memref<32x64xf32, #tpu.memory_space<vmem>>, vector<1x16xf32>,
          %swap3A_602 = vector.shape_cast %swap3A_601 : vector<1x16xf32> to vector<16xf32>
          %swap3A_603 = vector.shape_cast %scan3A_587#1 : vector<16xf32> to vector<1x16xf32>
          tpu.vector_store %arg7[%swap3A_599, %swap3A_600], %swap3A_603 {strides = array<i32>} : memref<32x64xf32, #tpu.memory_space<vmem>>, vector<1x16xf32>,
          %mul3A_604 = arith.constant 4 : i32
          %mul3A_605 = arith.muli %add3A_154, %mul3A_604 : i32
          %add3A_606 = arith.addi %mul3A_605, %add3A_575 : i32
          %swap3A_607 = arith.index_cast %add3A_606 : i32 to index
          %swap3A_608 = arith.constant 32 : index
          %swap3A_609 = tpu.vector_load %arg7[%swap3A_607, %swap3A_608] {strides = array<i32>} : memref<32x64xf32, #tpu.memory_space<vmem>>, vector<1x16xf32>,
          %swap3A_610 = vector.shape_cast %swap3A_609 : vector<1x16xf32> to vector<16xf32>
          %swap3A_611 = vector.shape_cast %scan3A_587#2 : vector<16xf32> to vector<1x16xf32>
          tpu.vector_store %arg7[%swap3A_607, %swap3A_608], %swap3A_611 {strides = array<i32>} : memref<32x64xf32, #tpu.memory_space<vmem>>, vector<1x16xf32>,
          %mul3A_612 = arith.constant 4 : i32
          %mul3A_613 = arith.muli %add3A_154, %mul3A_612 : i32
          %add3A_614 = arith.addi %mul3A_613, %add3A_575 : i32
          %swap3A_615 = arith.index_cast %add3A_614 : i32 to index
          %swap3A_616 = arith.constant 48 : index
          %swap3A_617 = tpu.vector_load %arg7[%swap3A_615, %swap3A_616] {strides = array<i32>} : memref<32x64xf32, #tpu.memory_space<vmem>>, vector<1x16xf32>,
          %swap3A_618 = vector.shape_cast %swap3A_617 : vector<1x16xf32> to vector<16xf32>
          %swap3A_619 = vector.shape_cast %scan3A_587#3 : vector<16xf32> to vector<1x16xf32>
          tpu.vector_store %arg7[%swap3A_615, %swap3A_616], %swap3A_619 {strides = array<i32>} : memref<32x64xf32, #tpu.memory_space<vmem>>, vector<1x16xf32>,
        }
        %scan3A_416 = arith.constant 4 : i32
        %add3A_417 = arith.constant 2 : i32
        %add3A_418 = arith.addi %add3A_154, %add3A_417 : i32
        %lt3A_419 = arith.constant 8 : i32
        %lt3A_420 = arith.cmpi slt, %add3A_418, %lt3A_419 : i32
        %convert_element_type3A_421 = arith.extui %lt3A_420 : i1 to i32
        %cond3A_422 = arith.constant 0 : i32
        %cond3A_423 = arith.cmpi ne, %convert_element_type3A_421, %cond3A_422 : i32
        scf.if %cond3A_423 {
          %add3A_571 = arith.constant 2 : i32
          %add3A_572 = arith.addi %add3A_154, %add3A_571 : i32
          %mul3A_573 = arith.constant 4 : i32
          %mul3A_574 = arith.muli %add3A_572, %mul3A_573 : i32
          %add3A_575 = arith.constant 0 : i32
          %add3A_576 = arith.addi %mul3A_574, %add3A_575 : i32
          %dma_start3A_577 = arith.constant 0 : i32
          %dma_start3A_578 = arith.constant 0 : i32
          %dma_start3A_579 = arith.constant 0 : i32
          %dma_start3A_580 = arith.constant 0 : i32
          %dma_start3A_581 = tpu.memref_slice %arg6[%dma_start3A_578, %dma_start3A_579, %dma_start3A_580] : memref<2x800x64xf32, #tpu.memory_space<vmem>> -> memref<1x104x64xf32, #tpu.memory_space<vmem>>
          %dma_start3A_582 = tpu.memref_squeeze %dma_start3A_581 : memref<1x104x64xf32, #tpu.memory_space<vmem>> -> memref<104x64xf32, #tpu.memory_space<vmem>>
          %dma_start3A_583 = arith.constant 0 : i32
          %dma_start3A_584 = tpu.memref_slice %arg5[%dma_start3A_577, %add3A_576, %dma_start3A_583] : memref<2x32x200xi32, #tpu.memory_space<vmem>> -> memref<1x1x104xi32, #tpu.memory_space<vmem>>
          %dma_start3A_585 = tpu.memref_squeeze %dma_start3A_584 : memref<1x1x104xi32, #tpu.memory_space<vmem>> -> memref<104xi32, #tpu.memory_space<vmem>>
          %dma_start3A_586 = arith.constant 0 : i32
          %dma_start3A_587 = arith.constant 0 : i32
          %dma_start3A_588 = tpu.memref_slice %arg3[%dma_start3A_586, %dma_start3A_587] : memref<100000x64xf32, #tpu.memory_space<hbm>> -> memref<100000x64xf32, #tpu.memory_space<hbm>>
          tpu.enqueue_indirect_dma source(%dma_start3A_588 : memref<100000x64xf32, #tpu.memory_space<hbm>>) target(%dma_start3A_582 : memref<104x64xf32, #tpu.memory_space<vmem>>) offsets(%dma_start3A_585 : memref<104xi32, #tpu.memory_space<vmem>>) semaphore(%arg8 : memref<!tpu.dma_semaphore, #tpu.memory_space<semaphore_mem>>)
          %mul3A_589 = arith.constant 4 : i32
          %mul3A_590 = arith.muli %add3A_572, %mul3A_589 : i32
          %add3A_591 = arith.constant 0 : i32
          %add3A_592 = arith.addi %mul3A_590, %add3A_591 : i32
          %dma_start3A_593 = arith.constant 0 : i32
          %dma_start3A_594 = arith.constant 0 : i32
          %dma_start3A_595 = arith.constant 104 : i32
          %dma_start3A_596 = arith.constant 0 : i32
          %dma_start3A_597 = tpu.memref_slice %arg6[%dma_start3A_594, %dma_start3A_595, %dma_start3A_596] : memref<2x800x64xf32, #tpu.memory_space<vmem>> -> memref<1x96x64xf32, #tpu.memory_space<vmem>>
          %dma_start3A_598 = tpu.memref_squeeze %dma_start3A_597 : memref<1x96x64xf32, #tpu.memory_space<vmem>> -> memref<96x64xf32, #tpu.memory_space<vmem>>
          %dma_start3A_599 = arith.constant 104 : i32
          %dma_start3A_600 = tpu.memref_slice %arg5[%dma_start3A_593, %add3A_592, %dma_start3A_599] : memref<2x32x200xi32, #tpu.memory_space<vmem>> -> memref<1x1x96xi32, #tpu.memory_space<vmem>>
          %dma_start3A_601 = tpu.memref_squeeze %dma_start3A_600 : memref<1x1x96xi32, #tpu.memory_space<vmem>> -> memref<96xi32, #tpu.memory_space<vmem>>
          %dma_start3A_602 = arith.constant 0 : i32
          %dma_start3A_603 = arith.constant 0 : i32
          %dma_start3A_604 = tpu.memref_slice %arg3[%dma_start3A_602, %dma_start3A_603] : memref<100000x64xf32, #tpu.memory_space<hbm>> -> memref<100000x64xf32, #tpu.memory_space<hbm>>
          tpu.enqueue_indirect_dma source(%dma_start3A_604 : memref<100000x64xf32, #tpu.memory_space<hbm>>) target(%dma_start3A_598 : memref<96x64xf32, #tpu.memory_space<vmem>>) offsets(%dma_start3A_601 : memref<96xi32, #tpu.memory_space<vmem>>) semaphore(%arg8 : memref<!tpu.dma_semaphore, #tpu.memory_space<semaphore_mem>>)
          %mul3A_605 = arith.constant 4 : i32
          %mul3A_606 = arith.muli %add3A_572, %mul3A_605 : i32
          %add3A_607 = arith.constant 1 : i32
          %add3A_608 = arith.addi %mul3A_606, %add3A_607 : i32
          %dma_start3A_609 = arith.constant 0 : i32
          %dma_start3A_610 = arith.constant 0 : i32
          %dma_start3A_611 = arith.constant 200 : i32
          %dma_start3A_612 = arith.constant 0 : i32
          %dma_start3A_613 = tpu.memref_slice %arg6[%dma_start3A_610, %dma_start3A_611, %dma_start3A_612] : memref<2x800x64xf32, #tpu.memory_space<vmem>> -> memref<1x104x64xf32, #tpu.memory_space<vmem>>
          %dma_start3A_614 = tpu.memref_squeeze %dma_start3A_613 : memref<1x104x64xf32, #tpu.memory_space<vmem>> -> memref<104x64xf32, #tpu.memory_space<vmem>>
          %dma_start3A_615 = arith.constant 0 : i32
          %dma_start3A_616 = tpu.memref_slice %arg5[%dma_start3A_609, %add3A_608, %dma_start3A_615] : memref<2x32x200xi32, #tpu.memory_space<vmem>> -> memref<1x1x104xi32, #tpu.memory_space<vmem>>
          %dma_start3A_617 = tpu.memref_squeeze %dma_start3A_616 : memref<1x1x104xi32, #tpu.memory_space<vmem>> -> memref<104xi32, #tpu.memory_space<vmem>>
          %dma_start3A_618 = arith.constant 0 : i32
          %dma_start3A_619 = arith.constant 0 : i32
          %dma_start3A_620 = tpu.memref_slice %arg3[%dma_start3A_618, %dma_start3A_619] : memref<100000x64xf32, #tpu.memory_space<hbm>> -> memref<100000x64xf32, #tpu.memory_space<hbm>>
          tpu.enqueue_indirect_dma source(%dma_start3A_620 : memref<100000x64xf32, #tpu.memory_space<hbm>>) target(%dma_start3A_614 : memref<104x64xf32, #tpu.memory_space<vmem>>) offsets(%dma_start3A_617 : memref<104xi32, #tpu.memory_space<vmem>>) semaphore(%arg8 : memref<!tpu.dma_semaphore, #tpu.memory_space<semaphore_mem>>)
          %mul3A_621 = arith.constant 4 : i32
          %mul3A_622 = arith.muli %add3A_572, %mul3A_621 : i32
          %add3A_623 = arith.constant 1 : i32
          %add3A_624 = arith.addi %mul3A_622, %add3A_623 : i32
          %dma_start3A_625 = arith.constant 0 : i32
          %dma_start3A_626 = arith.constant 0 : i32
          %dma_start3A_627 = arith.constant 304 : i32
          %dma_start3A_628 = arith.constant 0 : i32
          %dma_start3A_629 = tpu.memref_slice %arg6[%dma_start3A_626, %dma_start3A_627, %dma_start3A_628] : memref<2x800x64xf32, #tpu.memory_space<vmem>> -> memref<1x96x64xf32, #tpu.memory_space<vmem>>
          %dma_start3A_630 = tpu.memref_squeeze %dma_start3A_629 : memref<1x96x64xf32, #tpu.memory_space<vmem>> -> memref<96x64xf32, #tpu.memory_space<vmem>>
          %dma_start3A_631 = arith.constant 104 : i32
          %dma_start3A_632 = tpu.memref_slice %arg5[%dma_start3A_625, %add3A_624, %dma_start3A_631] : memref<2x32x200xi32, #tpu.memory_space<vmem>> -> memref<1x1x96xi32, #tpu.memory_space<vmem>>
          %dma_start3A_633 = tpu.memref_squeeze %dma_start3A_632 : memref<1x1x96xi32, #tpu.memory_space<vmem>> -> memref<96xi32, #tpu.memory_space<vmem>>
          %dma_start3A_634 = arith.constant 0 : i32
          %dma_start3A_635 = arith.constant 0 : i32
          %dma_start3A_636 = tpu.memref_slice %arg3[%dma_start3A_634, %dma_start3A_635] : memref<100000x64xf32, #tpu.memory_space<hbm>> -> memref<100000x64xf32, #tpu.memory_space<hbm>>
          tpu.enqueue_indirect_dma source(%dma_start3A_636 : memref<100000x64xf32, #tpu.memory_space<hbm>>) target(%dma_start3A_630 : memref<96x64xf32, #tpu.memory_space<vmem>>) offsets(%dma_start3A_633 : memref<96xi32, #tpu.memory_space<vmem>>) semaphore(%arg8 : memref<!tpu.dma_semaphore, #tpu.memory_space<semaphore_mem>>)
          %mul3A_637 = arith.constant 4 : i32
          %mul3A_638 = arith.muli %add3A_572, %mul3A_637 : i32
          %add3A_639 = arith.constant 2 : i32
          %add3A_640 = arith.addi %mul3A_638, %add3A_639 : i32
          %dma_start3A_641 = arith.constant 0 : i32
          %dma_start3A_642 = arith.constant 0 : i32
          %dma_start3A_643 = arith.constant 400 : i32
          %dma_start3A_644 = arith.constant 0 : i32
          %dma_start3A_645 = tpu.memref_slice %arg6[%dma_start3A_642, %dma_start3A_643, %dma_start3A_644] : memref<2x800x64xf32, #tpu.memory_space<vmem>> -> memref<1x104x64xf32, #tpu.memory_space<vmem>>
          %dma_start3A_646 = tpu.memref_squeeze %dma_start3A_645 : memref<1x104x64xf32, #tpu.memory_space<vmem>> -> memref<104x64xf32, #tpu.memory_space<vmem>>
          %dma_start3A_647 = arith.constant 0 : i32
          %dma_start3A_648 = tpu.memref_slice %arg5[%dma_start3A_641, %add3A_640, %dma_start3A_647] : memref<2x32x200xi32, #tpu.memory_space<vmem>> -> memref<1x1x104xi32, #tpu.memory_space<vmem>>
          %dma_start3A_649 = tpu.memref_squeeze %dma_start3A_648 : memref<1x1x104xi32, #tpu.memory_space<vmem>> -> memref<104xi32, #tpu.memory_space<vmem>>
          %dma_start3A_650 = arith.constant 0 : i32
          %dma_start3A_651 = arith.constant 0 : i32
          %dma_start3A_652 = tpu.memref_slice %arg3[%dma_start3A_650, %dma_start3A_651] : memref<100000x64xf32, #tpu.memory_space<hbm>> -> memref<100000x64xf32, #tpu.memory_space<hbm>>
          tpu.enqueue_indirect_dma source(%dma_start3A_652 : memref<100000x64xf32, #tpu.memory_space<hbm>>) target(%dma_start3A_646 : memref<104x64xf32, #tpu.memory_space<vmem>>) offsets(%dma_start3A_649 : memref<104xi32, #tpu.memory_space<vmem>>) semaphore(%arg8 : memref<!tpu.dma_semaphore, #tpu.memory_space<semaphore_mem>>)
          %mul3A_653 = arith.constant 4 : i32
          %mul3A_654 = arith.muli %add3A_572, %mul3A_653 : i32
          %add3A_655 = arith.constant 2 : i32
          %add3A_656 = arith.addi %mul3A_654, %add3A_655 : i32
          %dma_start3A_657 = arith.constant 0 : i32
          %dma_start3A_658 = arith.constant 0 : i32
          %dma_start3A_659 = arith.constant 504 : i32
          %dma_start3A_660 = arith.constant 0 : i32
          %dma_start3A_661 = tpu.memref_slice %arg6[%dma_start3A_658, %dma_start3A_659, %dma_start3A_660] : memref<2x800x64xf32, #tpu.memory_space<vmem>> -> memref<1x96x64xf32, #tpu.memory_space<vmem>>
          %dma_start3A_662 = tpu.memref_squeeze %dma_start3A_661 : memref<1x96x64xf32, #tpu.memory_space<vmem>> -> memref<96x64xf32, #tpu.memory_space<vmem>>
          %dma_start3A_663 = arith.constant 104 : i32
          %dma_start3A_664 = tpu.memref_slice %arg5[%dma_start3A_657, %add3A_656, %dma_start3A_663] : memref<2x32x200xi32, #tpu.memory_space<vmem>> -> memref<1x1x96xi32, #tpu.memory_space<vmem>>
          %dma_start3A_665 = tpu.memref_squeeze %dma_start3A_664 : memref<1x1x96xi32, #tpu.memory_space<vmem>> -> memref<96xi32, #tpu.memory_space<vmem>>
          %dma_start3A_666 = arith.constant 0 : i32
          %dma_start3A_667 = arith.constant 0 : i32
          %dma_start3A_668 = tpu.memref_slice %arg3[%dma_start3A_666, %dma_start3A_667] : memref<100000x64xf32, #tpu.memory_space<hbm>> -> memref<100000x64xf32, #tpu.memory_space<hbm>>
          tpu.enqueue_indirect_dma source(%dma_start3A_668 : memref<100000x64xf32, #tpu.memory_space<hbm>>) target(%dma_start3A_662 : memref<96x64xf32, #tpu.memory_space<vmem>>) offsets(%dma_start3A_665 : memref<96xi32, #tpu.memory_space<vmem>>) semaphore(%arg8 : memref<!tpu.dma_semaphore, #tpu.memory_space<semaphore_mem>>)
          %mul3A_669 = arith.constant 4 : i32
          %mul3A_670 = arith.muli %add3A_572, %mul3A_669 : i32
          %add3A_671 = arith.constant 3 : i32
          %add3A_672 = arith.addi %mul3A_670, %add3A_671 : i32
          %dma_start3A_673 = arith.constant 0 : i32
          %dma_start3A_674 = arith.constant 0 : i32
          %dma_start3A_675 = arith.constant 600 : i32
          %dma_start3A_676 = arith.constant 0 : i32
          %dma_start3A_677 = tpu.memref_slice %arg6[%dma_start3A_674, %dma_start3A_675, %dma_start3A_676] : memref<2x800x64xf32, #tpu.memory_space<vmem>> -> memref<1x104x64xf32, #tpu.memory_space<vmem>>
          %dma_start3A_678 = tpu.memref_squeeze %dma_start3A_677 : memref<1x104x64xf32, #tpu.memory_space<vmem>> -> memref<104x64xf32, #tpu.memory_space<vmem>>
          %dma_start3A_679 = arith.constant 0 : i32
          %dma_start3A_680 = tpu.memref_slice %arg5[%dma_start3A_673, %add3A_672, %dma_start3A_679] : memref<2x32x200xi32, #tpu.memory_space<vmem>> -> memref<1x1x104xi32, #tpu.memory_space<vmem>>
          %dma_start3A_681 = tpu.memref_squeeze %dma_start3A_680 : memref<1x1x104xi32, #tpu.memory_space<vmem>> -> memref<104xi32, #tpu.memory_space<vmem>>
          %dma_start3A_682 = arith.constant 0 : i32
          %dma_start3A_683 = arith.constant 0 : i32
          %dma_start3A_684 = tpu.memref_slice %arg3[%dma_start3A_682, %dma_start3A_683] : memref<100000x64xf32, #tpu.memory_space<hbm>> -> memref<100000x64xf32, #tpu.memory_space<hbm>>
          tpu.enqueue_indirect_dma source(%dma_start3A_684 : memref<100000x64xf32, #tpu.memory_space<hbm>>) target(%dma_start3A_678 : memref<104x64xf32, #tpu.memory_space<vmem>>) offsets(%dma_start3A_681 : memref<104xi32, #tpu.memory_space<vmem>>) semaphore(%arg8 : memref<!tpu.dma_semaphore, #tpu.memory_space<semaphore_mem>>)
          %mul3A_685 = arith.constant 4 : i32
          %mul3A_686 = arith.muli %add3A_572, %mul3A_685 : i32
          %add3A_687 = arith.constant 3 : i32
          %add3A_688 = arith.addi %mul3A_686, %add3A_687 : i32
          %dma_start3A_689 = arith.constant 0 : i32
          %dma_start3A_690 = arith.constant 0 : i32
          %dma_start3A_691 = arith.constant 704 : i32
          %dma_start3A_692 = arith.constant 0 : i32
          %dma_start3A_693 = tpu.memref_slice %arg6[%dma_start3A_690, %dma_start3A_691, %dma_start3A_692] : memref<2x800x64xf32, #tpu.memory_space<vmem>> -> memref<1x96x64xf32, #tpu.memory_space<vmem>>
          %dma_start3A_694 = tpu.memref_squeeze %dma_start3A_693 : memref<1x96x64xf32, #tpu.memory_space<vmem>> -> memref<96x64xf32, #tpu.memory_space<vmem>>
          %dma_start3A_695 = arith.constant 104 : i32
          %dma_start3A_696 = tpu.memref_slice %arg5[%dma_start3A_689, %add3A_688, %dma_start3A_695] : memref<2x32x200xi32, #tpu.memory_space<vmem>> -> memref<1x1x96xi32, #tpu.memory_space<vmem>>
          %dma_start3A_697 = tpu.memref_squeeze %dma_start3A_696 : memref<1x1x96xi32, #tpu.memory_space<vmem>> -> memref<96xi32, #tpu.memory_space<vmem>>
          %dma_start3A_698 = arith.constant 0 : i32
          %dma_start3A_699 = arith.constant 0 : i32
          %dma_start3A_700 = tpu.memref_slice %arg3[%dma_start3A_698, %dma_start3A_699] : memref<100000x64xf32, #tpu.memory_space<hbm>> -> memref<100000x64xf32, #tpu.memory_space<hbm>>
          tpu.enqueue_indirect_dma source(%dma_start3A_700 : memref<100000x64xf32, #tpu.memory_space<hbm>>) target(%dma_start3A_694 : memref<96x64xf32, #tpu.memory_space<vmem>>) offsets(%dma_start3A_697 : memref<96xi32, #tpu.memory_space<vmem>>) semaphore(%arg8 : memref<!tpu.dma_semaphore, #tpu.memory_space<semaphore_mem>>)
        } else {
        }
        %add3A_424 = arith.constant 2 : i32
        %add3A_425 = arith.addi %add3A_154, %add3A_424 : i32
        %eq3A = arith.constant 8 : i32
        %eq3A_426 = arith.cmpi eq, %add3A_425, %eq3A : i32
        %add3A_427 = arith.constant 1 : i32
        %add3A_428 = arith.addi %add3A_116, %add3A_427 : i32
        %lt3A_429 = arith.constant 16 : i32
        %lt3A_430 = arith.cmpi slt, %add3A_428, %lt3A_429 : i32
        %and3A = arith.andi %eq3A_426, %lt3A_430 : i1
        %convert_element_type3A_431 = arith.extui %and3A : i1 to i32
        %cond3A_432 = arith.constant 0 : i32
        %cond3A_433 = arith.cmpi ne, %convert_element_type3A_431, %cond3A_432 : i32
        scf.if %cond3A_433 {
          %add3A_571 = arith.constant 1 : i32
          %add3A_572 = arith.addi %add3A_116, %add3A_571 : i32
          %mul3A_573 = arith.constant 512 : i32
          %mul3A_574 = arith.muli %add3A, %mul3A_573 : i32
          %mul3A_575 = arith.constant 32 : i32
          %mul3A_576 = arith.muli %add3A_572, %mul3A_575 : i32
          %add3A_577 = arith.addi %mul3A_574, %mul3A_576 : i32
          %dma_wait3A_578 = arith.constant 1 : i32
          %dma_wait3A_579 = arith.constant 0 : i32
          %dma_wait3A_580 = arith.constant 0 : i32
          %dma_wait3A_581 = tpu.memref_slice %arg5[%dma_wait3A_578, %dma_wait3A_579, %dma_wait3A_580] : memref<2x32x200xi32, #tpu.memory_space<vmem>> -> memref<1x32x200xi32, #tpu.memory_space<vmem>>
          %dma_wait3A_582 = tpu.memref_squeeze %dma_wait3A_581 : memref<1x32x200xi32, #tpu.memory_space<vmem>> -> memref<32x200xi32, #tpu.memory_space<vmem>>
          %dma_wait3A_583 = arith.constant 0 : i32
          %dma_wait3A_584 = tpu.memref_slice %arg2[%add3A_577, %dma_wait3A_583] : memref<16384x200xi32, #tpu.memory_space<hbm>> -> memref<32x200xi32, #tpu.memory_space<hbm>>
          %dma_wait3A_585 = arith.constant 0 : i32
          %dma_wait3A_586 = arith.constant 0 : i32
          %dma_wait3A_587 = tpu.memref_slice %arg5[%dma_wait3A_578, %dma_wait3A_585, %dma_wait3A_586] : memref<2x32x200xi32, #tpu.memory_space<vmem>> -> memref<1x32x200xi32, #tpu.memory_space<vmem>>
          %dma_wait3A_588 = tpu.memref_squeeze %dma_wait3A_587 : memref<1x32x200xi32, #tpu.memory_space<vmem>> -> memref<32x200xi32, #tpu.memory_space<vmem>>
          %dma_wait3A_589 = arith.constant 0 : i32
          %dma_wait3A_590 = tpu.memref_slice %arg2[%add3A_577, %dma_wait3A_589] : memref<16384x200xi32, #tpu.memory_space<hbm>> -> memref<32x200xi32, #tpu.memory_space<hbm>>
          tpu.wait_dma2 semaphore(%arg11 : memref<!tpu.dma_semaphore, #tpu.memory_space<semaphore_mem>>) src(%dma_wait3A_590 : memref<32x200xi32, #tpu.memory_space<hbm>>) dst(%dma_wait3A_588 : memref<32x200xi32, #tpu.memory_space<vmem>>)
          %dma_start3A_591 = arith.constant 1 : i32
          %dma_start3A_592 = arith.constant 0 : i32
          %dma_start3A_593 = arith.constant 0 : i32
          %dma_start3A_594 = arith.constant 0 : i32
          %dma_start3A_595 = arith.constant 0 : i32
          %dma_start3A_596 = tpu.memref_slice %arg6[%dma_start3A_593, %dma_start3A_594, %dma_start3A_595] : memref<2x800x64xf32, #tpu.memory_space<vmem>> -> memref<1x104x64xf32, #tpu.memory_space<vmem>>
          %dma_start3A_597 = tpu.memref_squeeze %dma_start3A_596 : memref<1x104x64xf32, #tpu.memory_space<vmem>> -> memref<104x64xf32, #tpu.memory_space<vmem>>
          %dma_start3A_598 = arith.constant 0 : i32
          %dma_start3A_599 = tpu.memref_slice %arg5[%dma_start3A_591, %dma_start3A_592, %dma_start3A_598] : memref<2x32x200xi32, #tpu.memory_space<vmem>> -> memref<1x1x104xi32, #tpu.memory_space<vmem>>
          %dma_start3A_600 = tpu.memref_squeeze %dma_start3A_599 : memref<1x1x104xi32, #tpu.memory_space<vmem>> -> memref<104xi32, #tpu.memory_space<vmem>>
          %dma_start3A_601 = arith.constant 0 : i32
          %dma_start3A_602 = arith.constant 0 : i32
          %dma_start3A_603 = tpu.memref_slice %arg3[%dma_start3A_601, %dma_start3A_602] : memref<100000x64xf32, #tpu.memory_space<hbm>> -> memref<100000x64xf32, #tpu.memory_space<hbm>>
          tpu.enqueue_indirect_dma source(%dma_start3A_603 : memref<100000x64xf32, #tpu.memory_space<hbm>>) target(%dma_start3A_597 : memref<104x64xf32, #tpu.memory_space<vmem>>) offsets(%dma_start3A_600 : memref<104xi32, #tpu.memory_space<vmem>>) semaphore(%arg8 : memref<!tpu.dma_semaphore, #tpu.memory_space<semaphore_mem>>)
          %dma_start3A_604 = arith.constant 1 : i32
          %dma_start3A_605 = arith.constant 0 : i32
          %dma_start3A_606 = arith.constant 0 : i32
          %dma_start3A_607 = arith.constant 104 : i32
          %dma_start3A_608 = arith.constant 0 : i32
          %dma_start3A_609 = tpu.memref_slice %arg6[%dma_start3A_606, %dma_start3A_607, %dma_start3A_608] : memref<2x800x64xf32, #tpu.memory_space<vmem>> -> memref<1x96x64xf32, #tpu.memory_space<vmem>>
          %dma_start3A_610 = tpu.memref_squeeze %dma_start3A_609 : memref<1x96x64xf32, #tpu.memory_space<vmem>> -> memref<96x64xf32, #tpu.memory_space<vmem>>
          %dma_start3A_611 = arith.constant 104 : i32
          %dma_start3A_612 = tpu.memref_slice %arg5[%dma_start3A_604, %dma_start3A_605, %dma_start3A_611] : memref<2x32x200xi32, #tpu.memory_space<vmem>> -> memref<1x1x96xi32, #tpu.memory_space<vmem>>
          %dma_start3A_613 = tpu.memref_squeeze %dma_start3A_612 : memref<1x1x96xi32, #tpu.memory_space<vmem>> -> memref<96xi32, #tpu.memory_space<vmem>>
          %dma_start3A_614 = arith.constant 0 : i32
          %dma_start3A_615 = arith.constant 0 : i32
          %dma_start3A_616 = tpu.memref_slice %arg3[%dma_start3A_614, %dma_start3A_615] : memref<100000x64xf32, #tpu.memory_space<hbm>> -> memref<100000x64xf32, #tpu.memory_space<hbm>>
          tpu.enqueue_indirect_dma source(%dma_start3A_616 : memref<100000x64xf32, #tpu.memory_space<hbm>>) target(%dma_start3A_610 : memref<96x64xf32, #tpu.memory_space<vmem>>) offsets(%dma_start3A_613 : memref<96xi32, #tpu.memory_space<vmem>>) semaphore(%arg8 : memref<!tpu.dma_semaphore, #tpu.memory_space<semaphore_mem>>)
          %dma_start3A_617 = arith.constant 1 : i32
          %dma_start3A_618 = arith.constant 1 : i32
          %dma_start3A_619 = arith.constant 0 : i32
          %dma_start3A_620 = arith.constant 200 : i32
          %dma_start3A_621 = arith.constant 0 : i32
          %dma_start3A_622 = tpu.memref_slice %arg6[%dma_start3A_619, %dma_start3A_620, %dma_start3A_621] : memref<2x800x64xf32, #tpu.memory_space<vmem>> -> memref<1x104x64xf32, #tpu.memory_space<vmem>>
          %dma_start3A_623 = tpu.memref_squeeze %dma_start3A_622 : memref<1x104x64xf32, #tpu.memory_space<vmem>> -> memref<104x64xf32, #tpu.memory_space<vmem>>
          %dma_start3A_624 = arith.constant 0 : i32
          %dma_start3A_625 = tpu.memref_slice %arg5[%dma_start3A_617, %dma_start3A_618, %dma_start3A_624] : memref<2x32x200xi32, #tpu.memory_space<vmem>> -> memref<1x1x104xi32, #tpu.memory_space<vmem>>
          %dma_start3A_626 = tpu.memref_squeeze %dma_start3A_625 : memref<1x1x104xi32, #tpu.memory_space<vmem>> -> memref<104xi32, #tpu.memory_space<vmem>>
          %dma_start3A_627 = arith.constant 0 : i32
          %dma_start3A_628 = arith.constant 0 : i32
          %dma_start3A_629 = tpu.memref_slice %arg3[%dma_start3A_627, %dma_start3A_628] : memref<100000x64xf32, #tpu.memory_space<hbm>> -> memref<100000x64xf32, #tpu.memory_space<hbm>>
          tpu.enqueue_indirect_dma source(%dma_start3A_629 : memref<100000x64xf32, #tpu.memory_space<hbm>>) target(%dma_start3A_623 : memref<104x64xf32, #tpu.memory_space<vmem>>) offsets(%dma_start3A_626 : memref<104xi32, #tpu.memory_space<vmem>>) semaphore(%arg8 : memref<!tpu.dma_semaphore, #tpu.memory_space<semaphore_mem>>)
          %dma_start3A_630 = arith.constant 1 : i32
          %dma_start3A_631 = arith.constant 1 : i32
          %dma_start3A_632 = arith.constant 0 : i32
          %dma_start3A_633 = arith.constant 304 : i32
          %dma_start3A_634 = arith.constant 0 : i32
          %dma_start3A_635 = tpu.memref_slice %arg6[%dma_start3A_632, %dma_start3A_633, %dma_start3A_634] : memref<2x800x64xf32, #tpu.memory_space<vmem>> -> memref<1x96x64xf32, #tpu.memory_space<vmem>>
          %dma_start3A_636 = tpu.memref_squeeze %dma_start3A_635 : memref<1x96x64xf32, #tpu.memory_space<vmem>> -> memref<96x64xf32, #tpu.memory_space<vmem>>
          %dma_start3A_637 = arith.constant 104 : i32
          %dma_start3A_638 = tpu.memref_slice %arg5[%dma_start3A_630, %dma_start3A_631, %dma_start3A_637] : memref<2x32x200xi32, #tpu.memory_space<vmem>> -> memref<1x1x96xi32, #tpu.memory_space<vmem>>
          %dma_start3A_639 = tpu.memref_squeeze %dma_start3A_638 : memref<1x1x96xi32, #tpu.memory_space<vmem>> -> memref<96xi32, #tpu.memory_space<vmem>>
          %dma_start3A_640 = arith.constant 0 : i32
          %dma_start3A_641 = arith.constant 0 : i32
          %dma_start3A_642 = tpu.memref_slice %arg3[%dma_start3A_640, %dma_start3A_641] : memref<100000x64xf32, #tpu.memory_space<hbm>> -> memref<100000x64xf32, #tpu.memory_space<hbm>>
          tpu.enqueue_indirect_dma source(%dma_start3A_642 : memref<100000x64xf32, #tpu.memory_space<hbm>>) target(%dma_start3A_636 : memref<96x64xf32, #tpu.memory_space<vmem>>) offsets(%dma_start3A_639 : memref<96xi32, #tpu.memory_space<vmem>>) semaphore(%arg8 : memref<!tpu.dma_semaphore, #tpu.memory_space<semaphore_mem>>)
          %dma_start3A_643 = arith.constant 1 : i32
          %dma_start3A_644 = arith.constant 2 : i32
          %dma_start3A_645 = arith.constant 0 : i32
          %dma_start3A_646 = arith.constant 400 : i32
          %dma_start3A_647 = arith.constant 0 : i32
          %dma_start3A_648 = tpu.memref_slice %arg6[%dma_start3A_645, %dma_start3A_646, %dma_start3A_647] : memref<2x800x64xf32, #tpu.memory_space<vmem>> -> memref<1x104x64xf32, #tpu.memory_space<vmem>>
          %dma_start3A_649 = tpu.memref_squeeze %dma_start3A_648 : memref<1x104x64xf32, #tpu.memory_space<vmem>> -> memref<104x64xf32, #tpu.memory_space<vmem>>
          %dma_start3A_650 = arith.constant 0 : i32
          %dma_start3A_651 = tpu.memref_slice %arg5[%dma_start3A_643, %dma_start3A_644, %dma_start3A_650] : memref<2x32x200xi32, #tpu.memory_space<vmem>> -> memref<1x1x104xi32, #tpu.memory_space<vmem>>
          %dma_start3A_652 = tpu.memref_squeeze %dma_start3A_651 : memref<1x1x104xi32, #tpu.memory_space<vmem>> -> memref<104xi32, #tpu.memory_space<vmem>>
          %dma_start3A_653 = arith.constant 0 : i32
          %dma_start3A_654 = arith.constant 0 : i32
          %dma_start3A_655 = tpu.memref_slice %arg3[%dma_start3A_653, %dma_start3A_654] : memref<100000x64xf32, #tpu.memory_space<hbm>> -> memref<100000x64xf32, #tpu.memory_space<hbm>>
          tpu.enqueue_indirect_dma source(%dma_start3A_655 : memref<100000x64xf32, #tpu.memory_space<hbm>>) target(%dma_start3A_649 : memref<104x64xf32, #tpu.memory_space<vmem>>) offsets(%dma_start3A_652 : memref<104xi32, #tpu.memory_space<vmem>>) semaphore(%arg8 : memref<!tpu.dma_semaphore, #tpu.memory_space<semaphore_mem>>)
          %dma_start3A_656 = arith.constant 1 : i32
          %dma_start3A_657 = arith.constant 2 : i32
          %dma_start3A_658 = arith.constant 0 : i32
          %dma_start3A_659 = arith.constant 504 : i32
          %dma_start3A_660 = arith.constant 0 : i32
          %dma_start3A_661 = tpu.memref_slice %arg6[%dma_start3A_658, %dma_start3A_659, %dma_start3A_660] : memref<2x800x64xf32, #tpu.memory_space<vmem>> -> memref<1x96x64xf32, #tpu.memory_space<vmem>>
          %dma_start3A_662 = tpu.memref_squeeze %dma_start3A_661 : memref<1x96x64xf32, #tpu.memory_space<vmem>> -> memref<96x64xf32, #tpu.memory_space<vmem>>
          %dma_start3A_663 = arith.constant 104 : i32
          %dma_start3A_664 = tpu.memref_slice %arg5[%dma_start3A_656, %dma_start3A_657, %dma_start3A_663] : memref<2x32x200xi32, #tpu.memory_space<vmem>> -> memref<1x1x96xi32, #tpu.memory_space<vmem>>
          %dma_start3A_665 = tpu.memref_squeeze %dma_start3A_664 : memref<1x1x96xi32, #tpu.memory_space<vmem>> -> memref<96xi32, #tpu.memory_space<vmem>>
          %dma_start3A_666 = arith.constant 0 : i32
          %dma_start3A_667 = arith.constant 0 : i32
          %dma_start3A_668 = tpu.memref_slice %arg3[%dma_start3A_666, %dma_start3A_667] : memref<100000x64xf32, #tpu.memory_space<hbm>> -> memref<100000x64xf32, #tpu.memory_space<hbm>>
          tpu.enqueue_indirect_dma source(%dma_start3A_668 : memref<100000x64xf32, #tpu.memory_space<hbm>>) target(%dma_start3A_662 : memref<96x64xf32, #tpu.memory_space<vmem>>) offsets(%dma_start3A_665 : memref<96xi32, #tpu.memory_space<vmem>>) semaphore(%arg8 : memref<!tpu.dma_semaphore, #tpu.memory_space<semaphore_mem>>)
          %dma_start3A_669 = arith.constant 1 : i32
          %dma_start3A_670 = arith.constant 3 : i32
          %dma_start3A_671 = arith.constant 0 : i32
          %dma_start3A_672 = arith.constant 600 : i32
          %dma_start3A_673 = arith.constant 0 : i32
          %dma_start3A_674 = tpu.memref_slice %arg6[%dma_start3A_671, %dma_start3A_672, %dma_start3A_673] : memref<2x800x64xf32, #tpu.memory_space<vmem>> -> memref<1x104x64xf32, #tpu.memory_space<vmem>>
          %dma_start3A_675 = tpu.memref_squeeze %dma_start3A_674 : memref<1x104x64xf32, #tpu.memory_space<vmem>> -> memref<104x64xf32, #tpu.memory_space<vmem>>
          %dma_start3A_676 = arith.constant 0 : i32
          %dma_start3A_677 = tpu.memref_slice %arg5[%dma_start3A_669, %dma_start3A_670, %dma_start3A_676] : memref<2x32x200xi32, #tpu.memory_space<vmem>> -> memref<1x1x104xi32, #tpu.memory_space<vmem>>
          %dma_start3A_678 = tpu.memref_squeeze %dma_start3A_677 : memref<1x1x104xi32, #tpu.memory_space<vmem>> -> memref<104xi32, #tpu.memory_space<vmem>>
          %dma_start3A_679 = arith.constant 0 : i32
          %dma_start3A_680 = arith.constant 0 : i32
          %dma_start3A_681 = tpu.memref_slice %arg3[%dma_start3A_679, %dma_start3A_680] : memref<100000x64xf32, #tpu.memory_space<hbm>> -> memref<100000x64xf32, #tpu.memory_space<hbm>>
          tpu.enqueue_indirect_dma source(%dma_start3A_681 : memref<100000x64xf32, #tpu.memory_space<hbm>>) target(%dma_start3A_675 : memref<104x64xf32, #tpu.memory_space<vmem>>) offsets(%dma_start3A_678 : memref<104xi32, #tpu.memory_space<vmem>>) semaphore(%arg8 : memref<!tpu.dma_semaphore, #tpu.memory_space<semaphore_mem>>)
          %dma_start3A_682 = arith.constant 1 : i32
          %dma_start3A_683 = arith.constant 3 : i32
          %dma_start3A_684 = arith.constant 0 : i32
          %dma_start3A_685 = arith.constant 704 : i32
          %dma_start3A_686 = arith.constant 0 : i32
          %dma_start3A_687 = tpu.memref_slice %arg6[%dma_start3A_684, %dma_start3A_685, %dma_start3A_686] : memref<2x800x64xf32, #tpu.memory_space<vmem>> -> memref<1x96x64xf32, #tpu.memory_space<vmem>>
          %dma_start3A_688 = tpu.memref_squeeze %dma_start3A_687 : memref<1x96x64xf32, #tpu.memory_space<vmem>> -> memref<96x64xf32, #tpu.memory_space<vmem>>
          %dma_start3A_689 = arith.constant 104 : i32
          %dma_start3A_690 = tpu.memref_slice %arg5[%dma_start3A_682, %dma_start3A_683, %dma_start3A_689] : memref<2x32x200xi32, #tpu.memory_space<vmem>> -> memref<1x1x96xi32, #tpu.memory_space<vmem>>
          %dma_start3A_691 = tpu.memref_squeeze %dma_start3A_690 : memref<1x1x96xi32, #tpu.memory_space<vmem>> -> memref<96xi32, #tpu.memory_space<vmem>>
          %dma_start3A_692 = arith.constant 0 : i32
          %dma_start3A_693 = arith.constant 0 : i32
          %dma_start3A_694 = tpu.memref_slice %arg3[%dma_start3A_692, %dma_start3A_693] : memref<100000x64xf32, #tpu.memory_space<hbm>> -> memref<100000x64xf32, #tpu.memory_space<hbm>>
          tpu.enqueue_indirect_dma source(%dma_start3A_694 : memref<100000x64xf32, #tpu.memory_space<hbm>>) target(%dma_start3A_688 : memref<96x64xf32, #tpu.memory_space<vmem>>) offsets(%dma_start3A_691 : memref<96xi32, #tpu.memory_space<vmem>>) semaphore(%arg8 : memref<!tpu.dma_semaphore, #tpu.memory_space<semaphore_mem>>)
        } else {
        }
        %add3A_434 = arith.constant 1 : i32
        %add3A_435 = arith.addi %add3A_154, %add3A_434 : i32
        %mul3A_436 = arith.constant 4 : i32
        %mul3A_437 = arith.muli %add3A_435, %mul3A_436 : i32
        %add3A_438 = arith.constant 0 : i32
        %add3A_439 = arith.addi %mul3A_437, %add3A_438 : i32
        %dma_wait3A_440 = arith.constant 0 : i32
        %dma_wait3A_441 = arith.constant 1 : i32
        %dma_wait3A_442 = arith.constant 0 : i32
        %dma_wait3A_443 = arith.constant 0 : i32
        %dma_wait3A_444 = tpu.memref_slice %arg6[%dma_wait3A_441, %dma_wait3A_442, %dma_wait3A_443] : memref<2x800x64xf32, #tpu.memory_space<vmem>> -> memref<1x104x64xf32, #tpu.memory_space<vmem>>
        %dma_wait3A_445 = tpu.memref_squeeze %dma_wait3A_444 : memref<1x104x64xf32, #tpu.memory_space<vmem>> -> memref<104x64xf32, #tpu.memory_space<vmem>>
        %dma_wait3A_446 = arith.constant 0 : i32
        %dma_wait3A_447 = tpu.memref_slice %arg5[%dma_wait3A_440, %add3A_439, %dma_wait3A_446] : memref<2x32x200xi32, #tpu.memory_space<vmem>> -> memref<1x1x104xi32, #tpu.memory_space<vmem>>
        %dma_wait3A_448 = tpu.memref_squeeze %dma_wait3A_447 : memref<1x1x104xi32, #tpu.memory_space<vmem>> -> memref<104xi32, #tpu.memory_space<vmem>>
        %dma_wait3A_449 = arith.constant 0 : i32
        %dma_wait3A_450 = arith.constant 0 : i32
        %dma_wait3A_451 = tpu.memref_slice %arg3[%dma_wait3A_449, %dma_wait3A_450] : memref<100000x64xf32, #tpu.memory_space<hbm>> -> memref<100000x64xf32, #tpu.memory_space<hbm>>
        tpu.wait_indirect_dma semaphore(%arg9 : memref<!tpu.dma_semaphore, #tpu.memory_space<semaphore_mem>>) src(%dma_wait3A_451 : memref<100000x64xf32, #tpu.memory_space<hbm>>) dst(%dma_wait3A_445 : memref<104x64xf32, #tpu.memory_space<vmem>>)
        %mul3A_452 = arith.constant 4 : i32
        %mul3A_453 = arith.muli %add3A_435, %mul3A_452 : i32
        %add3A_454 = arith.constant 0 : i32
        %add3A_455 = arith.addi %mul3A_453, %add3A_454 : i32
        %dma_wait3A_456 = arith.constant 0 : i32
        %dma_wait3A_457 = arith.constant 1 : i32
        %dma_wait3A_458 = arith.constant 104 : i32
        %dma_wait3A_459 = arith.constant 0 : i32
        %dma_wait3A_460 = tpu.memref_slice %arg6[%dma_wait3A_457, %dma_wait3A_458, %dma_wait3A_459] : memref<2x800x64xf32, #tpu.memory_space<vmem>> -> memref<1x96x64xf32, #tpu.memory_space<vmem>>
        %dma_wait3A_461 = tpu.memref_squeeze %dma_wait3A_460 : memref<1x96x64xf32, #tpu.memory_space<vmem>> -> memref<96x64xf32, #tpu.memory_space<vmem>>
        %dma_wait3A_462 = arith.constant 104 : i32
        %dma_wait3A_463 = tpu.memref_slice %arg5[%dma_wait3A_456, %add3A_455, %dma_wait3A_462] : memref<2x32x200xi32, #tpu.memory_space<vmem>> -> memref<1x1x96xi32, #tpu.memory_space<vmem>>
        %dma_wait3A_464 = tpu.memref_squeeze %dma_wait3A_463 : memref<1x1x96xi32, #tpu.memory_space<vmem>> -> memref<96xi32, #tpu.memory_space<vmem>>
        %dma_wait3A_465 = arith.constant 0 : i32
        %dma_wait3A_466 = arith.constant 0 : i32
        %dma_wait3A_467 = tpu.memref_slice %arg3[%dma_wait3A_465, %dma_wait3A_466] : memref<100000x64xf32, #tpu.memory_space<hbm>> -> memref<100000x64xf32, #tpu.memory_space<hbm>>
        tpu.wait_indirect_dma semaphore(%arg9 : memref<!tpu.dma_semaphore, #tpu.memory_space<semaphore_mem>>) src(%dma_wait3A_467 : memref<100000x64xf32, #tpu.memory_space<hbm>>) dst(%dma_wait3A_461 : memref<96x64xf32, #tpu.memory_space<vmem>>)
        %mul3A_468 = arith.constant 4 : i32
        %mul3A_469 = arith.muli %add3A_435, %mul3A_468 : i32
        %add3A_470 = arith.constant 1 : i32
        %add3A_471 = arith.addi %mul3A_469, %add3A_470 : i32
        %dma_wait3A_472 = arith.constant 0 : i32
        %dma_wait3A_473 = arith.constant 1 : i32
        %dma_wait3A_474 = arith.constant 200 : i32
        %dma_wait3A_475 = arith.constant 0 : i32
        %dma_wait3A_476 = tpu.memref_slice %arg6[%dma_wait3A_473, %dma_wait3A_474, %dma_wait3A_475] : memref<2x800x64xf32, #tpu.memory_space<vmem>> -> memref<1x104x64xf32, #tpu.memory_space<vmem>>
        %dma_wait3A_477 = tpu.memref_squeeze %dma_wait3A_476 : memref<1x104x64xf32, #tpu.memory_space<vmem>> -> memref<104x64xf32, #tpu.memory_space<vmem>>
        %dma_wait3A_478 = arith.constant 0 : i32
        %dma_wait3A_479 = tpu.memref_slice %arg5[%dma_wait3A_472, %add3A_471, %dma_wait3A_478] : memref<2x32x200xi32, #tpu.memory_space<vmem>> -> memref<1x1x104xi32, #tpu.memory_space<vmem>>
        %dma_wait3A_480 = tpu.memref_squeeze %dma_wait3A_479 : memref<1x1x104xi32, #tpu.memory_space<vmem>> -> memref<104xi32, #tpu.memory_space<vmem>>
        %dma_wait3A_481 = arith.constant 0 : i32
        %dma_wait3A_482 = arith.constant 0 : i32
        %dma_wait3A_483 = tpu.memref_slice %arg3[%dma_wait3A_481, %dma_wait3A_482] : memref<100000x64xf32, #tpu.memory_space<hbm>> -> memref<100000x64xf32, #tpu.memory_space<hbm>>
        tpu.wait_indirect_dma semaphore(%arg9 : memref<!tpu.dma_semaphore, #tpu.memory_space<semaphore_mem>>) src(%dma_wait3A_483 : memref<100000x64xf32, #tpu.memory_space<hbm>>) dst(%dma_wait3A_477 : memref<104x64xf32, #tpu.memory_space<vmem>>)
        %mul3A_484 = arith.constant 4 : i32
        %mul3A_485 = arith.muli %add3A_435, %mul3A_484 : i32
        %add3A_486 = arith.constant 1 : i32
        %add3A_487 = arith.addi %mul3A_485, %add3A_486 : i32
        %dma_wait3A_488 = arith.constant 0 : i32
        %dma_wait3A_489 = arith.constant 1 : i32
        %dma_wait3A_490 = arith.constant 304 : i32
        %dma_wait3A_491 = arith.constant 0 : i32
        %dma_wait3A_492 = tpu.memref_slice %arg6[%dma_wait3A_489, %dma_wait3A_490, %dma_wait3A_491] : memref<2x800x64xf32, #tpu.memory_space<vmem>> -> memref<1x96x64xf32, #tpu.memory_space<vmem>>
        %dma_wait3A_493 = tpu.memref_squeeze %dma_wait3A_492 : memref<1x96x64xf32, #tpu.memory_space<vmem>> -> memref<96x64xf32, #tpu.memory_space<vmem>>
        %dma_wait3A_494 = arith.constant 104 : i32
        %dma_wait3A_495 = tpu.memref_slice %arg5[%dma_wait3A_488, %add3A_487, %dma_wait3A_494] : memref<2x32x200xi32, #tpu.memory_space<vmem>> -> memref<1x1x96xi32, #tpu.memory_space<vmem>>
        %dma_wait3A_496 = tpu.memref_squeeze %dma_wait3A_495 : memref<1x1x96xi32, #tpu.memory_space<vmem>> -> memref<96xi32, #tpu.memory_space<vmem>>
        %dma_wait3A_497 = arith.constant 0 : i32
        %dma_wait3A_498 = arith.constant 0 : i32
        %dma_wait3A_499 = tpu.memref_slice %arg3[%dma_wait3A_497, %dma_wait3A_498] : memref<100000x64xf32, #tpu.memory_space<hbm>> -> memref<100000x64xf32, #tpu.memory_space<hbm>>
        tpu.wait_indirect_dma semaphore(%arg9 : memref<!tpu.dma_semaphore, #tpu.memory_space<semaphore_mem>>) src(%dma_wait3A_499 : memref<100000x64xf32, #tpu.memory_space<hbm>>) dst(%dma_wait3A_493 : memref<96x64xf32, #tpu.memory_space<vmem>>)
        %mul3A_500 = arith.constant 4 : i32
        %mul3A_501 = arith.muli %add3A_435, %mul3A_500 : i32
        %add3A_502 = arith.constant 2 : i32
        %add3A_503 = arith.addi %mul3A_501, %add3A_502 : i32
        %dma_wait3A_504 = arith.constant 0 : i32
        %dma_wait3A_505 = arith.constant 1 : i32
        %dma_wait3A_506 = arith.constant 400 : i32
        %dma_wait3A_507 = arith.constant 0 : i32
        %dma_wait3A_508 = tpu.memref_slice %arg6[%dma_wait3A_505, %dma_wait3A_506, %dma_wait3A_507] : memref<2x800x64xf32, #tpu.memory_space<vmem>> -> memref<1x104x64xf32, #tpu.memory_space<vmem>>
        %dma_wait3A_509 = tpu.memref_squeeze %dma_wait3A_508 : memref<1x104x64xf32, #tpu.memory_space<vmem>> -> memref<104x64xf32, #tpu.memory_space<vmem>>
        %dma_wait3A_510 = arith.constant 0 : i32
        %dma_wait3A_511 = tpu.memref_slice %arg5[%dma_wait3A_504, %add3A_503, %dma_wait3A_510] : memref<2x32x200xi32, #tpu.memory_space<vmem>> -> memref<1x1x104xi32, #tpu.memory_space<vmem>>
        %dma_wait3A_512 = tpu.memref_squeeze %dma_wait3A_511 : memref<1x1x104xi32, #tpu.memory_space<vmem>> -> memref<104xi32, #tpu.memory_space<vmem>>
        %dma_wait3A_513 = arith.constant 0 : i32
        %dma_wait3A_514 = arith.constant 0 : i32
        %dma_wait3A_515 = tpu.memref_slice %arg3[%dma_wait3A_513, %dma_wait3A_514] : memref<100000x64xf32, #tpu.memory_space<hbm>> -> memref<100000x64xf32, #tpu.memory_space<hbm>>
        tpu.wait_indirect_dma semaphore(%arg9 : memref<!tpu.dma_semaphore, #tpu.memory_space<semaphore_mem>>) src(%dma_wait3A_515 : memref<100000x64xf32, #tpu.memory_space<hbm>>) dst(%dma_wait3A_509 : memref<104x64xf32, #tpu.memory_space<vmem>>)
        %mul3A_516 = arith.constant 4 : i32
        %mul3A_517 = arith.muli %add3A_435, %mul3A_516 : i32
        %add3A_518 = arith.constant 2 : i32
        %add3A_519 = arith.addi %mul3A_517, %add3A_518 : i32
        %dma_wait3A_520 = arith.constant 0 : i32
        %dma_wait3A_521 = arith.constant 1 : i32
        %dma_wait3A_522 = arith.constant 504 : i32
        %dma_wait3A_523 = arith.constant 0 : i32
        %dma_wait3A_524 = tpu.memref_slice %arg6[%dma_wait3A_521, %dma_wait3A_522, %dma_wait3A_523] : memref<2x800x64xf32, #tpu.memory_space<vmem>> -> memref<1x96x64xf32, #tpu.memory_space<vmem>>
        %dma_wait3A_525 = tpu.memref_squeeze %dma_wait3A_524 : memref<1x96x64xf32, #tpu.memory_space<vmem>> -> memref<96x64xf32, #tpu.memory_space<vmem>>
        %dma_wait3A_526 = arith.constant 104 : i32
        %dma_wait3A_527 = tpu.memref_slice %arg5[%dma_wait3A_520, %add3A_519, %dma_wait3A_526] : memref<2x32x200xi32, #tpu.memory_space<vmem>> -> memref<1x1x96xi32, #tpu.memory_space<vmem>>
        %dma_wait3A_528 = tpu.memref_squeeze %dma_wait3A_527 : memref<1x1x96xi32, #tpu.memory_space<vmem>> -> memref<96xi32, #tpu.memory_space<vmem>>
        %dma_wait3A_529 = arith.constant 0 : i32
        %dma_wait3A_530 = arith.constant 0 : i32
        %dma_wait3A_531 = tpu.memref_slice %arg3[%dma_wait3A_529, %dma_wait3A_530] : memref<100000x64xf32, #tpu.memory_space<hbm>> -> memref<100000x64xf32, #tpu.memory_space<hbm>>
        tpu.wait_indirect_dma semaphore(%arg9 : memref<!tpu.dma_semaphore, #tpu.memory_space<semaphore_mem>>) src(%dma_wait3A_531 : memref<100000x64xf32, #tpu.memory_space<hbm>>) dst(%dma_wait3A_525 : memref<96x64xf32, #tpu.memory_space<vmem>>)
        %mul3A_532 = arith.constant 4 : i32
        %mul3A_533 = arith.muli %add3A_435, %mul3A_532 : i32
        %add3A_534 = arith.constant 3 : i32
        %add3A_535 = arith.addi %mul3A_533, %add3A_534 : i32
        %dma_wait3A_536 = arith.constant 0 : i32
        %dma_wait3A_537 = arith.constant 1 : i32
        %dma_wait3A_538 = arith.constant 600 : i32
        %dma_wait3A_539 = arith.constant 0 : i32
        %dma_wait3A_540 = tpu.memref_slice %arg6[%dma_wait3A_537, %dma_wait3A_538, %dma_wait3A_539] : memref<2x800x64xf32, #tpu.memory_space<vmem>> -> memref<1x104x64xf32, #tpu.memory_space<vmem>>
        %dma_wait3A_541 = tpu.memref_squeeze %dma_wait3A_540 : memref<1x104x64xf32, #tpu.memory_space<vmem>> -> memref<104x64xf32, #tpu.memory_space<vmem>>
        %dma_wait3A_542 = arith.constant 0 : i32
        %dma_wait3A_543 = tpu.memref_slice %arg5[%dma_wait3A_536, %add3A_535, %dma_wait3A_542] : memref<2x32x200xi32, #tpu.memory_space<vmem>> -> memref<1x1x104xi32, #tpu.memory_space<vmem>>
        %dma_wait3A_544 = tpu.memref_squeeze %dma_wait3A_543 : memref<1x1x104xi32, #tpu.memory_space<vmem>> -> memref<104xi32, #tpu.memory_space<vmem>>
        %dma_wait3A_545 = arith.constant 0 : i32
        %dma_wait3A_546 = arith.constant 0 : i32
        %dma_wait3A_547 = tpu.memref_slice %arg3[%dma_wait3A_545, %dma_wait3A_546] : memref<100000x64xf32, #tpu.memory_space<hbm>> -> memref<100000x64xf32, #tpu.memory_space<hbm>>
        tpu.wait_indirect_dma semaphore(%arg9 : memref<!tpu.dma_semaphore, #tpu.memory_space<semaphore_mem>>) src(%dma_wait3A_547 : memref<100000x64xf32, #tpu.memory_space<hbm>>) dst(%dma_wait3A_541 : memref<104x64xf32, #tpu.memory_space<vmem>>)
        %mul3A_548 = arith.constant 4 : i32
        %mul3A_549 = arith.muli %add3A_435, %mul3A_548 : i32
        %add3A_550 = arith.constant 3 : i32
        %add3A_551 = arith.addi %mul3A_549, %add3A_550 : i32
        %dma_wait3A_552 = arith.constant 0 : i32
        %dma_wait3A_553 = arith.constant 1 : i32
        %dma_wait3A_554 = arith.constant 704 : i32
        %dma_wait3A_555 = arith.constant 0 : i32
        %dma_wait3A_556 = tpu.memref_slice %arg6[%dma_wait3A_553, %dma_wait3A_554, %dma_wait3A_555] : memref<2x800x64xf32, #tpu.memory_space<vmem>> -> memref<1x96x64xf32, #tpu.memory_space<vmem>>
        %dma_wait3A_557 = tpu.memref_squeeze %dma_wait3A_556 : memref<1x96x64xf32, #tpu.memory_space<vmem>> -> memref<96x64xf32, #tpu.memory_space<vmem>>
        %dma_wait3A_558 = arith.constant 104 : i32
        %dma_wait3A_559 = tpu.memref_slice %arg5[%dma_wait3A_552, %add3A_551, %dma_wait3A_558] : memref<2x32x200xi32, #tpu.memory_space<vmem>> -> memref<1x1x96xi32, #tpu.memory_space<vmem>>
        %dma_wait3A_560 = tpu.memref_squeeze %dma_wait3A_559 : memref<1x1x96xi32, #tpu.memory_space<vmem>> -> memref<96xi32, #tpu.memory_space<vmem>>
        %dma_wait3A_561 = arith.constant 0 : i32
        %dma_wait3A_562 = arith.constant 0 : i32
        %dma_wait3A_563 = tpu.memref_slice %arg3[%dma_wait3A_561, %dma_wait3A_562] : memref<100000x64xf32, #tpu.memory_space<hbm>> -> memref<100000x64xf32, #tpu.memory_space<hbm>>
        tpu.wait_indirect_dma semaphore(%arg9 : memref<!tpu.dma_semaphore, #tpu.memory_space<semaphore_mem>>) src(%dma_wait3A_563 : memref<100000x64xf32, #tpu.memory_space<hbm>>) dst(%dma_wait3A_557 : memref<96x64xf32, #tpu.memory_space<vmem>>)
        %add3A_564 = arith.constant 1 : i32
        %add3A_565 = arith.addi %add3A_154, %add3A_564 : i32
        %scan3A_566 = arith.constant 0 : i32
        %scan3A_567 = arith.constant 4 : i32
        %scan3A_568 = arith.addi %scan3A_566, %scan3A_567 : i32
        %scan3A_569 = arith.constant 1 : i32
        scf.for %scan3A_571 = %scan3A_566 to %scan3A_568 step %scan3A_569  : i32 {
          %mul3A_572 = arith.constant 1 : i32
          %mul3A_573 = arith.muli %scan3A_571, %mul3A_572 : i32
          %add3A_574 = arith.constant 0 : i32
          %add3A_575 = arith.addi %add3A_574, %mul3A_573 : i32
          %broadcast_in_dim3A = arith.constant 0.000000e+00 : f32
          %broadcast_in_dim3A_576 = vector.broadcast %broadcast_in_dim3A : f32 to vector<16xf32>
          %broadcast_in_dim3A_577 = arith.constant 0.000000e+00 : f32
          %broadcast_in_dim3A_578 = vector.broadcast %broadcast_in_dim3A_577 : f32 to vector<16xf32>
          %broadcast_in_dim3A_579 = arith.constant 0.000000e+00 : f32
          %broadcast_in_dim3A_580 = vector.broadcast %broadcast_in_dim3A_579 : f32 to vector<16xf32>
          %broadcast_in_dim3A_581 = arith.constant 0.000000e+00 : f32
          %broadcast_in_dim3A_582 = vector.broadcast %broadcast_in_dim3A_581 : f32 to vector<16xf32>
          %scan3A_583 = arith.constant 0 : i32
          %scan3A_584 = arith.constant 200 : i32
          %scan3A_585 = arith.addi %scan3A_583, %scan3A_584 : i32
          %scan3A_586 = arith.constant 8 : i32
          %scan3A_587:4 = scf.for %scan3A_620 = %scan3A_583 to %scan3A_585 step %scan3A_586 iter_args(%scan3A_621 = %broadcast_in_dim3A_576, %scan3A_622 = %broadcast_in_dim3A_578, %scan3A_623 = %broadcast_in_dim3A_580, %scan3A_624 = %broadcast_in_dim3A_582) -> (vector<16xf32>, vector<16xf32>, vector<16xf32>, vector<16xf32>)  : i32 {
            %mul3A_625 = arith.constant 200 : i32
            %mul3A_626 = arith.muli %add3A_575, %mul3A_625 : i32
            %add3A_627 = arith.addi %mul3A_626, %scan3A_620 : i32
            %get3A = arith.constant 1 : i32
            %get3A_628 = arith.index_cast %get3A : i32 to index
            %get3A_629 = arith.index_cast %add3A_627 : i32 to index
            %get3A_630 = arith.constant 0 : index
            %get3A_631 = tpu.vector_load %arg6[%get3A_628, %get3A_629, %get3A_630] {strides = array<i32>} : memref<2x800x64xf32, #tpu.memory_space<vmem>>, vector<1x1x16xf32>,
            %get3A_632 = vector.shape_cast %get3A_631 : vector<1x1x16xf32> to vector<16xf32>
            %add3A_633 = arith.addf %scan3A_621, %get3A_632 : vector<16xf32>
            %mul3A_634 = arith.constant 200 : i32
            %mul3A_635 = arith.muli %add3A_575, %mul3A_634 : i32
            %add3A_636 = arith.addi %mul3A_635, %scan3A_620 : i32
            %get3A_637 = arith.constant 1 : i32
            %get3A_638 = arith.index_cast %get3A_637 : i32 to index
            %get3A_639 = arith.index_cast %add3A_636 : i32 to index
            %get3A_640 = arith.constant 16 : index
            %get3A_641 = tpu.vector_load %arg6[%get3A_638, %get3A_639, %get3A_640] {strides = array<i32>} : memref<2x800x64xf32, #tpu.memory_space<vmem>>, vector<1x1x16xf32>,
            %get3A_642 = vector.shape_cast %get3A_641 : vector<1x1x16xf32> to vector<16xf32>
            %add3A_643 = arith.addf %scan3A_622, %get3A_642 : vector<16xf32>
            %mul3A_644 = arith.constant 200 : i32
            %mul3A_645 = arith.muli %add3A_575, %mul3A_644 : i32
            %add3A_646 = arith.addi %mul3A_645, %scan3A_620 : i32
            %get3A_647 = arith.constant 1 : i32
            %get3A_648 = arith.index_cast %get3A_647 : i32 to index
            %get3A_649 = arith.index_cast %add3A_646 : i32 to index
            %get3A_650 = arith.constant 32 : index
            %get3A_651 = tpu.vector_load %arg6[%get3A_648, %get3A_649, %get3A_650] {strides = array<i32>} : memref<2x800x64xf32, #tpu.memory_space<vmem>>, vector<1x1x16xf32>,
            %get3A_652 = vector.shape_cast %get3A_651 : vector<1x1x16xf32> to vector<16xf32>
            %add3A_653 = arith.addf %scan3A_623, %get3A_652 : vector<16xf32>
            %mul3A_654 = arith.constant 200 : i32
            %mul3A_655 = arith.muli %add3A_575, %mul3A_654 : i32
            %add3A_656 = arith.addi %mul3A_655, %scan3A_620 : i32
            %get3A_657 = arith.constant 1 : i32
            %get3A_658 = arith.index_cast %get3A_657 : i32 to index
            %get3A_659 = arith.index_cast %add3A_656 : i32 to index
            %get3A_660 = arith.constant 48 : index
            %get3A_661 = tpu.vector_load %arg6[%get3A_658, %get3A_659, %get3A_660] {strides = array<i32>} : memref<2x800x64xf32, #tpu.memory_space<vmem>>, vector<1x1x16xf32>,
            %get3A_662 = vector.shape_cast %get3A_661 : vector<1x1x16xf32> to vector<16xf32>
            %add3A_663 = arith.addf %scan3A_624, %get3A_662 : vector<16xf32>
            %scan3A_664 = arith.constant 1 : i32
            %scan3A_665 = arith.addi %scan3A_620, %scan3A_664 : i32
            %mul3A_666 = arith.constant 200 : i32
            %mul3A_667 = arith.muli %add3A_575, %mul3A_666 : i32
            %add3A_668 = arith.addi %mul3A_667, %scan3A_665 : i32
            %get3A_669 = arith.constant 1 : i32
            %get3A_670 = arith.index_cast %get3A_669 : i32 to index
            %get3A_671 = arith.index_cast %add3A_668 : i32 to index
            %get3A_672 = arith.constant 0 : index
            %get3A_673 = tpu.vector_load %arg6[%get3A_670, %get3A_671, %get3A_672] {strides = array<i32>} : memref<2x800x64xf32, #tpu.memory_space<vmem>>, vector<1x1x16xf32>,
            %get3A_674 = vector.shape_cast %get3A_673 : vector<1x1x16xf32> to vector<16xf32>
            %add3A_675 = arith.addf %add3A_633, %get3A_674 : vector<16xf32>
            %mul3A_676 = arith.constant 200 : i32
            %mul3A_677 = arith.muli %add3A_575, %mul3A_676 : i32
            %add3A_678 = arith.addi %mul3A_677, %scan3A_665 : i32
            %get3A_679 = arith.constant 1 : i32
            %get3A_680 = arith.index_cast %get3A_679 : i32 to index
            %get3A_681 = arith.index_cast %add3A_678 : i32 to index
            %get3A_682 = arith.constant 16 : index
            %get3A_683 = tpu.vector_load %arg6[%get3A_680, %get3A_681, %get3A_682] {strides = array<i32>} : memref<2x800x64xf32, #tpu.memory_space<vmem>>, vector<1x1x16xf32>,
            %get3A_684 = vector.shape_cast %get3A_683 : vector<1x1x16xf32> to vector<16xf32>
            %add3A_685 = arith.addf %add3A_643, %get3A_684 : vector<16xf32>
            %mul3A_686 = arith.constant 200 : i32
            %mul3A_687 = arith.muli %add3A_575, %mul3A_686 : i32
            %add3A_688 = arith.addi %mul3A_687, %scan3A_665 : i32
            %get3A_689 = arith.constant 1 : i32
            %get3A_690 = arith.index_cast %get3A_689 : i32 to index
            %get3A_691 = arith.index_cast %add3A_688 : i32 to index
            %get3A_692 = arith.constant 32 : index
            %get3A_693 = tpu.vector_load %arg6[%get3A_690, %get3A_691, %get3A_692] {strides = array<i32>} : memref<2x800x64xf32, #tpu.memory_space<vmem>>, vector<1x1x16xf32>,
            %get3A_694 = vector.shape_cast %get3A_693 : vector<1x1x16xf32> to vector<16xf32>
            %add3A_695 = arith.addf %add3A_653, %get3A_694 : vector<16xf32>
            %mul3A_696 = arith.constant 200 : i32
            %mul3A_697 = arith.muli %add3A_575, %mul3A_696 : i32
            %add3A_698 = arith.addi %mul3A_697, %scan3A_665 : i32
            %get3A_699 = arith.constant 1 : i32
            %get3A_700 = arith.index_cast %get3A_699 : i32 to index
            %get3A_701 = arith.index_cast %add3A_698 : i32 to index
            %get3A_702 = arith.constant 48 : index
            %get3A_703 = tpu.vector_load %arg6[%get3A_700, %get3A_701, %get3A_702] {strides = array<i32>} : memref<2x800x64xf32, #tpu.memory_space<vmem>>, vector<1x1x16xf32>,
            %get3A_704 = vector.shape_cast %get3A_703 : vector<1x1x16xf32> to vector<16xf32>
            %add3A_705 = arith.addf %add3A_663, %get3A_704 : vector<16xf32>
            %scan3A_706 = arith.constant 2 : i32
            %scan3A_707 = arith.addi %scan3A_620, %scan3A_706 : i32
            %mul3A_708 = arith.constant 200 : i32
            %mul3A_709 = arith.muli %add3A_575, %mul3A_708 : i32
            %add3A_710 = arith.addi %mul3A_709, %scan3A_707 : i32
            %get3A_711 = arith.constant 1 : i32
            %get3A_712 = arith.index_cast %get3A_711 : i32 to index
            %get3A_713 = arith.index_cast %add3A_710 : i32 to index
            %get3A_714 = arith.constant 0 : index
            %get3A_715 = tpu.vector_load %arg6[%get3A_712, %get3A_713, %get3A_714] {strides = array<i32>} : memref<2x800x64xf32, #tpu.memory_space<vmem>>, vector<1x1x16xf32>,
            %get3A_716 = vector.shape_cast %get3A_715 : vector<1x1x16xf32> to vector<16xf32>
            %add3A_717 = arith.addf %add3A_675, %get3A_716 : vector<16xf32>
            %mul3A_718 = arith.constant 200 : i32
            %mul3A_719 = arith.muli %add3A_575, %mul3A_718 : i32
            %add3A_720 = arith.addi %mul3A_719, %scan3A_707 : i32
            %get3A_721 = arith.constant 1 : i32
            %get3A_722 = arith.index_cast %get3A_721 : i32 to index
            %get3A_723 = arith.index_cast %add3A_720 : i32 to index
            %get3A_724 = arith.constant 16 : index
            %get3A_725 = tpu.vector_load %arg6[%get3A_722, %get3A_723, %get3A_724] {strides = array<i32>} : memref<2x800x64xf32, #tpu.memory_space<vmem>>, vector<1x1x16xf32>,
            %get3A_726 = vector.shape_cast %get3A_725 : vector<1x1x16xf32> to vector<16xf32>
            %add3A_727 = arith.addf %add3A_685, %get3A_726 : vector<16xf32>
            %mul3A_728 = arith.constant 200 : i32
            %mul3A_729 = arith.muli %add3A_575, %mul3A_728 : i32
            %add3A_730 = arith.addi %mul3A_729, %scan3A_707 : i32
            %get3A_731 = arith.constant 1 : i32
            %get3A_732 = arith.index_cast %get3A_731 : i32 to index
            %get3A_733 = arith.index_cast %add3A_730 : i32 to index
            %get3A_734 = arith.constant 32 : index
            %get3A_735 = tpu.vector_load %arg6[%get3A_732, %get3A_733, %get3A_734] {strides = array<i32>} : memref<2x800x64xf32, #tpu.memory_space<vmem>>, vector<1x1x16xf32>,
            %get3A_736 = vector.shape_cast %get3A_735 : vector<1x1x16xf32> to vector<16xf32>
            %add3A_737 = arith.addf %add3A_695, %get3A_736 : vector<16xf32>
            %mul3A_738 = arith.constant 200 : i32
            %mul3A_739 = arith.muli %add3A_575, %mul3A_738 : i32
            %add3A_740 = arith.addi %mul3A_739, %scan3A_707 : i32
            %get3A_741 = arith.constant 1 : i32
            %get3A_742 = arith.index_cast %get3A_741 : i32 to index
            %get3A_743 = arith.index_cast %add3A_740 : i32 to index
            %get3A_744 = arith.constant 48 : index
            %get3A_745 = tpu.vector_load %arg6[%get3A_742, %get3A_743, %get3A_744] {strides = array<i32>} : memref<2x800x64xf32, #tpu.memory_space<vmem>>, vector<1x1x16xf32>,
            %get3A_746 = vector.shape_cast %get3A_745 : vector<1x1x16xf32> to vector<16xf32>
            %add3A_747 = arith.addf %add3A_705, %get3A_746 : vector<16xf32>
            %scan3A_748 = arith.constant 3 : i32
            %scan3A_749 = arith.addi %scan3A_620, %scan3A_748 : i32
            %mul3A_750 = arith.constant 200 : i32
            %mul3A_751 = arith.muli %add3A_575, %mul3A_750 : i32
            %add3A_752 = arith.addi %mul3A_751, %scan3A_749 : i32
            %get3A_753 = arith.constant 1 : i32
            %get3A_754 = arith.index_cast %get3A_753 : i32 to index
            %get3A_755 = arith.index_cast %add3A_752 : i32 to index
            %get3A_756 = arith.constant 0 : index
            %get3A_757 = tpu.vector_load %arg6[%get3A_754, %get3A_755, %get3A_756] {strides = array<i32>} : memref<2x800x64xf32, #tpu.memory_space<vmem>>, vector<1x1x16xf32>,
            %get3A_758 = vector.shape_cast %get3A_757 : vector<1x1x16xf32> to vector<16xf32>
            %add3A_759 = arith.addf %add3A_717, %get3A_758 : vector<16xf32>
            %mul3A_760 = arith.constant 200 : i32
            %mul3A_761 = arith.muli %add3A_575, %mul3A_760 : i32
            %add3A_762 = arith.addi %mul3A_761, %scan3A_749 : i32
            %get3A_763 = arith.constant 1 : i32
            %get3A_764 = arith.index_cast %get3A_763 : i32 to index
            %get3A_765 = arith.index_cast %add3A_762 : i32 to index
            %get3A_766 = arith.constant 16 : index
            %get3A_767 = tpu.vector_load %arg6[%get3A_764, %get3A_765, %get3A_766] {strides = array<i32>} : memref<2x800x64xf32, #tpu.memory_space<vmem>>, vector<1x1x16xf32>,
            %get3A_768 = vector.shape_cast %get3A_767 : vector<1x1x16xf32> to vector<16xf32>
            %add3A_769 = arith.addf %add3A_727, %get3A_768 : vector<16xf32>
            %mul3A_770 = arith.constant 200 : i32
            %mul3A_771 = arith.muli %add3A_575, %mul3A_770 : i32
            %add3A_772 = arith.addi %mul3A_771, %scan3A_749 : i32
            %get3A_773 = arith.constant 1 : i32
            %get3A_774 = arith.index_cast %get3A_773 : i32 to index
            %get3A_775 = arith.index_cast %add3A_772 : i32 to index
            %get3A_776 = arith.constant 32 : index
            %get3A_777 = tpu.vector_load %arg6[%get3A_774, %get3A_775, %get3A_776] {strides = array<i32>} : memref<2x800x64xf32, #tpu.memory_space<vmem>>, vector<1x1x16xf32>,
            %get3A_778 = vector.shape_cast %get3A_777 : vector<1x1x16xf32> to vector<16xf32>
            %add3A_779 = arith.addf %add3A_737, %get3A_778 : vector<16xf32>
            %mul3A_780 = arith.constant 200 : i32
            %mul3A_781 = arith.muli %add3A_575, %mul3A_780 : i32
            %add3A_782 = arith.addi %mul3A_781, %scan3A_749 : i32
            %get3A_783 = arith.constant 1 : i32
            %get3A_784 = arith.index_cast %get3A_783 : i32 to index
            %get3A_785 = arith.index_cast %add3A_782 : i32 to index
            %get3A_786 = arith.constant 48 : index
            %get3A_787 = tpu.vector_load %arg6[%get3A_784, %get3A_785, %get3A_786] {strides = array<i32>} : memref<2x800x64xf32, #tpu.memory_space<vmem>>, vector<1x1x16xf32>,
            %get3A_788 = vector.shape_cast %get3A_787 : vector<1x1x16xf32> to vector<16xf32>
            %add3A_789 = arith.addf %add3A_747, %get3A_788 : vector<16xf32>
            %scan3A_790 = arith.constant 4 : i32
            %scan3A_791 = arith.addi %scan3A_620, %scan3A_790 : i32
            %mul3A_792 = arith.constant 200 : i32
            %mul3A_793 = arith.muli %add3A_575, %mul3A_792 : i32
            %add3A_794 = arith.addi %mul3A_793, %scan3A_791 : i32
            %get3A_795 = arith.constant 1 : i32
            %get3A_796 = arith.index_cast %get3A_795 : i32 to index
            %get3A_797 = arith.index_cast %add3A_794 : i32 to index
            %get3A_798 = arith.constant 0 : index
            %get3A_799 = tpu.vector_load %arg6[%get3A_796, %get3A_797, %get3A_798] {strides = array<i32>} : memref<2x800x64xf32, #tpu.memory_space<vmem>>, vector<1x1x16xf32>,
            %get3A_800 = vector.shape_cast %get3A_799 : vector<1x1x16xf32> to vector<16xf32>
            %add3A_801 = arith.addf %add3A_759, %get3A_800 : vector<16xf32>
            %mul3A_802 = arith.constant 200 : i32
            %mul3A_803 = arith.muli %add3A_575, %mul3A_802 : i32
            %add3A_804 = arith.addi %mul3A_803, %scan3A_791 : i32
            %get3A_805 = arith.constant 1 : i32
            %get3A_806 = arith.index_cast %get3A_805 : i32 to index
            %get3A_807 = arith.index_cast %add3A_804 : i32 to index
            %get3A_808 = arith.constant 16 : index
            %get3A_809 = tpu.vector_load %arg6[%get3A_806, %get3A_807, %get3A_808] {strides = array<i32>} : memref<2x800x64xf32, #tpu.memory_space<vmem>>, vector<1x1x16xf32>,
            %get3A_810 = vector.shape_cast %get3A_809 : vector<1x1x16xf32> to vector<16xf32>
            %add3A_811 = arith.addf %add3A_769, %get3A_810 : vector<16xf32>
            %mul3A_812 = arith.constant 200 : i32
            %mul3A_813 = arith.muli %add3A_575, %mul3A_812 : i32
            %add3A_814 = arith.addi %mul3A_813, %scan3A_791 : i32
            %get3A_815 = arith.constant 1 : i32
            %get3A_816 = arith.index_cast %get3A_815 : i32 to index
            %get3A_817 = arith.index_cast %add3A_814 : i32 to index
            %get3A_818 = arith.constant 32 : index
            %get3A_819 = tpu.vector_load %arg6[%get3A_816, %get3A_817, %get3A_818] {strides = array<i32>} : memref<2x800x64xf32, #tpu.memory_space<vmem>>, vector<1x1x16xf32>,
            %get3A_820 = vector.shape_cast %get3A_819 : vector<1x1x16xf32> to vector<16xf32>
            %add3A_821 = arith.addf %add3A_779, %get3A_820 : vector<16xf32>
            %mul3A_822 = arith.constant 200 : i32
            %mul3A_823 = arith.muli %add3A_575, %mul3A_822 : i32
            %add3A_824 = arith.addi %mul3A_823, %scan3A_791 : i32
            %get3A_825 = arith.constant 1 : i32
            %get3A_826 = arith.index_cast %get3A_825 : i32 to index
            %get3A_827 = arith.index_cast %add3A_824 : i32 to index
            %get3A_828 = arith.constant 48 : index
            %get3A_829 = tpu.vector_load %arg6[%get3A_826, %get3A_827, %get3A_828] {strides = array<i32>} : memref<2x800x64xf32, #tpu.memory_space<vmem>>, vector<1x1x16xf32>,
            %get3A_830 = vector.shape_cast %get3A_829 : vector<1x1x16xf32> to vector<16xf32>
            %add3A_831 = arith.addf %add3A_789, %get3A_830 : vector<16xf32>
            %scan3A_832 = arith.constant 5 : i32
            %scan3A_833 = arith.addi %scan3A_620, %scan3A_832 : i32
            %mul3A_834 = arith.constant 200 : i32
            %mul3A_835 = arith.muli %add3A_575, %mul3A_834 : i32
            %add3A_836 = arith.addi %mul3A_835, %scan3A_833 : i32
            %get3A_837 = arith.constant 1 : i32
            %get3A_838 = arith.index_cast %get3A_837 : i32 to index
            %get3A_839 = arith.index_cast %add3A_836 : i32 to index
            %get3A_840 = arith.constant 0 : index
            %get3A_841 = tpu.vector_load %arg6[%get3A_838, %get3A_839, %get3A_840] {strides = array<i32>} : memref<2x800x64xf32, #tpu.memory_space<vmem>>, vector<1x1x16xf32>,
            %get3A_842 = vector.shape_cast %get3A_841 : vector<1x1x16xf32> to vector<16xf32>
            %add3A_843 = arith.addf %add3A_801, %get3A_842 : vector<16xf32>
            %mul3A_844 = arith.constant 200 : i32
            %mul3A_845 = arith.muli %add3A_575, %mul3A_844 : i32
            %add3A_846 = arith.addi %mul3A_845, %scan3A_833 : i32
            %get3A_847 = arith.constant 1 : i32
            %get3A_848 = arith.index_cast %get3A_847 : i32 to index
            %get3A_849 = arith.index_cast %add3A_846 : i32 to index
            %get3A_850 = arith.constant 16 : index
            %get3A_851 = tpu.vector_load %arg6[%get3A_848, %get3A_849, %get3A_850] {strides = array<i32>} : memref<2x800x64xf32, #tpu.memory_space<vmem>>, vector<1x1x16xf32>,
            %get3A_852 = vector.shape_cast %get3A_851 : vector<1x1x16xf32> to vector<16xf32>
            %add3A_853 = arith.addf %add3A_811, %get3A_852 : vector<16xf32>
            %mul3A_854 = arith.constant 200 : i32
            %mul3A_855 = arith.muli %add3A_575, %mul3A_854 : i32
            %add3A_856 = arith.addi %mul3A_855, %scan3A_833 : i32
            %get3A_857 = arith.constant 1 : i32
            %get3A_858 = arith.index_cast %get3A_857 : i32 to index
            %get3A_859 = arith.index_cast %add3A_856 : i32 to index
            %get3A_860 = arith.constant 32 : index
            %get3A_861 = tpu.vector_load %arg6[%get3A_858, %get3A_859, %get3A_860] {strides = array<i32>} : memref<2x800x64xf32, #tpu.memory_space<vmem>>, vector<1x1x16xf32>,
            %get3A_862 = vector.shape_cast %get3A_861 : vector<1x1x16xf32> to vector<16xf32>
            %add3A_863 = arith.addf %add3A_821, %get3A_862 : vector<16xf32>
            %mul3A_864 = arith.constant 200 : i32
            %mul3A_865 = arith.muli %add3A_575, %mul3A_864 : i32
            %add3A_866 = arith.addi %mul3A_865, %scan3A_833 : i32
            %get3A_867 = arith.constant 1 : i32
            %get3A_868 = arith.index_cast %get3A_867 : i32 to index
            %get3A_869 = arith.index_cast %add3A_866 : i32 to index
            %get3A_870 = arith.constant 48 : index
            %get3A_871 = tpu.vector_load %arg6[%get3A_868, %get3A_869, %get3A_870] {strides = array<i32>} : memref<2x800x64xf32, #tpu.memory_space<vmem>>, vector<1x1x16xf32>,
            %get3A_872 = vector.shape_cast %get3A_871 : vector<1x1x16xf32> to vector<16xf32>
            %add3A_873 = arith.addf %add3A_831, %get3A_872 : vector<16xf32>
            %scan3A_874 = arith.constant 6 : i32
            %scan3A_875 = arith.addi %scan3A_620, %scan3A_874 : i32
            %mul3A_876 = arith.constant 200 : i32
            %mul3A_877 = arith.muli %add3A_575, %mul3A_876 : i32
            %add3A_878 = arith.addi %mul3A_877, %scan3A_875 : i32
            %get3A_879 = arith.constant 1 : i32
            %get3A_880 = arith.index_cast %get3A_879 : i32 to index
            %get3A_881 = arith.index_cast %add3A_878 : i32 to index
            %get3A_882 = arith.constant 0 : index
            %get3A_883 = tpu.vector_load %arg6[%get3A_880, %get3A_881, %get3A_882] {strides = array<i32>} : memref<2x800x64xf32, #tpu.memory_space<vmem>>, vector<1x1x16xf32>,
            %get3A_884 = vector.shape_cast %get3A_883 : vector<1x1x16xf32> to vector<16xf32>
            %add3A_885 = arith.addf %add3A_843, %get3A_884 : vector<16xf32>
            %mul3A_886 = arith.constant 200 : i32
            %mul3A_887 = arith.muli %add3A_575, %mul3A_886 : i32
            %add3A_888 = arith.addi %mul3A_887, %scan3A_875 : i32
            %get3A_889 = arith.constant 1 : i32
            %get3A_890 = arith.index_cast %get3A_889 : i32 to index
            %get3A_891 = arith.index_cast %add3A_888 : i32 to index
            %get3A_892 = arith.constant 16 : index
            %get3A_893 = tpu.vector_load %arg6[%get3A_890, %get3A_891, %get3A_892] {strides = array<i32>} : memref<2x800x64xf32, #tpu.memory_space<vmem>>, vector<1x1x16xf32>,
            %get3A_894 = vector.shape_cast %get3A_893 : vector<1x1x16xf32> to vector<16xf32>
            %add3A_895 = arith.addf %add3A_853, %get3A_894 : vector<16xf32>
            %mul3A_896 = arith.constant 200 : i32
            %mul3A_897 = arith.muli %add3A_575, %mul3A_896 : i32
            %add3A_898 = arith.addi %mul3A_897, %scan3A_875 : i32
            %get3A_899 = arith.constant 1 : i32
            %get3A_900 = arith.index_cast %get3A_899 : i32 to index
            %get3A_901 = arith.index_cast %add3A_898 : i32 to index
            %get3A_902 = arith.constant 32 : index
            %get3A_903 = tpu.vector_load %arg6[%get3A_900, %get3A_901, %get3A_902] {strides = array<i32>} : memref<2x800x64xf32, #tpu.memory_space<vmem>>, vector<1x1x16xf32>,
            %get3A_904 = vector.shape_cast %get3A_903 : vector<1x1x16xf32> to vector<16xf32>
            %add3A_905 = arith.addf %add3A_863, %get3A_904 : vector<16xf32>
            %mul3A_906 = arith.constant 200 : i32
            %mul3A_907 = arith.muli %add3A_575, %mul3A_906 : i32
            %add3A_908 = arith.addi %mul3A_907, %scan3A_875 : i32
            %get3A_909 = arith.constant 1 : i32
            %get3A_910 = arith.index_cast %get3A_909 : i32 to index
            %get3A_911 = arith.index_cast %add3A_908 : i32 to index
            %get3A_912 = arith.constant 48 : index
            %get3A_913 = tpu.vector_load %arg6[%get3A_910, %get3A_911, %get3A_912] {strides = array<i32>} : memref<2x800x64xf32, #tpu.memory_space<vmem>>, vector<1x1x16xf32>,
            %get3A_914 = vector.shape_cast %get3A_913 : vector<1x1x16xf32> to vector<16xf32>
            %add3A_915 = arith.addf %add3A_873, %get3A_914 : vector<16xf32>
            %scan3A_916 = arith.constant 7 : i32
            %scan3A_917 = arith.addi %scan3A_620, %scan3A_916 : i32
            %mul3A_918 = arith.constant 200 : i32
            %mul3A_919 = arith.muli %add3A_575, %mul3A_918 : i32
            %add3A_920 = arith.addi %mul3A_919, %scan3A_917 : i32
            %get3A_921 = arith.constant 1 : i32
            %get3A_922 = arith.index_cast %get3A_921 : i32 to index
            %get3A_923 = arith.index_cast %add3A_920 : i32 to index
            %get3A_924 = arith.constant 0 : index
            %get3A_925 = tpu.vector_load %arg6[%get3A_922, %get3A_923, %get3A_924] {strides = array<i32>} : memref<2x800x64xf32, #tpu.memory_space<vmem>>, vector<1x1x16xf32>,
            %get3A_926 = vector.shape_cast %get3A_925 : vector<1x1x16xf32> to vector<16xf32>
            %add3A_927 = arith.addf %add3A_885, %get3A_926 : vector<16xf32>
            %mul3A_928 = arith.constant 200 : i32
            %mul3A_929 = arith.muli %add3A_575, %mul3A_928 : i32
            %add3A_930 = arith.addi %mul3A_929, %scan3A_917 : i32
            %get3A_931 = arith.constant 1 : i32
            %get3A_932 = arith.index_cast %get3A_931 : i32 to index
            %get3A_933 = arith.index_cast %add3A_930 : i32 to index
            %get3A_934 = arith.constant 16 : index
            %get3A_935 = tpu.vector_load %arg6[%get3A_932, %get3A_933, %get3A_934] {strides = array<i32>} : memref<2x800x64xf32, #tpu.memory_space<vmem>>, vector<1x1x16xf32>,
            %get3A_936 = vector.shape_cast %get3A_935 : vector<1x1x16xf32> to vector<16xf32>
            %add3A_937 = arith.addf %add3A_895, %get3A_936 : vector<16xf32>
            %mul3A_938 = arith.constant 200 : i32
            %mul3A_939 = arith.muli %add3A_575, %mul3A_938 : i32
            %add3A_940 = arith.addi %mul3A_939, %scan3A_917 : i32
            %get3A_941 = arith.constant 1 : i32
            %get3A_942 = arith.index_cast %get3A_941 : i32 to index
            %get3A_943 = arith.index_cast %add3A_940 : i32 to index
            %get3A_944 = arith.constant 32 : index
            %get3A_945 = tpu.vector_load %arg6[%get3A_942, %get3A_943, %get3A_944] {strides = array<i32>} : memref<2x800x64xf32, #tpu.memory_space<vmem>>, vector<1x1x16xf32>,
            %get3A_946 = vector.shape_cast %get3A_945 : vector<1x1x16xf32> to vector<16xf32>
            %add3A_947 = arith.addf %add3A_905, %get3A_946 : vector<16xf32>
            %mul3A_948 = arith.constant 200 : i32
            %mul3A_949 = arith.muli %add3A_575, %mul3A_948 : i32
            %add3A_950 = arith.addi %mul3A_949, %scan3A_917 : i32
            %get3A_951 = arith.constant 1 : i32
            %get3A_952 = arith.index_cast %get3A_951 : i32 to index
            %get3A_953 = arith.index_cast %add3A_950 : i32 to index
            %get3A_954 = arith.constant 48 : index
            %get3A_955 = tpu.vector_load %arg6[%get3A_952, %get3A_953, %get3A_954] {strides = array<i32>} : memref<2x800x64xf32, #tpu.memory_space<vmem>>, vector<1x1x16xf32>,
            %get3A_956 = vector.shape_cast %get3A_955 : vector<1x1x16xf32> to vector<16xf32>
            %add3A_957 = arith.addf %add3A_915, %get3A_956 : vector<16xf32>
            scf.yield %add3A_927, %add3A_937, %add3A_947, %add3A_957 : vector<16xf32>, vector<16xf32>, vector<16xf32>, vector<16xf32>
          }
          %scan3A_588 = arith.constant 200 : i32
          %mul3A_589 = arith.constant 4 : i32
          %mul3A_590 = arith.muli %add3A_565, %mul3A_589 : i32
          %add3A_591 = arith.addi %mul3A_590, %add3A_575 : i32
          %swap3A = arith.index_cast %add3A_591 : i32 to index
          %swap3A_592 = arith.constant 0 : index
          %swap3A_593 = tpu.vector_load %arg7[%swap3A, %swap3A_592] {strides = array<i32>} : memref<32x64xf32, #tpu.memory_space<vmem>>, vector<1x16xf32>,
          %swap3A_594 = vector.shape_cast %swap3A_593 : vector<1x16xf32> to vector<16xf32>
          %swap3A_595 = vector.shape_cast %scan3A_587#0 : vector<16xf32> to vector<1x16xf32>
          tpu.vector_store %arg7[%swap3A, %swap3A_592], %swap3A_595 {strides = array<i32>} : memref<32x64xf32, #tpu.memory_space<vmem>>, vector<1x16xf32>,
          %mul3A_596 = arith.constant 4 : i32
          %mul3A_597 = arith.muli %add3A_565, %mul3A_596 : i32
          %add3A_598 = arith.addi %mul3A_597, %add3A_575 : i32
          %swap3A_599 = arith.index_cast %add3A_598 : i32 to index
          %swap3A_600 = arith.constant 16 : index
          %swap3A_601 = tpu.vector_load %arg7[%swap3A_599, %swap3A_600] {strides = array<i32>} : memref<32x64xf32, #tpu.memory_space<vmem>>, vector<1x16xf32>,
          %swap3A_602 = vector.shape_cast %swap3A_601 : vector<1x16xf32> to vector<16xf32>
          %swap3A_603 = vector.shape_cast %scan3A_587#1 : vector<16xf32> to vector<1x16xf32>
          tpu.vector_store %arg7[%swap3A_599, %swap3A_600], %swap3A_603 {strides = array<i32>} : memref<32x64xf32, #tpu.memory_space<vmem>>, vector<1x16xf32>,
          %mul3A_604 = arith.constant 4 : i32
          %mul3A_605 = arith.muli %add3A_565, %mul3A_604 : i32
          %add3A_606 = arith.addi %mul3A_605, %add3A_575 : i32
          %swap3A_607 = arith.index_cast %add3A_606 : i32 to index
          %swap3A_608 = arith.constant 32 : index
          %swap3A_609 = tpu.vector_load %arg7[%swap3A_607, %swap3A_608] {strides = array<i32>} : memref<32x64xf32, #tpu.memory_space<vmem>>, vector<1x16xf32>,
          %swap3A_610 = vector.shape_cast %swap3A_609 : vector<1x16xf32> to vector<16xf32>
          %swap3A_611 = vector.shape_cast %scan3A_587#2 : vector<16xf32> to vector<1x16xf32>
          tpu.vector_store %arg7[%swap3A_607, %swap3A_608], %swap3A_611 {strides = array<i32>} : memref<32x64xf32, #tpu.memory_space<vmem>>, vector<1x16xf32>,
          %mul3A_612 = arith.constant 4 : i32
          %mul3A_613 = arith.muli %add3A_565, %mul3A_612 : i32
          %add3A_614 = arith.addi %mul3A_613, %add3A_575 : i32
          %swap3A_615 = arith.index_cast %add3A_614 : i32 to index
          %swap3A_616 = arith.constant 48 : index
          %swap3A_617 = tpu.vector_load %arg7[%swap3A_615, %swap3A_616] {strides = array<i32>} : memref<32x64xf32, #tpu.memory_space<vmem>>, vector<1x16xf32>,
          %swap3A_618 = vector.shape_cast %swap3A_617 : vector<1x16xf32> to vector<16xf32>
          %swap3A_619 = vector.shape_cast %scan3A_587#3 : vector<16xf32> to vector<1x16xf32>
          tpu.vector_store %arg7[%swap3A_615, %swap3A_616], %swap3A_619 {strides = array<i32>} : memref<32x64xf32, #tpu.memory_space<vmem>>, vector<1x16xf32>,
        }
        %scan3A_570 = arith.constant 4 : i32
      }
      %scan3A_125 = arith.constant 4 : i32
      %mul3A_126 = arith.constant 512 : i32
      %mul3A_127 = arith.muli %add3A, %mul3A_126 : i32
      %mul3A_128 = arith.constant 32 : i32
      %mul3A_129 = arith.muli %add3A_116, %mul3A_128 : i32
      %add3A_130 = arith.addi %mul3A_127, %mul3A_129 : i32
      "tpu.region"() ({
        %run_scoped3A_150 = tpu.sem_alloc : memref<!tpu.dma_semaphore, #tpu.memory_space<semaphore_mem>>
        %dma_start3A_151 = arith.constant 0 : i32
        %dma_start3A_152 = tpu.memref_slice %arg4[%add3A_130, %dma_start3A_151] : memref<16384x64xf32, #tpu.memory_space<hbm>> -> memref<32x64xf32, #tpu.memory_space<hbm>>
        %dma_start3A_153 = arith.constant 0 : i32
        %dma_start3A_154 = tpu.memref_slice %arg4[%add3A_130, %dma_start3A_153] : memref<16384x64xf32, #tpu.memory_space<hbm>> -> memref<32x64xf32, #tpu.memory_space<hbm>>
        tpu.enqueue_dma source(%arg7 : memref<32x64xf32, #tpu.memory_space<vmem>>) target(%dma_start3A_154 : memref<32x64xf32, #tpu.memory_space<hbm>>) target_semaphore(%run_scoped3A_150 : memref<!tpu.dma_semaphore, #tpu.memory_space<semaphore_mem>>)
        %dma_wait3A = arith.constant 0 : i32
        %dma_wait3A_155 = tpu.memref_slice %arg4[%add3A_130, %dma_wait3A] : memref<16384x64xf32, #tpu.memory_space<hbm>> -> memref<32x64xf32, #tpu.memory_space<hbm>>
        %dma_wait3A_156 = arith.constant 0 : i32
        %dma_wait3A_157 = tpu.memref_slice %arg4[%add3A_130, %dma_wait3A_156] : memref<16384x64xf32, #tpu.memory_space<hbm>> -> memref<32x64xf32, #tpu.memory_space<hbm>>
        tpu.wait_dma2 semaphore(%run_scoped3A_150 : memref<!tpu.dma_semaphore, #tpu.memory_space<semaphore_mem>>) src(%arg7 : memref<32x64xf32, #tpu.memory_space<vmem>>) dst(%dma_wait3A_157 : memref<32x64xf32, #tpu.memory_space<hbm>>)
        tpu.yield
      }) : () -> ()
      %add3A_131 = arith.constant 1 : i32
      %add3A_132 = arith.addi %add3A_116, %add3A_131 : i32
      %add3A_133 = arith.constant 1 : i32
      %add3A_134 = arith.addi %add3A_132, %add3A_133 : i32
      %lt3A_135 = arith.constant 16 : i32
      %lt3A_136 = arith.cmpi slt, %add3A_134, %lt3A_135 : i32
      %convert_element_type3A_137 = arith.extui %lt3A_136 : i1 to i32
      %cond3A_138 = arith.constant 0 : i32
      %cond3A_139 = arith.cmpi ne, %convert_element_type3A_137, %cond3A_138 : i32
      scf.if %cond3A_139 {
        %add3A_150 = arith.constant 1 : i32
        %add3A_151 = arith.addi %add3A_132, %add3A_150 : i32
        %mul3A_152 = arith.constant 512 : i32
        %mul3A_153 = arith.muli %add3A, %mul3A_152 : i32
        %mul3A_154 = arith.constant 32 : i32
        %mul3A_155 = arith.muli %add3A_151, %mul3A_154 : i32
        %add3A_156 = arith.addi %mul3A_153, %mul3A_155 : i32
        %dma_start3A_157 = arith.constant 0 : i32
        %dma_start3A_158 = arith.constant 0 : i32
        %dma_start3A_159 = arith.constant 0 : i32
        %dma_start3A_160 = tpu.memref_slice %arg5[%dma_start3A_157, %dma_start3A_158, %dma_start3A_159] : memref<2x32x200xi32, #tpu.memory_space<vmem>> -> memref<1x32x200xi32, #tpu.memory_space<vmem>>
        %dma_start3A_161 = tpu.memref_squeeze %dma_start3A_160 : memref<1x32x200xi32, #tpu.memory_space<vmem>> -> memref<32x200xi32, #tpu.memory_space<vmem>>
        %dma_start3A_162 = arith.constant 0 : i32
        %dma_start3A_163 = tpu.memref_slice %arg2[%add3A_156, %dma_start3A_162] : memref<16384x200xi32, #tpu.memory_space<hbm>> -> memref<32x200xi32, #tpu.memory_space<hbm>>
        %dma_start3A_164 = arith.constant 0 : i32
        %dma_start3A_165 = arith.constant 0 : i32
        %dma_start3A_166 = tpu.memref_slice %arg5[%dma_start3A_157, %dma_start3A_164, %dma_start3A_165] : memref<2x32x200xi32, #tpu.memory_space<vmem>> -> memref<1x32x200xi32, #tpu.memory_space<vmem>>
        %dma_start3A_167 = tpu.memref_squeeze %dma_start3A_166 : memref<1x32x200xi32, #tpu.memory_space<vmem>> -> memref<32x200xi32, #tpu.memory_space<vmem>>
        %dma_start3A_168 = arith.constant 0 : i32
        %dma_start3A_169 = tpu.memref_slice %arg2[%add3A_156, %dma_start3A_168] : memref<16384x200xi32, #tpu.memory_space<hbm>> -> memref<32x200xi32, #tpu.memory_space<hbm>>
        tpu.enqueue_dma source(%dma_start3A_169 : memref<32x200xi32, #tpu.memory_space<hbm>>) target(%dma_start3A_167 : memref<32x200xi32, #tpu.memory_space<vmem>>) target_semaphore(%arg10 : memref<!tpu.dma_semaphore, #tpu.memory_space<semaphore_mem>>)
      } else {
      }
      %scan3A_140 = arith.constant 0 : i32
      %scan3A_141 = arith.constant 4 : i32
      %scan3A_142 = arith.addi %scan3A_140, %scan3A_141 : i32
      %scan3A_143 = arith.constant 1 : i32
      scf.for %scan3A_150 = %scan3A_140 to %scan3A_142 step %scan3A_143  : i32 {
        %mul3A_151 = arith.constant 2 : i32
        %mul3A_152 = arith.muli %scan3A_150, %mul3A_151 : i32
        %add3A_153 = arith.constant 0 : i32
        %add3A_154 = arith.addi %add3A_153, %mul3A_152 : i32
        %add3A_155 = arith.constant 1 : i32
        %add3A_156 = arith.addi %add3A_154, %add3A_155 : i32
        %mul3A_157 = arith.constant 4 : i32
        %mul3A_158 = arith.muli %add3A_156, %mul3A_157 : i32
        %add3A_159 = arith.constant 0 : i32
        %add3A_160 = arith.addi %mul3A_158, %add3A_159 : i32
        %dma_start3A_161 = arith.constant 1 : i32
        %dma_start3A_162 = arith.constant 1 : i32
        %dma_start3A_163 = arith.constant 0 : i32
        %dma_start3A_164 = arith.constant 0 : i32
        %dma_start3A_165 = tpu.memref_slice %arg6[%dma_start3A_162, %dma_start3A_163, %dma_start3A_164] : memref<2x800x64xf32, #tpu.memory_space<vmem>> -> memref<1x104x64xf32, #tpu.memory_space<vmem>>
        %dma_start3A_166 = tpu.memref_squeeze %dma_start3A_165 : memref<1x104x64xf32, #tpu.memory_space<vmem>> -> memref<104x64xf32, #tpu.memory_space<vmem>>
        %dma_start3A_167 = arith.constant 0 : i32
        %dma_start3A_168 = tpu.memref_slice %arg5[%dma_start3A_161, %add3A_160, %dma_start3A_167] : memref<2x32x200xi32, #tpu.memory_space<vmem>> -> memref<1x1x104xi32, #tpu.memory_space<vmem>>
        %dma_start3A_169 = tpu.memref_squeeze %dma_start3A_168 : memref<1x1x104xi32, #tpu.memory_space<vmem>> -> memref<104xi32, #tpu.memory_space<vmem>>
        %dma_start3A_170 = arith.constant 0 : i32
        %dma_start3A_171 = arith.constant 0 : i32
        %dma_start3A_172 = tpu.memref_slice %arg3[%dma_start3A_170, %dma_start3A_171] : memref<100000x64xf32, #tpu.memory_space<hbm>> -> memref<100000x64xf32, #tpu.memory_space<hbm>>
        tpu.enqueue_indirect_dma source(%dma_start3A_172 : memref<100000x64xf32, #tpu.memory_space<hbm>>) target(%dma_start3A_166 : memref<104x64xf32, #tpu.memory_space<vmem>>) offsets(%dma_start3A_169 : memref<104xi32, #tpu.memory_space<vmem>>) semaphore(%arg9 : memref<!tpu.dma_semaphore, #tpu.memory_space<semaphore_mem>>)
        %mul3A_173 = arith.constant 4 : i32
        %mul3A_174 = arith.muli %add3A_156, %mul3A_173 : i32
        %add3A_175 = arith.constant 0 : i32
        %add3A_176 = arith.addi %mul3A_174, %add3A_175 : i32
        %dma_start3A_177 = arith.constant 1 : i32
        %dma_start3A_178 = arith.constant 1 : i32
        %dma_start3A_179 = arith.constant 104 : i32
        %dma_start3A_180 = arith.constant 0 : i32
        %dma_start3A_181 = tpu.memref_slice %arg6[%dma_start3A_178, %dma_start3A_179, %dma_start3A_180] : memref<2x800x64xf32, #tpu.memory_space<vmem>> -> memref<1x96x64xf32, #tpu.memory_space<vmem>>
        %dma_start3A_182 = tpu.memref_squeeze %dma_start3A_181 : memref<1x96x64xf32, #tpu.memory_space<vmem>> -> memref<96x64xf32, #tpu.memory_space<vmem>>
        %dma_start3A_183 = arith.constant 104 : i32
        %dma_start3A_184 = tpu.memref_slice %arg5[%dma_start3A_177, %add3A_176, %dma_start3A_183] : memref<2x32x200xi32, #tpu.memory_space<vmem>> -> memref<1x1x96xi32, #tpu.memory_space<vmem>>
        %dma_start3A_185 = tpu.memref_squeeze %dma_start3A_184 : memref<1x1x96xi32, #tpu.memory_space<vmem>> -> memref<96xi32, #tpu.memory_space<vmem>>
        %dma_start3A_186 = arith.constant 0 : i32
        %dma_start3A_187 = arith.constant 0 : i32
        %dma_start3A_188 = tpu.memref_slice %arg3[%dma_start3A_186, %dma_start3A_187] : memref<100000x64xf32, #tpu.memory_space<hbm>> -> memref<100000x64xf32, #tpu.memory_space<hbm>>
        tpu.enqueue_indirect_dma source(%dma_start3A_188 : memref<100000x64xf32, #tpu.memory_space<hbm>>) target(%dma_start3A_182 : memref<96x64xf32, #tpu.memory_space<vmem>>) offsets(%dma_start3A_185 : memref<96xi32, #tpu.memory_space<vmem>>) semaphore(%arg9 : memref<!tpu.dma_semaphore, #tpu.memory_space<semaphore_mem>>)
        %mul3A_189 = arith.constant 4 : i32
        %mul3A_190 = arith.muli %add3A_156, %mul3A_189 : i32
        %add3A_191 = arith.constant 1 : i32
        %add3A_192 = arith.addi %mul3A_190, %add3A_191 : i32
        %dma_start3A_193 = arith.constant 1 : i32
        %dma_start3A_194 = arith.constant 1 : i32
        %dma_start3A_195 = arith.constant 200 : i32
        %dma_start3A_196 = arith.constant 0 : i32
        %dma_start3A_197 = tpu.memref_slice %arg6[%dma_start3A_194, %dma_start3A_195, %dma_start3A_196] : memref<2x800x64xf32, #tpu.memory_space<vmem>> -> memref<1x104x64xf32, #tpu.memory_space<vmem>>
        %dma_start3A_198 = tpu.memref_squeeze %dma_start3A_197 : memref<1x104x64xf32, #tpu.memory_space<vmem>> -> memref<104x64xf32, #tpu.memory_space<vmem>>
        %dma_start3A_199 = arith.constant 0 : i32
        %dma_start3A_200 = tpu.memref_slice %arg5[%dma_start3A_193, %add3A_192, %dma_start3A_199] : memref<2x32x200xi32, #tpu.memory_space<vmem>> -> memref<1x1x104xi32, #tpu.memory_space<vmem>>
        %dma_start3A_201 = tpu.memref_squeeze %dma_start3A_200 : memref<1x1x104xi32, #tpu.memory_space<vmem>> -> memref<104xi32, #tpu.memory_space<vmem>>
        %dma_start3A_202 = arith.constant 0 : i32
        %dma_start3A_203 = arith.constant 0 : i32
        %dma_start3A_204 = tpu.memref_slice %arg3[%dma_start3A_202, %dma_start3A_203] : memref<100000x64xf32, #tpu.memory_space<hbm>> -> memref<100000x64xf32, #tpu.memory_space<hbm>>
        tpu.enqueue_indirect_dma source(%dma_start3A_204 : memref<100000x64xf32, #tpu.memory_space<hbm>>) target(%dma_start3A_198 : memref<104x64xf32, #tpu.memory_space<vmem>>) offsets(%dma_start3A_201 : memref<104xi32, #tpu.memory_space<vmem>>) semaphore(%arg9 : memref<!tpu.dma_semaphore, #tpu.memory_space<semaphore_mem>>)
        %mul3A_205 = arith.constant 4 : i32
        %mul3A_206 = arith.muli %add3A_156, %mul3A_205 : i32
        %add3A_207 = arith.constant 1 : i32
        %add3A_208 = arith.addi %mul3A_206, %add3A_207 : i32
        %dma_start3A_209 = arith.constant 1 : i32
        %dma_start3A_210 = arith.constant 1 : i32
        %dma_start3A_211 = arith.constant 304 : i32
        %dma_start3A_212 = arith.constant 0 : i32
        %dma_start3A_213 = tpu.memref_slice %arg6[%dma_start3A_210, %dma_start3A_211, %dma_start3A_212] : memref<2x800x64xf32, #tpu.memory_space<vmem>> -> memref<1x96x64xf32, #tpu.memory_space<vmem>>
        %dma_start3A_214 = tpu.memref_squeeze %dma_start3A_213 : memref<1x96x64xf32, #tpu.memory_space<vmem>> -> memref<96x64xf32, #tpu.memory_space<vmem>>
        %dma_start3A_215 = arith.constant 104 : i32
        %dma_start3A_216 = tpu.memref_slice %arg5[%dma_start3A_209, %add3A_208, %dma_start3A_215] : memref<2x32x200xi32, #tpu.memory_space<vmem>> -> memref<1x1x96xi32, #tpu.memory_space<vmem>>
        %dma_start3A_217 = tpu.memref_squeeze %dma_start3A_216 : memref<1x1x96xi32, #tpu.memory_space<vmem>> -> memref<96xi32, #tpu.memory_space<vmem>>
        %dma_start3A_218 = arith.constant 0 : i32
        %dma_start3A_219 = arith.constant 0 : i32
        %dma_start3A_220 = tpu.memref_slice %arg3[%dma_start3A_218, %dma_start3A_219] : memref<100000x64xf32, #tpu.memory_space<hbm>> -> memref<100000x64xf32, #tpu.memory_space<hbm>>
        tpu.enqueue_indirect_dma source(%dma_start3A_220 : memref<100000x64xf32, #tpu.memory_space<hbm>>) target(%dma_start3A_214 : memref<96x64xf32, #tpu.memory_space<vmem>>) offsets(%dma_start3A_217 : memref<96xi32, #tpu.memory_space<vmem>>) semaphore(%arg9 : memref<!tpu.dma_semaphore, #tpu.memory_space<semaphore_mem>>)
        %mul3A_221 = arith.constant 4 : i32
        %mul3A_222 = arith.muli %add3A_156, %mul3A_221 : i32
        %add3A_223 = arith.constant 2 : i32
        %add3A_224 = arith.addi %mul3A_222, %add3A_223 : i32
        %dma_start3A_225 = arith.constant 1 : i32
        %dma_start3A_226 = arith.constant 1 : i32
        %dma_start3A_227 = arith.constant 400 : i32
        %dma_start3A_228 = arith.constant 0 : i32
        %dma_start3A_229 = tpu.memref_slice %arg6[%dma_start3A_226, %dma_start3A_227, %dma_start3A_228] : memref<2x800x64xf32, #tpu.memory_space<vmem>> -> memref<1x104x64xf32, #tpu.memory_space<vmem>>
        %dma_start3A_230 = tpu.memref_squeeze %dma_start3A_229 : memref<1x104x64xf32, #tpu.memory_space<vmem>> -> memref<104x64xf32, #tpu.memory_space<vmem>>
        %dma_start3A_231 = arith.constant 0 : i32
        %dma_start3A_232 = tpu.memref_slice %arg5[%dma_start3A_225, %add3A_224, %dma_start3A_231] : memref<2x32x200xi32, #tpu.memory_space<vmem>> -> memref<1x1x104xi32, #tpu.memory_space<vmem>>
        %dma_start3A_233 = tpu.memref_squeeze %dma_start3A_232 : memref<1x1x104xi32, #tpu.memory_space<vmem>> -> memref<104xi32, #tpu.memory_space<vmem>>
        %dma_start3A_234 = arith.constant 0 : i32
        %dma_start3A_235 = arith.constant 0 : i32
        %dma_start3A_236 = tpu.memref_slice %arg3[%dma_start3A_234, %dma_start3A_235] : memref<100000x64xf32, #tpu.memory_space<hbm>> -> memref<100000x64xf32, #tpu.memory_space<hbm>>
        tpu.enqueue_indirect_dma source(%dma_start3A_236 : memref<100000x64xf32, #tpu.memory_space<hbm>>) target(%dma_start3A_230 : memref<104x64xf32, #tpu.memory_space<vmem>>) offsets(%dma_start3A_233 : memref<104xi32, #tpu.memory_space<vmem>>) semaphore(%arg9 : memref<!tpu.dma_semaphore, #tpu.memory_space<semaphore_mem>>)
        %mul3A_237 = arith.constant 4 : i32
        %mul3A_238 = arith.muli %add3A_156, %mul3A_237 : i32
        %add3A_239 = arith.constant 2 : i32
        %add3A_240 = arith.addi %mul3A_238, %add3A_239 : i32
        %dma_start3A_241 = arith.constant 1 : i32
        %dma_start3A_242 = arith.constant 1 : i32
        %dma_start3A_243 = arith.constant 504 : i32
        %dma_start3A_244 = arith.constant 0 : i32
        %dma_start3A_245 = tpu.memref_slice %arg6[%dma_start3A_242, %dma_start3A_243, %dma_start3A_244] : memref<2x800x64xf32, #tpu.memory_space<vmem>> -> memref<1x96x64xf32, #tpu.memory_space<vmem>>
        %dma_start3A_246 = tpu.memref_squeeze %dma_start3A_245 : memref<1x96x64xf32, #tpu.memory_space<vmem>> -> memref<96x64xf32, #tpu.memory_space<vmem>>
        %dma_start3A_247 = arith.constant 104 : i32
        %dma_start3A_248 = tpu.memref_slice %arg5[%dma_start3A_241, %add3A_240, %dma_start3A_247] : memref<2x32x200xi32, #tpu.memory_space<vmem>> -> memref<1x1x96xi32, #tpu.memory_space<vmem>>
        %dma_start3A_249 = tpu.memref_squeeze %dma_start3A_248 : memref<1x1x96xi32, #tpu.memory_space<vmem>> -> memref<96xi32, #tpu.memory_space<vmem>>
        %dma_start3A_250 = arith.constant 0 : i32
        %dma_start3A_251 = arith.constant 0 : i32
        %dma_start3A_252 = tpu.memref_slice %arg3[%dma_start3A_250, %dma_start3A_251] : memref<100000x64xf32, #tpu.memory_space<hbm>> -> memref<100000x64xf32, #tpu.memory_space<hbm>>
        tpu.enqueue_indirect_dma source(%dma_start3A_252 : memref<100000x64xf32, #tpu.memory_space<hbm>>) target(%dma_start3A_246 : memref<96x64xf32, #tpu.memory_space<vmem>>) offsets(%dma_start3A_249 : memref<96xi32, #tpu.memory_space<vmem>>) semaphore(%arg9 : memref<!tpu.dma_semaphore, #tpu.memory_space<semaphore_mem>>)
        %mul3A_253 = arith.constant 4 : i32
        %mul3A_254 = arith.muli %add3A_156, %mul3A_253 : i32
        %add3A_255 = arith.constant 3 : i32
        %add3A_256 = arith.addi %mul3A_254, %add3A_255 : i32
        %dma_start3A_257 = arith.constant 1 : i32
        %dma_start3A_258 = arith.constant 1 : i32
        %dma_start3A_259 = arith.constant 600 : i32
        %dma_start3A_260 = arith.constant 0 : i32
        %dma_start3A_261 = tpu.memref_slice %arg6[%dma_start3A_258, %dma_start3A_259, %dma_start3A_260] : memref<2x800x64xf32, #tpu.memory_space<vmem>> -> memref<1x104x64xf32, #tpu.memory_space<vmem>>
        %dma_start3A_262 = tpu.memref_squeeze %dma_start3A_261 : memref<1x104x64xf32, #tpu.memory_space<vmem>> -> memref<104x64xf32, #tpu.memory_space<vmem>>
        %dma_start3A_263 = arith.constant 0 : i32
        %dma_start3A_264 = tpu.memref_slice %arg5[%dma_start3A_257, %add3A_256, %dma_start3A_263] : memref<2x32x200xi32, #tpu.memory_space<vmem>> -> memref<1x1x104xi32, #tpu.memory_space<vmem>>
        %dma_start3A_265 = tpu.memref_squeeze %dma_start3A_264 : memref<1x1x104xi32, #tpu.memory_space<vmem>> -> memref<104xi32, #tpu.memory_space<vmem>>
        %dma_start3A_266 = arith.constant 0 : i32
        %dma_start3A_267 = arith.constant 0 : i32
        %dma_start3A_268 = tpu.memref_slice %arg3[%dma_start3A_266, %dma_start3A_267] : memref<100000x64xf32, #tpu.memory_space<hbm>> -> memref<100000x64xf32, #tpu.memory_space<hbm>>
        tpu.enqueue_indirect_dma source(%dma_start3A_268 : memref<100000x64xf32, #tpu.memory_space<hbm>>) target(%dma_start3A_262 : memref<104x64xf32, #tpu.memory_space<vmem>>) offsets(%dma_start3A_265 : memref<104xi32, #tpu.memory_space<vmem>>) semaphore(%arg9 : memref<!tpu.dma_semaphore, #tpu.memory_space<semaphore_mem>>)
        %mul3A_269 = arith.constant 4 : i32
        %mul3A_270 = arith.muli %add3A_156, %mul3A_269 : i32
        %add3A_271 = arith.constant 3 : i32
        %add3A_272 = arith.addi %mul3A_270, %add3A_271 : i32
        %dma_start3A_273 = arith.constant 1 : i32
        %dma_start3A_274 = arith.constant 1 : i32
        %dma_start3A_275 = arith.constant 704 : i32
        %dma_start3A_276 = arith.constant 0 : i32
        %dma_start3A_277 = tpu.memref_slice %arg6[%dma_start3A_274, %dma_start3A_275, %dma_start3A_276] : memref<2x800x64xf32, #tpu.memory_space<vmem>> -> memref<1x96x64xf32, #tpu.memory_space<vmem>>
        %dma_start3A_278 = tpu.memref_squeeze %dma_start3A_277 : memref<1x96x64xf32, #tpu.memory_space<vmem>> -> memref<96x64xf32, #tpu.memory_space<vmem>>
        %dma_start3A_279 = arith.constant 104 : i32
        %dma_start3A_280 = tpu.memref_slice %arg5[%dma_start3A_273, %add3A_272, %dma_start3A_279] : memref<2x32x200xi32, #tpu.memory_space<vmem>> -> memref<1x1x96xi32, #tpu.memory_space<vmem>>
        %dma_start3A_281 = tpu.memref_squeeze %dma_start3A_280 : memref<1x1x96xi32, #tpu.memory_space<vmem>> -> memref<96xi32, #tpu.memory_space<vmem>>
        %dma_start3A_282 = arith.constant 0 : i32
        %dma_start3A_283 = arith.constant 0 : i32
        %dma_start3A_284 = tpu.memref_slice %arg3[%dma_start3A_282, %dma_start3A_283] : memref<100000x64xf32, #tpu.memory_space<hbm>> -> memref<100000x64xf32, #tpu.memory_space<hbm>>
        tpu.enqueue_indirect_dma source(%dma_start3A_284 : memref<100000x64xf32, #tpu.memory_space<hbm>>) target(%dma_start3A_278 : memref<96x64xf32, #tpu.memory_space<vmem>>) offsets(%dma_start3A_281 : memref<96xi32, #tpu.memory_space<vmem>>) semaphore(%arg9 : memref<!tpu.dma_semaphore, #tpu.memory_space<semaphore_mem>>)
        %mul3A_285 = arith.constant 4 : i32
        %mul3A_286 = arith.muli %add3A_154, %mul3A_285 : i32
        %add3A_287 = arith.constant 0 : i32
        %add3A_288 = arith.addi %mul3A_286, %add3A_287 : i32
        %dma_wait3A = arith.constant 1 : i32
        %dma_wait3A_289 = arith.constant 0 : i32
        %dma_wait3A_290 = arith.constant 0 : i32
        %dma_wait3A_291 = arith.constant 0 : i32
        %dma_wait3A_292 = tpu.memref_slice %arg6[%dma_wait3A_289, %dma_wait3A_290, %dma_wait3A_291] : memref<2x800x64xf32, #tpu.memory_space<vmem>> -> memref<1x104x64xf32, #tpu.memory_space<vmem>>
        %dma_wait3A_293 = tpu.memref_squeeze %dma_wait3A_292 : memref<1x104x64xf32, #tpu.memory_space<vmem>> -> memref<104x64xf32, #tpu.memory_space<vmem>>
        %dma_wait3A_294 = arith.constant 0 : i32
        %dma_wait3A_295 = tpu.memref_slice %arg5[%dma_wait3A, %add3A_288, %dma_wait3A_294] : memref<2x32x200xi32, #tpu.memory_space<vmem>> -> memref<1x1x104xi32, #tpu.memory_space<vmem>>
        %dma_wait3A_296 = tpu.memref_squeeze %dma_wait3A_295 : memref<1x1x104xi32, #tpu.memory_space<vmem>> -> memref<104xi32, #tpu.memory_space<vmem>>
        %dma_wait3A_297 = arith.constant 0 : i32
        %dma_wait3A_298 = arith.constant 0 : i32
        %dma_wait3A_299 = tpu.memref_slice %arg3[%dma_wait3A_297, %dma_wait3A_298] : memref<100000x64xf32, #tpu.memory_space<hbm>> -> memref<100000x64xf32, #tpu.memory_space<hbm>>
        tpu.wait_indirect_dma semaphore(%arg8 : memref<!tpu.dma_semaphore, #tpu.memory_space<semaphore_mem>>) src(%dma_wait3A_299 : memref<100000x64xf32, #tpu.memory_space<hbm>>) dst(%dma_wait3A_293 : memref<104x64xf32, #tpu.memory_space<vmem>>)
        %mul3A_300 = arith.constant 4 : i32
        %mul3A_301 = arith.muli %add3A_154, %mul3A_300 : i32
        %add3A_302 = arith.constant 0 : i32
        %add3A_303 = arith.addi %mul3A_301, %add3A_302 : i32
        %dma_wait3A_304 = arith.constant 1 : i32
        %dma_wait3A_305 = arith.constant 0 : i32
        %dma_wait3A_306 = arith.constant 104 : i32
        %dma_wait3A_307 = arith.constant 0 : i32
        %dma_wait3A_308 = tpu.memref_slice %arg6[%dma_wait3A_305, %dma_wait3A_306, %dma_wait3A_307] : memref<2x800x64xf32, #tpu.memory_space<vmem>> -> memref<1x96x64xf32, #tpu.memory_space<vmem>>
        %dma_wait3A_309 = tpu.memref_squeeze %dma_wait3A_308 : memref<1x96x64xf32, #tpu.memory_space<vmem>> -> memref<96x64xf32, #tpu.memory_space<vmem>>
        %dma_wait3A_310 = arith.constant 104 : i32
        %dma_wait3A_311 = tpu.memref_slice %arg5[%dma_wait3A_304, %add3A_303, %dma_wait3A_310] : memref<2x32x200xi32, #tpu.memory_space<vmem>> -> memref<1x1x96xi32, #tpu.memory_space<vmem>>
        %dma_wait3A_312 = tpu.memref_squeeze %dma_wait3A_311 : memref<1x1x96xi32, #tpu.memory_space<vmem>> -> memref<96xi32, #tpu.memory_space<vmem>>
        %dma_wait3A_313 = arith.constant 0 : i32
        %dma_wait3A_314 = arith.constant 0 : i32
        %dma_wait3A_315 = tpu.memref_slice %arg3[%dma_wait3A_313, %dma_wait3A_314] : memref<100000x64xf32, #tpu.memory_space<hbm>> -> memref<100000x64xf32, #tpu.memory_space<hbm>>
        tpu.wait_indirect_dma semaphore(%arg8 : memref<!tpu.dma_semaphore, #tpu.memory_space<semaphore_mem>>) src(%dma_wait3A_315 : memref<100000x64xf32, #tpu.memory_space<hbm>>) dst(%dma_wait3A_309 : memref<96x64xf32, #tpu.memory_space<vmem>>)
        %mul3A_316 = arith.constant 4 : i32
        %mul3A_317 = arith.muli %add3A_154, %mul3A_316 : i32
        %add3A_318 = arith.constant 1 : i32
        %add3A_319 = arith.addi %mul3A_317, %add3A_318 : i32
        %dma_wait3A_320 = arith.constant 1 : i32
        %dma_wait3A_321 = arith.constant 0 : i32
        %dma_wait3A_322 = arith.constant 200 : i32
        %dma_wait3A_323 = arith.constant 0 : i32
        %dma_wait3A_324 = tpu.memref_slice %arg6[%dma_wait3A_321, %dma_wait3A_322, %dma_wait3A_323] : memref<2x800x64xf32, #tpu.memory_space<vmem>> -> memref<1x104x64xf32, #tpu.memory_space<vmem>>
        %dma_wait3A_325 = tpu.memref_squeeze %dma_wait3A_324 : memref<1x104x64xf32, #tpu.memory_space<vmem>> -> memref<104x64xf32, #tpu.memory_space<vmem>>
        %dma_wait3A_326 = arith.constant 0 : i32
        %dma_wait3A_327 = tpu.memref_slice %arg5[%dma_wait3A_320, %add3A_319, %dma_wait3A_326] : memref<2x32x200xi32, #tpu.memory_space<vmem>> -> memref<1x1x104xi32, #tpu.memory_space<vmem>>
        %dma_wait3A_328 = tpu.memref_squeeze %dma_wait3A_327 : memref<1x1x104xi32, #tpu.memory_space<vmem>> -> memref<104xi32, #tpu.memory_space<vmem>>
        %dma_wait3A_329 = arith.constant 0 : i32
        %dma_wait3A_330 = arith.constant 0 : i32
        %dma_wait3A_331 = tpu.memref_slice %arg3[%dma_wait3A_329, %dma_wait3A_330] : memref<100000x64xf32, #tpu.memory_space<hbm>> -> memref<100000x64xf32, #tpu.memory_space<hbm>>
        tpu.wait_indirect_dma semaphore(%arg8 : memref<!tpu.dma_semaphore, #tpu.memory_space<semaphore_mem>>) src(%dma_wait3A_331 : memref<100000x64xf32, #tpu.memory_space<hbm>>) dst(%dma_wait3A_325 : memref<104x64xf32, #tpu.memory_space<vmem>>)
        %mul3A_332 = arith.constant 4 : i32
        %mul3A_333 = arith.muli %add3A_154, %mul3A_332 : i32
        %add3A_334 = arith.constant 1 : i32
        %add3A_335 = arith.addi %mul3A_333, %add3A_334 : i32
        %dma_wait3A_336 = arith.constant 1 : i32
        %dma_wait3A_337 = arith.constant 0 : i32
        %dma_wait3A_338 = arith.constant 304 : i32
        %dma_wait3A_339 = arith.constant 0 : i32
        %dma_wait3A_340 = tpu.memref_slice %arg6[%dma_wait3A_337, %dma_wait3A_338, %dma_wait3A_339] : memref<2x800x64xf32, #tpu.memory_space<vmem>> -> memref<1x96x64xf32, #tpu.memory_space<vmem>>
        %dma_wait3A_341 = tpu.memref_squeeze %dma_wait3A_340 : memref<1x96x64xf32, #tpu.memory_space<vmem>> -> memref<96x64xf32, #tpu.memory_space<vmem>>
        %dma_wait3A_342 = arith.constant 104 : i32
        %dma_wait3A_343 = tpu.memref_slice %arg5[%dma_wait3A_336, %add3A_335, %dma_wait3A_342] : memref<2x32x200xi32, #tpu.memory_space<vmem>> -> memref<1x1x96xi32, #tpu.memory_space<vmem>>
        %dma_wait3A_344 = tpu.memref_squeeze %dma_wait3A_343 : memref<1x1x96xi32, #tpu.memory_space<vmem>> -> memref<96xi32, #tpu.memory_space<vmem>>
        %dma_wait3A_345 = arith.constant 0 : i32
        %dma_wait3A_346 = arith.constant 0 : i32
        %dma_wait3A_347 = tpu.memref_slice %arg3[%dma_wait3A_345, %dma_wait3A_346] : memref<100000x64xf32, #tpu.memory_space<hbm>> -> memref<100000x64xf32, #tpu.memory_space<hbm>>
        tpu.wait_indirect_dma semaphore(%arg8 : memref<!tpu.dma_semaphore, #tpu.memory_space<semaphore_mem>>) src(%dma_wait3A_347 : memref<100000x64xf32, #tpu.memory_space<hbm>>) dst(%dma_wait3A_341 : memref<96x64xf32, #tpu.memory_space<vmem>>)
        %mul3A_348 = arith.constant 4 : i32
        %mul3A_349 = arith.muli %add3A_154, %mul3A_348 : i32
        %add3A_350 = arith.constant 2 : i32
        %add3A_351 = arith.addi %mul3A_349, %add3A_350 : i32
        %dma_wait3A_352 = arith.constant 1 : i32
        %dma_wait3A_353 = arith.constant 0 : i32
        %dma_wait3A_354 = arith.constant 400 : i32
        %dma_wait3A_355 = arith.constant 0 : i32
        %dma_wait3A_356 = tpu.memref_slice %arg6[%dma_wait3A_353, %dma_wait3A_354, %dma_wait3A_355] : memref<2x800x64xf32, #tpu.memory_space<vmem>> -> memref<1x104x64xf32, #tpu.memory_space<vmem>>
        %dma_wait3A_357 = tpu.memref_squeeze %dma_wait3A_356 : memref<1x104x64xf32, #tpu.memory_space<vmem>> -> memref<104x64xf32, #tpu.memory_space<vmem>>
        %dma_wait3A_358 = arith.constant 0 : i32
        %dma_wait3A_359 = tpu.memref_slice %arg5[%dma_wait3A_352, %add3A_351, %dma_wait3A_358] : memref<2x32x200xi32, #tpu.memory_space<vmem>> -> memref<1x1x104xi32, #tpu.memory_space<vmem>>
        %dma_wait3A_360 = tpu.memref_squeeze %dma_wait3A_359 : memref<1x1x104xi32, #tpu.memory_space<vmem>> -> memref<104xi32, #tpu.memory_space<vmem>>
        %dma_wait3A_361 = arith.constant 0 : i32
        %dma_wait3A_362 = arith.constant 0 : i32
        %dma_wait3A_363 = tpu.memref_slice %arg3[%dma_wait3A_361, %dma_wait3A_362] : memref<100000x64xf32, #tpu.memory_space<hbm>> -> memref<100000x64xf32, #tpu.memory_space<hbm>>
        tpu.wait_indirect_dma semaphore(%arg8 : memref<!tpu.dma_semaphore, #tpu.memory_space<semaphore_mem>>) src(%dma_wait3A_363 : memref<100000x64xf32, #tpu.memory_space<hbm>>) dst(%dma_wait3A_357 : memref<104x64xf32, #tpu.memory_space<vmem>>)
        %mul3A_364 = arith.constant 4 : i32
        %mul3A_365 = arith.muli %add3A_154, %mul3A_364 : i32
        %add3A_366 = arith.constant 2 : i32
        %add3A_367 = arith.addi %mul3A_365, %add3A_366 : i32
        %dma_wait3A_368 = arith.constant 1 : i32
        %dma_wait3A_369 = arith.constant 0 : i32
        %dma_wait3A_370 = arith.constant 504 : i32
        %dma_wait3A_371 = arith.constant 0 : i32
        %dma_wait3A_372 = tpu.memref_slice %arg6[%dma_wait3A_369, %dma_wait3A_370, %dma_wait3A_371] : memref<2x800x64xf32, #tpu.memory_space<vmem>> -> memref<1x96x64xf32, #tpu.memory_space<vmem>>
        %dma_wait3A_373 = tpu.memref_squeeze %dma_wait3A_372 : memref<1x96x64xf32, #tpu.memory_space<vmem>> -> memref<96x64xf32, #tpu.memory_space<vmem>>
        %dma_wait3A_374 = arith.constant 104 : i32
        %dma_wait3A_375 = tpu.memref_slice %arg5[%dma_wait3A_368, %add3A_367, %dma_wait3A_374] : memref<2x32x200xi32, #tpu.memory_space<vmem>> -> memref<1x1x96xi32, #tpu.memory_space<vmem>>
        %dma_wait3A_376 = tpu.memref_squeeze %dma_wait3A_375 : memref<1x1x96xi32, #tpu.memory_space<vmem>> -> memref<96xi32, #tpu.memory_space<vmem>>
        %dma_wait3A_377 = arith.constant 0 : i32
        %dma_wait3A_378 = arith.constant 0 : i32
        %dma_wait3A_379 = tpu.memref_slice %arg3[%dma_wait3A_377, %dma_wait3A_378] : memref<100000x64xf32, #tpu.memory_space<hbm>> -> memref<100000x64xf32, #tpu.memory_space<hbm>>
        tpu.wait_indirect_dma semaphore(%arg8 : memref<!tpu.dma_semaphore, #tpu.memory_space<semaphore_mem>>) src(%dma_wait3A_379 : memref<100000x64xf32, #tpu.memory_space<hbm>>) dst(%dma_wait3A_373 : memref<96x64xf32, #tpu.memory_space<vmem>>)
        %mul3A_380 = arith.constant 4 : i32
        %mul3A_381 = arith.muli %add3A_154, %mul3A_380 : i32
        %add3A_382 = arith.constant 3 : i32
        %add3A_383 = arith.addi %mul3A_381, %add3A_382 : i32
        %dma_wait3A_384 = arith.constant 1 : i32
        %dma_wait3A_385 = arith.constant 0 : i32
        %dma_wait3A_386 = arith.constant 600 : i32
        %dma_wait3A_387 = arith.constant 0 : i32
        %dma_wait3A_388 = tpu.memref_slice %arg6[%dma_wait3A_385, %dma_wait3A_386, %dma_wait3A_387] : memref<2x800x64xf32, #tpu.memory_space<vmem>> -> memref<1x104x64xf32, #tpu.memory_space<vmem>>
        %dma_wait3A_389 = tpu.memref_squeeze %dma_wait3A_388 : memref<1x104x64xf32, #tpu.memory_space<vmem>> -> memref<104x64xf32, #tpu.memory_space<vmem>>
        %dma_wait3A_390 = arith.constant 0 : i32
        %dma_wait3A_391 = tpu.memref_slice %arg5[%dma_wait3A_384, %add3A_383, %dma_wait3A_390] : memref<2x32x200xi32, #tpu.memory_space<vmem>> -> memref<1x1x104xi32, #tpu.memory_space<vmem>>
        %dma_wait3A_392 = tpu.memref_squeeze %dma_wait3A_391 : memref<1x1x104xi32, #tpu.memory_space<vmem>> -> memref<104xi32, #tpu.memory_space<vmem>>
        %dma_wait3A_393 = arith.constant 0 : i32
        %dma_wait3A_394 = arith.constant 0 : i32
        %dma_wait3A_395 = tpu.memref_slice %arg3[%dma_wait3A_393, %dma_wait3A_394] : memref<100000x64xf32, #tpu.memory_space<hbm>> -> memref<100000x64xf32, #tpu.memory_space<hbm>>
        tpu.wait_indirect_dma semaphore(%arg8 : memref<!tpu.dma_semaphore, #tpu.memory_space<semaphore_mem>>) src(%dma_wait3A_395 : memref<100000x64xf32, #tpu.memory_space<hbm>>) dst(%dma_wait3A_389 : memref<104x64xf32, #tpu.memory_space<vmem>>)
        %mul3A_396 = arith.constant 4 : i32
        %mul3A_397 = arith.muli %add3A_154, %mul3A_396 : i32
        %add3A_398 = arith.constant 3 : i32
        %add3A_399 = arith.addi %mul3A_397, %add3A_398 : i32
        %dma_wait3A_400 = arith.constant 1 : i32
        %dma_wait3A_401 = arith.constant 0 : i32
        %dma_wait3A_402 = arith.constant 704 : i32
        %dma_wait3A_403 = arith.constant 0 : i32
        %dma_wait3A_404 = tpu.memref_slice %arg6[%dma_wait3A_401, %dma_wait3A_402, %dma_wait3A_403] : memref<2x800x64xf32, #tpu.memory_space<vmem>> -> memref<1x96x64xf32, #tpu.memory_space<vmem>>
        %dma_wait3A_405 = tpu.memref_squeeze %dma_wait3A_404 : memref<1x96x64xf32, #tpu.memory_space<vmem>> -> memref<96x64xf32, #tpu.memory_space<vmem>>
        %dma_wait3A_406 = arith.constant 104 : i32
        %dma_wait3A_407 = tpu.memref_slice %arg5[%dma_wait3A_400, %add3A_399, %dma_wait3A_406] : memref<2x32x200xi32, #tpu.memory_space<vmem>> -> memref<1x1x96xi32, #tpu.memory_space<vmem>>
        %dma_wait3A_408 = tpu.memref_squeeze %dma_wait3A_407 : memref<1x1x96xi32, #tpu.memory_space<vmem>> -> memref<96xi32, #tpu.memory_space<vmem>>
        %dma_wait3A_409 = arith.constant 0 : i32
        %dma_wait3A_410 = arith.constant 0 : i32
        %dma_wait3A_411 = tpu.memref_slice %arg3[%dma_wait3A_409, %dma_wait3A_410] : memref<100000x64xf32, #tpu.memory_space<hbm>> -> memref<100000x64xf32, #tpu.memory_space<hbm>>
        tpu.wait_indirect_dma semaphore(%arg8 : memref<!tpu.dma_semaphore, #tpu.memory_space<semaphore_mem>>) src(%dma_wait3A_411 : memref<100000x64xf32, #tpu.memory_space<hbm>>) dst(%dma_wait3A_405 : memref<96x64xf32, #tpu.memory_space<vmem>>)
        %scan3A_412 = arith.constant 0 : i32
        %scan3A_413 = arith.constant 4 : i32
        %scan3A_414 = arith.addi %scan3A_412, %scan3A_413 : i32
        %scan3A_415 = arith.constant 1 : i32
        scf.for %scan3A_571 = %scan3A_412 to %scan3A_414 step %scan3A_415  : i32 {
          %mul3A_572 = arith.constant 1 : i32
          %mul3A_573 = arith.muli %scan3A_571, %mul3A_572 : i32
          %add3A_574 = arith.constant 0 : i32
          %add3A_575 = arith.addi %add3A_574, %mul3A_573 : i32
          %broadcast_in_dim3A = arith.constant 0.000000e+00 : f32
          %broadcast_in_dim3A_576 = vector.broadcast %broadcast_in_dim3A : f32 to vector<16xf32>
          %broadcast_in_dim3A_577 = arith.constant 0.000000e+00 : f32
          %broadcast_in_dim3A_578 = vector.broadcast %broadcast_in_dim3A_577 : f32 to vector<16xf32>
          %broadcast_in_dim3A_579 = arith.constant 0.000000e+00 : f32
          %broadcast_in_dim3A_580 = vector.broadcast %broadcast_in_dim3A_579 : f32 to vector<16xf32>
          %broadcast_in_dim3A_581 = arith.constant 0.000000e+00 : f32
          %broadcast_in_dim3A_582 = vector.broadcast %broadcast_in_dim3A_581 : f32 to vector<16xf32>
          %scan3A_583 = arith.constant 0 : i32
          %scan3A_584 = arith.constant 200 : i32
          %scan3A_585 = arith.addi %scan3A_583, %scan3A_584 : i32
          %scan3A_586 = arith.constant 8 : i32
          %scan3A_587:4 = scf.for %scan3A_620 = %scan3A_583 to %scan3A_585 step %scan3A_586 iter_args(%scan3A_621 = %broadcast_in_dim3A_576, %scan3A_622 = %broadcast_in_dim3A_578, %scan3A_623 = %broadcast_in_dim3A_580, %scan3A_624 = %broadcast_in_dim3A_582) -> (vector<16xf32>, vector<16xf32>, vector<16xf32>, vector<16xf32>)  : i32 {
            %mul3A_625 = arith.constant 200 : i32
            %mul3A_626 = arith.muli %add3A_575, %mul3A_625 : i32
            %add3A_627 = arith.addi %mul3A_626, %scan3A_620 : i32
            %get3A = arith.constant 0 : i32
            %get3A_628 = arith.index_cast %get3A : i32 to index
            %get3A_629 = arith.index_cast %add3A_627 : i32 to index
            %get3A_630 = arith.constant 0 : index
            %get3A_631 = tpu.vector_load %arg6[%get3A_628, %get3A_629, %get3A_630] {strides = array<i32>} : memref<2x800x64xf32, #tpu.memory_space<vmem>>, vector<1x1x16xf32>,
            %get3A_632 = vector.shape_cast %get3A_631 : vector<1x1x16xf32> to vector<16xf32>
            %add3A_633 = arith.addf %scan3A_621, %get3A_632 : vector<16xf32>
            %mul3A_634 = arith.constant 200 : i32
            %mul3A_635 = arith.muli %add3A_575, %mul3A_634 : i32
            %add3A_636 = arith.addi %mul3A_635, %scan3A_620 : i32
            %get3A_637 = arith.constant 0 : i32
            %get3A_638 = arith.index_cast %get3A_637 : i32 to index
            %get3A_639 = arith.index_cast %add3A_636 : i32 to index
            %get3A_640 = arith.constant 16 : index
            %get3A_641 = tpu.vector_load %arg6[%get3A_638, %get3A_639, %get3A_640] {strides = array<i32>} : memref<2x800x64xf32, #tpu.memory_space<vmem>>, vector<1x1x16xf32>,
            %get3A_642 = vector.shape_cast %get3A_641 : vector<1x1x16xf32> to vector<16xf32>
            %add3A_643 = arith.addf %scan3A_622, %get3A_642 : vector<16xf32>
            %mul3A_644 = arith.constant 200 : i32
            %mul3A_645 = arith.muli %add3A_575, %mul3A_644 : i32
            %add3A_646 = arith.addi %mul3A_645, %scan3A_620 : i32
            %get3A_647 = arith.constant 0 : i32
            %get3A_648 = arith.index_cast %get3A_647 : i32 to index
            %get3A_649 = arith.index_cast %add3A_646 : i32 to index
            %get3A_650 = arith.constant 32 : index
            %get3A_651 = tpu.vector_load %arg6[%get3A_648, %get3A_649, %get3A_650] {strides = array<i32>} : memref<2x800x64xf32, #tpu.memory_space<vmem>>, vector<1x1x16xf32>,
            %get3A_652 = vector.shape_cast %get3A_651 : vector<1x1x16xf32> to vector<16xf32>
            %add3A_653 = arith.addf %scan3A_623, %get3A_652 : vector<16xf32>
            %mul3A_654 = arith.constant 200 : i32
            %mul3A_655 = arith.muli %add3A_575, %mul3A_654 : i32
            %add3A_656 = arith.addi %mul3A_655, %scan3A_620 : i32
            %get3A_657 = arith.constant 0 : i32
            %get3A_658 = arith.index_cast %get3A_657 : i32 to index
            %get3A_659 = arith.index_cast %add3A_656 : i32 to index
            %get3A_660 = arith.constant 48 : index
            %get3A_661 = tpu.vector_load %arg6[%get3A_658, %get3A_659, %get3A_660] {strides = array<i32>} : memref<2x800x64xf32, #tpu.memory_space<vmem>>, vector<1x1x16xf32>,
            %get3A_662 = vector.shape_cast %get3A_661 : vector<1x1x16xf32> to vector<16xf32>
            %add3A_663 = arith.addf %scan3A_624, %get3A_662 : vector<16xf32>
            %scan3A_664 = arith.constant 1 : i32
            %scan3A_665 = arith.addi %scan3A_620, %scan3A_664 : i32
            %mul3A_666 = arith.constant 200 : i32
            %mul3A_667 = arith.muli %add3A_575, %mul3A_666 : i32
            %add3A_668 = arith.addi %mul3A_667, %scan3A_665 : i32
            %get3A_669 = arith.constant 0 : i32
            %get3A_670 = arith.index_cast %get3A_669 : i32 to index
            %get3A_671 = arith.index_cast %add3A_668 : i32 to index
            %get3A_672 = arith.constant 0 : index
            %get3A_673 = tpu.vector_load %arg6[%get3A_670, %get3A_671, %get3A_672] {strides = array<i32>} : memref<2x800x64xf32, #tpu.memory_space<vmem>>, vector<1x1x16xf32>,
            %get3A_674 = vector.shape_cast %get3A_673 : vector<1x1x16xf32> to vector<16xf32>
            %add3A_675 = arith.addf %add3A_633, %get3A_674 : vector<16xf32>
            %mul3A_676 = arith.constant 200 : i32
            %mul3A_677 = arith.muli %add3A_575, %mul3A_676 : i32
            %add3A_678 = arith.addi %mul3A_677, %scan3A_665 : i32
            %get3A_679 = arith.constant 0 : i32
            %get3A_680 = arith.index_cast %get3A_679 : i32 to index
            %get3A_681 = arith.index_cast %add3A_678 : i32 to index
            %get3A_682 = arith.constant 16 : index
            %get3A_683 = tpu.vector_load %arg6[%get3A_680, %get3A_681, %get3A_682] {strides = array<i32>} : memref<2x800x64xf32, #tpu.memory_space<vmem>>, vector<1x1x16xf32>,
            %get3A_684 = vector.shape_cast %get3A_683 : vector<1x1x16xf32> to vector<16xf32>
            %add3A_685 = arith.addf %add3A_643, %get3A_684 : vector<16xf32>
            %mul3A_686 = arith.constant 200 : i32
            %mul3A_687 = arith.muli %add3A_575, %mul3A_686 : i32
            %add3A_688 = arith.addi %mul3A_687, %scan3A_665 : i32
            %get3A_689 = arith.constant 0 : i32
            %get3A_690 = arith.index_cast %get3A_689 : i32 to index
            %get3A_691 = arith.index_cast %add3A_688 : i32 to index
            %get3A_692 = arith.constant 32 : index
            %get3A_693 = tpu.vector_load %arg6[%get3A_690, %get3A_691, %get3A_692] {strides = array<i32>} : memref<2x800x64xf32, #tpu.memory_space<vmem>>, vector<1x1x16xf32>,
            %get3A_694 = vector.shape_cast %get3A_693 : vector<1x1x16xf32> to vector<16xf32>
            %add3A_695 = arith.addf %add3A_653, %get3A_694 : vector<16xf32>
            %mul3A_696 = arith.constant 200 : i32
            %mul3A_697 = arith.muli %add3A_575, %mul3A_696 : i32
            %add3A_698 = arith.addi %mul3A_697, %scan3A_665 : i32
            %get3A_699 = arith.constant 0 : i32
            %get3A_700 = arith.index_cast %get3A_699 : i32 to index
            %get3A_701 = arith.index_cast %add3A_698 : i32 to index
            %get3A_702 = arith.constant 48 : index
            %get3A_703 = tpu.vector_load %arg6[%get3A_700, %get3A_701, %get3A_702] {strides = array<i32>} : memref<2x800x64xf32, #tpu.memory_space<vmem>>, vector<1x1x16xf32>,
            %get3A_704 = vector.shape_cast %get3A_703 : vector<1x1x16xf32> to vector<16xf32>
            %add3A_705 = arith.addf %add3A_663, %get3A_704 : vector<16xf32>
            %scan3A_706 = arith.constant 2 : i32
            %scan3A_707 = arith.addi %scan3A_620, %scan3A_706 : i32
            %mul3A_708 = arith.constant 200 : i32
            %mul3A_709 = arith.muli %add3A_575, %mul3A_708 : i32
            %add3A_710 = arith.addi %mul3A_709, %scan3A_707 : i32
            %get3A_711 = arith.constant 0 : i32
            %get3A_712 = arith.index_cast %get3A_711 : i32 to index
            %get3A_713 = arith.index_cast %add3A_710 : i32 to index
            %get3A_714 = arith.constant 0 : index
            %get3A_715 = tpu.vector_load %arg6[%get3A_712, %get3A_713, %get3A_714] {strides = array<i32>} : memref<2x800x64xf32, #tpu.memory_space<vmem>>, vector<1x1x16xf32>,
            %get3A_716 = vector.shape_cast %get3A_715 : vector<1x1x16xf32> to vector<16xf32>
            %add3A_717 = arith.addf %add3A_675, %get3A_716 : vector<16xf32>
            %mul3A_718 = arith.constant 200 : i32
            %mul3A_719 = arith.muli %add3A_575, %mul3A_718 : i32
            %add3A_720 = arith.addi %mul3A_719, %scan3A_707 : i32
            %get3A_721 = arith.constant 0 : i32
            %get3A_722 = arith.index_cast %get3A_721 : i32 to index
            %get3A_723 = arith.index_cast %add3A_720 : i32 to index
            %get3A_724 = arith.constant 16 : index
            %get3A_725 = tpu.vector_load %arg6[%get3A_722, %get3A_723, %get3A_724] {strides = array<i32>} : memref<2x800x64xf32, #tpu.memory_space<vmem>>, vector<1x1x16xf32>,
            %get3A_726 = vector.shape_cast %get3A_725 : vector<1x1x16xf32> to vector<16xf32>
            %add3A_727 = arith.addf %add3A_685, %get3A_726 : vector<16xf32>
            %mul3A_728 = arith.constant 200 : i32
            %mul3A_729 = arith.muli %add3A_575, %mul3A_728 : i32
            %add3A_730 = arith.addi %mul3A_729, %scan3A_707 : i32
            %get3A_731 = arith.constant 0 : i32
            %get3A_732 = arith.index_cast %get3A_731 : i32 to index
            %get3A_733 = arith.index_cast %add3A_730 : i32 to index
            %get3A_734 = arith.constant 32 : index
            %get3A_735 = tpu.vector_load %arg6[%get3A_732, %get3A_733, %get3A_734] {strides = array<i32>} : memref<2x800x64xf32, #tpu.memory_space<vmem>>, vector<1x1x16xf32>,
            %get3A_736 = vector.shape_cast %get3A_735 : vector<1x1x16xf32> to vector<16xf32>
            %add3A_737 = arith.addf %add3A_695, %get3A_736 : vector<16xf32>
            %mul3A_738 = arith.constant 200 : i32
            %mul3A_739 = arith.muli %add3A_575, %mul3A_738 : i32
            %add3A_740 = arith.addi %mul3A_739, %scan3A_707 : i32
            %get3A_741 = arith.constant 0 : i32
            %get3A_742 = arith.index_cast %get3A_741 : i32 to index
            %get3A_743 = arith.index_cast %add3A_740 : i32 to index
            %get3A_744 = arith.constant 48 : index
            %get3A_745 = tpu.vector_load %arg6[%get3A_742, %get3A_743, %get3A_744] {strides = array<i32>} : memref<2x800x64xf32, #tpu.memory_space<vmem>>, vector<1x1x16xf32>,
            %get3A_746 = vector.shape_cast %get3A_745 : vector<1x1x16xf32> to vector<16xf32>
            %add3A_747 = arith.addf %add3A_705, %get3A_746 : vector<16xf32>
            %scan3A_748 = arith.constant 3 : i32
            %scan3A_749 = arith.addi %scan3A_620, %scan3A_748 : i32
            %mul3A_750 = arith.constant 200 : i32
            %mul3A_751 = arith.muli %add3A_575, %mul3A_750 : i32
            %add3A_752 = arith.addi %mul3A_751, %scan3A_749 : i32
            %get3A_753 = arith.constant 0 : i32
            %get3A_754 = arith.index_cast %get3A_753 : i32 to index
            %get3A_755 = arith.index_cast %add3A_752 : i32 to index
            %get3A_756 = arith.constant 0 : index
            %get3A_757 = tpu.vector_load %arg6[%get3A_754, %get3A_755, %get3A_756] {strides = array<i32>} : memref<2x800x64xf32, #tpu.memory_space<vmem>>, vector<1x1x16xf32>,
            %get3A_758 = vector.shape_cast %get3A_757 : vector<1x1x16xf32> to vector<16xf32>
            %add3A_759 = arith.addf %add3A_717, %get3A_758 : vector<16xf32>
            %mul3A_760 = arith.constant 200 : i32
            %mul3A_761 = arith.muli %add3A_575, %mul3A_760 : i32
            %add3A_762 = arith.addi %mul3A_761, %scan3A_749 : i32
            %get3A_763 = arith.constant 0 : i32
            %get3A_764 = arith.index_cast %get3A_763 : i32 to index
            %get3A_765 = arith.index_cast %add3A_762 : i32 to index
            %get3A_766 = arith.constant 16 : index
            %get3A_767 = tpu.vector_load %arg6[%get3A_764, %get3A_765, %get3A_766] {strides = array<i32>} : memref<2x800x64xf32, #tpu.memory_space<vmem>>, vector<1x1x16xf32>,
            %get3A_768 = vector.shape_cast %get3A_767 : vector<1x1x16xf32> to vector<16xf32>
            %add3A_769 = arith.addf %add3A_727, %get3A_768 : vector<16xf32>
            %mul3A_770 = arith.constant 200 : i32
            %mul3A_771 = arith.muli %add3A_575, %mul3A_770 : i32
            %add3A_772 = arith.addi %mul3A_771, %scan3A_749 : i32
            %get3A_773 = arith.constant 0 : i32
            %get3A_774 = arith.index_cast %get3A_773 : i32 to index
            %get3A_775 = arith.index_cast %add3A_772 : i32 to index
            %get3A_776 = arith.constant 32 : index
            %get3A_777 = tpu.vector_load %arg6[%get3A_774, %get3A_775, %get3A_776] {strides = array<i32>} : memref<2x800x64xf32, #tpu.memory_space<vmem>>, vector<1x1x16xf32>,
            %get3A_778 = vector.shape_cast %get3A_777 : vector<1x1x16xf32> to vector<16xf32>
            %add3A_779 = arith.addf %add3A_737, %get3A_778 : vector<16xf32>
            %mul3A_780 = arith.constant 200 : i32
            %mul3A_781 = arith.muli %add3A_575, %mul3A_780 : i32
            %add3A_782 = arith.addi %mul3A_781, %scan3A_749 : i32
            %get3A_783 = arith.constant 0 : i32
            %get3A_784 = arith.index_cast %get3A_783 : i32 to index
            %get3A_785 = arith.index_cast %add3A_782 : i32 to index
            %get3A_786 = arith.constant 48 : index
            %get3A_787 = tpu.vector_load %arg6[%get3A_784, %get3A_785, %get3A_786] {strides = array<i32>} : memref<2x800x64xf32, #tpu.memory_space<vmem>>, vector<1x1x16xf32>,
            %get3A_788 = vector.shape_cast %get3A_787 : vector<1x1x16xf32> to vector<16xf32>
            %add3A_789 = arith.addf %add3A_747, %get3A_788 : vector<16xf32>
            %scan3A_790 = arith.constant 4 : i32
            %scan3A_791 = arith.addi %scan3A_620, %scan3A_790 : i32
            %mul3A_792 = arith.constant 200 : i32
            %mul3A_793 = arith.muli %add3A_575, %mul3A_792 : i32
            %add3A_794 = arith.addi %mul3A_793, %scan3A_791 : i32
            %get3A_795 = arith.constant 0 : i32
            %get3A_796 = arith.index_cast %get3A_795 : i32 to index
            %get3A_797 = arith.index_cast %add3A_794 : i32 to index
            %get3A_798 = arith.constant 0 : index
            %get3A_799 = tpu.vector_load %arg6[%get3A_796, %get3A_797, %get3A_798] {strides = array<i32>} : memref<2x800x64xf32, #tpu.memory_space<vmem>>, vector<1x1x16xf32>,
            %get3A_800 = vector.shape_cast %get3A_799 : vector<1x1x16xf32> to vector<16xf32>
            %add3A_801 = arith.addf %add3A_759, %get3A_800 : vector<16xf32>
            %mul3A_802 = arith.constant 200 : i32
            %mul3A_803 = arith.muli %add3A_575, %mul3A_802 : i32
            %add3A_804 = arith.addi %mul3A_803, %scan3A_791 : i32
            %get3A_805 = arith.constant 0 : i32
            %get3A_806 = arith.index_cast %get3A_805 : i32 to index
            %get3A_807 = arith.index_cast %add3A_804 : i32 to index
            %get3A_808 = arith.constant 16 : index
            %get3A_809 = tpu.vector_load %arg6[%get3A_806, %get3A_807, %get3A_808] {strides = array<i32>} : memref<2x800x64xf32, #tpu.memory_space<vmem>>, vector<1x1x16xf32>,
            %get3A_810 = vector.shape_cast %get3A_809 : vector<1x1x16xf32> to vector<16xf32>
            %add3A_811 = arith.addf %add3A_769, %get3A_810 : vector<16xf32>
            %mul3A_812 = arith.constant 200 : i32
            %mul3A_813 = arith.muli %add3A_575, %mul3A_812 : i32
            %add3A_814 = arith.addi %mul3A_813, %scan3A_791 : i32
            %get3A_815 = arith.constant 0 : i32
            %get3A_816 = arith.index_cast %get3A_815 : i32 to index
            %get3A_817 = arith.index_cast %add3A_814 : i32 to index
            %get3A_818 = arith.constant 32 : index
            %get3A_819 = tpu.vector_load %arg6[%get3A_816, %get3A_817, %get3A_818] {strides = array<i32>} : memref<2x800x64xf32, #tpu.memory_space<vmem>>, vector<1x1x16xf32>,
            %get3A_820 = vector.shape_cast %get3A_819 : vector<1x1x16xf32> to vector<16xf32>
            %add3A_821 = arith.addf %add3A_779, %get3A_820 : vector<16xf32>
            %mul3A_822 = arith.constant 200 : i32
            %mul3A_823 = arith.muli %add3A_575, %mul3A_822 : i32
            %add3A_824 = arith.addi %mul3A_823, %scan3A_791 : i32
            %get3A_825 = arith.constant 0 : i32
            %get3A_826 = arith.index_cast %get3A_825 : i32 to index
            %get3A_827 = arith.index_cast %add3A_824 : i32 to index
            %get3A_828 = arith.constant 48 : index
            %get3A_829 = tpu.vector_load %arg6[%get3A_826, %get3A_827, %get3A_828] {strides = array<i32>} : memref<2x800x64xf32, #tpu.memory_space<vmem>>, vector<1x1x16xf32>,
            %get3A_830 = vector.shape_cast %get3A_829 : vector<1x1x16xf32> to vector<16xf32>
            %add3A_831 = arith.addf %add3A_789, %get3A_830 : vector<16xf32>
            %scan3A_832 = arith.constant 5 : i32
            %scan3A_833 = arith.addi %scan3A_620, %scan3A_832 : i32
            %mul3A_834 = arith.constant 200 : i32
            %mul3A_835 = arith.muli %add3A_575, %mul3A_834 : i32
            %add3A_836 = arith.addi %mul3A_835, %scan3A_833 : i32
            %get3A_837 = arith.constant 0 : i32
            %get3A_838 = arith.index_cast %get3A_837 : i32 to index
            %get3A_839 = arith.index_cast %add3A_836 : i32 to index
            %get3A_840 = arith.constant 0 : index
            %get3A_841 = tpu.vector_load %arg6[%get3A_838, %get3A_839, %get3A_840] {strides = array<i32>} : memref<2x800x64xf32, #tpu.memory_space<vmem>>, vector<1x1x16xf32>,
            %get3A_842 = vector.shape_cast %get3A_841 : vector<1x1x16xf32> to vector<16xf32>
            %add3A_843 = arith.addf %add3A_801, %get3A_842 : vector<16xf32>
            %mul3A_844 = arith.constant 200 : i32
            %mul3A_845 = arith.muli %add3A_575, %mul3A_844 : i32
            %add3A_846 = arith.addi %mul3A_845, %scan3A_833 : i32
            %get3A_847 = arith.constant 0 : i32
            %get3A_848 = arith.index_cast %get3A_847 : i32 to index
            %get3A_849 = arith.index_cast %add3A_846 : i32 to index
            %get3A_850 = arith.constant 16 : index
            %get3A_851 = tpu.vector_load %arg6[%get3A_848, %get3A_849, %get3A_850] {strides = array<i32>} : memref<2x800x64xf32, #tpu.memory_space<vmem>>, vector<1x1x16xf32>,
            %get3A_852 = vector.shape_cast %get3A_851 : vector<1x1x16xf32> to vector<16xf32>
            %add3A_853 = arith.addf %add3A_811, %get3A_852 : vector<16xf32>
            %mul3A_854 = arith.constant 200 : i32
            %mul3A_855 = arith.muli %add3A_575, %mul3A_854 : i32
            %add3A_856 = arith.addi %mul3A_855, %scan3A_833 : i32
            %get3A_857 = arith.constant 0 : i32
            %get3A_858 = arith.index_cast %get3A_857 : i32 to index
            %get3A_859 = arith.index_cast %add3A_856 : i32 to index
            %get3A_860 = arith.constant 32 : index
            %get3A_861 = tpu.vector_load %arg6[%get3A_858, %get3A_859, %get3A_860] {strides = array<i32>} : memref<2x800x64xf32, #tpu.memory_space<vmem>>, vector<1x1x16xf32>,
            %get3A_862 = vector.shape_cast %get3A_861 : vector<1x1x16xf32> to vector<16xf32>
            %add3A_863 = arith.addf %add3A_821, %get3A_862 : vector<16xf32>
            %mul3A_864 = arith.constant 200 : i32
            %mul3A_865 = arith.muli %add3A_575, %mul3A_864 : i32
            %add3A_866 = arith.addi %mul3A_865, %scan3A_833 : i32
            %get3A_867 = arith.constant 0 : i32
            %get3A_868 = arith.index_cast %get3A_867 : i32 to index
            %get3A_869 = arith.index_cast %add3A_866 : i32 to index
            %get3A_870 = arith.constant 48 : index
            %get3A_871 = tpu.vector_load %arg6[%get3A_868, %get3A_869, %get3A_870] {strides = array<i32>} : memref<2x800x64xf32, #tpu.memory_space<vmem>>, vector<1x1x16xf32>,
            %get3A_872 = vector.shape_cast %get3A_871 : vector<1x1x16xf32> to vector<16xf32>
            %add3A_873 = arith.addf %add3A_831, %get3A_872 : vector<16xf32>
            %scan3A_874 = arith.constant 6 : i32
            %scan3A_875 = arith.addi %scan3A_620, %scan3A_874 : i32
            %mul3A_876 = arith.constant 200 : i32
            %mul3A_877 = arith.muli %add3A_575, %mul3A_876 : i32
            %add3A_878 = arith.addi %mul3A_877, %scan3A_875 : i32
            %get3A_879 = arith.constant 0 : i32
            %get3A_880 = arith.index_cast %get3A_879 : i32 to index
            %get3A_881 = arith.index_cast %add3A_878 : i32 to index
            %get3A_882 = arith.constant 0 : index
            %get3A_883 = tpu.vector_load %arg6[%get3A_880, %get3A_881, %get3A_882] {strides = array<i32>} : memref<2x800x64xf32, #tpu.memory_space<vmem>>, vector<1x1x16xf32>,
            %get3A_884 = vector.shape_cast %get3A_883 : vector<1x1x16xf32> to vector<16xf32>
            %add3A_885 = arith.addf %add3A_843, %get3A_884 : vector<16xf32>
            %mul3A_886 = arith.constant 200 : i32
            %mul3A_887 = arith.muli %add3A_575, %mul3A_886 : i32
            %add3A_888 = arith.addi %mul3A_887, %scan3A_875 : i32
            %get3A_889 = arith.constant 0 : i32
            %get3A_890 = arith.index_cast %get3A_889 : i32 to index
            %get3A_891 = arith.index_cast %add3A_888 : i32 to index
            %get3A_892 = arith.constant 16 : index
            %get3A_893 = tpu.vector_load %arg6[%get3A_890, %get3A_891, %get3A_892] {strides = array<i32>} : memref<2x800x64xf32, #tpu.memory_space<vmem>>, vector<1x1x16xf32>,
            %get3A_894 = vector.shape_cast %get3A_893 : vector<1x1x16xf32> to vector<16xf32>
            %add3A_895 = arith.addf %add3A_853, %get3A_894 : vector<16xf32>
            %mul3A_896 = arith.constant 200 : i32
            %mul3A_897 = arith.muli %add3A_575, %mul3A_896 : i32
            %add3A_898 = arith.addi %mul3A_897, %scan3A_875 : i32
            %get3A_899 = arith.constant 0 : i32
            %get3A_900 = arith.index_cast %get3A_899 : i32 to index
            %get3A_901 = arith.index_cast %add3A_898 : i32 to index
            %get3A_902 = arith.constant 32 : index
            %get3A_903 = tpu.vector_load %arg6[%get3A_900, %get3A_901, %get3A_902] {strides = array<i32>} : memref<2x800x64xf32, #tpu.memory_space<vmem>>, vector<1x1x16xf32>,
            %get3A_904 = vector.shape_cast %get3A_903 : vector<1x1x16xf32> to vector<16xf32>
            %add3A_905 = arith.addf %add3A_863, %get3A_904 : vector<16xf32>
            %mul3A_906 = arith.constant 200 : i32
            %mul3A_907 = arith.muli %add3A_575, %mul3A_906 : i32
            %add3A_908 = arith.addi %mul3A_907, %scan3A_875 : i32
            %get3A_909 = arith.constant 0 : i32
            %get3A_910 = arith.index_cast %get3A_909 : i32 to index
            %get3A_911 = arith.index_cast %add3A_908 : i32 to index
            %get3A_912 = arith.constant 48 : index
            %get3A_913 = tpu.vector_load %arg6[%get3A_910, %get3A_911, %get3A_912] {strides = array<i32>} : memref<2x800x64xf32, #tpu.memory_space<vmem>>, vector<1x1x16xf32>,
            %get3A_914 = vector.shape_cast %get3A_913 : vector<1x1x16xf32> to vector<16xf32>
            %add3A_915 = arith.addf %add3A_873, %get3A_914 : vector<16xf32>
            %scan3A_916 = arith.constant 7 : i32
            %scan3A_917 = arith.addi %scan3A_620, %scan3A_916 : i32
            %mul3A_918 = arith.constant 200 : i32
            %mul3A_919 = arith.muli %add3A_575, %mul3A_918 : i32
            %add3A_920 = arith.addi %mul3A_919, %scan3A_917 : i32
            %get3A_921 = arith.constant 0 : i32
            %get3A_922 = arith.index_cast %get3A_921 : i32 to index
            %get3A_923 = arith.index_cast %add3A_920 : i32 to index
            %get3A_924 = arith.constant 0 : index
            %get3A_925 = tpu.vector_load %arg6[%get3A_922, %get3A_923, %get3A_924] {strides = array<i32>} : memref<2x800x64xf32, #tpu.memory_space<vmem>>, vector<1x1x16xf32>,
            %get3A_926 = vector.shape_cast %get3A_925 : vector<1x1x16xf32> to vector<16xf32>
            %add3A_927 = arith.addf %add3A_885, %get3A_926 : vector<16xf32>
            %mul3A_928 = arith.constant 200 : i32
            %mul3A_929 = arith.muli %add3A_575, %mul3A_928 : i32
            %add3A_930 = arith.addi %mul3A_929, %scan3A_917 : i32
            %get3A_931 = arith.constant 0 : i32
            %get3A_932 = arith.index_cast %get3A_931 : i32 to index
            %get3A_933 = arith.index_cast %add3A_930 : i32 to index
            %get3A_934 = arith.constant 16 : index
            %get3A_935 = tpu.vector_load %arg6[%get3A_932, %get3A_933, %get3A_934] {strides = array<i32>} : memref<2x800x64xf32, #tpu.memory_space<vmem>>, vector<1x1x16xf32>,
            %get3A_936 = vector.shape_cast %get3A_935 : vector<1x1x16xf32> to vector<16xf32>
            %add3A_937 = arith.addf %add3A_895, %get3A_936 : vector<16xf32>
            %mul3A_938 = arith.constant 200 : i32
            %mul3A_939 = arith.muli %add3A_575, %mul3A_938 : i32
            %add3A_940 = arith.addi %mul3A_939, %scan3A_917 : i32
            %get3A_941 = arith.constant 0 : i32
            %get3A_942 = arith.index_cast %get3A_941 : i32 to index
            %get3A_943 = arith.index_cast %add3A_940 : i32 to index
            %get3A_944 = arith.constant 32 : index
            %get3A_945 = tpu.vector_load %arg6[%get3A_942, %get3A_943, %get3A_944] {strides = array<i32>} : memref<2x800x64xf32, #tpu.memory_space<vmem>>, vector<1x1x16xf32>,
            %get3A_946 = vector.shape_cast %get3A_945 : vector<1x1x16xf32> to vector<16xf32>
            %add3A_947 = arith.addf %add3A_905, %get3A_946 : vector<16xf32>
            %mul3A_948 = arith.constant 200 : i32
            %mul3A_949 = arith.muli %add3A_575, %mul3A_948 : i32
            %add3A_950 = arith.addi %mul3A_949, %scan3A_917 : i32
            %get3A_951 = arith.constant 0 : i32
            %get3A_952 = arith.index_cast %get3A_951 : i32 to index
            %get3A_953 = arith.index_cast %add3A_950 : i32 to index
            %get3A_954 = arith.constant 48 : index
            %get3A_955 = tpu.vector_load %arg6[%get3A_952, %get3A_953, %get3A_954] {strides = array<i32>} : memref<2x800x64xf32, #tpu.memory_space<vmem>>, vector<1x1x16xf32>,
            %get3A_956 = vector.shape_cast %get3A_955 : vector<1x1x16xf32> to vector<16xf32>
            %add3A_957 = arith.addf %add3A_915, %get3A_956 : vector<16xf32>
            scf.yield %add3A_927, %add3A_937, %add3A_947, %add3A_957 : vector<16xf32>, vector<16xf32>, vector<16xf32>, vector<16xf32>
          }
          %scan3A_588 = arith.constant 200 : i32
          %mul3A_589 = arith.constant 4 : i32
          %mul3A_590 = arith.muli %add3A_154, %mul3A_589 : i32
          %add3A_591 = arith.addi %mul3A_590, %add3A_575 : i32
          %swap3A = arith.index_cast %add3A_591 : i32 to index
          %swap3A_592 = arith.constant 0 : index
          %swap3A_593 = tpu.vector_load %arg7[%swap3A, %swap3A_592] {strides = array<i32>} : memref<32x64xf32, #tpu.memory_space<vmem>>, vector<1x16xf32>,
          %swap3A_594 = vector.shape_cast %swap3A_593 : vector<1x16xf32> to vector<16xf32>
          %swap3A_595 = vector.shape_cast %scan3A_587#0 : vector<16xf32> to vector<1x16xf32>
          tpu.vector_store %arg7[%swap3A, %swap3A_592], %swap3A_595 {strides = array<i32>} : memref<32x64xf32, #tpu.memory_space<vmem>>, vector<1x16xf32>,
          %mul3A_596 = arith.constant 4 : i32
          %mul3A_597 = arith.muli %add3A_154, %mul3A_596 : i32
          %add3A_598 = arith.addi %mul3A_597, %add3A_575 : i32
          %swap3A_599 = arith.index_cast %add3A_598 : i32 to index
          %swap3A_600 = arith.constant 16 : index
          %swap3A_601 = tpu.vector_load %arg7[%swap3A_599, %swap3A_600] {strides = array<i32>} : memref<32x64xf32, #tpu.memory_space<vmem>>, vector<1x16xf32>,
          %swap3A_602 = vector.shape_cast %swap3A_601 : vector<1x16xf32> to vector<16xf32>
          %swap3A_603 = vector.shape_cast %scan3A_587#1 : vector<16xf32> to vector<1x16xf32>
          tpu.vector_store %arg7[%swap3A_599, %swap3A_600], %swap3A_603 {strides = array<i32>} : memref<32x64xf32, #tpu.memory_space<vmem>>, vector<1x16xf32>,
          %mul3A_604 = arith.constant 4 : i32
          %mul3A_605 = arith.muli %add3A_154, %mul3A_604 : i32
          %add3A_606 = arith.addi %mul3A_605, %add3A_575 : i32
          %swap3A_607 = arith.index_cast %add3A_606 : i32 to index
          %swap3A_608 = arith.constant 32 : index
          %swap3A_609 = tpu.vector_load %arg7[%swap3A_607, %swap3A_608] {strides = array<i32>} : memref<32x64xf32, #tpu.memory_space<vmem>>, vector<1x16xf32>,
          %swap3A_610 = vector.shape_cast %swap3A_609 : vector<1x16xf32> to vector<16xf32>
          %swap3A_611 = vector.shape_cast %scan3A_587#2 : vector<16xf32> to vector<1x16xf32>
          tpu.vector_store %arg7[%swap3A_607, %swap3A_608], %swap3A_611 {strides = array<i32>} : memref<32x64xf32, #tpu.memory_space<vmem>>, vector<1x16xf32>,
          %mul3A_612 = arith.constant 4 : i32
          %mul3A_613 = arith.muli %add3A_154, %mul3A_612 : i32
          %add3A_614 = arith.addi %mul3A_613, %add3A_575 : i32
          %swap3A_615 = arith.index_cast %add3A_614 : i32 to index
          %swap3A_616 = arith.constant 48 : index
          %swap3A_617 = tpu.vector_load %arg7[%swap3A_615, %swap3A_616] {strides = array<i32>} : memref<32x64xf32, #tpu.memory_space<vmem>>, vector<1x16xf32>,
          %swap3A_618 = vector.shape_cast %swap3A_617 : vector<1x16xf32> to vector<16xf32>
          %swap3A_619 = vector.shape_cast %scan3A_587#3 : vector<16xf32> to vector<1x16xf32>
          tpu.vector_store %arg7[%swap3A_615, %swap3A_616], %swap3A_619 {strides = array<i32>} : memref<32x64xf32, #tpu.memory_space<vmem>>, vector<1x16xf32>,
        }
        %scan3A_416 = arith.constant 4 : i32
        %add3A_417 = arith.constant 2 : i32
        %add3A_418 = arith.addi %add3A_154, %add3A_417 : i32
        %lt3A_419 = arith.constant 8 : i32
        %lt3A_420 = arith.cmpi slt, %add3A_418, %lt3A_419 : i32
        %convert_element_type3A_421 = arith.extui %lt3A_420 : i1 to i32
        %cond3A_422 = arith.constant 0 : i32
        %cond3A_423 = arith.cmpi ne, %convert_element_type3A_421, %cond3A_422 : i32
        scf.if %cond3A_423 {
          %add3A_571 = arith.constant 2 : i32
          %add3A_572 = arith.addi %add3A_154, %add3A_571 : i32
          %mul3A_573 = arith.constant 4 : i32
          %mul3A_574 = arith.muli %add3A_572, %mul3A_573 : i32
          %add3A_575 = arith.constant 0 : i32
          %add3A_576 = arith.addi %mul3A_574, %add3A_575 : i32
          %dma_start3A_577 = arith.constant 1 : i32
          %dma_start3A_578 = arith.constant 0 : i32
          %dma_start3A_579 = arith.constant 0 : i32
          %dma_start3A_580 = arith.constant 0 : i32
          %dma_start3A_581 = tpu.memref_slice %arg6[%dma_start3A_578, %dma_start3A_579, %dma_start3A_580] : memref<2x800x64xf32, #tpu.memory_space<vmem>> -> memref<1x104x64xf32, #tpu.memory_space<vmem>>
          %dma_start3A_582 = tpu.memref_squeeze %dma_start3A_581 : memref<1x104x64xf32, #tpu.memory_space<vmem>> -> memref<104x64xf32, #tpu.memory_space<vmem>>
          %dma_start3A_583 = arith.constant 0 : i32
          %dma_start3A_584 = tpu.memref_slice %arg5[%dma_start3A_577, %add3A_576, %dma_start3A_583] : memref<2x32x200xi32, #tpu.memory_space<vmem>> -> memref<1x1x104xi32, #tpu.memory_space<vmem>>
          %dma_start3A_585 = tpu.memref_squeeze %dma_start3A_584 : memref<1x1x104xi32, #tpu.memory_space<vmem>> -> memref<104xi32, #tpu.memory_space<vmem>>
          %dma_start3A_586 = arith.constant 0 : i32
          %dma_start3A_587 = arith.constant 0 : i32
          %dma_start3A_588 = tpu.memref_slice %arg3[%dma_start3A_586, %dma_start3A_587] : memref<100000x64xf32, #tpu.memory_space<hbm>> -> memref<100000x64xf32, #tpu.memory_space<hbm>>
          tpu.enqueue_indirect_dma source(%dma_start3A_588 : memref<100000x64xf32, #tpu.memory_space<hbm>>) target(%dma_start3A_582 : memref<104x64xf32, #tpu.memory_space<vmem>>) offsets(%dma_start3A_585 : memref<104xi32, #tpu.memory_space<vmem>>) semaphore(%arg8 : memref<!tpu.dma_semaphore, #tpu.memory_space<semaphore_mem>>)
          %mul3A_589 = arith.constant 4 : i32
          %mul3A_590 = arith.muli %add3A_572, %mul3A_589 : i32
          %add3A_591 = arith.constant 0 : i32
          %add3A_592 = arith.addi %mul3A_590, %add3A_591 : i32
          %dma_start3A_593 = arith.constant 1 : i32
          %dma_start3A_594 = arith.constant 0 : i32
          %dma_start3A_595 = arith.constant 104 : i32
          %dma_start3A_596 = arith.constant 0 : i32
          %dma_start3A_597 = tpu.memref_slice %arg6[%dma_start3A_594, %dma_start3A_595, %dma_start3A_596] : memref<2x800x64xf32, #tpu.memory_space<vmem>> -> memref<1x96x64xf32, #tpu.memory_space<vmem>>
          %dma_start3A_598 = tpu.memref_squeeze %dma_start3A_597 : memref<1x96x64xf32, #tpu.memory_space<vmem>> -> memref<96x64xf32, #tpu.memory_space<vmem>>
          %dma_start3A_599 = arith.constant 104 : i32
          %dma_start3A_600 = tpu.memref_slice %arg5[%dma_start3A_593, %add3A_592, %dma_start3A_599] : memref<2x32x200xi32, #tpu.memory_space<vmem>> -> memref<1x1x96xi32, #tpu.memory_space<vmem>>
          %dma_start3A_601 = tpu.memref_squeeze %dma_start3A_600 : memref<1x1x96xi32, #tpu.memory_space<vmem>> -> memref<96xi32, #tpu.memory_space<vmem>>
          %dma_start3A_602 = arith.constant 0 : i32
          %dma_start3A_603 = arith.constant 0 : i32
          %dma_start3A_604 = tpu.memref_slice %arg3[%dma_start3A_602, %dma_start3A_603] : memref<100000x64xf32, #tpu.memory_space<hbm>> -> memref<100000x64xf32, #tpu.memory_space<hbm>>
          tpu.enqueue_indirect_dma source(%dma_start3A_604 : memref<100000x64xf32, #tpu.memory_space<hbm>>) target(%dma_start3A_598 : memref<96x64xf32, #tpu.memory_space<vmem>>) offsets(%dma_start3A_601 : memref<96xi32, #tpu.memory_space<vmem>>) semaphore(%arg8 : memref<!tpu.dma_semaphore, #tpu.memory_space<semaphore_mem>>)
          %mul3A_605 = arith.constant 4 : i32
          %mul3A_606 = arith.muli %add3A_572, %mul3A_605 : i32
          %add3A_607 = arith.constant 1 : i32
          %add3A_608 = arith.addi %mul3A_606, %add3A_607 : i32
          %dma_start3A_609 = arith.constant 1 : i32
          %dma_start3A_610 = arith.constant 0 : i32
          %dma_start3A_611 = arith.constant 200 : i32
          %dma_start3A_612 = arith.constant 0 : i32
          %dma_start3A_613 = tpu.memref_slice %arg6[%dma_start3A_610, %dma_start3A_611, %dma_start3A_612] : memref<2x800x64xf32, #tpu.memory_space<vmem>> -> memref<1x104x64xf32, #tpu.memory_space<vmem>>
          %dma_start3A_614 = tpu.memref_squeeze %dma_start3A_613 : memref<1x104x64xf32, #tpu.memory_space<vmem>> -> memref<104x64xf32, #tpu.memory_space<vmem>>
          %dma_start3A_615 = arith.constant 0 : i32
          %dma_start3A_616 = tpu.memref_slice %arg5[%dma_start3A_609, %add3A_608, %dma_start3A_615] : memref<2x32x200xi32, #tpu.memory_space<vmem>> -> memref<1x1x104xi32, #tpu.memory_space<vmem>>
          %dma_start3A_617 = tpu.memref_squeeze %dma_start3A_616 : memref<1x1x104xi32, #tpu.memory_space<vmem>> -> memref<104xi32, #tpu.memory_space<vmem>>
          %dma_start3A_618 = arith.constant 0 : i32
          %dma_start3A_619 = arith.constant 0 : i32
          %dma_start3A_620 = tpu.memref_slice %arg3[%dma_start3A_618, %dma_start3A_619] : memref<100000x64xf32, #tpu.memory_space<hbm>> -> memref<100000x64xf32, #tpu.memory_space<hbm>>
          tpu.enqueue_indirect_dma source(%dma_start3A_620 : memref<100000x64xf32, #tpu.memory_space<hbm>>) target(%dma_start3A_614 : memref<104x64xf32, #tpu.memory_space<vmem>>) offsets(%dma_start3A_617 : memref<104xi32, #tpu.memory_space<vmem>>) semaphore(%arg8 : memref<!tpu.dma_semaphore, #tpu.memory_space<semaphore_mem>>)
          %mul3A_621 = arith.constant 4 : i32
          %mul3A_622 = arith.muli %add3A_572, %mul3A_621 : i32
          %add3A_623 = arith.constant 1 : i32
          %add3A_624 = arith.addi %mul3A_622, %add3A_623 : i32
          %dma_start3A_625 = arith.constant 1 : i32
          %dma_start3A_626 = arith.constant 0 : i32
          %dma_start3A_627 = arith.constant 304 : i32
          %dma_start3A_628 = arith.constant 0 : i32
          %dma_start3A_629 = tpu.memref_slice %arg6[%dma_start3A_626, %dma_start3A_627, %dma_start3A_628] : memref<2x800x64xf32, #tpu.memory_space<vmem>> -> memref<1x96x64xf32, #tpu.memory_space<vmem>>
          %dma_start3A_630 = tpu.memref_squeeze %dma_start3A_629 : memref<1x96x64xf32, #tpu.memory_space<vmem>> -> memref<96x64xf32, #tpu.memory_space<vmem>>
          %dma_start3A_631 = arith.constant 104 : i32
          %dma_start3A_632 = tpu.memref_slice %arg5[%dma_start3A_625, %add3A_624, %dma_start3A_631] : memref<2x32x200xi32, #tpu.memory_space<vmem>> -> memref<1x1x96xi32, #tpu.memory_space<vmem>>
          %dma_start3A_633 = tpu.memref_squeeze %dma_start3A_632 : memref<1x1x96xi32, #tpu.memory_space<vmem>> -> memref<96xi32, #tpu.memory_space<vmem>>
          %dma_start3A_634 = arith.constant 0 : i32
          %dma_start3A_635 = arith.constant 0 : i32
          %dma_start3A_636 = tpu.memref_slice %arg3[%dma_start3A_634, %dma_start3A_635] : memref<100000x64xf32, #tpu.memory_space<hbm>> -> memref<100000x64xf32, #tpu.memory_space<hbm>>
          tpu.enqueue_indirect_dma source(%dma_start3A_636 : memref<100000x64xf32, #tpu.memory_space<hbm>>) target(%dma_start3A_630 : memref<96x64xf32, #tpu.memory_space<vmem>>) offsets(%dma_start3A_633 : memref<96xi32, #tpu.memory_space<vmem>>) semaphore(%arg8 : memref<!tpu.dma_semaphore, #tpu.memory_space<semaphore_mem>>)
          %mul3A_637 = arith.constant 4 : i32
          %mul3A_638 = arith.muli %add3A_572, %mul3A_637 : i32
          %add3A_639 = arith.constant 2 : i32
          %add3A_640 = arith.addi %mul3A_638, %add3A_639 : i32
          %dma_start3A_641 = arith.constant 1 : i32
          %dma_start3A_642 = arith.constant 0 : i32
          %dma_start3A_643 = arith.constant 400 : i32
          %dma_start3A_644 = arith.constant 0 : i32
          %dma_start3A_645 = tpu.memref_slice %arg6[%dma_start3A_642, %dma_start3A_643, %dma_start3A_644] : memref<2x800x64xf32, #tpu.memory_space<vmem>> -> memref<1x104x64xf32, #tpu.memory_space<vmem>>
          %dma_start3A_646 = tpu.memref_squeeze %dma_start3A_645 : memref<1x104x64xf32, #tpu.memory_space<vmem>> -> memref<104x64xf32, #tpu.memory_space<vmem>>
          %dma_start3A_647 = arith.constant 0 : i32
          %dma_start3A_648 = tpu.memref_slice %arg5[%dma_start3A_641, %add3A_640, %dma_start3A_647] : memref<2x32x200xi32, #tpu.memory_space<vmem>> -> memref<1x1x104xi32, #tpu.memory_space<vmem>>
          %dma_start3A_649 = tpu.memref_squeeze %dma_start3A_648 : memref<1x1x104xi32, #tpu.memory_space<vmem>> -> memref<104xi32, #tpu.memory_space<vmem>>
          %dma_start3A_650 = arith.constant 0 : i32
          %dma_start3A_651 = arith.constant 0 : i32
          %dma_start3A_652 = tpu.memref_slice %arg3[%dma_start3A_650, %dma_start3A_651] : memref<100000x64xf32, #tpu.memory_space<hbm>> -> memref<100000x64xf32, #tpu.memory_space<hbm>>
          tpu.enqueue_indirect_dma source(%dma_start3A_652 : memref<100000x64xf32, #tpu.memory_space<hbm>>) target(%dma_start3A_646 : memref<104x64xf32, #tpu.memory_space<vmem>>) offsets(%dma_start3A_649 : memref<104xi32, #tpu.memory_space<vmem>>) semaphore(%arg8 : memref<!tpu.dma_semaphore, #tpu.memory_space<semaphore_mem>>)
          %mul3A_653 = arith.constant 4 : i32
          %mul3A_654 = arith.muli %add3A_572, %mul3A_653 : i32
          %add3A_655 = arith.constant 2 : i32
          %add3A_656 = arith.addi %mul3A_654, %add3A_655 : i32
          %dma_start3A_657 = arith.constant 1 : i32
          %dma_start3A_658 = arith.constant 0 : i32
          %dma_start3A_659 = arith.constant 504 : i32
          %dma_start3A_660 = arith.constant 0 : i32
          %dma_start3A_661 = tpu.memref_slice %arg6[%dma_start3A_658, %dma_start3A_659, %dma_start3A_660] : memref<2x800x64xf32, #tpu.memory_space<vmem>> -> memref<1x96x64xf32, #tpu.memory_space<vmem>>
          %dma_start3A_662 = tpu.memref_squeeze %dma_start3A_661 : memref<1x96x64xf32, #tpu.memory_space<vmem>> -> memref<96x64xf32, #tpu.memory_space<vmem>>
          %dma_start3A_663 = arith.constant 104 : i32
          %dma_start3A_664 = tpu.memref_slice %arg5[%dma_start3A_657, %add3A_656, %dma_start3A_663] : memref<2x32x200xi32, #tpu.memory_space<vmem>> -> memref<1x1x96xi32, #tpu.memory_space<vmem>>
          %dma_start3A_665 = tpu.memref_squeeze %dma_start3A_664 : memref<1x1x96xi32, #tpu.memory_space<vmem>> -> memref<96xi32, #tpu.memory_space<vmem>>
          %dma_start3A_666 = arith.constant 0 : i32
          %dma_start3A_667 = arith.constant 0 : i32
          %dma_start3A_668 = tpu.memref_slice %arg3[%dma_start3A_666, %dma_start3A_667] : memref<100000x64xf32, #tpu.memory_space<hbm>> -> memref<100000x64xf32, #tpu.memory_space<hbm>>
          tpu.enqueue_indirect_dma source(%dma_start3A_668 : memref<100000x64xf32, #tpu.memory_space<hbm>>) target(%dma_start3A_662 : memref<96x64xf32, #tpu.memory_space<vmem>>) offsets(%dma_start3A_665 : memref<96xi32, #tpu.memory_space<vmem>>) semaphore(%arg8 : memref<!tpu.dma_semaphore, #tpu.memory_space<semaphore_mem>>)
          %mul3A_669 = arith.constant 4 : i32
          %mul3A_670 = arith.muli %add3A_572, %mul3A_669 : i32
          %add3A_671 = arith.constant 3 : i32
          %add3A_672 = arith.addi %mul3A_670, %add3A_671 : i32
          %dma_start3A_673 = arith.constant 1 : i32
          %dma_start3A_674 = arith.constant 0 : i32
          %dma_start3A_675 = arith.constant 600 : i32
          %dma_start3A_676 = arith.constant 0 : i32
          %dma_start3A_677 = tpu.memref_slice %arg6[%dma_start3A_674, %dma_start3A_675, %dma_start3A_676] : memref<2x800x64xf32, #tpu.memory_space<vmem>> -> memref<1x104x64xf32, #tpu.memory_space<vmem>>
          %dma_start3A_678 = tpu.memref_squeeze %dma_start3A_677 : memref<1x104x64xf32, #tpu.memory_space<vmem>> -> memref<104x64xf32, #tpu.memory_space<vmem>>
          %dma_start3A_679 = arith.constant 0 : i32
          %dma_start3A_680 = tpu.memref_slice %arg5[%dma_start3A_673, %add3A_672, %dma_start3A_679] : memref<2x32x200xi32, #tpu.memory_space<vmem>> -> memref<1x1x104xi32, #tpu.memory_space<vmem>>
          %dma_start3A_681 = tpu.memref_squeeze %dma_start3A_680 : memref<1x1x104xi32, #tpu.memory_space<vmem>> -> memref<104xi32, #tpu.memory_space<vmem>>
          %dma_start3A_682 = arith.constant 0 : i32
          %dma_start3A_683 = arith.constant 0 : i32
          %dma_start3A_684 = tpu.memref_slice %arg3[%dma_start3A_682, %dma_start3A_683] : memref<100000x64xf32, #tpu.memory_space<hbm>> -> memref<100000x64xf32, #tpu.memory_space<hbm>>
          tpu.enqueue_indirect_dma source(%dma_start3A_684 : memref<100000x64xf32, #tpu.memory_space<hbm>>) target(%dma_start3A_678 : memref<104x64xf32, #tpu.memory_space<vmem>>) offsets(%dma_start3A_681 : memref<104xi32, #tpu.memory_space<vmem>>) semaphore(%arg8 : memref<!tpu.dma_semaphore, #tpu.memory_space<semaphore_mem>>)
          %mul3A_685 = arith.constant 4 : i32
          %mul3A_686 = arith.muli %add3A_572, %mul3A_685 : i32
          %add3A_687 = arith.constant 3 : i32
          %add3A_688 = arith.addi %mul3A_686, %add3A_687 : i32
          %dma_start3A_689 = arith.constant 1 : i32
          %dma_start3A_690 = arith.constant 0 : i32
          %dma_start3A_691 = arith.constant 704 : i32
          %dma_start3A_692 = arith.constant 0 : i32
          %dma_start3A_693 = tpu.memref_slice %arg6[%dma_start3A_690, %dma_start3A_691, %dma_start3A_692] : memref<2x800x64xf32, #tpu.memory_space<vmem>> -> memref<1x96x64xf32, #tpu.memory_space<vmem>>
          %dma_start3A_694 = tpu.memref_squeeze %dma_start3A_693 : memref<1x96x64xf32, #tpu.memory_space<vmem>> -> memref<96x64xf32, #tpu.memory_space<vmem>>
          %dma_start3A_695 = arith.constant 104 : i32
          %dma_start3A_696 = tpu.memref_slice %arg5[%dma_start3A_689, %add3A_688, %dma_start3A_695] : memref<2x32x200xi32, #tpu.memory_space<vmem>> -> memref<1x1x96xi32, #tpu.memory_space<vmem>>
          %dma_start3A_697 = tpu.memref_squeeze %dma_start3A_696 : memref<1x1x96xi32, #tpu.memory_space<vmem>> -> memref<96xi32, #tpu.memory_space<vmem>>
          %dma_start3A_698 = arith.constant 0 : i32
          %dma_start3A_699 = arith.constant 0 : i32
          %dma_start3A_700 = tpu.memref_slice %arg3[%dma_start3A_698, %dma_start3A_699] : memref<100000x64xf32, #tpu.memory_space<hbm>> -> memref<100000x64xf32, #tpu.memory_space<hbm>>
          tpu.enqueue_indirect_dma source(%dma_start3A_700 : memref<100000x64xf32, #tpu.memory_space<hbm>>) target(%dma_start3A_694 : memref<96x64xf32, #tpu.memory_space<vmem>>) offsets(%dma_start3A_697 : memref<96xi32, #tpu.memory_space<vmem>>) semaphore(%arg8 : memref<!tpu.dma_semaphore, #tpu.memory_space<semaphore_mem>>)
        } else {
        }
        %add3A_424 = arith.constant 2 : i32
        %add3A_425 = arith.addi %add3A_154, %add3A_424 : i32
        %eq3A = arith.constant 8 : i32
        %eq3A_426 = arith.cmpi eq, %add3A_425, %eq3A : i32
        %add3A_427 = arith.constant 1 : i32
        %add3A_428 = arith.addi %add3A_132, %add3A_427 : i32
        %lt3A_429 = arith.constant 16 : i32
        %lt3A_430 = arith.cmpi slt, %add3A_428, %lt3A_429 : i32
        %and3A = arith.andi %eq3A_426, %lt3A_430 : i1
        %convert_element_type3A_431 = arith.extui %and3A : i1 to i32
        %cond3A_432 = arith.constant 0 : i32
        %cond3A_433 = arith.cmpi ne, %convert_element_type3A_431, %cond3A_432 : i32
        scf.if %cond3A_433 {
          %add3A_571 = arith.constant 1 : i32
          %add3A_572 = arith.addi %add3A_132, %add3A_571 : i32
          %mul3A_573 = arith.constant 512 : i32
          %mul3A_574 = arith.muli %add3A, %mul3A_573 : i32
          %mul3A_575 = arith.constant 32 : i32
          %mul3A_576 = arith.muli %add3A_572, %mul3A_575 : i32
          %add3A_577 = arith.addi %mul3A_574, %mul3A_576 : i32
          %dma_wait3A_578 = arith.constant 0 : i32
          %dma_wait3A_579 = arith.constant 0 : i32
          %dma_wait3A_580 = arith.constant 0 : i32
          %dma_wait3A_581 = tpu.memref_slice %arg5[%dma_wait3A_578, %dma_wait3A_579, %dma_wait3A_580] : memref<2x32x200xi32, #tpu.memory_space<vmem>> -> memref<1x32x200xi32, #tpu.memory_space<vmem>>
          %dma_wait3A_582 = tpu.memref_squeeze %dma_wait3A_581 : memref<1x32x200xi32, #tpu.memory_space<vmem>> -> memref<32x200xi32, #tpu.memory_space<vmem>>
          %dma_wait3A_583 = arith.constant 0 : i32
          %dma_wait3A_584 = tpu.memref_slice %arg2[%add3A_577, %dma_wait3A_583] : memref<16384x200xi32, #tpu.memory_space<hbm>> -> memref<32x200xi32, #tpu.memory_space<hbm>>
          %dma_wait3A_585 = arith.constant 0 : i32
          %dma_wait3A_586 = arith.constant 0 : i32
          %dma_wait3A_587 = tpu.memref_slice %arg5[%dma_wait3A_578, %dma_wait3A_585, %dma_wait3A_586] : memref<2x32x200xi32, #tpu.memory_space<vmem>> -> memref<1x32x200xi32, #tpu.memory_space<vmem>>
          %dma_wait3A_588 = tpu.memref_squeeze %dma_wait3A_587 : memref<1x32x200xi32, #tpu.memory_space<vmem>> -> memref<32x200xi32, #tpu.memory_space<vmem>>
          %dma_wait3A_589 = arith.constant 0 : i32
          %dma_wait3A_590 = tpu.memref_slice %arg2[%add3A_577, %dma_wait3A_589] : memref<16384x200xi32, #tpu.memory_space<hbm>> -> memref<32x200xi32, #tpu.memory_space<hbm>>
          tpu.wait_dma2 semaphore(%arg10 : memref<!tpu.dma_semaphore, #tpu.memory_space<semaphore_mem>>) src(%dma_wait3A_590 : memref<32x200xi32, #tpu.memory_space<hbm>>) dst(%dma_wait3A_588 : memref<32x200xi32, #tpu.memory_space<vmem>>)
          %dma_start3A_591 = arith.constant 0 : i32
          %dma_start3A_592 = arith.constant 0 : i32
          %dma_start3A_593 = arith.constant 0 : i32
          %dma_start3A_594 = arith.constant 0 : i32
          %dma_start3A_595 = arith.constant 0 : i32
          %dma_start3A_596 = tpu.memref_slice %arg6[%dma_start3A_593, %dma_start3A_594, %dma_start3A_595] : memref<2x800x64xf32, #tpu.memory_space<vmem>> -> memref<1x104x64xf32, #tpu.memory_space<vmem>>
          %dma_start3A_597 = tpu.memref_squeeze %dma_start3A_596 : memref<1x104x64xf32, #tpu.memory_space<vmem>> -> memref<104x64xf32, #tpu.memory_space<vmem>>
          %dma_start3A_598 = arith.constant 0 : i32
          %dma_start3A_599 = tpu.memref_slice %arg5[%dma_start3A_591, %dma_start3A_592, %dma_start3A_598] : memref<2x32x200xi32, #tpu.memory_space<vmem>> -> memref<1x1x104xi32, #tpu.memory_space<vmem>>
          %dma_start3A_600 = tpu.memref_squeeze %dma_start3A_599 : memref<1x1x104xi32, #tpu.memory_space<vmem>> -> memref<104xi32, #tpu.memory_space<vmem>>
          %dma_start3A_601 = arith.constant 0 : i32
          %dma_start3A_602 = arith.constant 0 : i32
          %dma_start3A_603 = tpu.memref_slice %arg3[%dma_start3A_601, %dma_start3A_602] : memref<100000x64xf32, #tpu.memory_space<hbm>> -> memref<100000x64xf32, #tpu.memory_space<hbm>>
          tpu.enqueue_indirect_dma source(%dma_start3A_603 : memref<100000x64xf32, #tpu.memory_space<hbm>>) target(%dma_start3A_597 : memref<104x64xf32, #tpu.memory_space<vmem>>) offsets(%dma_start3A_600 : memref<104xi32, #tpu.memory_space<vmem>>) semaphore(%arg8 : memref<!tpu.dma_semaphore, #tpu.memory_space<semaphore_mem>>)
          %dma_start3A_604 = arith.constant 0 : i32
          %dma_start3A_605 = arith.constant 0 : i32
          %dma_start3A_606 = arith.constant 0 : i32
          %dma_start3A_607 = arith.constant 104 : i32
          %dma_start3A_608 = arith.constant 0 : i32
          %dma_start3A_609 = tpu.memref_slice %arg6[%dma_start3A_606, %dma_start3A_607, %dma_start3A_608] : memref<2x800x64xf32, #tpu.memory_space<vmem>> -> memref<1x96x64xf32, #tpu.memory_space<vmem>>
          %dma_start3A_610 = tpu.memref_squeeze %dma_start3A_609 : memref<1x96x64xf32, #tpu.memory_space<vmem>> -> memref<96x64xf32, #tpu.memory_space<vmem>>
          %dma_start3A_611 = arith.constant 104 : i32
          %dma_start3A_612 = tpu.memref_slice %arg5[%dma_start3A_604, %dma_start3A_605, %dma_start3A_611] : memref<2x32x200xi32, #tpu.memory_space<vmem>> -> memref<1x1x96xi32, #tpu.memory_space<vmem>>
          %dma_start3A_613 = tpu.memref_squeeze %dma_start3A_612 : memref<1x1x96xi32, #tpu.memory_space<vmem>> -> memref<96xi32, #tpu.memory_space<vmem>>
          %dma_start3A_614 = arith.constant 0 : i32
          %dma_start3A_615 = arith.constant 0 : i32
          %dma_start3A_616 = tpu.memref_slice %arg3[%dma_start3A_614, %dma_start3A_615] : memref<100000x64xf32, #tpu.memory_space<hbm>> -> memref<100000x64xf32, #tpu.memory_space<hbm>>
          tpu.enqueue_indirect_dma source(%dma_start3A_616 : memref<100000x64xf32, #tpu.memory_space<hbm>>) target(%dma_start3A_610 : memref<96x64xf32, #tpu.memory_space<vmem>>) offsets(%dma_start3A_613 : memref<96xi32, #tpu.memory_space<vmem>>) semaphore(%arg8 : memref<!tpu.dma_semaphore, #tpu.memory_space<semaphore_mem>>)
          %dma_start3A_617 = arith.constant 0 : i32
          %dma_start3A_618 = arith.constant 1 : i32
          %dma_start3A_619 = arith.constant 0 : i32
          %dma_start3A_620 = arith.constant 200 : i32
          %dma_start3A_621 = arith.constant 0 : i32
          %dma_start3A_622 = tpu.memref_slice %arg6[%dma_start3A_619, %dma_start3A_620, %dma_start3A_621] : memref<2x800x64xf32, #tpu.memory_space<vmem>> -> memref<1x104x64xf32, #tpu.memory_space<vmem>>
          %dma_start3A_623 = tpu.memref_squeeze %dma_start3A_622 : memref<1x104x64xf32, #tpu.memory_space<vmem>> -> memref<104x64xf32, #tpu.memory_space<vmem>>
          %dma_start3A_624 = arith.constant 0 : i32
          %dma_start3A_625 = tpu.memref_slice %arg5[%dma_start3A_617, %dma_start3A_618, %dma_start3A_624] : memref<2x32x200xi32, #tpu.memory_space<vmem>> -> memref<1x1x104xi32, #tpu.memory_space<vmem>>
          %dma_start3A_626 = tpu.memref_squeeze %dma_start3A_625 : memref<1x1x104xi32, #tpu.memory_space<vmem>> -> memref<104xi32, #tpu.memory_space<vmem>>
          %dma_start3A_627 = arith.constant 0 : i32
          %dma_start3A_628 = arith.constant 0 : i32
          %dma_start3A_629 = tpu.memref_slice %arg3[%dma_start3A_627, %dma_start3A_628] : memref<100000x64xf32, #tpu.memory_space<hbm>> -> memref<100000x64xf32, #tpu.memory_space<hbm>>
          tpu.enqueue_indirect_dma source(%dma_start3A_629 : memref<100000x64xf32, #tpu.memory_space<hbm>>) target(%dma_start3A_623 : memref<104x64xf32, #tpu.memory_space<vmem>>) offsets(%dma_start3A_626 : memref<104xi32, #tpu.memory_space<vmem>>) semaphore(%arg8 : memref<!tpu.dma_semaphore, #tpu.memory_space<semaphore_mem>>)
          %dma_start3A_630 = arith.constant 0 : i32
          %dma_start3A_631 = arith.constant 1 : i32
          %dma_start3A_632 = arith.constant 0 : i32
          %dma_start3A_633 = arith.constant 304 : i32
          %dma_start3A_634 = arith.constant 0 : i32
          %dma_start3A_635 = tpu.memref_slice %arg6[%dma_start3A_632, %dma_start3A_633, %dma_start3A_634] : memref<2x800x64xf32, #tpu.memory_space<vmem>> -> memref<1x96x64xf32, #tpu.memory_space<vmem>>
          %dma_start3A_636 = tpu.memref_squeeze %dma_start3A_635 : memref<1x96x64xf32, #tpu.memory_space<vmem>> -> memref<96x64xf32, #tpu.memory_space<vmem>>
          %dma_start3A_637 = arith.constant 104 : i32
          %dma_start3A_638 = tpu.memref_slice %arg5[%dma_start3A_630, %dma_start3A_631, %dma_start3A_637] : memref<2x32x200xi32, #tpu.memory_space<vmem>> -> memref<1x1x96xi32, #tpu.memory_space<vmem>>
          %dma_start3A_639 = tpu.memref_squeeze %dma_start3A_638 : memref<1x1x96xi32, #tpu.memory_space<vmem>> -> memref<96xi32, #tpu.memory_space<vmem>>
          %dma_start3A_640 = arith.constant 0 : i32
          %dma_start3A_641 = arith.constant 0 : i32
          %dma_start3A_642 = tpu.memref_slice %arg3[%dma_start3A_640, %dma_start3A_641] : memref<100000x64xf32, #tpu.memory_space<hbm>> -> memref<100000x64xf32, #tpu.memory_space<hbm>>
          tpu.enqueue_indirect_dma source(%dma_start3A_642 : memref<100000x64xf32, #tpu.memory_space<hbm>>) target(%dma_start3A_636 : memref<96x64xf32, #tpu.memory_space<vmem>>) offsets(%dma_start3A_639 : memref<96xi32, #tpu.memory_space<vmem>>) semaphore(%arg8 : memref<!tpu.dma_semaphore, #tpu.memory_space<semaphore_mem>>)
          %dma_start3A_643 = arith.constant 0 : i32
          %dma_start3A_644 = arith.constant 2 : i32
          %dma_start3A_645 = arith.constant 0 : i32
          %dma_start3A_646 = arith.constant 400 : i32
          %dma_start3A_647 = arith.constant 0 : i32
          %dma_start3A_648 = tpu.memref_slice %arg6[%dma_start3A_645, %dma_start3A_646, %dma_start3A_647] : memref<2x800x64xf32, #tpu.memory_space<vmem>> -> memref<1x104x64xf32, #tpu.memory_space<vmem>>
          %dma_start3A_649 = tpu.memref_squeeze %dma_start3A_648 : memref<1x104x64xf32, #tpu.memory_space<vmem>> -> memref<104x64xf32, #tpu.memory_space<vmem>>
          %dma_start3A_650 = arith.constant 0 : i32
          %dma_start3A_651 = tpu.memref_slice %arg5[%dma_start3A_643, %dma_start3A_644, %dma_start3A_650] : memref<2x32x200xi32, #tpu.memory_space<vmem>> -> memref<1x1x104xi32, #tpu.memory_space<vmem>>
          %dma_start3A_652 = tpu.memref_squeeze %dma_start3A_651 : memref<1x1x104xi32, #tpu.memory_space<vmem>> -> memref<104xi32, #tpu.memory_space<vmem>>
          %dma_start3A_653 = arith.constant 0 : i32
          %dma_start3A_654 = arith.constant 0 : i32
          %dma_start3A_655 = tpu.memref_slice %arg3[%dma_start3A_653, %dma_start3A_654] : memref<100000x64xf32, #tpu.memory_space<hbm>> -> memref<100000x64xf32, #tpu.memory_space<hbm>>
          tpu.enqueue_indirect_dma source(%dma_start3A_655 : memref<100000x64xf32, #tpu.memory_space<hbm>>) target(%dma_start3A_649 : memref<104x64xf32, #tpu.memory_space<vmem>>) offsets(%dma_start3A_652 : memref<104xi32, #tpu.memory_space<vmem>>) semaphore(%arg8 : memref<!tpu.dma_semaphore, #tpu.memory_space<semaphore_mem>>)
          %dma_start3A_656 = arith.constant 0 : i32
          %dma_start3A_657 = arith.constant 2 : i32
          %dma_start3A_658 = arith.constant 0 : i32
          %dma_start3A_659 = arith.constant 504 : i32
          %dma_start3A_660 = arith.constant 0 : i32
          %dma_start3A_661 = tpu.memref_slice %arg6[%dma_start3A_658, %dma_start3A_659, %dma_start3A_660] : memref<2x800x64xf32, #tpu.memory_space<vmem>> -> memref<1x96x64xf32, #tpu.memory_space<vmem>>
          %dma_start3A_662 = tpu.memref_squeeze %dma_start3A_661 : memref<1x96x64xf32, #tpu.memory_space<vmem>> -> memref<96x64xf32, #tpu.memory_space<vmem>>
          %dma_start3A_663 = arith.constant 104 : i32
          %dma_start3A_664 = tpu.memref_slice %arg5[%dma_start3A_656, %dma_start3A_657, %dma_start3A_663] : memref<2x32x200xi32, #tpu.memory_space<vmem>> -> memref<1x1x96xi32, #tpu.memory_space<vmem>>
          %dma_start3A_665 = tpu.memref_squeeze %dma_start3A_664 : memref<1x1x96xi32, #tpu.memory_space<vmem>> -> memref<96xi32, #tpu.memory_space<vmem>>
          %dma_start3A_666 = arith.constant 0 : i32
          %dma_start3A_667 = arith.constant 0 : i32
          %dma_start3A_668 = tpu.memref_slice %arg3[%dma_start3A_666, %dma_start3A_667] : memref<100000x64xf32, #tpu.memory_space<hbm>> -> memref<100000x64xf32, #tpu.memory_space<hbm>>
          tpu.enqueue_indirect_dma source(%dma_start3A_668 : memref<100000x64xf32, #tpu.memory_space<hbm>>) target(%dma_start3A_662 : memref<96x64xf32, #tpu.memory_space<vmem>>) offsets(%dma_start3A_665 : memref<96xi32, #tpu.memory_space<vmem>>) semaphore(%arg8 : memref<!tpu.dma_semaphore, #tpu.memory_space<semaphore_mem>>)
          %dma_start3A_669 = arith.constant 0 : i32
          %dma_start3A_670 = arith.constant 3 : i32
          %dma_start3A_671 = arith.constant 0 : i32
          %dma_start3A_672 = arith.constant 600 : i32
          %dma_start3A_673 = arith.constant 0 : i32
          %dma_start3A_674 = tpu.memref_slice %arg6[%dma_start3A_671, %dma_start3A_672, %dma_start3A_673] : memref<2x800x64xf32, #tpu.memory_space<vmem>> -> memref<1x104x64xf32, #tpu.memory_space<vmem>>
          %dma_start3A_675 = tpu.memref_squeeze %dma_start3A_674 : memref<1x104x64xf32, #tpu.memory_space<vmem>> -> memref<104x64xf32, #tpu.memory_space<vmem>>
          %dma_start3A_676 = arith.constant 0 : i32
          %dma_start3A_677 = tpu.memref_slice %arg5[%dma_start3A_669, %dma_start3A_670, %dma_start3A_676] : memref<2x32x200xi32, #tpu.memory_space<vmem>> -> memref<1x1x104xi32, #tpu.memory_space<vmem>>
          %dma_start3A_678 = tpu.memref_squeeze %dma_start3A_677 : memref<1x1x104xi32, #tpu.memory_space<vmem>> -> memref<104xi32, #tpu.memory_space<vmem>>
          %dma_start3A_679 = arith.constant 0 : i32
          %dma_start3A_680 = arith.constant 0 : i32
          %dma_start3A_681 = tpu.memref_slice %arg3[%dma_start3A_679, %dma_start3A_680] : memref<100000x64xf32, #tpu.memory_space<hbm>> -> memref<100000x64xf32, #tpu.memory_space<hbm>>
          tpu.enqueue_indirect_dma source(%dma_start3A_681 : memref<100000x64xf32, #tpu.memory_space<hbm>>) target(%dma_start3A_675 : memref<104x64xf32, #tpu.memory_space<vmem>>) offsets(%dma_start3A_678 : memref<104xi32, #tpu.memory_space<vmem>>) semaphore(%arg8 : memref<!tpu.dma_semaphore, #tpu.memory_space<semaphore_mem>>)
          %dma_start3A_682 = arith.constant 0 : i32
          %dma_start3A_683 = arith.constant 3 : i32
          %dma_start3A_684 = arith.constant 0 : i32
          %dma_start3A_685 = arith.constant 704 : i32
          %dma_start3A_686 = arith.constant 0 : i32
          %dma_start3A_687 = tpu.memref_slice %arg6[%dma_start3A_684, %dma_start3A_685, %dma_start3A_686] : memref<2x800x64xf32, #tpu.memory_space<vmem>> -> memref<1x96x64xf32, #tpu.memory_space<vmem>>
          %dma_start3A_688 = tpu.memref_squeeze %dma_start3A_687 : memref<1x96x64xf32, #tpu.memory_space<vmem>> -> memref<96x64xf32, #tpu.memory_space<vmem>>
          %dma_start3A_689 = arith.constant 104 : i32
          %dma_start3A_690 = tpu.memref_slice %arg5[%dma_start3A_682, %dma_start3A_683, %dma_start3A_689] : memref<2x32x200xi32, #tpu.memory_space<vmem>> -> memref<1x1x96xi32, #tpu.memory_space<vmem>>
          %dma_start3A_691 = tpu.memref_squeeze %dma_start3A_690 : memref<1x1x96xi32, #tpu.memory_space<vmem>> -> memref<96xi32, #tpu.memory_space<vmem>>
          %dma_start3A_692 = arith.constant 0 : i32
          %dma_start3A_693 = arith.constant 0 : i32
          %dma_start3A_694 = tpu.memref_slice %arg3[%dma_start3A_692, %dma_start3A_693] : memref<100000x64xf32, #tpu.memory_space<hbm>> -> memref<100000x64xf32, #tpu.memory_space<hbm>>
          tpu.enqueue_indirect_dma source(%dma_start3A_694 : memref<100000x64xf32, #tpu.memory_space<hbm>>) target(%dma_start3A_688 : memref<96x64xf32, #tpu.memory_space<vmem>>) offsets(%dma_start3A_691 : memref<96xi32, #tpu.memory_space<vmem>>) semaphore(%arg8 : memref<!tpu.dma_semaphore, #tpu.memory_space<semaphore_mem>>)
        } else {
        }
        %add3A_434 = arith.constant 1 : i32
        %add3A_435 = arith.addi %add3A_154, %add3A_434 : i32
        %mul3A_436 = arith.constant 4 : i32
        %mul3A_437 = arith.muli %add3A_435, %mul3A_436 : i32
        %add3A_438 = arith.constant 0 : i32
        %add3A_439 = arith.addi %mul3A_437, %add3A_438 : i32
        %dma_wait3A_440 = arith.constant 1 : i32
        %dma_wait3A_441 = arith.constant 1 : i32
        %dma_wait3A_442 = arith.constant 0 : i32
        %dma_wait3A_443 = arith.constant 0 : i32
        %dma_wait3A_444 = tpu.memref_slice %arg6[%dma_wait3A_441, %dma_wait3A_442, %dma_wait3A_443] : memref<2x800x64xf32, #tpu.memory_space<vmem>> -> memref<1x104x64xf32, #tpu.memory_space<vmem>>
        %dma_wait3A_445 = tpu.memref_squeeze %dma_wait3A_444 : memref<1x104x64xf32, #tpu.memory_space<vmem>> -> memref<104x64xf32, #tpu.memory_space<vmem>>
        %dma_wait3A_446 = arith.constant 0 : i32
        %dma_wait3A_447 = tpu.memref_slice %arg5[%dma_wait3A_440, %add3A_439, %dma_wait3A_446] : memref<2x32x200xi32, #tpu.memory_space<vmem>> -> memref<1x1x104xi32, #tpu.memory_space<vmem>>
        %dma_wait3A_448 = tpu.memref_squeeze %dma_wait3A_447 : memref<1x1x104xi32, #tpu.memory_space<vmem>> -> memref<104xi32, #tpu.memory_space<vmem>>
        %dma_wait3A_449 = arith.constant 0 : i32
        %dma_wait3A_450 = arith.constant 0 : i32
        %dma_wait3A_451 = tpu.memref_slice %arg3[%dma_wait3A_449, %dma_wait3A_450] : memref<100000x64xf32, #tpu.memory_space<hbm>> -> memref<100000x64xf32, #tpu.memory_space<hbm>>
        tpu.wait_indirect_dma semaphore(%arg9 : memref<!tpu.dma_semaphore, #tpu.memory_space<semaphore_mem>>) src(%dma_wait3A_451 : memref<100000x64xf32, #tpu.memory_space<hbm>>) dst(%dma_wait3A_445 : memref<104x64xf32, #tpu.memory_space<vmem>>)
        %mul3A_452 = arith.constant 4 : i32
        %mul3A_453 = arith.muli %add3A_435, %mul3A_452 : i32
        %add3A_454 = arith.constant 0 : i32
        %add3A_455 = arith.addi %mul3A_453, %add3A_454 : i32
        %dma_wait3A_456 = arith.constant 1 : i32
        %dma_wait3A_457 = arith.constant 1 : i32
        %dma_wait3A_458 = arith.constant 104 : i32
        %dma_wait3A_459 = arith.constant 0 : i32
        %dma_wait3A_460 = tpu.memref_slice %arg6[%dma_wait3A_457, %dma_wait3A_458, %dma_wait3A_459] : memref<2x800x64xf32, #tpu.memory_space<vmem>> -> memref<1x96x64xf32, #tpu.memory_space<vmem>>
        %dma_wait3A_461 = tpu.memref_squeeze %dma_wait3A_460 : memref<1x96x64xf32, #tpu.memory_space<vmem>> -> memref<96x64xf32, #tpu.memory_space<vmem>>
        %dma_wait3A_462 = arith.constant 104 : i32
        %dma_wait3A_463 = tpu.memref_slice %arg5[%dma_wait3A_456, %add3A_455, %dma_wait3A_462] : memref<2x32x200xi32, #tpu.memory_space<vmem>> -> memref<1x1x96xi32, #tpu.memory_space<vmem>>
        %dma_wait3A_464 = tpu.memref_squeeze %dma_wait3A_463 : memref<1x1x96xi32, #tpu.memory_space<vmem>> -> memref<96xi32, #tpu.memory_space<vmem>>
        %dma_wait3A_465 = arith.constant 0 : i32
        %dma_wait3A_466 = arith.constant 0 : i32
        %dma_wait3A_467 = tpu.memref_slice %arg3[%dma_wait3A_465, %dma_wait3A_466] : memref<100000x64xf32, #tpu.memory_space<hbm>> -> memref<100000x64xf32, #tpu.memory_space<hbm>>
        tpu.wait_indirect_dma semaphore(%arg9 : memref<!tpu.dma_semaphore, #tpu.memory_space<semaphore_mem>>) src(%dma_wait3A_467 : memref<100000x64xf32, #tpu.memory_space<hbm>>) dst(%dma_wait3A_461 : memref<96x64xf32, #tpu.memory_space<vmem>>)
        %mul3A_468 = arith.constant 4 : i32
        %mul3A_469 = arith.muli %add3A_435, %mul3A_468 : i32
        %add3A_470 = arith.constant 1 : i32
        %add3A_471 = arith.addi %mul3A_469, %add3A_470 : i32
        %dma_wait3A_472 = arith.constant 1 : i32
        %dma_wait3A_473 = arith.constant 1 : i32
        %dma_wait3A_474 = arith.constant 200 : i32
        %dma_wait3A_475 = arith.constant 0 : i32
        %dma_wait3A_476 = tpu.memref_slice %arg6[%dma_wait3A_473, %dma_wait3A_474, %dma_wait3A_475] : memref<2x800x64xf32, #tpu.memory_space<vmem>> -> memref<1x104x64xf32, #tpu.memory_space<vmem>>
        %dma_wait3A_477 = tpu.memref_squeeze %dma_wait3A_476 : memref<1x104x64xf32, #tpu.memory_space<vmem>> -> memref<104x64xf32, #tpu.memory_space<vmem>>
        %dma_wait3A_478 = arith.constant 0 : i32
        %dma_wait3A_479 = tpu.memref_slice %arg5[%dma_wait3A_472, %add3A_471, %dma_wait3A_478] : memref<2x32x200xi32, #tpu.memory_space<vmem>> -> memref<1x1x104xi32, #tpu.memory_space<vmem>>
        %dma_wait3A_480 = tpu.memref_squeeze %dma_wait3A_479 : memref<1x1x104xi32, #tpu.memory_space<vmem>> -> memref<104xi32, #tpu.memory_space<vmem>>
        %dma_wait3A_481 = arith.constant 0 : i32
        %dma_wait3A_482 = arith.constant 0 : i32
        %dma_wait3A_483 = tpu.memref_slice %arg3[%dma_wait3A_481, %dma_wait3A_482] : memref<100000x64xf32, #tpu.memory_space<hbm>> -> memref<100000x64xf32, #tpu.memory_space<hbm>>
        tpu.wait_indirect_dma semaphore(%arg9 : memref<!tpu.dma_semaphore, #tpu.memory_space<semaphore_mem>>) src(%dma_wait3A_483 : memref<100000x64xf32, #tpu.memory_space<hbm>>) dst(%dma_wait3A_477 : memref<104x64xf32, #tpu.memory_space<vmem>>)
        %mul3A_484 = arith.constant 4 : i32
        %mul3A_485 = arith.muli %add3A_435, %mul3A_484 : i32
        %add3A_486 = arith.constant 1 : i32
        %add3A_487 = arith.addi %mul3A_485, %add3A_486 : i32
        %dma_wait3A_488 = arith.constant 1 : i32
        %dma_wait3A_489 = arith.constant 1 : i32
        %dma_wait3A_490 = arith.constant 304 : i32
        %dma_wait3A_491 = arith.constant 0 : i32
        %dma_wait3A_492 = tpu.memref_slice %arg6[%dma_wait3A_489, %dma_wait3A_490, %dma_wait3A_491] : memref<2x800x64xf32, #tpu.memory_space<vmem>> -> memref<1x96x64xf32, #tpu.memory_space<vmem>>
        %dma_wait3A_493 = tpu.memref_squeeze %dma_wait3A_492 : memref<1x96x64xf32, #tpu.memory_space<vmem>> -> memref<96x64xf32, #tpu.memory_space<vmem>>
        %dma_wait3A_494 = arith.constant 104 : i32
        %dma_wait3A_495 = tpu.memref_slice %arg5[%dma_wait3A_488, %add3A_487, %dma_wait3A_494] : memref<2x32x200xi32, #tpu.memory_space<vmem>> -> memref<1x1x96xi32, #tpu.memory_space<vmem>>
        %dma_wait3A_496 = tpu.memref_squeeze %dma_wait3A_495 : memref<1x1x96xi32, #tpu.memory_space<vmem>> -> memref<96xi32, #tpu.memory_space<vmem>>
        %dma_wait3A_497 = arith.constant 0 : i32
        %dma_wait3A_498 = arith.constant 0 : i32
        %dma_wait3A_499 = tpu.memref_slice %arg3[%dma_wait3A_497, %dma_wait3A_498] : memref<100000x64xf32, #tpu.memory_space<hbm>> -> memref<100000x64xf32, #tpu.memory_space<hbm>>
        tpu.wait_indirect_dma semaphore(%arg9 : memref<!tpu.dma_semaphore, #tpu.memory_space<semaphore_mem>>) src(%dma_wait3A_499 : memref<100000x64xf32, #tpu.memory_space<hbm>>) dst(%dma_wait3A_493 : memref<96x64xf32, #tpu.memory_space<vmem>>)
        %mul3A_500 = arith.constant 4 : i32
        %mul3A_501 = arith.muli %add3A_435, %mul3A_500 : i32
        %add3A_502 = arith.constant 2 : i32
        %add3A_503 = arith.addi %mul3A_501, %add3A_502 : i32
        %dma_wait3A_504 = arith.constant 1 : i32
        %dma_wait3A_505 = arith.constant 1 : i32
        %dma_wait3A_506 = arith.constant 400 : i32
        %dma_wait3A_507 = arith.constant 0 : i32
        %dma_wait3A_508 = tpu.memref_slice %arg6[%dma_wait3A_505, %dma_wait3A_506, %dma_wait3A_507] : memref<2x800x64xf32, #tpu.memory_space<vmem>> -> memref<1x104x64xf32, #tpu.memory_space<vmem>>
        %dma_wait3A_509 = tpu.memref_squeeze %dma_wait3A_508 : memref<1x104x64xf32, #tpu.memory_space<vmem>> -> memref<104x64xf32, #tpu.memory_space<vmem>>
        %dma_wait3A_510 = arith.constant 0 : i32
        %dma_wait3A_511 = tpu.memref_slice %arg5[%dma_wait3A_504, %add3A_503, %dma_wait3A_510] : memref<2x32x200xi32, #tpu.memory_space<vmem>> -> memref<1x1x104xi32, #tpu.memory_space<vmem>>
        %dma_wait3A_512 = tpu.memref_squeeze %dma_wait3A_511 : memref<1x1x104xi32, #tpu.memory_space<vmem>> -> memref<104xi32, #tpu.memory_space<vmem>>
        %dma_wait3A_513 = arith.constant 0 : i32
        %dma_wait3A_514 = arith.constant 0 : i32
        %dma_wait3A_515 = tpu.memref_slice %arg3[%dma_wait3A_513, %dma_wait3A_514] : memref<100000x64xf32, #tpu.memory_space<hbm>> -> memref<100000x64xf32, #tpu.memory_space<hbm>>
        tpu.wait_indirect_dma semaphore(%arg9 : memref<!tpu.dma_semaphore, #tpu.memory_space<semaphore_mem>>) src(%dma_wait3A_515 : memref<100000x64xf32, #tpu.memory_space<hbm>>) dst(%dma_wait3A_509 : memref<104x64xf32, #tpu.memory_space<vmem>>)
        %mul3A_516 = arith.constant 4 : i32
        %mul3A_517 = arith.muli %add3A_435, %mul3A_516 : i32
        %add3A_518 = arith.constant 2 : i32
        %add3A_519 = arith.addi %mul3A_517, %add3A_518 : i32
        %dma_wait3A_520 = arith.constant 1 : i32
        %dma_wait3A_521 = arith.constant 1 : i32
        %dma_wait3A_522 = arith.constant 504 : i32
        %dma_wait3A_523 = arith.constant 0 : i32
        %dma_wait3A_524 = tpu.memref_slice %arg6[%dma_wait3A_521, %dma_wait3A_522, %dma_wait3A_523] : memref<2x800x64xf32, #tpu.memory_space<vmem>> -> memref<1x96x64xf32, #tpu.memory_space<vmem>>
        %dma_wait3A_525 = tpu.memref_squeeze %dma_wait3A_524 : memref<1x96x64xf32, #tpu.memory_space<vmem>> -> memref<96x64xf32, #tpu.memory_space<vmem>>
        %dma_wait3A_526 = arith.constant 104 : i32
        %dma_wait3A_527 = tpu.memref_slice %arg5[%dma_wait3A_520, %add3A_519, %dma_wait3A_526] : memref<2x32x200xi32, #tpu.memory_space<vmem>> -> memref<1x1x96xi32, #tpu.memory_space<vmem>>
        %dma_wait3A_528 = tpu.memref_squeeze %dma_wait3A_527 : memref<1x1x96xi32, #tpu.memory_space<vmem>> -> memref<96xi32, #tpu.memory_space<vmem>>
        %dma_wait3A_529 = arith.constant 0 : i32
        %dma_wait3A_530 = arith.constant 0 : i32
        %dma_wait3A_531 = tpu.memref_slice %arg3[%dma_wait3A_529, %dma_wait3A_530] : memref<100000x64xf32, #tpu.memory_space<hbm>> -> memref<100000x64xf32, #tpu.memory_space<hbm>>
        tpu.wait_indirect_dma semaphore(%arg9 : memref<!tpu.dma_semaphore, #tpu.memory_space<semaphore_mem>>) src(%dma_wait3A_531 : memref<100000x64xf32, #tpu.memory_space<hbm>>) dst(%dma_wait3A_525 : memref<96x64xf32, #tpu.memory_space<vmem>>)
        %mul3A_532 = arith.constant 4 : i32
        %mul3A_533 = arith.muli %add3A_435, %mul3A_532 : i32
        %add3A_534 = arith.constant 3 : i32
        %add3A_535 = arith.addi %mul3A_533, %add3A_534 : i32
        %dma_wait3A_536 = arith.constant 1 : i32
        %dma_wait3A_537 = arith.constant 1 : i32
        %dma_wait3A_538 = arith.constant 600 : i32
        %dma_wait3A_539 = arith.constant 0 : i32
        %dma_wait3A_540 = tpu.memref_slice %arg6[%dma_wait3A_537, %dma_wait3A_538, %dma_wait3A_539] : memref<2x800x64xf32, #tpu.memory_space<vmem>> -> memref<1x104x64xf32, #tpu.memory_space<vmem>>
        %dma_wait3A_541 = tpu.memref_squeeze %dma_wait3A_540 : memref<1x104x64xf32, #tpu.memory_space<vmem>> -> memref<104x64xf32, #tpu.memory_space<vmem>>
        %dma_wait3A_542 = arith.constant 0 : i32
        %dma_wait3A_543 = tpu.memref_slice %arg5[%dma_wait3A_536, %add3A_535, %dma_wait3A_542] : memref<2x32x200xi32, #tpu.memory_space<vmem>> -> memref<1x1x104xi32, #tpu.memory_space<vmem>>
        %dma_wait3A_544 = tpu.memref_squeeze %dma_wait3A_543 : memref<1x1x104xi32, #tpu.memory_space<vmem>> -> memref<104xi32, #tpu.memory_space<vmem>>
        %dma_wait3A_545 = arith.constant 0 : i32
        %dma_wait3A_546 = arith.constant 0 : i32
        %dma_wait3A_547 = tpu.memref_slice %arg3[%dma_wait3A_545, %dma_wait3A_546] : memref<100000x64xf32, #tpu.memory_space<hbm>> -> memref<100000x64xf32, #tpu.memory_space<hbm>>
        tpu.wait_indirect_dma semaphore(%arg9 : memref<!tpu.dma_semaphore, #tpu.memory_space<semaphore_mem>>) src(%dma_wait3A_547 : memref<100000x64xf32, #tpu.memory_space<hbm>>) dst(%dma_wait3A_541 : memref<104x64xf32, #tpu.memory_space<vmem>>)
        %mul3A_548 = arith.constant 4 : i32
        %mul3A_549 = arith.muli %add3A_435, %mul3A_548 : i32
        %add3A_550 = arith.constant 3 : i32
        %add3A_551 = arith.addi %mul3A_549, %add3A_550 : i32
        %dma_wait3A_552 = arith.constant 1 : i32
        %dma_wait3A_553 = arith.constant 1 : i32
        %dma_wait3A_554 = arith.constant 704 : i32
        %dma_wait3A_555 = arith.constant 0 : i32
        %dma_wait3A_556 = tpu.memref_slice %arg6[%dma_wait3A_553, %dma_wait3A_554, %dma_wait3A_555] : memref<2x800x64xf32, #tpu.memory_space<vmem>> -> memref<1x96x64xf32, #tpu.memory_space<vmem>>
        %dma_wait3A_557 = tpu.memref_squeeze %dma_wait3A_556 : memref<1x96x64xf32, #tpu.memory_space<vmem>> -> memref<96x64xf32, #tpu.memory_space<vmem>>
        %dma_wait3A_558 = arith.constant 104 : i32
        %dma_wait3A_559 = tpu.memref_slice %arg5[%dma_wait3A_552, %add3A_551, %dma_wait3A_558] : memref<2x32x200xi32, #tpu.memory_space<vmem>> -> memref<1x1x96xi32, #tpu.memory_space<vmem>>
        %dma_wait3A_560 = tpu.memref_squeeze %dma_wait3A_559 : memref<1x1x96xi32, #tpu.memory_space<vmem>> -> memref<96xi32, #tpu.memory_space<vmem>>
        %dma_wait3A_561 = arith.constant 0 : i32
        %dma_wait3A_562 = arith.constant 0 : i32
        %dma_wait3A_563 = tpu.memref_slice %arg3[%dma_wait3A_561, %dma_wait3A_562] : memref<100000x64xf32, #tpu.memory_space<hbm>> -> memref<100000x64xf32, #tpu.memory_space<hbm>>
        tpu.wait_indirect_dma semaphore(%arg9 : memref<!tpu.dma_semaphore, #tpu.memory_space<semaphore_mem>>) src(%dma_wait3A_563 : memref<100000x64xf32, #tpu.memory_space<hbm>>) dst(%dma_wait3A_557 : memref<96x64xf32, #tpu.memory_space<vmem>>)
        %add3A_564 = arith.constant 1 : i32
        %add3A_565 = arith.addi %add3A_154, %add3A_564 : i32
        %scan3A_566 = arith.constant 0 : i32
        %scan3A_567 = arith.constant 4 : i32
        %scan3A_568 = arith.addi %scan3A_566, %scan3A_567 : i32
        %scan3A_569 = arith.constant 1 : i32
        scf.for %scan3A_571 = %scan3A_566 to %scan3A_568 step %scan3A_569  : i32 {
          %mul3A_572 = arith.constant 1 : i32
          %mul3A_573 = arith.muli %scan3A_571, %mul3A_572 : i32
          %add3A_574 = arith.constant 0 : i32
          %add3A_575 = arith.addi %add3A_574, %mul3A_573 : i32
          %broadcast_in_dim3A = arith.constant 0.000000e+00 : f32
          %broadcast_in_dim3A_576 = vector.broadcast %broadcast_in_dim3A : f32 to vector<16xf32>
          %broadcast_in_dim3A_577 = arith.constant 0.000000e+00 : f32
          %broadcast_in_dim3A_578 = vector.broadcast %broadcast_in_dim3A_577 : f32 to vector<16xf32>
          %broadcast_in_dim3A_579 = arith.constant 0.000000e+00 : f32
          %broadcast_in_dim3A_580 = vector.broadcast %broadcast_in_dim3A_579 : f32 to vector<16xf32>
          %broadcast_in_dim3A_581 = arith.constant 0.000000e+00 : f32
          %broadcast_in_dim3A_582 = vector.broadcast %broadcast_in_dim3A_581 : f32 to vector<16xf32>
          %scan3A_583 = arith.constant 0 : i32
          %scan3A_584 = arith.constant 200 : i32
          %scan3A_585 = arith.addi %scan3A_583, %scan3A_584 : i32
          %scan3A_586 = arith.constant 8 : i32
          %scan3A_587:4 = scf.for %scan3A_620 = %scan3A_583 to %scan3A_585 step %scan3A_586 iter_args(%scan3A_621 = %broadcast_in_dim3A_576, %scan3A_622 = %broadcast_in_dim3A_578, %scan3A_623 = %broadcast_in_dim3A_580, %scan3A_624 = %broadcast_in_dim3A_582) -> (vector<16xf32>, vector<16xf32>, vector<16xf32>, vector<16xf32>)  : i32 {
            %mul3A_625 = arith.constant 200 : i32
            %mul3A_626 = arith.muli %add3A_575, %mul3A_625 : i32
            %add3A_627 = arith.addi %mul3A_626, %scan3A_620 : i32
            %get3A = arith.constant 1 : i32
            %get3A_628 = arith.index_cast %get3A : i32 to index
            %get3A_629 = arith.index_cast %add3A_627 : i32 to index
            %get3A_630 = arith.constant 0 : index
            %get3A_631 = tpu.vector_load %arg6[%get3A_628, %get3A_629, %get3A_630] {strides = array<i32>} : memref<2x800x64xf32, #tpu.memory_space<vmem>>, vector<1x1x16xf32>,
            %get3A_632 = vector.shape_cast %get3A_631 : vector<1x1x16xf32> to vector<16xf32>
            %add3A_633 = arith.addf %scan3A_621, %get3A_632 : vector<16xf32>
            %mul3A_634 = arith.constant 200 : i32
            %mul3A_635 = arith.muli %add3A_575, %mul3A_634 : i32
            %add3A_636 = arith.addi %mul3A_635, %scan3A_620 : i32
            %get3A_637 = arith.constant 1 : i32
            %get3A_638 = arith.index_cast %get3A_637 : i32 to index
            %get3A_639 = arith.index_cast %add3A_636 : i32 to index
            %get3A_640 = arith.constant 16 : index
            %get3A_641 = tpu.vector_load %arg6[%get3A_638, %get3A_639, %get3A_640] {strides = array<i32>} : memref<2x800x64xf32, #tpu.memory_space<vmem>>, vector<1x1x16xf32>,
            %get3A_642 = vector.shape_cast %get3A_641 : vector<1x1x16xf32> to vector<16xf32>
            %add3A_643 = arith.addf %scan3A_622, %get3A_642 : vector<16xf32>
            %mul3A_644 = arith.constant 200 : i32
            %mul3A_645 = arith.muli %add3A_575, %mul3A_644 : i32
            %add3A_646 = arith.addi %mul3A_645, %scan3A_620 : i32
            %get3A_647 = arith.constant 1 : i32
            %get3A_648 = arith.index_cast %get3A_647 : i32 to index
            %get3A_649 = arith.index_cast %add3A_646 : i32 to index
            %get3A_650 = arith.constant 32 : index
            %get3A_651 = tpu.vector_load %arg6[%get3A_648, %get3A_649, %get3A_650] {strides = array<i32>} : memref<2x800x64xf32, #tpu.memory_space<vmem>>, vector<1x1x16xf32>,
            %get3A_652 = vector.shape_cast %get3A_651 : vector<1x1x16xf32> to vector<16xf32>
            %add3A_653 = arith.addf %scan3A_623, %get3A_652 : vector<16xf32>
            %mul3A_654 = arith.constant 200 : i32
            %mul3A_655 = arith.muli %add3A_575, %mul3A_654 : i32
            %add3A_656 = arith.addi %mul3A_655, %scan3A_620 : i32
            %get3A_657 = arith.constant 1 : i32
            %get3A_658 = arith.index_cast %get3A_657 : i32 to index
            %get3A_659 = arith.index_cast %add3A_656 : i32 to index
            %get3A_660 = arith.constant 48 : index
            %get3A_661 = tpu.vector_load %arg6[%get3A_658, %get3A_659, %get3A_660] {strides = array<i32>} : memref<2x800x64xf32, #tpu.memory_space<vmem>>, vector<1x1x16xf32>,
            %get3A_662 = vector.shape_cast %get3A_661 : vector<1x1x16xf32> to vector<16xf32>
            %add3A_663 = arith.addf %scan3A_624, %get3A_662 : vector<16xf32>
            %scan3A_664 = arith.constant 1 : i32
            %scan3A_665 = arith.addi %scan3A_620, %scan3A_664 : i32
            %mul3A_666 = arith.constant 200 : i32
            %mul3A_667 = arith.muli %add3A_575, %mul3A_666 : i32
            %add3A_668 = arith.addi %mul3A_667, %scan3A_665 : i32
            %get3A_669 = arith.constant 1 : i32
            %get3A_670 = arith.index_cast %get3A_669 : i32 to index
            %get3A_671 = arith.index_cast %add3A_668 : i32 to index
            %get3A_672 = arith.constant 0 : index
            %get3A_673 = tpu.vector_load %arg6[%get3A_670, %get3A_671, %get3A_672] {strides = array<i32>} : memref<2x800x64xf32, #tpu.memory_space<vmem>>, vector<1x1x16xf32>,
            %get3A_674 = vector.shape_cast %get3A_673 : vector<1x1x16xf32> to vector<16xf32>
            %add3A_675 = arith.addf %add3A_633, %get3A_674 : vector<16xf32>
            %mul3A_676 = arith.constant 200 : i32
            %mul3A_677 = arith.muli %add3A_575, %mul3A_676 : i32
            %add3A_678 = arith.addi %mul3A_677, %scan3A_665 : i32
            %get3A_679 = arith.constant 1 : i32
            %get3A_680 = arith.index_cast %get3A_679 : i32 to index
            %get3A_681 = arith.index_cast %add3A_678 : i32 to index
            %get3A_682 = arith.constant 16 : index
            %get3A_683 = tpu.vector_load %arg6[%get3A_680, %get3A_681, %get3A_682] {strides = array<i32>} : memref<2x800x64xf32, #tpu.memory_space<vmem>>, vector<1x1x16xf32>,
            %get3A_684 = vector.shape_cast %get3A_683 : vector<1x1x16xf32> to vector<16xf32>
            %add3A_685 = arith.addf %add3A_643, %get3A_684 : vector<16xf32>
            %mul3A_686 = arith.constant 200 : i32
            %mul3A_687 = arith.muli %add3A_575, %mul3A_686 : i32
            %add3A_688 = arith.addi %mul3A_687, %scan3A_665 : i32
            %get3A_689 = arith.constant 1 : i32
            %get3A_690 = arith.index_cast %get3A_689 : i32 to index
            %get3A_691 = arith.index_cast %add3A_688 : i32 to index
            %get3A_692 = arith.constant 32 : index
            %get3A_693 = tpu.vector_load %arg6[%get3A_690, %get3A_691, %get3A_692] {strides = array<i32>} : memref<2x800x64xf32, #tpu.memory_space<vmem>>, vector<1x1x16xf32>,
            %get3A_694 = vector.shape_cast %get3A_693 : vector<1x1x16xf32> to vector<16xf32>
            %add3A_695 = arith.addf %add3A_653, %get3A_694 : vector<16xf32>
            %mul3A_696 = arith.constant 200 : i32
            %mul3A_697 = arith.muli %add3A_575, %mul3A_696 : i32
            %add3A_698 = arith.addi %mul3A_697, %scan3A_665 : i32
            %get3A_699 = arith.constant 1 : i32
            %get3A_700 = arith.index_cast %get3A_699 : i32 to index
            %get3A_701 = arith.index_cast %add3A_698 : i32 to index
            %get3A_702 = arith.constant 48 : index
            %get3A_703 = tpu.vector_load %arg6[%get3A_700, %get3A_701, %get3A_702] {strides = array<i32>} : memref<2x800x64xf32, #tpu.memory_space<vmem>>, vector<1x1x16xf32>,
            %get3A_704 = vector.shape_cast %get3A_703 : vector<1x1x16xf32> to vector<16xf32>
            %add3A_705 = arith.addf %add3A_663, %get3A_704 : vector<16xf32>
            %scan3A_706 = arith.constant 2 : i32
            %scan3A_707 = arith.addi %scan3A_620, %scan3A_706 : i32
            %mul3A_708 = arith.constant 200 : i32
            %mul3A_709 = arith.muli %add3A_575, %mul3A_708 : i32
            %add3A_710 = arith.addi %mul3A_709, %scan3A_707 : i32
            %get3A_711 = arith.constant 1 : i32
            %get3A_712 = arith.index_cast %get3A_711 : i32 to index
            %get3A_713 = arith.index_cast %add3A_710 : i32 to index
            %get3A_714 = arith.constant 0 : index
            %get3A_715 = tpu.vector_load %arg6[%get3A_712, %get3A_713, %get3A_714] {strides = array<i32>} : memref<2x800x64xf32, #tpu.memory_space<vmem>>, vector<1x1x16xf32>,
            %get3A_716 = vector.shape_cast %get3A_715 : vector<1x1x16xf32> to vector<16xf32>
            %add3A_717 = arith.addf %add3A_675, %get3A_716 : vector<16xf32>
            %mul3A_718 = arith.constant 200 : i32
            %mul3A_719 = arith.muli %add3A_575, %mul3A_718 : i32
            %add3A_720 = arith.addi %mul3A_719, %scan3A_707 : i32
            %get3A_721 = arith.constant 1 : i32
            %get3A_722 = arith.index_cast %get3A_721 : i32 to index
            %get3A_723 = arith.index_cast %add3A_720 : i32 to index
            %get3A_724 = arith.constant 16 : index
            %get3A_725 = tpu.vector_load %arg6[%get3A_722, %get3A_723, %get3A_724] {strides = array<i32>} : memref<2x800x64xf32, #tpu.memory_space<vmem>>, vector<1x1x16xf32>,
            %get3A_726 = vector.shape_cast %get3A_725 : vector<1x1x16xf32> to vector<16xf32>
            %add3A_727 = arith.addf %add3A_685, %get3A_726 : vector<16xf32>
            %mul3A_728 = arith.constant 200 : i32
            %mul3A_729 = arith.muli %add3A_575, %mul3A_728 : i32
            %add3A_730 = arith.addi %mul3A_729, %scan3A_707 : i32
            %get3A_731 = arith.constant 1 : i32
            %get3A_732 = arith.index_cast %get3A_731 : i32 to index
            %get3A_733 = arith.index_cast %add3A_730 : i32 to index
            %get3A_734 = arith.constant 32 : index
            %get3A_735 = tpu.vector_load %arg6[%get3A_732, %get3A_733, %get3A_734] {strides = array<i32>} : memref<2x800x64xf32, #tpu.memory_space<vmem>>, vector<1x1x16xf32>,
            %get3A_736 = vector.shape_cast %get3A_735 : vector<1x1x16xf32> to vector<16xf32>
            %add3A_737 = arith.addf %add3A_695, %get3A_736 : vector<16xf32>
            %mul3A_738 = arith.constant 200 : i32
            %mul3A_739 = arith.muli %add3A_575, %mul3A_738 : i32
            %add3A_740 = arith.addi %mul3A_739, %scan3A_707 : i32
            %get3A_741 = arith.constant 1 : i32
            %get3A_742 = arith.index_cast %get3A_741 : i32 to index
            %get3A_743 = arith.index_cast %add3A_740 : i32 to index
            %get3A_744 = arith.constant 48 : index
            %get3A_745 = tpu.vector_load %arg6[%get3A_742, %get3A_743, %get3A_744] {strides = array<i32>} : memref<2x800x64xf32, #tpu.memory_space<vmem>>, vector<1x1x16xf32>,
            %get3A_746 = vector.shape_cast %get3A_745 : vector<1x1x16xf32> to vector<16xf32>
            %add3A_747 = arith.addf %add3A_705, %get3A_746 : vector<16xf32>
            %scan3A_748 = arith.constant 3 : i32
            %scan3A_749 = arith.addi %scan3A_620, %scan3A_748 : i32
            %mul3A_750 = arith.constant 200 : i32
            %mul3A_751 = arith.muli %add3A_575, %mul3A_750 : i32
            %add3A_752 = arith.addi %mul3A_751, %scan3A_749 : i32
            %get3A_753 = arith.constant 1 : i32
            %get3A_754 = arith.index_cast %get3A_753 : i32 to index
            %get3A_755 = arith.index_cast %add3A_752 : i32 to index
            %get3A_756 = arith.constant 0 : index
            %get3A_757 = tpu.vector_load %arg6[%get3A_754, %get3A_755, %get3A_756] {strides = array<i32>} : memref<2x800x64xf32, #tpu.memory_space<vmem>>, vector<1x1x16xf32>,
            %get3A_758 = vector.shape_cast %get3A_757 : vector<1x1x16xf32> to vector<16xf32>
            %add3A_759 = arith.addf %add3A_717, %get3A_758 : vector<16xf32>
            %mul3A_760 = arith.constant 200 : i32
            %mul3A_761 = arith.muli %add3A_575, %mul3A_760 : i32
            %add3A_762 = arith.addi %mul3A_761, %scan3A_749 : i32
            %get3A_763 = arith.constant 1 : i32
            %get3A_764 = arith.index_cast %get3A_763 : i32 to index
            %get3A_765 = arith.index_cast %add3A_762 : i32 to index
            %get3A_766 = arith.constant 16 : index
            %get3A_767 = tpu.vector_load %arg6[%get3A_764, %get3A_765, %get3A_766] {strides = array<i32>} : memref<2x800x64xf32, #tpu.memory_space<vmem>>, vector<1x1x16xf32>,
            %get3A_768 = vector.shape_cast %get3A_767 : vector<1x1x16xf32> to vector<16xf32>
            %add3A_769 = arith.addf %add3A_727, %get3A_768 : vector<16xf32>
            %mul3A_770 = arith.constant 200 : i32
            %mul3A_771 = arith.muli %add3A_575, %mul3A_770 : i32
            %add3A_772 = arith.addi %mul3A_771, %scan3A_749 : i32
            %get3A_773 = arith.constant 1 : i32
            %get3A_774 = arith.index_cast %get3A_773 : i32 to index
            %get3A_775 = arith.index_cast %add3A_772 : i32 to index
            %get3A_776 = arith.constant 32 : index
            %get3A_777 = tpu.vector_load %arg6[%get3A_774, %get3A_775, %get3A_776] {strides = array<i32>} : memref<2x800x64xf32, #tpu.memory_space<vmem>>, vector<1x1x16xf32>,
            %get3A_778 = vector.shape_cast %get3A_777 : vector<1x1x16xf32> to vector<16xf32>
            %add3A_779 = arith.addf %add3A_737, %get3A_778 : vector<16xf32>
            %mul3A_780 = arith.constant 200 : i32
            %mul3A_781 = arith.muli %add3A_575, %mul3A_780 : i32
            %add3A_782 = arith.addi %mul3A_781, %scan3A_749 : i32
            %get3A_783 = arith.constant 1 : i32
            %get3A_784 = arith.index_cast %get3A_783 : i32 to index
            %get3A_785 = arith.index_cast %add3A_782 : i32 to index
            %get3A_786 = arith.constant 48 : index
            %get3A_787 = tpu.vector_load %arg6[%get3A_784, %get3A_785, %get3A_786] {strides = array<i32>} : memref<2x800x64xf32, #tpu.memory_space<vmem>>, vector<1x1x16xf32>,
            %get3A_788 = vector.shape_cast %get3A_787 : vector<1x1x16xf32> to vector<16xf32>
            %add3A_789 = arith.addf %add3A_747, %get3A_788 : vector<16xf32>
            %scan3A_790 = arith.constant 4 : i32
            %scan3A_791 = arith.addi %scan3A_620, %scan3A_790 : i32
            %mul3A_792 = arith.constant 200 : i32
            %mul3A_793 = arith.muli %add3A_575, %mul3A_792 : i32
            %add3A_794 = arith.addi %mul3A_793, %scan3A_791 : i32
            %get3A_795 = arith.constant 1 : i32
            %get3A_796 = arith.index_cast %get3A_795 : i32 to index
            %get3A_797 = arith.index_cast %add3A_794 : i32 to index
            %get3A_798 = arith.constant 0 : index
            %get3A_799 = tpu.vector_load %arg6[%get3A_796, %get3A_797, %get3A_798] {strides = array<i32>} : memref<2x800x64xf32, #tpu.memory_space<vmem>>, vector<1x1x16xf32>,
            %get3A_800 = vector.shape_cast %get3A_799 : vector<1x1x16xf32> to vector<16xf32>
            %add3A_801 = arith.addf %add3A_759, %get3A_800 : vector<16xf32>
            %mul3A_802 = arith.constant 200 : i32
            %mul3A_803 = arith.muli %add3A_575, %mul3A_802 : i32
            %add3A_804 = arith.addi %mul3A_803, %scan3A_791 : i32
            %get3A_805 = arith.constant 1 : i32
            %get3A_806 = arith.index_cast %get3A_805 : i32 to index
            %get3A_807 = arith.index_cast %add3A_804 : i32 to index
            %get3A_808 = arith.constant 16 : index
            %get3A_809 = tpu.vector_load %arg6[%get3A_806, %get3A_807, %get3A_808] {strides = array<i32>} : memref<2x800x64xf32, #tpu.memory_space<vmem>>, vector<1x1x16xf32>,
            %get3A_810 = vector.shape_cast %get3A_809 : vector<1x1x16xf32> to vector<16xf32>
            %add3A_811 = arith.addf %add3A_769, %get3A_810 : vector<16xf32>
            %mul3A_812 = arith.constant 200 : i32
            %mul3A_813 = arith.muli %add3A_575, %mul3A_812 : i32
            %add3A_814 = arith.addi %mul3A_813, %scan3A_791 : i32
            %get3A_815 = arith.constant 1 : i32
            %get3A_816 = arith.index_cast %get3A_815 : i32 to index
            %get3A_817 = arith.index_cast %add3A_814 : i32 to index
            %get3A_818 = arith.constant 32 : index
            %get3A_819 = tpu.vector_load %arg6[%get3A_816, %get3A_817, %get3A_818] {strides = array<i32>} : memref<2x800x64xf32, #tpu.memory_space<vmem>>, vector<1x1x16xf32>,
            %get3A_820 = vector.shape_cast %get3A_819 : vector<1x1x16xf32> to vector<16xf32>
            %add3A_821 = arith.addf %add3A_779, %get3A_820 : vector<16xf32>
            %mul3A_822 = arith.constant 200 : i32
            %mul3A_823 = arith.muli %add3A_575, %mul3A_822 : i32
            %add3A_824 = arith.addi %mul3A_823, %scan3A_791 : i32
            %get3A_825 = arith.constant 1 : i32
            %get3A_826 = arith.index_cast %get3A_825 : i32 to index
            %get3A_827 = arith.index_cast %add3A_824 : i32 to index
            %get3A_828 = arith.constant 48 : index
            %get3A_829 = tpu.vector_load %arg6[%get3A_826, %get3A_827, %get3A_828] {strides = array<i32>} : memref<2x800x64xf32, #tpu.memory_space<vmem>>, vector<1x1x16xf32>,
            %get3A_830 = vector.shape_cast %get3A_829 : vector<1x1x16xf32> to vector<16xf32>
            %add3A_831 = arith.addf %add3A_789, %get3A_830 : vector<16xf32>
            %scan3A_832 = arith.constant 5 : i32
            %scan3A_833 = arith.addi %scan3A_620, %scan3A_832 : i32
            %mul3A_834 = arith.constant 200 : i32
            %mul3A_835 = arith.muli %add3A_575, %mul3A_834 : i32
            %add3A_836 = arith.addi %mul3A_835, %scan3A_833 : i32
            %get3A_837 = arith.constant 1 : i32
            %get3A_838 = arith.index_cast %get3A_837 : i32 to index
            %get3A_839 = arith.index_cast %add3A_836 : i32 to index
            %get3A_840 = arith.constant 0 : index
            %get3A_841 = tpu.vector_load %arg6[%get3A_838, %get3A_839, %get3A_840] {strides = array<i32>} : memref<2x800x64xf32, #tpu.memory_space<vmem>>, vector<1x1x16xf32>,
            %get3A_842 = vector.shape_cast %get3A_841 : vector<1x1x16xf32> to vector<16xf32>
            %add3A_843 = arith.addf %add3A_801, %get3A_842 : vector<16xf32>
            %mul3A_844 = arith.constant 200 : i32
            %mul3A_845 = arith.muli %add3A_575, %mul3A_844 : i32
            %add3A_846 = arith.addi %mul3A_845, %scan3A_833 : i32
            %get3A_847 = arith.constant 1 : i32
            %get3A_848 = arith.index_cast %get3A_847 : i32 to index
            %get3A_849 = arith.index_cast %add3A_846 : i32 to index
            %get3A_850 = arith.constant 16 : index
            %get3A_851 = tpu.vector_load %arg6[%get3A_848, %get3A_849, %get3A_850] {strides = array<i32>} : memref<2x800x64xf32, #tpu.memory_space<vmem>>, vector<1x1x16xf32>,
            %get3A_852 = vector.shape_cast %get3A_851 : vector<1x1x16xf32> to vector<16xf32>
            %add3A_853 = arith.addf %add3A_811, %get3A_852 : vector<16xf32>
            %mul3A_854 = arith.constant 200 : i32
            %mul3A_855 = arith.muli %add3A_575, %mul3A_854 : i32
            %add3A_856 = arith.addi %mul3A_855, %scan3A_833 : i32
            %get3A_857 = arith.constant 1 : i32
            %get3A_858 = arith.index_cast %get3A_857 : i32 to index
            %get3A_859 = arith.index_cast %add3A_856 : i32 to index
            %get3A_860 = arith.constant 32 : index
            %get3A_861 = tpu.vector_load %arg6[%get3A_858, %get3A_859, %get3A_860] {strides = array<i32>} : memref<2x800x64xf32, #tpu.memory_space<vmem>>, vector<1x1x16xf32>,
            %get3A_862 = vector.shape_cast %get3A_861 : vector<1x1x16xf32> to vector<16xf32>
            %add3A_863 = arith.addf %add3A_821, %get3A_862 : vector<16xf32>
            %mul3A_864 = arith.constant 200 : i32
            %mul3A_865 = arith.muli %add3A_575, %mul3A_864 : i32
            %add3A_866 = arith.addi %mul3A_865, %scan3A_833 : i32
            %get3A_867 = arith.constant 1 : i32
            %get3A_868 = arith.index_cast %get3A_867 : i32 to index
            %get3A_869 = arith.index_cast %add3A_866 : i32 to index
            %get3A_870 = arith.constant 48 : index
            %get3A_871 = tpu.vector_load %arg6[%get3A_868, %get3A_869, %get3A_870] {strides = array<i32>} : memref<2x800x64xf32, #tpu.memory_space<vmem>>, vector<1x1x16xf32>,
            %get3A_872 = vector.shape_cast %get3A_871 : vector<1x1x16xf32> to vector<16xf32>
            %add3A_873 = arith.addf %add3A_831, %get3A_872 : vector<16xf32>
            %scan3A_874 = arith.constant 6 : i32
            %scan3A_875 = arith.addi %scan3A_620, %scan3A_874 : i32
            %mul3A_876 = arith.constant 200 : i32
            %mul3A_877 = arith.muli %add3A_575, %mul3A_876 : i32
            %add3A_878 = arith.addi %mul3A_877, %scan3A_875 : i32
            %get3A_879 = arith.constant 1 : i32
            %get3A_880 = arith.index_cast %get3A_879 : i32 to index
            %get3A_881 = arith.index_cast %add3A_878 : i32 to index
            %get3A_882 = arith.constant 0 : index
            %get3A_883 = tpu.vector_load %arg6[%get3A_880, %get3A_881, %get3A_882] {strides = array<i32>} : memref<2x800x64xf32, #tpu.memory_space<vmem>>, vector<1x1x16xf32>,
            %get3A_884 = vector.shape_cast %get3A_883 : vector<1x1x16xf32> to vector<16xf32>
            %add3A_885 = arith.addf %add3A_843, %get3A_884 : vector<16xf32>
            %mul3A_886 = arith.constant 200 : i32
            %mul3A_887 = arith.muli %add3A_575, %mul3A_886 : i32
            %add3A_888 = arith.addi %mul3A_887, %scan3A_875 : i32
            %get3A_889 = arith.constant 1 : i32
            %get3A_890 = arith.index_cast %get3A_889 : i32 to index
            %get3A_891 = arith.index_cast %add3A_888 : i32 to index
            %get3A_892 = arith.constant 16 : index
            %get3A_893 = tpu.vector_load %arg6[%get3A_890, %get3A_891, %get3A_892] {strides = array<i32>} : memref<2x800x64xf32, #tpu.memory_space<vmem>>, vector<1x1x16xf32>,
            %get3A_894 = vector.shape_cast %get3A_893 : vector<1x1x16xf32> to vector<16xf32>
            %add3A_895 = arith.addf %add3A_853, %get3A_894 : vector<16xf32>
            %mul3A_896 = arith.constant 200 : i32
            %mul3A_897 = arith.muli %add3A_575, %mul3A_896 : i32
            %add3A_898 = arith.addi %mul3A_897, %scan3A_875 : i32
            %get3A_899 = arith.constant 1 : i32
            %get3A_900 = arith.index_cast %get3A_899 : i32 to index
            %get3A_901 = arith.index_cast %add3A_898 : i32 to index
            %get3A_902 = arith.constant 32 : index
            %get3A_903 = tpu.vector_load %arg6[%get3A_900, %get3A_901, %get3A_902] {strides = array<i32>} : memref<2x800x64xf32, #tpu.memory_space<vmem>>, vector<1x1x16xf32>,
            %get3A_904 = vector.shape_cast %get3A_903 : vector<1x1x16xf32> to vector<16xf32>
            %add3A_905 = arith.addf %add3A_863, %get3A_904 : vector<16xf32>
            %mul3A_906 = arith.constant 200 : i32
            %mul3A_907 = arith.muli %add3A_575, %mul3A_906 : i32
            %add3A_908 = arith.addi %mul3A_907, %scan3A_875 : i32
            %get3A_909 = arith.constant 1 : i32
            %get3A_910 = arith.index_cast %get3A_909 : i32 to index
            %get3A_911 = arith.index_cast %add3A_908 : i32 to index
            %get3A_912 = arith.constant 48 : index
            %get3A_913 = tpu.vector_load %arg6[%get3A_910, %get3A_911, %get3A_912] {strides = array<i32>} : memref<2x800x64xf32, #tpu.memory_space<vmem>>, vector<1x1x16xf32>,
            %get3A_914 = vector.shape_cast %get3A_913 : vector<1x1x16xf32> to vector<16xf32>
            %add3A_915 = arith.addf %add3A_873, %get3A_914 : vector<16xf32>
            %scan3A_916 = arith.constant 7 : i32
            %scan3A_917 = arith.addi %scan3A_620, %scan3A_916 : i32
            %mul3A_918 = arith.constant 200 : i32
            %mul3A_919 = arith.muli %add3A_575, %mul3A_918 : i32
            %add3A_920 = arith.addi %mul3A_919, %scan3A_917 : i32
            %get3A_921 = arith.constant 1 : i32
            %get3A_922 = arith.index_cast %get3A_921 : i32 to index
            %get3A_923 = arith.index_cast %add3A_920 : i32 to index
            %get3A_924 = arith.constant 0 : index
            %get3A_925 = tpu.vector_load %arg6[%get3A_922, %get3A_923, %get3A_924] {strides = array<i32>} : memref<2x800x64xf32, #tpu.memory_space<vmem>>, vector<1x1x16xf32>,
            %get3A_926 = vector.shape_cast %get3A_925 : vector<1x1x16xf32> to vector<16xf32>
            %add3A_927 = arith.addf %add3A_885, %get3A_926 : vector<16xf32>
            %mul3A_928 = arith.constant 200 : i32
            %mul3A_929 = arith.muli %add3A_575, %mul3A_928 : i32
            %add3A_930 = arith.addi %mul3A_929, %scan3A_917 : i32
            %get3A_931 = arith.constant 1 : i32
            %get3A_932 = arith.index_cast %get3A_931 : i32 to index
            %get3A_933 = arith.index_cast %add3A_930 : i32 to index
            %get3A_934 = arith.constant 16 : index
            %get3A_935 = tpu.vector_load %arg6[%get3A_932, %get3A_933, %get3A_934] {strides = array<i32>} : memref<2x800x64xf32, #tpu.memory_space<vmem>>, vector<1x1x16xf32>,
            %get3A_936 = vector.shape_cast %get3A_935 : vector<1x1x16xf32> to vector<16xf32>
            %add3A_937 = arith.addf %add3A_895, %get3A_936 : vector<16xf32>
            %mul3A_938 = arith.constant 200 : i32
            %mul3A_939 = arith.muli %add3A_575, %mul3A_938 : i32
            %add3A_940 = arith.addi %mul3A_939, %scan3A_917 : i32
            %get3A_941 = arith.constant 1 : i32
            %get3A_942 = arith.index_cast %get3A_941 : i32 to index
            %get3A_943 = arith.index_cast %add3A_940 : i32 to index
            %get3A_944 = arith.constant 32 : index
            %get3A_945 = tpu.vector_load %arg6[%get3A_942, %get3A_943, %get3A_944] {strides = array<i32>} : memref<2x800x64xf32, #tpu.memory_space<vmem>>, vector<1x1x16xf32>,
            %get3A_946 = vector.shape_cast %get3A_945 : vector<1x1x16xf32> to vector<16xf32>
            %add3A_947 = arith.addf %add3A_905, %get3A_946 : vector<16xf32>
            %mul3A_948 = arith.constant 200 : i32
            %mul3A_949 = arith.muli %add3A_575, %mul3A_948 : i32
            %add3A_950 = arith.addi %mul3A_949, %scan3A_917 : i32
            %get3A_951 = arith.constant 1 : i32
            %get3A_952 = arith.index_cast %get3A_951 : i32 to index
            %get3A_953 = arith.index_cast %add3A_950 : i32 to index
            %get3A_954 = arith.constant 48 : index
            %get3A_955 = tpu.vector_load %arg6[%get3A_952, %get3A_953, %get3A_954] {strides = array<i32>} : memref<2x800x64xf32, #tpu.memory_space<vmem>>, vector<1x1x16xf32>,
            %get3A_956 = vector.shape_cast %get3A_955 : vector<1x1x16xf32> to vector<16xf32>
            %add3A_957 = arith.addf %add3A_915, %get3A_956 : vector<16xf32>
            scf.yield %add3A_927, %add3A_937, %add3A_947, %add3A_957 : vector<16xf32>, vector<16xf32>, vector<16xf32>, vector<16xf32>
          }
          %scan3A_588 = arith.constant 200 : i32
          %mul3A_589 = arith.constant 4 : i32
          %mul3A_590 = arith.muli %add3A_565, %mul3A_589 : i32
          %add3A_591 = arith.addi %mul3A_590, %add3A_575 : i32
          %swap3A = arith.index_cast %add3A_591 : i32 to index
          %swap3A_592 = arith.constant 0 : index
          %swap3A_593 = tpu.vector_load %arg7[%swap3A, %swap3A_592] {strides = array<i32>} : memref<32x64xf32, #tpu.memory_space<vmem>>, vector<1x16xf32>,
          %swap3A_594 = vector.shape_cast %swap3A_593 : vector<1x16xf32> to vector<16xf32>
          %swap3A_595 = vector.shape_cast %scan3A_587#0 : vector<16xf32> to vector<1x16xf32>
          tpu.vector_store %arg7[%swap3A, %swap3A_592], %swap3A_595 {strides = array<i32>} : memref<32x64xf32, #tpu.memory_space<vmem>>, vector<1x16xf32>,
          %mul3A_596 = arith.constant 4 : i32
          %mul3A_597 = arith.muli %add3A_565, %mul3A_596 : i32
          %add3A_598 = arith.addi %mul3A_597, %add3A_575 : i32
          %swap3A_599 = arith.index_cast %add3A_598 : i32 to index
          %swap3A_600 = arith.constant 16 : index
          %swap3A_601 = tpu.vector_load %arg7[%swap3A_599, %swap3A_600] {strides = array<i32>} : memref<32x64xf32, #tpu.memory_space<vmem>>, vector<1x16xf32>,
          %swap3A_602 = vector.shape_cast %swap3A_601 : vector<1x16xf32> to vector<16xf32>
          %swap3A_603 = vector.shape_cast %scan3A_587#1 : vector<16xf32> to vector<1x16xf32>
          tpu.vector_store %arg7[%swap3A_599, %swap3A_600], %swap3A_603 {strides = array<i32>} : memref<32x64xf32, #tpu.memory_space<vmem>>, vector<1x16xf32>,
          %mul3A_604 = arith.constant 4 : i32
          %mul3A_605 = arith.muli %add3A_565, %mul3A_604 : i32
          %add3A_606 = arith.addi %mul3A_605, %add3A_575 : i32
          %swap3A_607 = arith.index_cast %add3A_606 : i32 to index
          %swap3A_608 = arith.constant 32 : index
          %swap3A_609 = tpu.vector_load %arg7[%swap3A_607, %swap3A_608] {strides = array<i32>} : memref<32x64xf32, #tpu.memory_space<vmem>>, vector<1x16xf32>,
          %swap3A_610 = vector.shape_cast %swap3A_609 : vector<1x16xf32> to vector<16xf32>
          %swap3A_611 = vector.shape_cast %scan3A_587#2 : vector<16xf32> to vector<1x16xf32>
          tpu.vector_store %arg7[%swap3A_607, %swap3A_608], %swap3A_611 {strides = array<i32>} : memref<32x64xf32, #tpu.memory_space<vmem>>, vector<1x16xf32>,
          %mul3A_612 = arith.constant 4 : i32
          %mul3A_613 = arith.muli %add3A_565, %mul3A_612 : i32
          %add3A_614 = arith.addi %mul3A_613, %add3A_575 : i32
          %swap3A_615 = arith.index_cast %add3A_614 : i32 to index
          %swap3A_616 = arith.constant 48 : index
          %swap3A_617 = tpu.vector_load %arg7[%swap3A_615, %swap3A_616] {strides = array<i32>} : memref<32x64xf32, #tpu.memory_space<vmem>>, vector<1x16xf32>,
          %swap3A_618 = vector.shape_cast %swap3A_617 : vector<1x16xf32> to vector<16xf32>
          %swap3A_619 = vector.shape_cast %scan3A_587#3 : vector<16xf32> to vector<1x16xf32>
          tpu.vector_store %arg7[%swap3A_615, %swap3A_616], %swap3A_619 {strides = array<i32>} : memref<32x64xf32, #tpu.memory_space<vmem>>, vector<1x16xf32>,
        }
        %scan3A_570 = arith.constant 4 : i32
      }
      %scan3A_144 = arith.constant 4 : i32
      %mul3A_145 = arith.constant 512 : i32
      %mul3A_146 = arith.muli %add3A, %mul3A_145 : i32
      %mul3A_147 = arith.constant 32 : i32
      %mul3A_148 = arith.muli %add3A_132, %mul3A_147 : i32
      %add3A_149 = arith.addi %mul3A_146, %mul3A_148 : i32
      "tpu.region"() ({
        %run_scoped3A_150 = tpu.sem_alloc : memref<!tpu.dma_semaphore, #tpu.memory_space<semaphore_mem>>
        %dma_start3A_151 = arith.constant 0 : i32
        %dma_start3A_152 = tpu.memref_slice %arg4[%add3A_149, %dma_start3A_151] : memref<16384x64xf32, #tpu.memory_space<hbm>> -> memref<32x64xf32, #tpu.memory_space<hbm>>
        %dma_start3A_153 = arith.constant 0 : i32
        %dma_start3A_154 = tpu.memref_slice %arg4[%add3A_149, %dma_start3A_153] : memref<16384x64xf32, #tpu.memory_space<hbm>> -> memref<32x64xf32, #tpu.memory_space<hbm>>
        tpu.enqueue_dma source(%arg7 : memref<32x64xf32, #tpu.memory_space<vmem>>) target(%dma_start3A_154 : memref<32x64xf32, #tpu.memory_space<hbm>>) target_semaphore(%run_scoped3A_150 : memref<!tpu.dma_semaphore, #tpu.memory_space<semaphore_mem>>)
        %dma_wait3A = arith.constant 0 : i32
        %dma_wait3A_155 = tpu.memref_slice %arg4[%add3A_149, %dma_wait3A] : memref<16384x64xf32, #tpu.memory_space<hbm>> -> memref<32x64xf32, #tpu.memory_space<hbm>>
        %dma_wait3A_156 = arith.constant 0 : i32
        %dma_wait3A_157 = tpu.memref_slice %arg4[%add3A_149, %dma_wait3A_156] : memref<16384x64xf32, #tpu.memory_space<hbm>> -> memref<32x64xf32, #tpu.memory_space<hbm>>
        tpu.wait_dma2 semaphore(%run_scoped3A_150 : memref<!tpu.dma_semaphore, #tpu.memory_space<semaphore_mem>>) src(%arg7 : memref<32x64xf32, #tpu.memory_space<vmem>>) dst(%dma_wait3A_157 : memref<32x64xf32, #tpu.memory_space<hbm>>)
        tpu.yield
      }) : () -> ()
    }
    %scan3A_111 = arith.constant 8 : i32
    return
  }
}

module attributes {stable_mosaic.version = 14 : i64} {
  func.func @body(%arg0: i32, %arg1: memref<2048x64xf32, #tpu.memory_space<vmem>>, %arg2: memref<64x256xf32, #tpu.memory_space<vmem>>, %arg3: memref<1x256xf32, #tpu.memory_space<vmem>>, %arg4: memref<256x100xf32, #tpu.memory_space<vmem>>, %arg5: memref<1x100xf32, #tpu.memory_space<vmem>>, %arg6: memref<2048x100xf32, #tpu.memory_space<vmem>>, %arg7: memref<2048x1xi32, #tpu.memory_space<vmem>>) attributes {dimension_semantics = [#tpu.dimension_semantics<arbitrary>], iteration_bounds = array<i64: 8>, scalar_prefetch = 0 : i64, scratch_operands = 0 : i64, tpu.core_type = #tpu.core_type<tc>, window_params = [{transform_indices = @transform_0, window_bounds = array<i64: 2048, 64>}, {pipeline_mode = #tpu.pipeline_mode<synchronous>, transform_indices = @transform_1, window_bounds = array<i64: 64, 256>}, {pipeline_mode = #tpu.pipeline_mode<synchronous>, transform_indices = @transform_2, window_bounds = array<i64: 1, 256>}, {pipeline_mode = #tpu.pipeline_mode<synchronous>, transform_indices = @transform_3, window_bounds = array<i64: 256, 100>}, {pipeline_mode = #tpu.pipeline_mode<synchronous>, transform_indices = @transform_4, window_bounds = array<i64: 1, 100>}, {transform_indices = @transform_5, window_bounds = array<i64: 2048, 100>}, {transform_indices = @transform_6, window_bounds = array<i64: 2048, 1>}]} {
    %get3A = arith.constant 0 : index
    %get3A_0 = arith.constant 0 : index
    %get3A_1 = vector.load %arg1[%get3A, %get3A_0] : memref<2048x64xf32, #tpu.memory_space<vmem>>, vector<2048x64xf32>
    %div3A = arith.constant 2.000000e+02 : f32
    %div3A_2 = vector.broadcast %div3A : f32 to vector<2048x64xf32>
    %div3A_3 = arith.divf %get3A_1, %div3A_2 : vector<2048x64xf32>
    %convert_element_type3A = arith.truncf %div3A_3 : vector<2048x64xf32> to vector<2048x64xbf16>
    %get3A_4 = arith.constant 0 : index
    %get3A_5 = arith.constant 0 : index
    %get3A_6 = vector.load %arg2[%get3A_4, %get3A_5] : memref<64x256xf32, #tpu.memory_space<vmem>>, vector<64x256xf32>
    %convert_element_type3A_7 = arith.truncf %get3A_6 : vector<64x256xf32> to vector<64x256xbf16>
    %dot_general3A = arith.constant dense<0.000000e+00> : vector<2048x256xf32>
    %dot_general3A_8 = tpu.matmul %convert_element_type3A, %convert_element_type3A_7, %dot_general3A {dimension_numbers = #tpu.dot_dimension_numbers<[1], [0], [0], [1], [0, 0, 1, 1], [], []>, transpose_lhs_hint = false} : vector<2048x64xbf16>, vector<64x256xbf16>, vector<2048x256xf32> -> vector<2048x256xf32>
    %get3A_9 = arith.constant 0 : index
    %get3A_10 = arith.constant 0 : index
    %get3A_11 = vector.load %arg3[%get3A_9, %get3A_10] : memref<1x256xf32, #tpu.memory_space<vmem>>, vector<1x256xf32>
    %add3A = vector.broadcast %get3A_11 : vector<1x256xf32> to vector<2048x256xf32>
    %add3A_12 = arith.addf %dot_general3A_8, %add3A : vector<2048x256xf32>
    %max3A = arith.constant 0.000000e+00 : f32
    %max3A_13 = vector.broadcast %max3A : f32 to vector<2048x256xf32>
    %max3A_14 = arith.maximumf %add3A_12, %max3A_13 : vector<2048x256xf32>
    %convert_element_type3A_15 = arith.truncf %max3A_14 : vector<2048x256xf32> to vector<2048x256xbf16>
    %get3A_16 = arith.constant 0 : index
    %get3A_17 = arith.constant 0 : index
    %get3A_18 = vector.load %arg4[%get3A_16, %get3A_17] : memref<256x100xf32, #tpu.memory_space<vmem>>, vector<256x100xf32>
    %convert_element_type3A_19 = arith.truncf %get3A_18 : vector<256x100xf32> to vector<256x100xbf16>
    %dot_general3A_20 = arith.constant dense<0.000000e+00> : vector<2048x100xf32>
    %dot_general3A_21 = tpu.matmul %convert_element_type3A_15, %convert_element_type3A_19, %dot_general3A_20 {dimension_numbers = #tpu.dot_dimension_numbers<[1], [0], [0], [1], [0, 0, 1, 1], [], []>, transpose_lhs_hint = false} : vector<2048x256xbf16>, vector<256x100xbf16>, vector<2048x100xf32> -> vector<2048x100xf32>
    %get3A_22 = arith.constant 0 : index
    %get3A_23 = arith.constant 0 : index
    %get3A_24 = vector.load %arg5[%get3A_22, %get3A_23] : memref<1x100xf32, #tpu.memory_space<vmem>>, vector<1x100xf32>
    %add3A_25 = vector.broadcast %get3A_24 : vector<1x100xf32> to vector<2048x100xf32>
    %add3A_26 = arith.addf %dot_general3A_21, %add3A_25 : vector<2048x100xf32>
    %swap3A = arith.constant 0 : index
    %swap3A_27 = arith.constant 0 : index
    %swap3A_28 = vector.load %arg6[%swap3A, %swap3A_27] : memref<2048x100xf32, #tpu.memory_space<vmem>>, vector<2048x100xf32>
    tpu.vector_store %arg6[%swap3A, %swap3A_27], %add3A_26 {strides = array<i32>} : memref<2048x100xf32, #tpu.memory_space<vmem>>, vector<2048x100xf32>,
    %reduce_max3A = arith.constant dense<0xFF800000> : vector<2048xf32>
    %reduce_max3A_29 = vector.multi_reduction <maximumf>, %add3A_26, %reduce_max3A [1] : vector<2048x100xf32> to vector<2048xf32>
    %broadcast_in_dim3A = vector.shape_cast %reduce_max3A_29 : vector<2048xf32> to vector<2048x1xf32>
    %iota3A = tpu.iota {dimensions = array<i32: 1>} : vector<2048x100xi32>
    %eq3A = vector.broadcast %broadcast_in_dim3A : vector<2048x1xf32> to vector<2048x100xf32>
    %eq3A_30 = arith.cmpf oeq, %add3A_26, %eq3A : vector<2048x100xf32>
    %jit3A = arith.constant 100 : i32
    %broadcast_in_dim3A_31 = vector.broadcast %jit3A : i32 to vector<2048x100xi32>
    %select_n3A = arith.select %eq3A_30, %iota3A, %broadcast_in_dim3A_31 : vector<2048x100xi1>, vector<2048x100xi32>
    %reduce_min3A = arith.constant dense<2147483647> : vector<2048xi32>
    %reduce_min3A_32 = vector.multi_reduction <minsi>, %select_n3A, %reduce_min3A [1] : vector<2048x100xi32> to vector<2048xi32>
    %broadcast_in_dim3A_33 = vector.shape_cast %reduce_min3A_32 : vector<2048xi32> to vector<2048x1xi32>
    %swap3A_34 = arith.constant 0 : index
    %swap3A_35 = arith.constant 0 : index
    %swap3A_36 = vector.load %arg7[%swap3A_34, %swap3A_35] : memref<2048x1xi32, #tpu.memory_space<vmem>>, vector<2048x1xi32>
    tpu.vector_store %arg7[%swap3A_34, %swap3A_35], %broadcast_in_dim3A_33 {strides = array<i32>} : memref<2048x1xi32, #tpu.memory_space<vmem>>, vector<2048x1xi32>,
    return
  }
  func.func @transform_0(%arg0: i32) -> (i32, i32) {
    %c0_i32 = arith.constant 0 : i32
    %c0_i32_0 = arith.constant 0 : i32
    return %arg0, %c0_i32 : i32, i32
  }
  func.func @transform_1(%arg0: i32) -> (i32, i32) {
    %c0_i32 = arith.constant 0 : i32
    %c0_i32_0 = arith.constant 0 : i32
    %c0_i32_1 = arith.constant 0 : i32
    return %c0_i32, %c0_i32_0 : i32, i32
  }
  func.func @transform_2(%arg0: i32) -> (i32, i32) {
    %c0_i32 = arith.constant 0 : i32
    %c0_i32_0 = arith.constant 0 : i32
    %c0_i32_1 = arith.constant 0 : i32
    return %c0_i32, %c0_i32_0 : i32, i32
  }
  func.func @transform_3(%arg0: i32) -> (i32, i32) {
    %c0_i32 = arith.constant 0 : i32
    %c0_i32_0 = arith.constant 0 : i32
    %c0_i32_1 = arith.constant 0 : i32
    return %c0_i32, %c0_i32_0 : i32, i32
  }
  func.func @transform_4(%arg0: i32) -> (i32, i32) {
    %c0_i32 = arith.constant 0 : i32
    %c0_i32_0 = arith.constant 0 : i32
    %c0_i32_1 = arith.constant 0 : i32
    return %c0_i32, %c0_i32_0 : i32, i32
  }
  func.func @transform_5(%arg0: i32) -> (i32, i32) {
    %c0_i32 = arith.constant 0 : i32
    %c0_i32_0 = arith.constant 0 : i32
    return %arg0, %c0_i32 : i32, i32
  }
  func.func @transform_6(%arg0: i32) -> (i32, i32) {
    %c0_i32 = arith.constant 0 : i32
    %c0_i32_0 = arith.constant 0 : i32
    return %arg0, %c0_i32 : i32, i32
  }
}

</mosaic_0001>

<sc_bundles>
// kernel: kernel.4.cloned.1.call-start
scs
__scs_entry_jumppad:
0x0: {  	(pc) =	sbr.rel $0x88, $3  }
0x1: {  	(tag) =	ssettag $0x0;
	lr =	simm.s32 $0x1  }
0x2: {  	[smem:$0x3F9B] =	sst lr;
	_ =	strace $0xD0000000  }
0x3: {  	_ = 	snop  }
0x4: {  	_ = 	snop  }
0x5: {  	_ = 	snop  }
0x6: {  	_ = 	snop  }
0x7: {  	_ = 	snop  }
__scs_overlays_trampoline_lowered:
0x8: {  	[smem:$0x3FAA] =	sst s0  }
0x9: {  	[smem:$0x3FAB] =	sst s1  }
0xa: {  	[smem:$0x3FAC] =	sst s2  }
0xb: {  	[smem:$0x3FAD] =	sst s3  }
0xc: {  	[smem:$0x3FAE] =	sst s4  }
0xd: {  	[smem:$0x3FAF] =	sst s5  }
0xe: {  	[smem:$0x3FB0] =	sst s6  }
0xf: {  	[smem:$0x3FB1] =	sst s7  }
0x10: {  	[smem:$0x3FB2] =	sst s8  }
0x11: {  	[smem:$0x3FB3] =	sst s9;
	s0 =	simm.s32 @!p0 $0x0  }
0x12: {  	s1 =	sld [smem:$0x3F99];
	s0 =	simm.s32 @p0 $0x1  }
0x13: {  	[smem:$0x3FB4] =	sst s0;
	s0 =	simm.s32 @!p1 $0x0  }
0x14: {  	s2 =	sld [smem:$0x3F98];
	s0 =	simm.s32 @p1 $0x1  }
0x15: {  	[smem:$0x3FB5] =	sst s0;
	s0 =	simm.s32 @!p2 $0x0  }
0x16: {  	s3 =	sld [smem:$0x3FDB];
	s0 =	simm.s32 @p2 $0x1  }
0x17: {  	s4 =	simm.s32 $0x1BF5;
	[smem:$0x3FB7] =	sst s0  }
0x18: {  	s0 =	sld [smem:$0x3F9A];
	_ =	swait.ge [sflag:s4], $0x0  }
0x19: {  	s7 =	sld [smem:$0x3F9B]  }
0x1a: {  	s8 =	sadd.s32 $0xFFFFE003, lr  }
0x1b: {  	s9 =	sadd.s32 $0xFFFFFEF7, lr;
	s5 =	simm.s32 $0xFFFFFFFF;
	p2 =	slt.u32 s8, $0xFFFFF086  }
0x1c: {  	p1 =	slt.u32 s9, $0xF7A;
	s5 =	simm.s32 @!p2 $0x0  }
0x1d: {  	s5 =	simm.s32 @p1 $0x1;
	p0 =	seq.s32 s7, s2  }
0x1e: {  	s7 =	smul.u32 @!p0 $0xF7A, s2;
	p2 =	seq.s32 @!p0 s5, $0x0  }
0x1f: {  	s9 =	smul.u32 $0xF7A, s1;
	s8 =	simm.s32 @!p0 $0x1BF5;
	p2 =	por !p2, p0  }
0x20: {  	[sflag:s8] =	ssyncset.s32 @!p0 $0xFFFFF086;
	s6 =	sadd.s32 @!p0 s3, s7;
	s7 =	simm.s32 @!p0 $0x108  }
0x21: {  	s3 =	sadd.s32 s3, s9;
	s6 =	sadd.s32 @!p0 $0x88, s6;
	s7 =	simm.s32 @p2 $0x1082  }
0x22: {  	[simem:s7], [sflag:s8] =	dma.local @!p0 [hbm:s6], $0xF7A  }
0x23: {  	s9 =	sor.u32 $0xD0000000, s2;
	s6 =	simm.s32 $0x108;
	_ =	swait.ge @!p0 [sflag:s8], $0x0  }
0x24: {  	s3 =	sadd.s32 $0x88, s3;
	s6 =	simm.s32 @!p1 $0x1082;
	[sflag:s4] =	ssyncset.s32 $0xFFFFF086  }
0x25: {  	[simem:s6], [sflag:s4] =	dma.local [hbm:s3], $0xF7A  }
0x26: {  	[smem:$0x3F9B] =	sst s1;
	(tag) =	ssettag s2;
	_ =	strace s9  }
0x27: {  	s1 =	sld [smem:$0x3FAB]  }
0x28: {  	s2 =	sld [smem:$0x3FAC]  }
0x29: {  	s4 =	sld [smem:$0x3FAE]  }
0x2a: {  	p0 =	seq.s32 s5, $0x0;
	s5 =	sld [smem:$0x3FAF]  }
0x2b: {  	s6 =	sld [smem:$0x3FB0]  }
0x2c: {  	s7 =	sld [smem:$0x3FB1]  }
0x2d: {  	s3 =	simm.s32 $0x108;
	s8 =	sld [smem:$0x3FB2]  }
0x2e: {  	s3 =	simm.s32 @!p0 $0x1082;
	s9 =	sld [smem:$0x3FB3]  }
0x2f: {  	lr =	sadd.s32 s0, s3;
	s0 =	sld [smem:$0x3FAA]  }
0x30: {  	s3 =	sld [smem:$0x3FAD]  }
0x31: {  	[smem:$0x3FB6] =	sst s10  }
0x32: {  	s10 =	sld [smem:$0x3FB4];
	_ =	sdelay $0x3  }
0x33: {  	p0 =	seq.s32 s10, $0x1;
	s10 =	sld [smem:$0x3FB6];
	_ =	sdelay $0x3  }
0x34: {  	[smem:$0x3FB6] =	sst s10  }
0x35: {  	s10 =	sld [smem:$0x3FB5];
	_ =	sdelay $0x3  }
0x36: {  	p1 =	seq.s32 s10, $0x1;
	s10 =	sld [smem:$0x3FB6];
	_ =	sdelay $0x3  }
0x37: {  	[smem:$0x3FB6] =	sst s10  }
0x38: {  	s10 =	sld [smem:$0x3FB7]  }
0x39: {  	_ = 	snop;
	(pc) =	sbr.ind lr, $3  }
0x3a: {  	_ = 	snop  }
0x3b: {  	_ = 	snop  }
0x3c: {  	p2 =	seq.s32 s10, $0x1;
	s10 =	sld [smem:$0x3FB6]  }
0x3d: {  	_ =	shalt  }
0x3e: {  	_ =	shalt  }
0x3f: {  	_ =	shalt  }
0x40: {  	_ =	shalt  }
0x41: {  	_ =	shalt  }
0x42: {  	_ =	shalt  }
0x43: {  	_ =	shalt  }
0x44: {  	_ =	shalt  }
0x45: {  	_ =	shalt  }
0x46: {  	_ =	shalt  }
0x47: {  	_ =	shalt  }
0x48: {  	_ =	shalt  }
0x49: {  	_ =	shalt  }
0x4a: {  	_ =	shalt  }
0x4b: {  	_ =	shalt  }
0x4c: {  	_ =	shalt  }
0x4d: {  	_ =	shalt  }
0x4e: {  	_ =	shalt  }
0x4f: {  	_ =	shalt  }
0x50: {  	_ =	shalt  }
0x51: {  	_ =	shalt  }
0x52: {  	_ =	shalt  }
0x53: {  	_ =	shalt  }
0x54: {  	_ =	shalt  }
0x55: {  	_ =	shalt  }
0x56: {  	_ =	shalt  }
0x57: {  	_ =	shalt  }
0x58: {  	_ =	shalt  }
0x59: {  	_ =	shalt  }
0x5a: {  	_ =	shalt  }
0x5b: {  	_ =	shalt  }
0x5c: {  	_ =	shalt  }
0x5d: {  	_ =	shalt  }
0x5e: {  	_ =	shalt  }
0x5f: {  	_ =	shalt  }
0x60: {  	_ =	shalt  }
0x61: {  	_ =	shalt  }
0x62: {  	_ =	shalt  }
0x63: {  	_ =	shalt  }
0x64: {  	_ =	shalt  }
0x65: {  	_ =	shalt  }
0x66: {  	_ =	shalt  }
0x67: {  	_ =	shalt  }
0x68: {  	_ =	shalt  }
0x69: {  	_ =	shalt  }
0x6a: {  	_ =	shalt  }
0x6b: {  	_ =	shalt  }
0x6c: {  	_ =	shalt  }
0x6d: {  	_ =	shalt  }
0x6e: {  	_ =	shalt  }
0x6f: {  	_ =	shalt  }
0x70: {  	_ =	shalt  }
0x71: {  	_ =	shalt  }
0x72: {  	_ =	shalt  }
0x73: {  	_ =	shalt  }
0x74: {  	_ =	shalt  }
0x75: {  	_ =	shalt  }
0x76: {  	_ =	shalt  }
0x77: {  	_ =	shalt  }
0x78: {  	_ =	shalt  }
0x79: {  	_ =	shalt  }
0x7a: {  	_ =	shalt  }
0x7b: {  	_ =	shalt  }
0x7c: {  	_ =	shalt  }
0x7d: {  	_ =	shalt  }
0x7e: {  	_ =	shalt  }
0x7f: {  	_ =	shalt  }
0x80: {  	_ =	shalt  }
0x81: {  	_ =	shalt  }
0x82: {  	_ =	shalt  }
0x83: {  	_ =	shalt  }
0x84: {  	_ =	shalt  }
0x85: {  	_ =	shalt  }
0x86: {  	_ =	shalt  }
0x87: {  	_ =	shalt  }
.Lfunc_end0:
.L_simem_size_0:
called_computation_lowered:
.L_overlay_start_0:
0x88: {  	s2 =	sld [smem:$0x3FD9]  }
0x89: {  	s3 =	sld [smem:$0x3FFE];
	_ =	sdelay $0x1  }
0x8a: {  	s1 =	srdreg.scid  }
0x8b: {  	s0 =	sand.u32 $0x1, s1  }
0x8c: {  	s14 =	sshll.u32 s0, $0xA;
	s2 =	sadd.s32 s3, s2  }
0x8d: {  	s2 =	sadd.s32 s2, s14  }
0x8e: {  	[smem:$0x3FC2] =	sst s2  }
0x8f: {  	_ = 	snop  }
0x90: {  	s2 =	sld [smem:$0x3FD0];
	_ =	sdelay $0x2  }
0x91: {  	s15 =	simm.s32 $0xA;
	s4 =	simm.s32 $0x10  }
0x92: {  	[smem:s4], [sflag:s15] =	dma.local [hbm:s2], $0x1  }
0x93: {  	_ =	swait.eq [sflag:s15], $0x1  }
0x94: {  	[sflag:s15] =	ssyncset.done $0x0  }
0x95: {  	[sflag:s15] =	ssyncadd.s32 $0xFFFFFFFF  }
0x96: {  	s16 =	sld [smem:$0x10];
	(tm) =	ssettm $0x1  }
0x97: {  	s17 =	sld [smem:$0x3FFB];
	_ =	sdelay $0x3  }
0x98: {  	_ =	strace s17  }
0x99: {  	s3 =	sld [smem:$0x3FFC];
	_ =	sdelay $0x3  }
0x9a: {  	_ =	strace s3  }
0x9b: {  	s3 =	sld [smem:$0x3FFD];
	_ =	sdelay $0x3  }
0x9c: {  	_ =	strace s3  }
0x9d: {  	_ =	strace $0x8FFFFFFF  }
0x9e: {  	s18 =	sld [smem:$0x3FDB];
	_ =	sdelay $0x1  }
0x9f: {  	s19 =	simm.s32 $_scs_section_size  }
0xa0: {  	s5 =	simm.s32 $_size__tile_overlayer_lowered;
	s6 =	simm.s32 $_tile_overlayer_lowered  }
0xa1: {  	s22 =	simm.s32 $0x1BFF;
	s21 =	sshll.u32 s6, $0x1;
	s3 =	sadd.s32 s19, s18  }
0xa2: {  	s7 =	simm.s32 $0x0;
	s20 =	sshll.u32 s5, $0x1;
	s5 =	sadd.s32 s21, s3  }
0xa3: {  	[timem:s7], [sflag:s22] =	dma.local [hbm:s5], s20  }
0xa4: {  	_ =	swait.ge [sflag:s22], s20  }
0xa5: {  	s4 =	ssub.s32 $0x0, s20;
	[sflag:s22] =	ssyncset.done $0x0  }
0xa6: {  	[sflag:s22] =	ssyncadd.s32 s4;
	_ =	sdelay $0x1  }
0xa7: {  	s23 =	simm.s32 $0x1B8B  }
0xa8: {  	_ =	swait.ge [sflag:s23], $0x1  }
0xa9: {  	[sflag:s23] =	ssyncset.done $0x0  }
0xaa: {  	s25 =	simm.s32 $0x1B8E;
	s24 =	sld [smem:$0x3FFE];
	[sflag:s23] =	ssyncadd.s32 $0xFFFFFFFF  }
0xab: {  	s26 =	simm.s32 $execute0_lowered;
	[smem:$0x3FD2] =	sst s25  }
0xac: {  	s5 =	sshll.u32 s26, $0x1;
	_ =	strace $0x80000046;
	[dreg:$0x1] =	wrdreg $0xFFFFFFFF  }
0xad: {  	s28 =	simm.s32 $_size_execute0_lowered;
	s3 =	sadd.s32 s3, s5;
	[dreg:$0x0] =	wrdreg $0x0  }
0xae: {  	s5 =	sshll.u32 s28, $0x1;
	[dreg:$0x2] =	wrdreg s3  }
0xaf: {  	[dreg:$0x3] =	wrdreg s5  }
0xb0: {  	[dreg:$0x4] =	wrdreg $0xC0  }
0xb1: {  	_ =	task [dreg:s7], $0x5FFFF  }
0xb2: {  	[dreg:$0x1] =	wrdreg $0xFFFFFFFF  }
0xb3: {  	[dreg:$0x0] =	wrdreg $0x60  }
0xb4: {  	[dreg:$0x2] =	wrdreg s24  }
0xb5: {  	[dreg:$0x3] =	wrdreg s16  }
0xb6: {  	[dreg:$0x4] =	wrdreg $0x9  }
0xb7: {  	_ =	task.clear_ibuf [dreg:s7], $0x5FFFF;
	_ =	strace $0x90000046  }
0xb8: {  	s29 =	simm.s32 $0x9;
	_ =	strace $0x80000048  }
0xb9: {  	_ =	swait.ge [sflag:s29], $0x1  }
0xba: {  	[sflag:s29] =	ssyncadd.s32 $0xFFFFFFFF  }
0xbb: {  	_ =	strace $0x90000048  }
0xbc: {  	_ =	sfence  }
0xbd: {  	s30 =	sld [smem:$0x0];
	_ =	sdelay $0x2  }
0xbe: {  	s31 =	sshll.u32 s1, $0xD;
	s1 =	sshrl.u32 s1, $0x2  }
0xbf: {  	s3 =	sand.u32 $0x4000, s31;
	s1 =	sadd.s32 s1, s30  }
0xc0: {  	s0 =	sor.u32 s3, s0;
	s1 =	sshll.u32 s1, $0x11  }
0xc1: {  	s0 =	sor.u32 s1, s0  }
0xc2: {  	s0 =	sadd.s32 $0x8F2B, s0  }
0xc3: {  	[sflag:s0] =	ssyncadd.remote.s32 $0x1  }
0xc4: {  	_ =	sfence.sel $0xFFFF  }
0xc5: {  	[dreg:$0x0] =	wrdreg $0xFFFFFFFF;
	(pc) =	sbr.abs _section_cstart, $3  }
0xc6: {  	[dreg:$0x1] =	wrdreg $0xFFFFFFFF  }
0xc7: {  	_ =	task.clear_ibuf [dreg:s7], $0x2FFFF;
	_ =	strace $0x9FFFFFFF  }
0xc8: {  	(tm) =	ssettm $0x7FFFFFFF  }
0xc9: {  	_ =	shalt  }
tec
execute0_lowered:
.L_overlay_start_1:
0x0: {  	(tag) =	ssettag $0x1  }
0x1: {  	s0 =	rddreg [dreg:$0x0]  }
0x2: {  	s1 =	rddreg [dreg:$0x1]  }
0x3: {  	s2 =	srdreg.scid;
	s3 =	stileid.u32  }
0x4: {  	s10 =	simm.s32 $0x5;
	s11 =	simm.s32 $0x68;
	s13 =	simm.s32 $0x60  }
0x5: {  	s28 =	simm.s32 $0x1900;
	s29 =	simm.s32 $0xFA00;
	s30 =	simm.s32 $0x11400  }
0x6: {  	s31 =	simm.s32 $0x12C00;
	s12 =	simm.s32 $0x17800;
	s14 =	simm.s32 $0x19000  }
0x7: {  	s15 =	simm.s32 $0x1AA00;
	s16 =	simm.s32 $0x1;
	s17 =	simm.s32 $0x2  }
0x8: {  	s18 =	simm.s32 $0x1C200;
	s9 =	simm.s32 $0x0;
	s4 =	sand.u32 $0x1, s2  }
0x9: {  	s2 =	simm.s32 $0x0;
	s3 =	sshll.u32 s3, $0xA;
	s5 =	sshll.u32 s4, $0x9  }
0xa: {  	[smem:$0x7FF] =	sst s2;
	s6 =	ssub.s32 $0x2, s4;
	s4 =	sadd.s32 $0x1A00, s0  }
0xb: {  	s3 =	sor.u32 s5, s3;
	_ =	strace $0x80000047;
	s24 =	sshrl.u32 s6, $0x1  }
0xc: {  	s5 =	sadd.s32 $0x188400, s0;
	s7 =	smul.u32 $0x19, s3;
	s0 =	ssub.s32 s6, s24  }
0xd: {  	s26 =	sshll.u32 s3, $0x3;
	s8 =	sor.u32 $0x40, s3;
	s0 =	smax.u32 s0, $0x1  }
0xe: {  	s25 =	sadd.s32 s4, s7;
	s7 =	sadd.s32 s1, s26;
	[dreg:$0x4] =	wrdreg s0  }
0xf: {  	s0 =	simm.s32 $0x14600;
	s1 =	simm.s32 $0x15E00;
	[dreg:$0x3] =	wrdreg s25  }
.LBB2_1:
0x10: {  	[dreg:$0x5] =	wrdreg s9  }
0x11: {  	s6 =	rddreg [dreg:$0x3]  }
0x12: {  	[tilespmem:s2], [sflag:$0x5] =	stream.linear.gather [hbm4b:s6+s2], $0x1900, $0x38;
	[tilespmem:$0x1CA00] =	vst v63  }
0x13: {  	_ =	swait.ge [sflag:s10], $0x1900  }
0x14: {  	[sflag:s10] =	ssyncset.done $0x0  }
0x15: {  	s21 =	simm.s32 $0x3200;
	[sflag:s10] =	ssyncadd.s32 $0xFFFFE700  }
0x16: {  	[tilespmem:s21], [sflag:$0x1] =	stream.indirect.gather [hbm4b:s5+s11], $0x40, s2, s11, $0xb8;
	[tilespmem:$0x1CA00] =	vst v63  }
0x17: {  	s22 =	simm.s32 $0x4C00  }
0x18: {  	[tilespmem:s22], [sflag:$0x1] =	stream.indirect.gather [hbm4b:s5+s13], $0x40, s11, s13, $0xb8;
	[tilespmem:$0x1CA00] =	vst v63  }
0x19: {  	s23 =	simm.s32 $0xC8;
	s24 =	simm.s32 $0x6400  }
0x1a: {  	[tilespmem:s24], [sflag:$0x1] =	stream.indirect.gather [hbm4b:s5+s11], $0x40, s23, s11, $0xb8;
	[tilespmem:$0x1CA00] =	vst v63  }
0x1b: {  	s25 =	simm.s32 $0x130;
	s26 =	simm.s32 $0x7E00  }
0x1c: {  	[tilespmem:s26], [sflag:$0x1] =	stream.indirect.gather [hbm4b:s5+s13], $0x40, s25, s13, $0xb8;
	[tilespmem:$0x1CA00] =	vst v63  }
0x1d: {  	s19 =	simm.s32 $0x190;
	s20 =	simm.s32 $0x9600  }
0x1e: {  	[tilespmem:s20], [sflag:$0x1] =	stream.indirect.gather [hbm4b:s5+s11], $0x40, s19, s11, $0xb8;
	[tilespmem:$0x1CA00] =	vst v63  }
0x1f: {  	s21 =	simm.s32 $0x1F8;
	s22 =	simm.s32 $0xB000  }
0x20: {  	[tilespmem:s22], [sflag:$0x1] =	stream.indirect.gather [hbm4b:s5+s13], $0x40, s21, s13, $0xb8;
	[tilespmem:$0x1CA00] =	vst v63  }
0x21: {  	s23 =	simm.s32 $0x258;
	s24 =	simm.s32 $0xC800  }
0x22: {  	[tilespmem:s24], [sflag:$0x1] =	stream.indirect.gather [hbm4b:s5+s11], $0x40, s23, s11, $0xb8;
	[tilespmem:$0x1CA00] =	vst v63  }
0x23: {  	s25 =	simm.s32 $0x2C0;
	s26 =	simm.s32 $0xE200;
	s20 =	simm.s32 $0x0  }
0x24: {  	[tilespmem:s26], [sflag:$0x1] =	stream.indirect.gather [hbm4b:s5+s13], $0x40, s25, s13, $0xb8;
	[tilespmem:$0x1CA00] =	vst v63  }
.LBB2_2:
0x25: {  	s21 =	sshllo.u32 s20, $0x1  }
0x26: {  	s6 =	sshll.u32 s21, $0x5  }
0x27: {  	s6 =	sadd.s32 s3, s6  }
0x28: {  	s6 =	smul.u32 $0x19, s6;
	_ =	sdelay $0x1  }
0x29: {  	s22 =	simm.s32 $0x0;
	s6 =	sadd.s32 s4, s6  }
0x2a: {  	[tilespmem:s28], [sflag:$0x4] =	stream.linear.gather [hbm4b:s6+s22], $0x1900, $0x38;
	[tilespmem:$0x1CA00] =	vst v63  }
.LBB2_3:
0x2b: {  	s6 =	sshll.u32 s22, $0x3  }
0x2c: {  	s23 =	sor.u32 $0x4, s6  }
0x2d: {  	s6 =	smul.u32 $0x320, s23;
	_ =	sdelay $0x1  }
0x2e: {  	s6 =	sshra.s32 s6, $0x2  }
0x2f: {  	[tilespmem:s29], [sflag:$0x2] =	stream.indirect.gather [hbm4b:s5+s11], $0x40, s6, s11, $0xb8;
	[tilespmem:$0x1CA00] =	vst v63  }
0x30: {  	s24 =	smul.u32 $0x1900, s22;
	s6 =	sadd.s32 $0x68, s6  }
0x31: {  	[tilespmem:s30], [sflag:$0x2] =	stream.indirect.gather [hbm4b:s5+s13], $0x40, s6, s13, $0xb8;
	[tilespmem:$0x1CA00] =	vst v63  }
0x32: {  	s6 =	sshra.s32 s24, $0x2  }
0x33: {  	s24 =	sadd.s32 $0x3E8, s6  }
0x34: {  	[tilespmem:s31], [sflag:$0x2] =	stream.indirect.gather [hbm4b:s5+s11], $0x40, s24, s11, $0xb8;
	[tilespmem:$0x1CA00] =	vst v63  }
0x35: {  	s26 =	sadd.s32 $0x450, s6  }
0x36: {  	[tilespmem:s0], [sflag:$0x2] =	stream.indirect.gather [hbm4b:s5+s13], $0x40, s26, s13, $0xb8;
	[tilespmem:$0x1CA00] =	vst v63  }
0x37: {  	s9 =	sadd.s32 $0x4B0, s6  }
0x38: {  	[tilespmem:s1], [sflag:$0x2] =	stream.indirect.gather [hbm4b:s5+s11], $0x40, s9, s11, $0xb8;
	[tilespmem:$0x1CA00] =	vst v63  }
0x39: {  	s19 =	sadd.s32 $0x518, s6  }
0x3a: {  	[tilespmem:s12], [sflag:$0x2] =	stream.indirect.gather [hbm4b:s5+s13], $0x40, s19, s13, $0xb8;
	[tilespmem:$0x1CA00] =	vst v63  }
0x3b: {  	s25 =	sadd.s32 $0x578, s6  }
0x3c: {  	[tilespmem:s14], [sflag:$0x2] =	stream.indirect.gather [hbm4b:s5+s11], $0x40, s25, s11, $0xb8;
	[tilespmem:$0x1CA00] =	vst v63  }
0x3d: {  	s6 =	sadd.s32 $0x5E0, s6  }
0x3e: {  	[tilespmem:s15], [sflag:$0x2] =	stream.indirect.gather [hbm4b:s5+s13], $0x40, s6, s13, $0xb8;
	[tilespmem:$0x1CA00] =	vst v63  }
0x3f: {  	_ =	swait.ge [sflag:s16], $0x1A00  }
0x40: {  	[sflag:s16] =	ssyncset.done $0x0  }
0x41: {  	[sflag:s16] =	ssyncadd.s32 $0xFFFFE600  }
0x42: {  	_ =	swait.ge [sflag:s16], $0x1800  }
0x43: {  	[sflag:s16] =	ssyncset.done $0x0  }
0x44: {  	[sflag:s16] =	ssyncadd.s32 $0xFFFFE800  }
0x45: {  	_ =	swait.ge [sflag:s16], $0x1A00  }
0x46: {  	[sflag:s16] =	ssyncset.done $0x0  }
0x47: {  	[sflag:s16] =	ssyncadd.s32 $0xFFFFE600  }
0x48: {  	_ =	swait.ge [sflag:s16], $0x1800  }
0x49: {  	[sflag:s16] =	ssyncset.done $0x0  }
0x4a: {  	[sflag:s16] =	ssyncadd.s32 $0xFFFFE800  }
0x4b: {  	_ =	swait.ge [sflag:s16], $0x1A00  }
0x4c: {  	[sflag:s16] =	ssyncset.done $0x0  }
0x4d: {  	[sflag:s16] =	ssyncadd.s32 $0xFFFFE600  }
0x4e: {  	_ =	swait.ge [sflag:s16], $0x1800  }
0x4f: {  	[sflag:s16] =	ssyncset.done $0x0  }
0x50: {  	[sflag:s16] =	ssyncadd.s32 $0xFFFFE800  }
0x51: {  	_ =	swait.ge [sflag:s16], $0x1A00  }
0x52: {  	[sflag:s16] =	ssyncset.done $0x0  }
0x53: {  	s26 =	sshll.u32 s22, $0x9;
	[sflag:s16] =	ssyncadd.s32 $0xFFFFE600  }
0x54: {  	s6 =	sand.u32 $0x3FFFFE00, s26;
	_ =	swait.ge [sflag:s16], $0x1800  }
0x55: {  	s6 =	sadd.s32 $0x1C200, s6;
	[sflag:s16] =	ssyncset.done $0x0  }
0x56: {  	s24 =	simm.s32 $0x3300;
	s25 =	simm.s32 $0x0;
	v0 =	vmov s6;
	[sflag:s16] =	ssyncadd.s32 $0xFFFFE800  }
.LBB2_4:
0x57: {  	v1 =	vld [tilespmem:s24+$0xC0]  }
0x58: {  	v2 =	vld [tilespmem:s24+$0xD0]  }
0x59: {  	v3 =	vld [tilespmem:s24+$0x80]  }
0x5a: {  	v4 =	vld [tilespmem:s24+$0x90]  }
0x5b: {  	v10 =	vld [tilespmem:s24+$0x40]  }
0x5c: {  	v13 =	vld [tilespmem:s24+$0x50]  }
0x5d: {  	v7 =	vld [tilespmem:s24+$0x0]  }
0x5e: {  	v9 =	vld [tilespmem:s24+$0x10]  }
0x5f: {  	v6 =	vld [tilespmem:s24+$0xFFFFFFC0]  }
0x60: {  	v8 =	vld [tilespmem:s24+$0xFFFFFFD0]  }
0x61: {  	v5 =	vld [tilespmem:s24+$0xFFFFFF80]  }
0x62: {  	v11 =	vld [tilespmem:s24+$0xFFFFFF90]  }
0x63: {  	v12 =	vld [tilespmem:s24+$0xFFFFFF40]  }
0x64: {  	v14 =	vld [tilespmem:s24+$0xFFFFFF50]  }
0x65: {  	v15 =	vld [tilespmem:s24+$0xFFFFFF00]  }
0x66: {  	v16 =	vld [tilespmem:s24+$0xFFFFFF10]  }
0x67: {  	v17 =	vld [tilespmem:s24+$0xFFFFFF20]  }
0x68: {  	v18 =	vld [tilespmem:s24+$0xFFFFFF30]  }
0x69: {  	v19 =	vld [tilespmem:s24+$0xFFFFFF60]  }
0x6a: {  	v20 =	vld [tilespmem:s24+$0xFFFFFF70]  }
0x6b: {  	v21 =	vimm.f32 $0.0e+00;
	v22 =	vld [tilespmem:s24+$0xFFFFFFA0]  }
0x6c: {  	v23 =	vld [tilespmem:s24+$0xFFFFFFB0];
	v15 =	vadd.f32 v15, v21;
	v16 =	vadd.f32 v16, v21  }
0x6d: {  	v58 =	vld [tilespmem:s24+$0xFFFFFFE0];
	v17 =	vadd.f32 v17, v21;
	v18 =	vadd.f32 v18, v21  }
0x6e: {  	v12 =	vadd.f32 v12, v15;
	v14 =	vadd.f32 v14, v16;
	v15 =	vld [tilespmem:s24+$0xFFFFFFF0]  }
0x6f: {  	v61 =	vld [tilespmem:s24+$0x20];
	v59 =	vadd.f32 v19, v17;
	v60 =	vadd.f32 v20, v18  }
0x70: {  	v12 =	vadd.f32 v5, v12;
	v11 =	vadd.f32 v11, v14;
	v14 =	vld [tilespmem:s24+$0x30]  }
0x71: {  	v16 =	vadd.f32 v22, v59;
	v17 =	vadd.f32 v23, v60;
	v5 =	vld [tilespmem:s24+$0x60]  }
0x72: {  	v12 =	vadd.f32 v6, v12;
	v11 =	vadd.f32 v8, v11;
	v8 =	vld [tilespmem:s24+$0x70]  }
0x73: {  	v16 =	vadd.f32 v58, v16;
	v6 =	vld [tilespmem:s24+$0xA0];
	v15 =	vadd.f32 v15, v17  }
0x74: {  	v62 =	vadd.f32 v7, v12;
	v63 =	vadd.f32 v9, v11;
	v9 =	vld [tilespmem:s24+$0xB0]  }
0x75: {  	v12 =	vadd.f32 v61, v16;
	v7 =	vld [tilespmem:s24+$0xE0];
	v11 =	vadd.f32 v14, v15  }
0x76: {  	s26 =	simm.s32 $0x0;
	s6 =	sadd.s32 $0x200, s24;
	v14 =	vadd.f32 v10, v62;
	v13 =	vadd.f32 v13, v63;
	v10 =	vld [tilespmem:s24+$0xF0]  }
.LBB2_5:
0x77: {  	v15 =	vld [tilespmem:s6+$0xC0];
	v5 =	vadd.f32 v5, v12;
	v8 =	vadd.f32 v8, v11  }
0x78: {  	v11 =	vld [tilespmem:s6+$0xD0];
	v12 =	vadd.f32 v3, v14;
	v13 =	vadd.f32 v4, v13  }
0x79: {  	v3 =	vld [tilespmem:s6+$0x80];
	v5 =	vadd.f32 v6, v5;
	v6 =	vadd.f32 v9, v8  }
0x7a: {  	v4 =	vld [tilespmem:s6+$0x90];
	v8 =	vadd.f32 v1, v12;
	v9 =	vadd.f32 v2, v13  }
0x7b: {  	v13 =	vld [tilespmem:s6+$0x40];
	v5 =	vadd.f32 v7, v5;
	v6 =	vadd.f32 v10, v6  }
0x7c: {  	v10 =	vld [tilespmem:s6+$0x50];
	v1 =	vmov v15  }
0x7d: {  	v7 =	vld [tilespmem:s6+$0x0];
	v2 =	vmov v11  }
0x7e: {  	v11 =	vld [tilespmem:s6+$0x10]  }
0x7f: {  	v12 =	vld [tilespmem:s6+$0xFFFFFFC0]  }
0x80: {  	v14 =	vld [tilespmem:s6+$0xFFFFFFD0]  }
0x81: {  	v15 =	vld [tilespmem:s6+$0xFFFFFF80]  }
0x82: {  	v16 =	vld [tilespmem:s6+$0xFFFFFF90]  }
0x83: {  	v17 =	vld [tilespmem:s6+$0xFFFFFF40]  }
0x84: {  	v18 =	vld [tilespmem:s6+$0xFFFFFF50]  }
0x85: {  	v19 =	vld [tilespmem:s6+$0xFFFFFF00]  }
0x86: {  	v20 =	vld [tilespmem:s6+$0xFFFFFF10]  }
0x87: {  	v21 =	vld [tilespmem:s6+$0xFFFFFF20]  }
0x88: {  	s26 =	sadd.s32 $0x8, s26;
	v22 =	vld [tilespmem:s6+$0xFFFFFF30]  }
0x89: {  	p0 =	slt.u32 s26, $0xC0;
	v23 =	vld [tilespmem:s6+$0xFFFFFF60]  }
0x8a: {  	v24 =	vld [tilespmem:s6+$0xFFFFFF70]  }
0x8b: {  	v25 =	vld [tilespmem:s6+$0xFFFFFFA0]  }
0x8c: {  	v8 =	vadd.f32 v19, v8;
	v9 =	vadd.f32 v20, v9;
	v19 =	vld [tilespmem:s6+$0xFFFFFFB0]  }
0x8d: {  	v5 =	vadd.f32 v21, v5;
	v6 =	vadd.f32 v22, v6;
	v20 =	vld [tilespmem:s6+$0xFFFFFFE0]  }
0x8e: {  	v8 =	vadd.f32 v17, v8;
	v9 =	vadd.f32 v18, v9;
	v17 =	vld [tilespmem:s6+$0xFFFFFFF0]  }
0x8f: {  	v5 =	vadd.f32 v23, v5;
	v6 =	vadd.f32 v24, v6;
	v18 =	vld [tilespmem:s6+$0x20]  }
0x90: {  	v8 =	vadd.f32 v15, v8;
	v9 =	vadd.f32 v16, v9;
	v15 =	vld [tilespmem:s6+$0x30]  }
0x91: {  	v16 =	vadd.f32 v25, v5;
	v6 =	vadd.f32 v19, v6;
	v5 =	vld [tilespmem:s6+$0x60]  }
.Ltmp0:
0x92: {  	v12 =	vadd.f32 v12, v8;
	v9 =	vadd.f32 v14, v9;
	v8 =	vld [tilespmem:s6+$0x70];
	(pc) =	sbr.rel @p0 .LBB2_5-.Ltmp0, $4  }
0x93: {  	v14 =	vadd.f32 v20, v16;
	v16 =	vadd.f32 v17, v6;
	v6 =	vld [tilespmem:s6+$0xA0]  }
0x94: {  	v17 =	vadd.f32 v7, v12;
	v19 =	vadd.f32 v11, v9;
	v9 =	vld [tilespmem:s6+$0xB0]  }
0x95: {  	v12 =	vadd.f32 v18, v14;
	v11 =	vadd.f32 v15, v16;
	v7 =	vld [tilespmem:s6+$0xE0]  }
0x96: {  	v14 =	vadd.f32 v13, v17;
	v13 =	vadd.f32 v10, v19;
	v10 =	vld [tilespmem:s6+$0xF0];
	s6 =	sadd.s32 $0x200, s6  }
0x97: {  	_ = 	snop  }
0x98: {  	v5 =	vadd.f32 v5, v12;
	v3 =	vadd.f32 v3, v14  }
0x99: {  	v8 =	vadd.f32 v8, v11;
	s6 =	sshll.u32 s25, $0x6;
	s25 =	sadd.s32 $0x1, s25;
	v4 =	vadd.f32 v4, v13  }
0x9a: {  	p0 =	sne.s32 s25, $0x4;
	v5 =	vadd.f32 v6, v5;
	v1 =	vadd.f32 v1, v3  }
.Ltmp1:
0x9b: {  	s6 =	sand.u32 $0x3FFFFFC0, s6;
	v3 =	vadd.f32 v9, v8;
	v2 =	vadd.f32 v2, v4;
	(pc) =	sbr.rel @p0 .LBB2_4-.Ltmp1, $4  }
0x9c: {  	v63 =	vadd.f32 v7, v5;
	[tilespmem:v0+s6+$0x0 ss:$0x1] =	vst.idx.msk $0xffff, v1  }
0x9d: {  	v1 =	vadd.f32 v10, v3;
	[tilespmem:v0+s6+$0x10 ss:$0x1] =	vst.idx.msk $0xffff, v2  }
0x9e: {  	[tilespmem:v0+s6+$0x20 ss:$0x1] =	vst.idx.msk $0xffff, v63  }
0x9f: {  	s24 =	sadd.s32 $0x3200, s24;
	[tilespmem:v0+s6+$0x30 ss:$0x1] =	vst.idx.msk $0xffff, v1  }
0xa0: {  	s6 =	sshll.u32 s22, $0x1  }
0xa1: {  	p0 =	seq.s32 s22, $0x3;
	s6 =	sadd.s32 $0x2, s6  }
0xa2: {  	s24 =	smul.u32 @!p0 $0xC80, s6;
	_ =	sdelay $0x1  }
0xa3: {  	s25 =	simm.s32 @!p0 $0x68;
	s26 =	simm.s32 @!p0 $0x3200;
	s24 =	sshra.s32 @!p0 s24, $0x2  }
0xa4: {  	[tilespmem:s26], [sflag:$0x1] =	stream.indirect.gather @!p0 [hbm4b:s5+s25], $0x40, s24, s25, $0xb8;
	[tilespmem:$0x1CA00] =	vst v63  }
0xa5: {  	s9 =	simm.s32 @!p0 $0x60;
	s19 =	simm.s32 @!p0 $0x4C00;
	s26 =	sadd.s32 @!p0 $0x68, s24  }
0xa6: {  	[tilespmem:s19], [sflag:$0x1] =	stream.indirect.gather @!p0 [hbm4b:s5+s9], $0x40, s26, s9, $0xb8;
	[tilespmem:$0x1CA00] =	vst v63  }
0xa7: {  	s19 =	sadd.s32 @!p0 $0xC8, s24;
	s26 =	simm.s32 @!p0 $0x6400  }
0xa8: {  	[tilespmem:s26], [sflag:$0x1] =	stream.indirect.gather @!p0 [hbm4b:s5+s25], $0x40, s19, s25, $0xb8;
	[tilespmem:$0x1CA00] =	vst v63  }
0xa9: {  	s19 =	sadd.s32 @!p0 $0x130, s24;
	s26 =	simm.s32 @!p0 $0x7E00  }
0xaa: {  	[tilespmem:s26], [sflag:$0x1] =	stream.indirect.gather @!p0 [hbm4b:s5+s9], $0x40, s19, s9, $0xb8;
	[tilespmem:$0x1CA00] =	vst v63  }
0xab: {  	s19 =	sadd.s32 @!p0 $0x190, s24;
	s26 =	simm.s32 @!p0 $0x9600  }
0xac: {  	[tilespmem:s26], [sflag:$0x1] =	stream.indirect.gather @!p0 [hbm4b:s5+s25], $0x40, s19, s25, $0xb8;
	[tilespmem:$0x1CA00] =	vst v63  }
0xad: {  	s19 =	sadd.s32 @!p0 $0x1F8, s24;
	s26 =	simm.s32 @!p0 $0xB000  }
0xae: {  	[tilespmem:s26], [sflag:$0x1] =	stream.indirect.gather @!p0 [hbm4b:s5+s9], $0x40, s19, s9, $0xb8;
	[tilespmem:$0x1CA00] =	vst v63  }
0xaf: {  	s19 =	sadd.s32 @!p0 $0x258, s24;
	s26 =	simm.s32 @!p0 $0xC800  }
0xb0: {  	[tilespmem:s26], [sflag:$0x1] =	stream.indirect.gather @!p0 [hbm4b:s5+s25], $0x40, s19, s25, $0xb8;
	[tilespmem:$0x1CA00] =	vst v63  }
0xb1: {  	s19 =	sadd.s32 @!p0 $0x2C0, s24;
	s24 =	simm.s32 @!p0 $0xE200  }
0xb2: {  	[tilespmem:s24], [sflag:$0x1] =	stream.indirect.gather @!p0 [hbm4b:s5+s9], $0x40, s19, s9, $0xb8;
	[tilespmem:$0x1CA00] =	vst v63  }
0xb3: {  	p0 =	sne.s32 s6, $0x8  }
0xb4: {  	s6 =	simm.s32 @!p0 $0x4  }
0xb5: {  	_ =	swait.ge @!p0 [sflag:s6], $0x1900  }
0xb6: {  	s9 =	simm.s32 @!p0 $0x1900;
	[sflag:s6] =	ssyncset.done @!p0 $0x0  }
0xb7: {  	s19 =	simm.s32 @!p0 $0x3200;
	[sflag:s6] =	ssyncadd.s32 @!p0 $0xFFFFE700;
	s6 =	simm.s32 @!p0 $0x68  }
0xb8: {  	[tilespmem:s19], [sflag:$0x1] =	stream.indirect.gather @!p0 [hbm4b:s5+s6], $0x40, s9, s6, $0xb8;
	[tilespmem:$0x1CA00] =	vst v63  }
0xb9: {  	s24 =	simm.s32 @!p0 $0x4C00;
	s9 =	simm.s32 @!p0 $0x60;
	s19 =	simm.s32 @!p0 $0x1968  }
0xba: {  	[tilespmem:s24], [sflag:$0x1] =	stream.indirect.gather @!p0 [hbm4b:s5+s9], $0x40, s19, s9, $0xb8;
	[tilespmem:$0x1CA00] =	vst v63  }
0xbb: {  	s19 =	simm.s32 @!p0 $0x19C8;
	s24 =	simm.s32 @!p0 $0x6400  }
0xbc: {  	[tilespmem:s24], [sflag:$0x1] =	stream.indirect.gather @!p0 [hbm4b:s5+s6], $0x40, s19, s6, $0xb8;
	[tilespmem:$0x1CA00] =	vst v63  }
0xbd: {  	s19 =	simm.s32 @!p0 $0x1A30;
	s24 =	simm.s32 @!p0 $0x7E00  }
0xbe: {  	[tilespmem:s24], [sflag:$0x1] =	stream.indirect.gather @!p0 [hbm4b:s5+s9], $0x40, s19, s9, $0xb8;
	[tilespmem:$0x1CA00] =	vst v63  }
0xbf: {  	s19 =	simm.s32 @!p0 $0x1A90;
	s24 =	simm.s32 @!p0 $0x9600  }
0xc0: {  	[tilespmem:s24], [sflag:$0x1] =	stream.indirect.gather @!p0 [hbm4b:s5+s6], $0x40, s19, s6, $0xb8;
	[tilespmem:$0x1CA00] =	vst v63  }
0xc1: {  	s19 =	simm.s32 @!p0 $0x1AF8;
	s24 =	simm.s32 @!p0 $0xB000  }
0xc2: {  	[tilespmem:s24], [sflag:$0x1] =	stream.indirect.gather @!p0 [hbm4b:s5+s9], $0x40, s19, s9, $0xb8;
	[tilespmem:$0x1CA00] =	vst v63  }
0xc3: {  	s19 =	simm.s32 @!p0 $0x1B58;
	s24 =	simm.s32 @!p0 $0xC800  }
0xc4: {  	[tilespmem:s24], [sflag:$0x1] =	stream.indirect.gather @!p0 [hbm4b:s5+s6], $0x40, s19, s6, $0xb8;
	[tilespmem:$0x1CA00] =	vst v63  }
0xc5: {  	s6 =	simm.s32 @!p0 $0x1BC0;
	s19 =	simm.s32 @!p0 $0xE200  }
0xc6: {  	[tilespmem:s19], [sflag:$0x1] =	stream.indirect.gather @!p0 [hbm4b:s5+s9], $0x40, s6, s9, $0xb8;
	[tilespmem:$0x1CA00] =	vst v63  }
0xc7: {  	_ =	swait.ge [sflag:s17], $0x1A00  }
0xc8: {  	[sflag:s17] =	ssyncset.done $0x0  }
0xc9: {  	[sflag:s17] =	ssyncadd.s32 $0xFFFFE600  }
0xca: {  	_ =	swait.ge [sflag:s17], $0x1800  }
0xcb: {  	[sflag:s17] =	ssyncset.done $0x0  }
0xcc: {  	[sflag:s17] =	ssyncadd.s32 $0xFFFFE800  }
0xcd: {  	_ =	swait.ge [sflag:s17], $0x1A00  }
0xce: {  	[sflag:s17] =	ssyncset.done $0x0  }
0xcf: {  	[sflag:s17] =	ssyncadd.s32 $0xFFFFE600  }
0xd0: {  	_ =	swait.ge [sflag:s17], $0x1800  }
0xd1: {  	[sflag:s17] =	ssyncset.done $0x0  }
0xd2: {  	[sflag:s17] =	ssyncadd.s32 $0xFFFFE800  }
0xd3: {  	_ =	swait.ge [sflag:s17], $0x1A00  }
0xd4: {  	[sflag:s17] =	ssyncset.done $0x0  }
0xd5: {  	[sflag:s17] =	ssyncadd.s32 $0xFFFFE600  }
0xd6: {  	_ =	swait.ge [sflag:s17], $0x1800  }
0xd7: {  	[sflag:s17] =	ssyncset.done $0x0  }
0xd8: {  	[sflag:s17] =	ssyncadd.s32 $0xFFFFE800  }
0xd9: {  	_ =	swait.ge [sflag:s17], $0x1A00  }
0xda: {  	[sflag:s17] =	ssyncset.done $0x0  }
0xdb: {  	[sflag:s17] =	ssyncadd.s32 $0xFFFFE600  }
0xdc: {  	_ =	swait.ge [sflag:s17], $0x1800  }
0xdd: {  	[sflag:s17] =	ssyncset.done $0x0  }
0xde: {  	s25 =	simm.s32 $0xFA00;
	s24 =	simm.s32 $0x0;
	[sflag:s17] =	ssyncadd.s32 $0xFFFFE800  }
.LBB2_8:
0xdf: {  	v0 =	vld [tilespmem:s25+$0x1C0]  }
0xe0: {  	v1 =	vld [tilespmem:s25+$0x1D0]  }
0xe1: {  	v2 =	vld [tilespmem:s25+$0x180]  }
0xe2: {  	v3 =	vld [tilespmem:s25+$0x190]  }
0xe3: {  	v9 =	vld [tilespmem:s25+$0x140]  }
0xe4: {  	v12 =	vld [tilespmem:s25+$0x150]  }
0xe5: {  	v6 =	vld [tilespmem:s25+$0x100]  }
0xe6: {  	v8 =	vld [tilespmem:s25+$0x110]  }
0xe7: {  	v5 =	vld [tilespmem:s25+$0xC0]  }
0xe8: {  	v7 =	vld [tilespmem:s25+$0xD0]  }
0xe9: {  	v4 =	vld [tilespmem:s25+$0x80]  }
0xea: {  	v10 =	vld [tilespmem:s25+$0x90]  }
0xeb: {  	v11 =	vld [tilespmem:s25+$0x40]  }
0xec: {  	v13 =	vld [tilespmem:s25+$0x50]  }
0xed: {  	v14 =	vld [tilespmem:s25+$0x0]  }
0xee: {  	v15 =	vld [tilespmem:s25+$0x10]  }
0xef: {  	v16 =	vld [tilespmem:s25+$0x20]  }
0xf0: {  	v17 =	vld [tilespmem:s25+$0x30]  }
0xf1: {  	v18 =	vld [tilespmem:s25+$0x60]  }
0xf2: {  	v19 =	vld [tilespmem:s25+$0x70]  }
0xf3: {  	v20 =	vimm.f32 $0.0e+00;
	v21 =	vld [tilespmem:s25+$0xA0]  }
0xf4: {  	v22 =	vld [tilespmem:s25+$0xB0];
	v14 =	vadd.f32 v14, v20;
	v15 =	vadd.f32 v15, v20  }
0xf5: {  	v59 =	vld [tilespmem:s25+$0xE0];
	v16 =	vadd.f32 v16, v20;
	v17 =	vadd.f32 v17, v20  }
0xf6: {  	v11 =	vadd.f32 v11, v14;
	v13 =	vadd.f32 v13, v15;
	v14 =	vld [tilespmem:s25+$0xF0]  }
0xf7: {  	v61 =	vld [tilespmem:s25+$0x120];
	v15 =	vadd.f32 v18, v16;
	v60 =	vadd.f32 v19, v17  }
0xf8: {  	v11 =	vadd.f32 v4, v11;
	v10 =	vadd.f32 v10, v13;
	v13 =	vld [tilespmem:s25+$0x130]  }
0xf9: {  	v15 =	vadd.f32 v21, v15;
	v16 =	vadd.f32 v22, v60;
	v4 =	vld [tilespmem:s25+$0x160]  }
0xfa: {  	v11 =	vadd.f32 v5, v11;
	v10 =	vadd.f32 v7, v10;
	v7 =	vld [tilespmem:s25+$0x170]  }
0xfb: {  	v15 =	vadd.f32 v59, v15;
	v5 =	vld [tilespmem:s25+$0x1A0];
	v14 =	vadd.f32 v14, v16  }
0xfc: {  	v62 =	vadd.f32 v6, v11;
	v63 =	vadd.f32 v8, v10;
	v8 =	vld [tilespmem:s25+$0x1B0]  }
0xfd: {  	v11 =	vadd.f32 v61, v15;
	v6 =	vld [tilespmem:s25+$0x1E0];
	v10 =	vadd.f32 v13, v14  }
0xfe: {  	s26 =	simm.s32 $0x0;
	s6 =	sadd.s32 $0x200, s25;
	v13 =	vadd.f32 v9, v62;
	v12 =	vadd.f32 v12, v63;
	v9 =	vld [tilespmem:s25+$0x1F0]  }
.LBB2_9:
0xff: {  	v14 =	vld [tilespmem:s6+$0x1C0];
	v4 =	vadd.f32 v4, v11;
	v7 =	vadd.f32 v7, v10  }
0x100: {  	v10 =	vld [tilespmem:s6+$0x1D0];
	v11 =	vadd.f32 v2, v13;
	v12 =	vadd.f32 v3, v12  }
0x101: {  	v2 =	vld [tilespmem:s6+$0x180];
	v4 =	vadd.f32 v5, v4;
	v5 =	vadd.f32 v8, v7  }
0x102: {  	v3 =	vld [tilespmem:s6+$0x190];
	v7 =	vadd.f32 v0, v11;
	v8 =	vadd.f32 v1, v12  }
0x103: {  	v12 =	vld [tilespmem:s6+$0x140];
	v4 =	vadd.f32 v6, v4;
	v5 =	vadd.f32 v9, v5  }
0x104: {  	v9 =	vld [tilespmem:s6+$0x150];
	v0 =	vmov v14  }
0x105: {  	v6 =	vld [tilespmem:s6+$0x100];
	v1 =	vmov v10  }
0x106: {  	v10 =	vld [tilespmem:s6+$0x110]  }
0x107: {  	v11 =	vld [tilespmem:s6+$0xC0]  }
0x108: {  	v13 =	vld [tilespmem:s6+$0xD0]  }
0x109: {  	v14 =	vld [tilespmem:s6+$0x80]  }
0x10a: {  	v15 =	vld [tilespmem:s6+$0x90]  }
0x10b: {  	v16 =	vld [tilespmem:s6+$0x40]  }
0x10c: {  	v17 =	vld [tilespmem:s6+$0x50]  }
0x10d: {  	v18 =	vld [tilespmem:s6+$0x0]  }
0x10e: {  	v19 =	vld [tilespmem:s6+$0x10]  }
0x10f: {  	v20 =	vld [tilespmem:s6+$0x20]  }
0x110: {  	s26 =	sadd.s32 $0x8, s26;
	v21 =	vld [tilespmem:s6+$0x30]  }
0x111: {  	p0 =	slt.u32 s26, $0xC0;
	v22 =	vld [tilespmem:s6+$0x60]  }
0x112: {  	v23 =	vld [tilespmem:s6+$0x70]  }
0x113: {  	v24 =	vld [tilespmem:s6+$0xA0]  }
0x114: {  	v7 =	vadd.f32 v18, v7;
	v8 =	vadd.f32 v19, v8;
	v18 =	vld [tilespmem:s6+$0xB0]  }
0x115: {  	v4 =	vadd.f32 v20, v4;
	v5 =	vadd.f32 v21, v5;
	v19 =	vld [tilespmem:s6+$0xE0]  }
0x116: {  	v7 =	vadd.f32 v16, v7;
	v8 =	vadd.f32 v17, v8;
	v16 =	vld [tilespmem:s6+$0xF0]  }
0x117: {  	v4 =	vadd.f32 v22, v4;
	v5 =	vadd.f32 v23, v5;
	v17 =	vld [tilespmem:s6+$0x120]  }
0x118: {  	v7 =	vadd.f32 v14, v7;
	v8 =	vadd.f32 v15, v8;
	v14 =	vld [tilespmem:s6+$0x130]  }
0x119: {  	v15 =	vadd.f32 v24, v4;
	v5 =	vadd.f32 v18, v5;
	v4 =	vld [tilespmem:s6+$0x160]  }
.Ltmp2:
0x11a: {  	v11 =	vadd.f32 v11, v7;
	v8 =	vadd.f32 v13, v8;
	v7 =	vld [tilespmem:s6+$0x170];
	(pc) =	sbr.rel @p0 .LBB2_9-.Ltmp2, $4  }
0x11b: {  	v13 =	vadd.f32 v19, v15;
	v15 =	vadd.f32 v16, v5;
	v5 =	vld [tilespmem:s6+$0x1A0]  }
0x11c: {  	v16 =	vadd.f32 v6, v11;
	v18 =	vadd.f32 v10, v8;
	v8 =	vld [tilespmem:s6+$0x1B0]  }
0x11d: {  	v11 =	vadd.f32 v17, v13;
	v10 =	vadd.f32 v14, v15;
	v6 =	vld [tilespmem:s6+$0x1E0]  }
0x11e: {  	v13 =	vadd.f32 v12, v16;
	v12 =	vadd.f32 v9, v18;
	v9 =	vld [tilespmem:s6+$0x1F0];
	s6 =	sadd.s32 $0x200, s6  }
0x11f: {  	_ = 	snop  }
0x120: {  	v4 =	vadd.f32 v4, v11;
	v2 =	vadd.f32 v2, v13  }
0x121: {  	v7 =	vadd.f32 v7, v10;
	s6 =	sadd.s32 s23, s24;
	s24 =	sadd.s32 $0x1, s24;
	v3 =	vadd.f32 v3, v12  }
0x122: {  	s6 =	sshll.u32 s6, $0x6;
	p0 =	sne.s32 s24, $0x4;
	v4 =	vadd.f32 v5, v4;
	v0 =	vadd.f32 v0, v2  }
.Ltmp3:
0x123: {  	v61 =	vadd.f32 v8, v7;
	s6 =	sand.u32 $0x3FFFFFC0, s6;
	v1 =	vadd.f32 v1, v3;
	(pc) =	sbr.rel @p0 .LBB2_8-.Ltmp3, $4  }
0x124: {  	v62 =	vadd.f32 v6, v4;
	[tilespmem:s6+$0x1C200] =	vst v0  }
0x125: {  	v63 =	vadd.f32 v9, v61;
	[tilespmem:s6+$0x1C210] =	vst v1  }
0x126: {  	[tilespmem:s6+$0x1C220] =	vst v62  }
0x127: {  	s25 =	sadd.s32 $0x3200, s25;
	[tilespmem:s6+$0x1C230] =	vst v63  }
0x128: {  	s22 =	sadd.s32 $0x1, s22  }
0x129: {  	p0 =	sne.s32 s22, $0x4  }
.Ltmp4:
0x12a: {  	_ = 	snop;
	(pc) =	sbr.rel @p0 .LBB2_3-.Ltmp4, $1  }
0x12b: {  	_ =	sdelay $0x3  }
0x12c: {  	s6 =	sshll.u32 s20, $0x9  }
0x12d: {  	p0 =	seq.s32 s20, $0x7;
	s6 =	sadd.s32 s6, s7  }
0x12e: {  	[hbm4b:s6+s2] =	stream.linear.scatter [tilespmem:s18], [sflag:$0x5], $0x800, $0x38;
	[tilespmem:$0x1CA00] =	vst v63  }
0x12f: {  	s6 =	sshll.u32 @!p0 s20, $0x6  }
0x130: {  	s6 =	sadd.s32 @!p0 s6, s8  }
0x131: {  	_ =	swait.ge [sflag:s10], $0x800;
	s6 =	smul.u32 @!p0 $0x19, s6  }
0x132: {  	s22 =	simm.s32 $0x0;
	[sflag:s10] =	ssyncset.done $0x0  }
0x133: {  	s9 =	simm.s32 @!p0 $0x0;
	[sflag:s10] =	ssyncadd.s32 $0xFFFFF800;
	s6 =	sadd.s32 @!p0 s4, s6  }
0x134: {  	[tilespmem:s9], [sflag:$0x3] =	stream.linear.gather @!p0 [hbm4b:s6+s9], $0x1900, $0x38;
	[tilespmem:$0x1CA00] =	vst v63  }
.LBB2_13:
0x135: {  	s6 =	sshll.u32 s22, $0x3  }
0x136: {  	s23 =	sor.u32 $0x4, s6  }
0x137: {  	s6 =	smul.u32 $0x320, s23;
	_ =	sdelay $0x1  }
0x138: {  	s6 =	sshra.s32 s6, $0x2  }
0x139: {  	s9 =	sadd.s32 $0x1900, s6  }
0x13a: {  	[tilespmem:s29], [sflag:$0x2] =	stream.indirect.gather [hbm4b:s5+s11], $0x40, s9, s11, $0xb8;
	[tilespmem:$0x1CA00] =	vst v63  }
0x13b: {  	s25 =	smul.u32 $0x1900, s22;
	s6 =	sadd.s32 $0x1968, s6  }
0x13c: {  	[tilespmem:s30], [sflag:$0x2] =	stream.indirect.gather [hbm4b:s5+s13], $0x40, s6, s13, $0xb8;
	[tilespmem:$0x1CA00] =	vst v63  }
0x13d: {  	s6 =	sshra.s32 s25, $0x2  }
0x13e: {  	s9 =	sadd.s32 $0x1CE8, s6  }
0x13f: {  	[tilespmem:s31], [sflag:$0x2] =	stream.indirect.gather [hbm4b:s5+s11], $0x40, s9, s11, $0xb8;
	[tilespmem:$0x1CA00] =	vst v63  }
0x140: {  	s26 =	sadd.s32 $0x1D50, s6  }
0x141: {  	[tilespmem:s0], [sflag:$0x2] =	stream.indirect.gather [hbm4b:s5+s13], $0x40, s26, s13, $0xb8;
	[tilespmem:$0x1CA00] =	vst v63  }
0x142: {  	s19 =	sadd.s32 $0x1DB0, s6  }
0x143: {  	[tilespmem:s1], [sflag:$0x2] =	stream.indirect.gather [hbm4b:s5+s11], $0x40, s19, s11, $0xb8;
	[tilespmem:$0x1CA00] =	vst v63  }
0x144: {  	s24 =	sadd.s32 $0x1E18, s6  }
0x145: {  	[tilespmem:s12], [sflag:$0x2] =	stream.indirect.gather [hbm4b:s5+s13], $0x40, s24, s13, $0xb8;
	[tilespmem:$0x1CA00] =	vst v63  }
0x146: {  	s25 =	sadd.s32 $0x1E78, s6  }
0x147: {  	[tilespmem:s14], [sflag:$0x2] =	stream.indirect.gather [hbm4b:s5+s11], $0x40, s25, s11, $0xb8;
	[tilespmem:$0x1CA00] =	vst v63  }
0x148: {  	s6 =	sadd.s32 $0x1EE0, s6  }
0x149: {  	[tilespmem:s15], [sflag:$0x2] =	stream.indirect.gather [hbm4b:s5+s13], $0x40, s6, s13, $0xb8;
	[tilespmem:$0x1CA00] =	vst v63  }
0x14a: {  	_ =	swait.ge [sflag:s16], $0x1A00  }
0x14b: {  	[sflag:s16] =	ssyncset.done $0x0  }
0x14c: {  	[sflag:s16] =	ssyncadd.s32 $0xFFFFE600  }
0x14d: {  	_ =	swait.ge [sflag:s16], $0x1800  }
0x14e: {  	[sflag:s16] =	ssyncset.done $0x0  }
0x14f: {  	[sflag:s16] =	ssyncadd.s32 $0xFFFFE800  }
0x150: {  	_ =	swait.ge [sflag:s16], $0x1A00  }
0x151: {  	[sflag:s16] =	ssyncset.done $0x0  }
0x152: {  	[sflag:s16] =	ssyncadd.s32 $0xFFFFE600  }
0x153: {  	_ =	swait.ge [sflag:s16], $0x1800  }
0x154: {  	[sflag:s16] =	ssyncset.done $0x0  }
0x155: {  	[sflag:s16] =	ssyncadd.s32 $0xFFFFE800  }
0x156: {  	_ =	swait.ge [sflag:s16], $0x1A00  }
0x157: {  	[sflag:s16] =	ssyncset.done $0x0  }
0x158: {  	[sflag:s16] =	ssyncadd.s32 $0xFFFFE600  }
0x159: {  	_ =	swait.ge [sflag:s16], $0x1800  }
0x15a: {  	[sflag:s16] =	ssyncset.done $0x0  }
0x15b: {  	[sflag:s16] =	ssyncadd.s32 $0xFFFFE800  }
0x15c: {  	_ =	swait.ge [sflag:s16], $0x1A00  }
0x15d: {  	[sflag:s16] =	ssyncset.done $0x0  }
0x15e: {  	s26 =	sshll.u32 s22, $0x9;
	[sflag:s16] =	ssyncadd.s32 $0xFFFFE600  }
0x15f: {  	s6 =	sand.u32 $0x3FFFFE00, s26;
	_ =	swait.ge [sflag:s16], $0x1800  }
0x160: {  	s6 =	sadd.s32 $0x1C200, s6;
	[sflag:s16] =	ssyncset.done $0x0  }
0x161: {  	s24 =	simm.s32 $0x3300;
	s25 =	simm.s32 $0x0;
	v0 =	vmov s6;
	[sflag:s16] =	ssyncadd.s32 $0xFFFFE800  }
.LBB2_14:
0x162: {  	v1 =	vld [tilespmem:s24+$0xC0]  }
0x163: {  	v2 =	vld [tilespmem:s24+$0xD0]  }
0x164: {  	v3 =	vld [tilespmem:s24+$0x80]  }
0x165: {  	v4 =	vld [tilespmem:s24+$0x90]  }
0x166: {  	v10 =	vld [tilespmem:s24+$0x40]  }
0x167: {  	v13 =	vld [tilespmem:s24+$0x50]  }
0x168: {  	v7 =	vld [tilespmem:s24+$0x0]  }
0x169: {  	v9 =	vld [tilespmem:s24+$0x10]  }
0x16a: {  	v6 =	vld [tilespmem:s24+$0xFFFFFFC0]  }
0x16b: {  	v8 =	vld [tilespmem:s24+$0xFFFFFFD0]  }
0x16c: {  	v5 =	vld [tilespmem:s24+$0xFFFFFF80]  }
0x16d: {  	v11 =	vld [tilespmem:s24+$0xFFFFFF90]  }
0x16e: {  	v12 =	vld [tilespmem:s24+$0xFFFFFF40]  }
0x16f: {  	v14 =	vld [tilespmem:s24+$0xFFFFFF50]  }
0x170: {  	v15 =	vld [tilespmem:s24+$0xFFFFFF00]  }
0x171: {  	v16 =	vld [tilespmem:s24+$0xFFFFFF10]  }
0x172: {  	v17 =	vld [tilespmem:s24+$0xFFFFFF20]  }
0x173: {  	v18 =	vld [tilespmem:s24+$0xFFFFFF30]  }
0x174: {  	v19 =	vld [tilespmem:s24+$0xFFFFFF60]  }
0x175: {  	v20 =	vld [tilespmem:s24+$0xFFFFFF70]  }
0x176: {  	v21 =	vimm.f32 $0.0e+00;
	v22 =	vld [tilespmem:s24+$0xFFFFFFA0]  }
0x177: {  	v23 =	vld [tilespmem:s24+$0xFFFFFFB0];
	v15 =	vadd.f32 v15, v21;
	v16 =	vadd.f32 v16, v21  }
0x178: {  	v58 =	vld [tilespmem:s24+$0xFFFFFFE0];
	v17 =	vadd.f32 v17, v21;
	v18 =	vadd.f32 v18, v21  }
0x179: {  	v12 =	vadd.f32 v12, v15;
	v14 =	vadd.f32 v14, v16;
	v15 =	vld [tilespmem:s24+$0xFFFFFFF0]  }
0x17a: {  	v61 =	vld [tilespmem:s24+$0x20];
	v59 =	vadd.f32 v19, v17;
	v60 =	vadd.f32 v20, v18  }
0x17b: {  	v12 =	vadd.f32 v5, v12;
	v11 =	vadd.f32 v11, v14;
	v14 =	vld [tilespmem:s24+$0x30]  }
0x17c: {  	v16 =	vadd.f32 v22, v59;
	v17 =	vadd.f32 v23, v60;
	v5 =	vld [tilespmem:s24+$0x60]  }
0x17d: {  	v12 =	vadd.f32 v6, v12;
	v11 =	vadd.f32 v8, v11;
	v8 =	vld [tilespmem:s24+$0x70]  }
0x17e: {  	v16 =	vadd.f32 v58, v16;
	v6 =	vld [tilespmem:s24+$0xA0];
	v15 =	vadd.f32 v15, v17  }
0x17f: {  	v62 =	vadd.f32 v7, v12;
	v63 =	vadd.f32 v9, v11;
	v9 =	vld [tilespmem:s24+$0xB0]  }
0x180: {  	v12 =	vadd.f32 v61, v16;
	v7 =	vld [tilespmem:s24+$0xE0];
	v11 =	vadd.f32 v14, v15  }
0x181: {  	s26 =	simm.s32 $0x0;
	s6 =	sadd.s32 $0x200, s24;
	v14 =	vadd.f32 v10, v62;
	v13 =	vadd.f32 v13, v63;
	v10 =	vld [tilespmem:s24+$0xF0]  }
.LBB2_15:
0x182: {  	v15 =	vld [tilespmem:s6+$0xC0];
	v5 =	vadd.f32 v5, v12;
	v8 =	vadd.f32 v8, v11  }
0x183: {  	v11 =	vld [tilespmem:s6+$0xD0];
	v12 =	vadd.f32 v3, v14;
	v13 =	vadd.f32 v4, v13  }
0x184: {  	v3 =	vld [tilespmem:s6+$0x80];
	v5 =	vadd.f32 v6, v5;
	v6 =	vadd.f32 v9, v8  }
0x185: {  	v4 =	vld [tilespmem:s6+$0x90];
	v8 =	vadd.f32 v1, v12;
	v9 =	vadd.f32 v2, v13  }
0x186: {  	v13 =	vld [tilespmem:s6+$0x40];
	v5 =	vadd.f32 v7, v5;
	v6 =	vadd.f32 v10, v6  }
0x187: {  	v10 =	vld [tilespmem:s6+$0x50];
	v1 =	vmov v15  }
0x188: {  	v7 =	vld [tilespmem:s6+$0x0];
	v2 =	vmov v11  }
0x189: {  	v11 =	vld [tilespmem:s6+$0x10]  }
0x18a: {  	v12 =	vld [tilespmem:s6+$0xFFFFFFC0]  }
0x18b: {  	v14 =	vld [tilespmem:s6+$0xFFFFFFD0]  }
0x18c: {  	v15 =	vld [tilespmem:s6+$0xFFFFFF80]  }
0x18d: {  	v16 =	vld [tilespmem:s6+$0xFFFFFF90]  }
0x18e: {  	v17 =	vld [tilespmem:s6+$0xFFFFFF40]  }
0x18f: {  	v18 =	vld [tilespmem:s6+$0xFFFFFF50]  }
0x190: {  	v19 =	vld [tilespmem:s6+$0xFFFFFF00]  }
0x191: {  	v20 =	vld [tilespmem:s6+$0xFFFFFF10]  }
0x192: {  	v21 =	vld [tilespmem:s6+$0xFFFFFF20]  }
0x193: {  	s26 =	sadd.s32 $0x8, s26;
	v22 =	vld [tilespmem:s6+$0xFFFFFF30]  }
0x194: {  	p1 =	slt.u32 s26, $0xC0;
	v23 =	vld [tilespmem:s6+$0xFFFFFF60]  }
0x195: {  	v24 =	vld [tilespmem:s6+$0xFFFFFF70]  }
0x196: {  	v25 =	vld [tilespmem:s6+$0xFFFFFFA0]  }
0x197: {  	v8 =	vadd.f32 v19, v8;
	v9 =	vadd.f32 v20, v9;
	v19 =	vld [tilespmem:s6+$0xFFFFFFB0]  }
0x198: {  	v5 =	vadd.f32 v21, v5;
	v6 =	vadd.f32 v22, v6;
	v20 =	vld [tilespmem:s6+$0xFFFFFFE0]  }
0x199: {  	v8 =	vadd.f32 v17, v8;
	v9 =	vadd.f32 v18, v9;
	v17 =	vld [tilespmem:s6+$0xFFFFFFF0]  }
0x19a: {  	v5 =	vadd.f32 v23, v5;
	v6 =	vadd.f32 v24, v6;
	v18 =	vld [tilespmem:s6+$0x20]  }
0x19b: {  	v8 =	vadd.f32 v15, v8;
	v9 =	vadd.f32 v16, v9;
	v15 =	vld [tilespmem:s6+$0x30]  }
0x19c: {  	v16 =	vadd.f32 v25, v5;
	v6 =	vadd.f32 v19, v6;
	v5 =	vld [tilespmem:s6+$0x60]  }
.Ltmp5:
0x19d: {  	v12 =	vadd.f32 v12, v8;
	v9 =	vadd.f32 v14, v9;
	v8 =	vld [tilespmem:s6+$0x70];
	(pc) =	sbr.rel @p1 .LBB2_15-.Ltmp5, $4  }
0x19e: {  	v14 =	vadd.f32 v20, v16;
	v16 =	vadd.f32 v17, v6;
	v6 =	vld [tilespmem:s6+$0xA0]  }
0x19f: {  	v17 =	vadd.f32 v7, v12;
	v19 =	vadd.f32 v11, v9;
	v9 =	vld [tilespmem:s6+$0xB0]  }
0x1a0: {  	v12 =	vadd.f32 v18, v14;
	v11 =	vadd.f32 v15, v16;
	v7 =	vld [tilespmem:s6+$0xE0]  }
0x1a1: {  	v14 =	vadd.f32 v13, v17;
	v13 =	vadd.f32 v10, v19;
	v10 =	vld [tilespmem:s6+$0xF0];
	s6 =	sadd.s32 $0x200, s6  }
0x1a2: {  	_ = 	snop  }
0x1a3: {  	v5 =	vadd.f32 v5, v12;
	v3 =	vadd.f32 v3, v14  }
0x1a4: {  	v8 =	vadd.f32 v8, v11;
	s6 =	sshll.u32 s25, $0x6;
	s25 =	sadd.s32 $0x1, s25;
	v4 =	vadd.f32 v4, v13  }
0x1a5: {  	p1 =	sne.s32 s25, $0x4;
	v5 =	vadd.f32 v6, v5;
	v1 =	vadd.f32 v1, v3  }
.Ltmp6:
0x1a6: {  	s6 =	sand.u32 $0x3FFFFFC0, s6;
	v3 =	vadd.f32 v9, v8;
	v2 =	vadd.f32 v2, v4;
	(pc) =	sbr.rel @p1 .LBB2_14-.Ltmp6, $4  }
0x1a7: {  	v63 =	vadd.f32 v7, v5;
	[tilespmem:v0+s6+$0x0 ss:$0x1] =	vst.idx.msk $0xffff, v1  }
0x1a8: {  	v1 =	vadd.f32 v10, v3;
	[tilespmem:v0+s6+$0x10 ss:$0x1] =	vst.idx.msk $0xffff, v2  }
0x1a9: {  	[tilespmem:v0+s6+$0x20 ss:$0x1] =	vst.idx.msk $0xffff, v63  }
0x1aa: {  	s24 =	sadd.s32 $0x3200, s24;
	[tilespmem:v0+s6+$0x30 ss:$0x1] =	vst.idx.msk $0xffff, v1  }
0x1ab: {  	s6 =	sshll.u32 s22, $0x1  }
0x1ac: {  	p1 =	seq.s32 s22, $0x3;
	s6 =	sadd.s32 $0x2, s6  }
0x1ad: {  	s9 =	smul.u32 @!p1 $0xC80, s6;
	_ =	sdelay $0x1  }
0x1ae: {  	s9 =	sshra.s32 @!p1 s9, $0x2  }
0x1af: {  	s24 =	simm.s32 @!p1 $0x68;
	s25 =	simm.s32 @!p1 $0x3200;
	s19 =	sadd.s32 @!p1 $0x1900, s9  }
0x1b0: {  	[tilespmem:s25], [sflag:$0x1] =	stream.indirect.gather @!p1 [hbm4b:s5+s24], $0x40, s19, s24, $0xb8;
	[tilespmem:$0x1CA00] =	vst v63  }
0x1b1: {  	s26 =	simm.s32 @!p1 $0x4C00;
	s19 =	sadd.s32 @!p1 $0x1968, s9;
	s25 =	simm.s32 @!p1 $0x60  }
0x1b2: {  	[tilespmem:s26], [sflag:$0x1] =	stream.indirect.gather @!p1 [hbm4b:s5+s25], $0x40, s19, s25, $0xb8;
	[tilespmem:$0x1CA00] =	vst v63  }
0x1b3: {  	s19 =	sadd.s32 @!p1 $0x19C8, s9;
	s26 =	simm.s32 @!p1 $0x6400  }
0x1b4: {  	[tilespmem:s26], [sflag:$0x1] =	stream.indirect.gather @!p1 [hbm4b:s5+s24], $0x40, s19, s24, $0xb8;
	[tilespmem:$0x1CA00] =	vst v63  }
0x1b5: {  	s19 =	sadd.s32 @!p1 $0x1A30, s9;
	s26 =	simm.s32 @!p1 $0x7E00  }
0x1b6: {  	[tilespmem:s26], [sflag:$0x1] =	stream.indirect.gather @!p1 [hbm4b:s5+s25], $0x40, s19, s25, $0xb8;
	[tilespmem:$0x1CA00] =	vst v63  }
0x1b7: {  	s19 =	sadd.s32 @!p1 $0x1A90, s9;
	s26 =	simm.s32 @!p1 $0x9600  }
0x1b8: {  	[tilespmem:s26], [sflag:$0x1] =	stream.indirect.gather @!p1 [hbm4b:s5+s24], $0x40, s19, s24, $0xb8;
	[tilespmem:$0x1CA00] =	vst v63  }
0x1b9: {  	s19 =	sadd.s32 @!p1 $0x1AF8, s9;
	s26 =	simm.s32 @!p1 $0xB000  }
0x1ba: {  	[tilespmem:s26], [sflag:$0x1] =	stream.indirect.gather @!p1 [hbm4b:s5+s25], $0x40, s19, s25, $0xb8;
	[tilespmem:$0x1CA00] =	vst v63  }
0x1bb: {  	s19 =	sadd.s32 @!p1 $0x1B58, s9;
	s26 =	simm.s32 @!p1 $0xC800  }
0x1bc: {  	[tilespmem:s26], [sflag:$0x1] =	stream.indirect.gather @!p1 [hbm4b:s5+s24], $0x40, s19, s24, $0xb8;
	[tilespmem:$0x1CA00] =	vst v63  }
0x1bd: {  	s9 =	sadd.s32 @!p1 $0x1BC0, s9;
	s19 =	simm.s32 @!p1 $0xE200  }
0x1be: {  	[tilespmem:s19], [sflag:$0x1] =	stream.indirect.gather @!p1 [hbm4b:s5+s25], $0x40, s9, s25, $0xb8;
	[tilespmem:$0x1CA00] =	vst v63  }
0x1bf: {  	p1 =	sne.s32 @!p0 s6, $0x8  }
0x1c0: {  	p1 =	por p1, p0  }
0x1c1: {  	s6 =	simm.s32 @!p1 $0x3  }
0x1c2: {  	_ =	swait.ge @!p1 [sflag:s6], $0x1900  }
0x1c3: {  	s9 =	simm.s32 @!p1 $0x0;
	[sflag:s6] =	ssyncset.done @!p1 $0x0  }
0x1c4: {  	s19 =	simm.s32 @!p1 $0x3200;
	[sflag:s6] =	ssyncadd.s32 @!p1 $0xFFFFE700;
	s6 =	simm.s32 @!p1 $0x68  }
0x1c5: {  	[tilespmem:s19], [sflag:$0x1] =	stream.indirect.gather @!p1 [hbm4b:s5+s6], $0x40, s9, s6, $0xb8;
	[tilespmem:$0x1CA00] =	vst v63  }
0x1c6: {  	s9 =	simm.s32 @!p1 $0x60;
	s19 =	simm.s32 @!p1 $0x4C00  }
0x1c7: {  	[tilespmem:s19], [sflag:$0x1] =	stream.indirect.gather @!p1 [hbm4b:s5+s9], $0x40, s6, s9, $0xb8;
	[tilespmem:$0x1CA00] =	vst v63  }
0x1c8: {  	s24 =	simm.s32 @!p1 $0x6400;
	s19 =	simm.s32 @!p1 $0xC8  }
0x1c9: {  	[tilespmem:s24], [sflag:$0x1] =	stream.indirect.gather @!p1 [hbm4b:s5+s6], $0x40, s19, s6, $0xb8;
	[tilespmem:$0x1CA00] =	vst v63  }
0x1ca: {  	s19 =	simm.s32 @!p1 $0x130;
	s24 =	simm.s32 @!p1 $0x7E00  }
0x1cb: {  	[tilespmem:s24], [sflag:$0x1] =	stream.indirect.gather @!p1 [hbm4b:s5+s9], $0x40, s19, s9, $0xb8;
	[tilespmem:$0x1CA00] =	vst v63  }
0x1cc: {  	s19 =	simm.s32 @!p1 $0x190;
	s24 =	simm.s32 @!p1 $0x9600  }
0x1cd: {  	[tilespmem:s24], [sflag:$0x1] =	stream.indirect.gather @!p1 [hbm4b:s5+s6], $0x40, s19, s6, $0xb8;
	[tilespmem:$0x1CA00] =	vst v63  }
0x1ce: {  	s19 =	simm.s32 @!p1 $0x1F8;
	s24 =	simm.s32 @!p1 $0xB000  }
0x1cf: {  	[tilespmem:s24], [sflag:$0x1] =	stream.indirect.gather @!p1 [hbm4b:s5+s9], $0x40, s19, s9, $0xb8;
	[tilespmem:$0x1CA00] =	vst v63  }
0x1d0: {  	s19 =	simm.s32 @!p1 $0x258;
	s24 =	simm.s32 @!p1 $0xC800  }
0x1d1: {  	[tilespmem:s24], [sflag:$0x1] =	stream.indirect.gather @!p1 [hbm4b:s5+s6], $0x40, s19, s6, $0xb8;
	[tilespmem:$0x1CA00] =	vst v63  }
0x1d2: {  	s6 =	simm.s32 @!p1 $0x2C0;
	s19 =	simm.s32 @!p1 $0xE200  }
0x1d3: {  	[tilespmem:s19], [sflag:$0x1] =	stream.indirect.gather @!p1 [hbm4b:s5+s9], $0x40, s6, s9, $0xb8;
	[tilespmem:$0x1CA00] =	vst v63  }
0x1d4: {  	_ =	swait.ge [sflag:s17], $0x1A00  }
0x1d5: {  	[sflag:s17] =	ssyncset.done $0x0  }
0x1d6: {  	[sflag:s17] =	ssyncadd.s32 $0xFFFFE600  }
0x1d7: {  	_ =	swait.ge [sflag:s17], $0x1800  }
0x1d8: {  	[sflag:s17] =	ssyncset.done $0x0  }
0x1d9: {  	[sflag:s17] =	ssyncadd.s32 $0xFFFFE800  }
0x1da: {  	_ =	swait.ge [sflag:s17], $0x1A00  }
0x1db: {  	[sflag:s17] =	ssyncset.done $0x0  }
0x1dc: {  	[sflag:s17] =	ssyncadd.s32 $0xFFFFE600  }
0x1dd: {  	_ =	swait.ge [sflag:s17], $0x1800  }
0x1de: {  	[sflag:s17] =	ssyncset.done $0x0  }
0x1df: {  	[sflag:s17] =	ssyncadd.s32 $0xFFFFE800  }
0x1e0: {  	_ =	swait.ge [sflag:s17], $0x1A00  }
0x1e1: {  	[sflag:s17] =	ssyncset.done $0x0  }
0x1e2: {  	[sflag:s17] =	ssyncadd.s32 $0xFFFFE600  }
0x1e3: {  	_ =	swait.ge [sflag:s17], $0x1800  }
0x1e4: {  	[sflag:s17] =	ssyncset.done $0x0  }
0x1e5: {  	[sflag:s17] =	ssyncadd.s32 $0xFFFFE800  }
0x1e6: {  	_ =	swait.ge [sflag:s17], $0x1A00  }
0x1e7: {  	[sflag:s17] =	ssyncset.done $0x0  }
0x1e8: {  	[sflag:s17] =	ssyncadd.s32 $0xFFFFE600  }
0x1e9: {  	_ =	swait.ge [sflag:s17], $0x1800  }
0x1ea: {  	[sflag:s17] =	ssyncset.done $0x0  }
0x1eb: {  	s25 =	simm.s32 $0xFA00;
	s24 =	simm.s32 $0x0;
	[sflag:s17] =	ssyncadd.s32 $0xFFFFE800  }
.LBB2_18:
0x1ec: {  	v0 =	vld [tilespmem:s25+$0x1C0]  }
0x1ed: {  	v1 =	vld [tilespmem:s25+$0x1D0]  }
0x1ee: {  	v2 =	vld [tilespmem:s25+$0x180]  }
0x1ef: {  	v3 =	vld [tilespmem:s25+$0x190]  }
0x1f0: {  	v9 =	vld [tilespmem:s25+$0x140]  }
0x1f1: {  	v12 =	vld [tilespmem:s25+$0x150]  }
0x1f2: {  	v6 =	vld [tilespmem:s25+$0x100]  }
0x1f3: {  	v8 =	vld [tilespmem:s25+$0x110]  }
0x1f4: {  	v5 =	vld [tilespmem:s25+$0xC0]  }
0x1f5: {  	v7 =	vld [tilespmem:s25+$0xD0]  }
0x1f6: {  	v4 =	vld [tilespmem:s25+$0x80]  }
0x1f7: {  	v10 =	vld [tilespmem:s25+$0x90]  }
0x1f8: {  	v11 =	vld [tilespmem:s25+$0x40]  }
0x1f9: {  	v13 =	vld [tilespmem:s25+$0x50]  }
0x1fa: {  	v14 =	vld [tilespmem:s25+$0x0]  }
0x1fb: {  	v15 =	vld [tilespmem:s25+$0x10]  }
0x1fc: {  	v16 =	vld [tilespmem:s25+$0x20]  }
0x1fd: {  	v17 =	vld [tilespmem:s25+$0x30]  }
0x1fe: {  	v18 =	vld [tilespmem:s25+$0x60]  }
0x1ff: {  	v19 =	vld [tilespmem:s25+$0x70]  }
0x200: {  	v20 =	vimm.f32 $0.0e+00;
	v21 =	vld [tilespmem:s25+$0xA0]  }
0x201: {  	v22 =	vld [tilespmem:s25+$0xB0];
	v14 =	vadd.f32 v14, v20;
	v15 =	vadd.f32 v15, v20  }
0x202: {  	v59 =	vld [tilespmem:s25+$0xE0];
	v16 =	vadd.f32 v16, v20;
	v17 =	vadd.f32 v17, v20  }
0x203: {  	v11 =	vadd.f32 v11, v14;
	v13 =	vadd.f32 v13, v15;
	v14 =	vld [tilespmem:s25+$0xF0]  }
0x204: {  	v61 =	vld [tilespmem:s25+$0x120];
	v15 =	vadd.f32 v18, v16;
	v60 =	vadd.f32 v19, v17  }
0x205: {  	v11 =	vadd.f32 v4, v11;
	v10 =	vadd.f32 v10, v13;
	v13 =	vld [tilespmem:s25+$0x130]  }
0x206: {  	v15 =	vadd.f32 v21, v15;
	v16 =	vadd.f32 v22, v60;
	v4 =	vld [tilespmem:s25+$0x160]  }
0x207: {  	v11 =	vadd.f32 v5, v11;
	v10 =	vadd.f32 v7, v10;
	v7 =	vld [tilespmem:s25+$0x170]  }
0x208: {  	v15 =	vadd.f32 v59, v15;
	v5 =	vld [tilespmem:s25+$0x1A0];
	v14 =	vadd.f32 v14, v16  }
0x209: {  	v62 =	vadd.f32 v6, v11;
	v63 =	vadd.f32 v8, v10;
	v8 =	vld [tilespmem:s25+$0x1B0]  }
0x20a: {  	v11 =	vadd.f32 v61, v15;
	v6 =	vld [tilespmem:s25+$0x1E0];
	v10 =	vadd.f32 v13, v14  }
0x20b: {  	s26 =	simm.s32 $0x0;
	s6 =	sadd.s32 $0x200, s25;
	v13 =	vadd.f32 v9, v62;
	v12 =	vadd.f32 v12, v63;
	v9 =	vld [tilespmem:s25+$0x1F0]  }
.LBB2_19:
0x20c: {  	v14 =	vld [tilespmem:s6+$0x1C0];
	v4 =	vadd.f32 v4, v11;
	v7 =	vadd.f32 v7, v10  }
0x20d: {  	v10 =	vld [tilespmem:s6+$0x1D0];
	v11 =	vadd.f32 v2, v13;
	v12 =	vadd.f32 v3, v12  }
0x20e: {  	v2 =	vld [tilespmem:s6+$0x180];
	v4 =	vadd.f32 v5, v4;
	v5 =	vadd.f32 v8, v7  }
0x20f: {  	v3 =	vld [tilespmem:s6+$0x190];
	v7 =	vadd.f32 v0, v11;
	v8 =	vadd.f32 v1, v12  }
0x210: {  	v12 =	vld [tilespmem:s6+$0x140];
	v4 =	vadd.f32 v6, v4;
	v5 =	vadd.f32 v9, v5  }
0x211: {  	v9 =	vld [tilespmem:s6+$0x150];
	v0 =	vmov v14  }
0x212: {  	v6 =	vld [tilespmem:s6+$0x100];
	v1 =	vmov v10  }
0x213: {  	v10 =	vld [tilespmem:s6+$0x110]  }
0x214: {  	v11 =	vld [tilespmem:s6+$0xC0]  }
0x215: {  	v13 =	vld [tilespmem:s6+$0xD0]  }
0x216: {  	v14 =	vld [tilespmem:s6+$0x80]  }
0x217: {  	v15 =	vld [tilespmem:s6+$0x90]  }
0x218: {  	v16 =	vld [tilespmem:s6+$0x40]  }
0x219: {  	v17 =	vld [tilespmem:s6+$0x50]  }
0x21a: {  	v18 =	vld [tilespmem:s6+$0x0]  }
0x21b: {  	v19 =	vld [tilespmem:s6+$0x10]  }
0x21c: {  	v20 =	vld [tilespmem:s6+$0x20]  }
0x21d: {  	s26 =	sadd.s32 $0x8, s26;
	v21 =	vld [tilespmem:s6+$0x30]  }
0x21e: {  	p1 =	slt.u32 s26, $0xC0;
	v22 =	vld [tilespmem:s6+$0x60]  }
0x21f: {  	v23 =	vld [tilespmem:s6+$0x70]  }
0x220: {  	v24 =	vld [tilespmem:s6+$0xA0]  }
0x221: {  	v7 =	vadd.f32 v18, v7;
	v8 =	vadd.f32 v19, v8;
	v18 =	vld [tilespmem:s6+$0xB0]  }
0x222: {  	v4 =	vadd.f32 v20, v4;
	v5 =	vadd.f32 v21, v5;
	v19 =	vld [tilespmem:s6+$0xE0]  }
0x223: {  	v7 =	vadd.f32 v16, v7;
	v8 =	vadd.f32 v17, v8;
	v16 =	vld [tilespmem:s6+$0xF0]  }
0x224: {  	v4 =	vadd.f32 v22, v4;
	v5 =	vadd.f32 v23, v5;
	v17 =	vld [tilespmem:s6+$0x120]  }
0x225: {  	v7 =	vadd.f32 v14, v7;
	v8 =	vadd.f32 v15, v8;
	v14 =	vld [tilespmem:s6+$0x130]  }
0x226: {  	v15 =	vadd.f32 v24, v4;
	v5 =	vadd.f32 v18, v5;
	v4 =	vld [tilespmem:s6+$0x160]  }
.Ltmp7:
0x227: {  	v11 =	vadd.f32 v11, v7;
	v8 =	vadd.f32 v13, v8;
	v7 =	vld [tilespmem:s6+$0x170];
	(pc) =	sbr.rel @p1 .LBB2_19-.Ltmp7, $4  }
0x228: {  	v13 =	vadd.f32 v19, v15;
	v15 =	vadd.f32 v16, v5;
	v5 =	vld [tilespmem:s6+$0x1A0]  }
0x229: {  	v16 =	vadd.f32 v6, v11;
	v18 =	vadd.f32 v10, v8;
	v8 =	vld [tilespmem:s6+$0x1B0]  }
0x22a: {  	v11 =	vadd.f32 v17, v13;
	v10 =	vadd.f32 v14, v15;
	v6 =	vld [tilespmem:s6+$0x1E0]  }
0x22b: {  	v13 =	vadd.f32 v12, v16;
	v12 =	vadd.f32 v9, v18;
	v9 =	vld [tilespmem:s6+$0x1F0];
	s6 =	sadd.s32 $0x200, s6  }
0x22c: {  	_ = 	snop  }
0x22d: {  	v4 =	vadd.f32 v4, v11;
	v2 =	vadd.f32 v2, v13  }
0x22e: {  	v7 =	vadd.f32 v7, v10;
	s6 =	sadd.s32 s23, s24;
	s24 =	sadd.s32 $0x1, s24;
	v3 =	vadd.f32 v3, v12  }
0x22f: {  	s6 =	sshll.u32 s6, $0x6;
	p1 =	sne.s32 s24, $0x4;
	v4 =	vadd.f32 v5, v4;
	v0 =	vadd.f32 v0, v2  }
.Ltmp8:
0x230: {  	v61 =	vadd.f32 v8, v7;
	s6 =	sand.u32 $0x3FFFFFC0, s6;
	v1 =	vadd.f32 v1, v3;
	(pc) =	sbr.rel @p1 .LBB2_18-.Ltmp8, $4  }
0x231: {  	v62 =	vadd.f32 v6, v4;
	[tilespmem:s6+$0x1C200] =	vst v0  }
0x232: {  	v63 =	vadd.f32 v9, v61;
	[tilespmem:s6+$0x1C210] =	vst v1  }
0x233: {  	[tilespmem:s6+$0x1C220] =	vst v62  }
0x234: {  	s25 =	sadd.s32 $0x3200, s25;
	[tilespmem:s6+$0x1C230] =	vst v63  }
0x235: {  	s22 =	sadd.s32 $0x1, s22  }
0x236: {  	p1 =	sne.s32 s22, $0x4  }
.Ltmp9:
0x237: {  	_ = 	snop;
	(pc) =	sbr.rel @p1 .LBB2_13-.Ltmp9, $1  }
0x238: {  	_ =	sdelay $0x3  }
0x239: {  	s20 =	sadd.s32 $0x1, s20  }
0x23a: {  	s6 =	sshll.u32 s21, $0x8;
	p0 =	sne.s32 s20, $0x8  }
.Ltmp10:
0x23b: {  	s6 =	sadd.s32 s6, s7;
	(pc) =	sbr.rel @p0 .LBB2_2-.Ltmp10, $4  }
0x23c: {  	[hbm4b:s6+s2] =	stream.linear.scatter [tilespmem:s18], [sflag:$0x5], $0x800, $0x38;
	[tilespmem:$0x1CA00] =	vst v63  }
0x23d: {  	_ =	swait.ge [sflag:s10], $0x800  }
0x23e: {  	[sflag:s10] =	ssyncset.done $0x0  }
0x23f: {  	[sflag:s10] =	ssyncadd.s32 $0xFFFFF800  }
0x240: {  	s9 =	rddreg [dreg:$0x5]  }
0x241: {  	s6 =	rddreg [dreg:$0x4];
	s9 =	sadd.s32 $0x1, s9  }
0x242: {  	p0 =	sne.s32 s9, s6  }
.Ltmp11:
0x243: {  	_ = 	snop;
	(pc) =	sbr.rel @p0 .LBB2_1-.Ltmp11, $1  }
0x244: {  	_ =	sdelay $0x3  }
0x245: {  	_ =	sfence.sel $0x180000  }
0x246: {  	[bflag:$0x0] =	sbarrier.arrive $0xFFFF  }
0x247: {  	_ =	strace $0x90000047  }
0x248: {  	s0 =	stileid.u32;
	[bflag:$0x2] =	sbarrier.arrive $0xFFFF  }
0x249: {  	p0 =	sne.s32 s0, $0x0;
	s0 =	rddreg [dreg:$0x2]  }
0x24a: {  	s0 =	sadd.s32 @!p0 $0x100000, s0  }
0x24b: {  	[sflag:s0] =	ssyncadd.tile.s32 @!p0 $0x1;
	_ =	shalt  }
.Lfunc_end2:
_tile_overlayer_lowered:
.L_overlay_start_2:
0x24c: {  	(tag) =	ssettag $0x2  }
0x24d: {  	s0 =	rddreg [dreg:$0x0];
	s2 =	stileid.u32  }
0x24e: {  	s1 =	rddreg [dreg:$0x1];
	p0 =	sne.s32 s2, $0x0  }
0x24f: {  	s3 =	rddreg [dreg:$0x2];
	[bflag:$0x3] =	sbarrier.arrive $0xFFFF;
	s2 =	simm.s32 @!p0 $0x1C05  }
0x250: {  	[timem:s3], [sflag:s2] =	dma.local @!p0 [hbm:s0], s1  }
0x251: {  	s0 =	simm.s32 @!p0 $0x5  }
0x252: {  	_ =	swait.ge @!p0 [sflag:s0], s1  }
0x253: {  	s1 =	ssub.s32 @!p0 $0x0, s1;
	[sflag:s0] =	ssyncset.done @!p0 $0x0  }
0x254: {  	[sflag:s0] =	ssyncadd.s32 @!p0 s1  }
0x255: {  	[bflag:$0x3] =	sbarrier.arrive $0xFFFF  }
0x256: {  	_ =	shalt  }

</sc_bundles>
